<compile_context>
chip_gen: v7x
topology: tpu7x:2x2x1
jax: 0.10.2.dev20260603
libtpu: 0.0.44.dev20260713+nightly
codegen_flags: <defaults>
</compile_context>

<pallas_src>
import functools

import numpy as np
import jax
import jax.numpy as jnp
from jax import lax
from jax.experimental import pallas as pl
from jax.experimental.pallas import tpu as pltpu
from jax.experimental.pallas import tpu_sc as plsc

_RES = 256
_FEAT = 16
_L = 6
_B = 65536



def _gaussian_kernel(m, std):
    n = np.arange(m, dtype=np.float64) - (m - 1) / 2.0
    k = np.exp(-0.5 * (n / std) ** 2)
    return (k / k.sum()).astype(np.float32).astype(np.float64)


def _blur_matrix(s):
    kern = _gaussian_kernel(s, s / 2.0)
    eye = np.eye(_RES, dtype=np.float64)
    padded = np.pad(eye, ((s, s), (0, 0)), mode="reflect")
    out = np.empty_like(padded)
    for j in range(_RES):
        out[:, j] = np.convolve(padded[:, j], kern, mode="same")
    return out[s:s + _RES, :]


_A_LIST = [_blur_matrix(2 ** i).astype(np.float32) for i in range(1, _L)]
_A_STACK_NP = np.stack(_A_LIST).astype(np.float32)
_AT_NP = np.stack([a.T for a in _A_LIST]).astype(np.float32)

_E_NP = np.zeros((8, _FEAT, 128), dtype=np.float32)
for _j in range(8):
    for _f in range(_FEAT):
        _E_NP[_j, _f, _j * _FEAT + _f] = 1.0



_TROWS = _RES * _RES * _FEAT // 128


def _tc_table_body(b_ref, a_ref, at_ref, e_ref, w_ref, out_ref):
    w_all = w_ref[...]
    w2 = w_all.reshape(_FEAT * _RES, _RES)
    cols = [b_ref[0] * w_all[f] for f in range(_FEAT)]
    for i in range(_L - 1):
        r = jnp.dot(w2, at_ref[i],
                    preferred_element_type=jnp.float32) * b_ref[i + 1]
        r3 = r.reshape(_FEAT, _RES, _RES)
        cols = [cols[f] + jnp.dot(a_ref[i], r3[f],
                                  preferred_element_type=jnp.float32)
                for f in range(_FEAT)]
    t = jnp.stack(cols, axis=1)
    tt = jnp.transpose(t, (0, 2, 1))
    t4 = tt.reshape(_RES, _RES // 8, 8, _FEAT)
    out = jnp.dot(t4[:, :, 0, :].reshape(-1, _FEAT), e_ref[0],
                  preferred_element_type=jnp.float32)
    for j in range(1, 8):
        out = out + jnp.dot(t4[:, :, j, :].reshape(-1, _FEAT), e_ref[j],
                            preferred_element_type=jnp.float32)
    out_ref[...] = out


def _tc_table(b, a, at, e, w_f):
    return pl.pallas_call(
        _tc_table_body,
        in_specs=[
            pl.BlockSpec(memory_space=pltpu.SMEM),
            pl.BlockSpec(((_L - 1), _RES, _RES), lambda: (0, 0, 0)),
            pl.BlockSpec(((_L - 1), _RES, _RES), lambda: (0, 0, 0)),
            pl.BlockSpec((8, _FEAT, 128), lambda: (0, 0, 0)),
            pl.BlockSpec((_FEAT, _RES, _RES), lambda: (0, 0, 0)),
        ],
        out_specs=pl.BlockSpec((_TROWS, 128), lambda: (0, 0)),
        out_shape=jax.ShapeDtypeStruct((_TROWS, 128), jnp.float32),
        compiler_params=pltpu.CompilerParams(
            vmem_limit_bytes=48 * 1024 * 1024),
    )(b, a, at, e, w_f)



_NC, _NS = 2, 16
_NW = _NC * _NS
_BPW = _B // _NW
_CH = 1024
_NCHUNK = _BPW // _CH

_sc_mesh = plsc.VectorSubcoreMesh(
    core_axis_name="c", subcore_axis_name="s", num_cores=_NC, num_subcores=_NS)


@functools.partial(
    pl.kernel,
    out_type=jax.ShapeDtypeStruct((_FEAT, _B), jnp.float32),
    mesh=_sc_mesh,
    compiler_params=pltpu.CompilerParams(use_tc_tiling_on_sc=False,
                                         needs_layout_passes=False),
    scratch_types=[
        pltpu.VMEM((_BPW,), jnp.float32),
        pltpu.VMEM((_BPW,), jnp.float32),
        [pltpu.VMEM((_CH,), jnp.int32) for _ in range(4)],
        [pltpu.VMEM((_CH,), jnp.float32) for _ in range(4)],
        [pltpu.VMEM((_CH, _FEAT), jnp.float32) for _ in range(4)],
        pltpu.VMEM((_FEAT * (_CH + 8),), jnp.float32),
        pltpu.SemaphoreType.DMA,
        pltpu.SemaphoreType.DMA,
    ],
)
def _sc_gather(g_hbm, px_hbm, py_hbm, out_hbm,
               px_v, py_v, idx_v, wt_v, rows_v, out_v, gsem, osem):
    wid = lax.axis_index("s") * _NC + lax.axis_index("c")
    base = wid * _BPW
    pltpu.sync_copy(px_hbm.at[pl.ds(base, _BPW)], px_v)
    pltpu.sync_copy(py_hbm.at[pl.ds(base, _BPW)], py_v)
    lrow = lax.iota(jnp.int32, 16) * (_CH + 8)
    pending_out = []

    for c in range(_NCHUNK):
        off = c * _CH

        def idx_body(j, _):
            src = pl.ds(off + j * 16, 16)
            px = px_v[src]
            py = py_v[src]
            ax = (px + 1.0) * 0.5 * 255.0
            ay = (py + 1.0) * 0.5 * 255.0
            ix = ax.astype(jnp.int32)
            iy = ay.astype(jnp.int32)
            fx = ax - ix.astype(jnp.float32)
            fy = ay - iy.astype(jnp.float32)
            x0 = jnp.clip(ix, 0, _RES - 1) * _RES
            x1 = jnp.clip(ix + 1, 0, _RES - 1) * _RES
            y0 = jnp.clip(iy, 0, _RES - 1)
            y1 = jnp.clip(iy + 1, 0, _RES - 1)
            dst = pl.ds(j * 16, 16)
            idx_v[0][dst] = x0 + y0
            idx_v[1][dst] = x0 + y1
            idx_v[2][dst] = x1 + y0
            idx_v[3][dst] = x1 + y1
            gx = 1.0 - fx
            gy = 1.0 - fy
            wt_v[0][dst] = gx * gy
            wt_v[1][dst] = gx * fy
            wt_v[2][dst] = fx * gy
            wt_v[3][dst] = fx * fy
            return 0

        lax.fori_loop(0, _CH // 16, idx_body, 0)

        copies = [pltpu.async_copy(g_hbm.at[idx_v[k]], rows_v[k], gsem)
                  for k in range(4)]
        for cp in copies:
            cp.wait()
        for cp in pending_out:
            cp.wait()
        pending_out = []

        def combine_body(g, _):
            sl = pl.ds(g * 16, 16)
            w0 = wt_v[0][sl]
            w1 = wt_v[1][sl]
            w2 = wt_v[2][sl]
            w3 = wt_v[3][sl]
            for l in range(16):
                p = g * 16 + l
                acc = ((w0[l] * rows_v[0][p] + w1[l] * rows_v[1][p])
                       + (w2[l] * rows_v[2][p] + w3[l] * rows_v[3][p]))
                plsc.store_scatter(out_v, [lrow + p], acc)
            return 0

        lax.fori_loop(0, _CH // 16, combine_body, 0)
        pending_out = [
            pltpu.async_copy(out_v.at[pl.ds(f * (_CH + 8), _CH)],
                             out_hbm.at[f, pl.ds(base + off, _CH)], osem)
            for f in range(_FEAT)]
    for cp in pending_out:
        cp.wait()




def kernel(pt, w, b):
    a = jnp.asarray(_A_STACK_NP)
    at = jnp.asarray(_AT_NP)
    e = jnp.asarray(_E_NP)
    w_f = jnp.transpose(w, (2, 0, 1))
    table = _tc_table(b, a, at, e, w_f)
    gg = jnp.reshape(table, (_B, _FEAT))
    px = pt[:, 0]
    py = pt[:, 1]
    out_fmaj = _sc_gather(gg, px, py)
    return jnp.transpose(out_fmaj)

# --- scband reference (transcript-rebuilt; emitter-appended) ---
"""Pipeline reference for scband-mip-map-18382460027615 (READ-ONLY COPY).

The authoritative reference and input builder live on the scoring server;
editing this copy changes nothing except your own understanding.
"""

import jax, jax.numpy as jnp
import numpy as np
import itertools

RES = 256
FEAT = 16
DIM = 2
GRID_MIN = jnp.array([-1.0, -1.0], dtype=jnp.float32)
GRID_MAX = jnp.array([1.0, 1.0], dtype=jnp.float32)
NUM_LEVELS = int(np.log2(RES))  # 8
IGNORE = 2
L = NUM_LEVELS - IGNORE  # 6 levels actually used
B = 65536

SAMPLE_LOCS = jnp.array(list(itertools.product(range(2), repeat=DIM)), dtype=jnp.int32).reshape((2,) * DIM + (DIM,))


def gaussian_kernel(M, std):
    # replicates scipy.signal.gaussian(M, std), normalized
    n = np.arange(M, dtype=np.float64) - (M - 1) / 2.0
    w = np.exp(-0.5 * (n / std) ** 2)
    return (w / w.sum()).astype(np.float32)


def downsample(base, scale_factor):
    # faithful port of MipMap downsample: reflect-pad, 1D gaussian blur per dim, crop
    res = base.shape[0]
    kern = gaussian_kernel(scale_factor, scale_factor / 2.0)
    blurred = base
    for dim in range(DIM):
        n_axis = [1] * DIM
        n_axis[dim] = scale_factor
        padding = [(0, 0)] * (DIM + 1)
        padding[dim] = (scale_factor, scale_factor)
        blurred = jnp.pad(blurred, padding, mode='reflect')
        kern_nd = jnp.asarray(kern).reshape(tuple(n_axis) + (1,))
        blurred = jax.scipy.signal.convolve(blurred, kern_nd, mode='same', method='direct')
        blurred = jnp.take(blurred, jnp.arange(scale_factor, res + scale_factor), axis=dim)
    return blurred


def sphere_init_param(key, res, feat):
    # LayerSphereInitializer: relu(sphere_init(...)) with GeometricInitializer weights
    lin = jnp.linspace(-1.0, 1.0, res, dtype=jnp.float32)
    ds = jnp.stack(jnp.meshgrid(lin, lin), axis=-1)  # (res, res, 2)
    stdv = np.sqrt(2.0) / np.sqrt(feat)
    W = jax.random.normal(key, (DIM, feat), dtype=jnp.float32) * stdv
    return jax.nn.relu((ds.reshape(-1, DIM) @ W).reshape(res, res, feat))


def setup_inputs(seed: int = 0) -> dict:
    key = jax.random.key(seed)
    k1, k2 = jax.random.split(key)
    pt = jax.random.uniform(k1, (B, DIM), dtype=jnp.float32, minval=-1.0, maxval=1.0)
    w = sphere_init_param(k2, RES, FEAT)  # hk.get_parameter('w')
    b = jnp.full((L,), 1.0 / L, dtype=jnp.float32)  # hk params b_0..b_{L-1}, init 1/(num_levels-ignore)
    return {"pt": pt, "w": w, "b": b}


def _interp(cs, a):
    # n_dimensional_interpolation for DIM=2 (bilinear)
    i0 = (1.0 - a[1]) * cs[0, 0] + a[1] * cs[0, 1]
    i1 = (1.0 - a[1]) * cs[1, 0] + a[1] * cs[1, 1]
    return (1.0 - a[0]) * i0 + a[0] * i1


def _forward(pt, w, b):
    # mipmaps[0] is the base grid; levels i>=1 are blurred versions (same resolution)
    mipmaps = [w] + [downsample(w, 2 ** i) for i in range(1, L)]
    mipstack = jnp.stack(mipmaps, axis=0)  # (L, RES, RES, FEAT)
    dims_f = jnp.array([RES] * DIM, dtype=jnp.float32)

    def point_fn(p):
        alpha = (p - GRID_MIN) / (GRID_MAX - GRID_MIN)
        idx_f = alpha * (dims_f - 1.0)
        idx = idx_f.astype(jnp.int32)
        idx_alpha = idx_f - jnp.floor(idx_f)  # jnp.modf(idx_f)[0] for nonneg input
        xs = jnp.clip(idx + SAMPLE_LOCS, 0, RES - 1)  # (2,2,2)
        out = jnp.zeros((FEAT,), dtype=jnp.float32)
        for i in range(L):
            cs = mipstack[i][xs[..., 0], xs[..., 1]]  # (2,2,FEAT) gather
            out = out + _interp(cs, idx_alpha) * b[i]
        return out  # decoder_fn is identity

    return jax.vmap(point_fn)(pt)


def reference(pt, w, b):
    return _forward(pt, w, b)


if False:  # reference __main__ guard neutralized (emitter)
    inp = setup_inputs()
    out = reference(**inp)
    print(out.shape, out.dtype)

if __name__ == "__main__":
    import jax
    _d = setup_inputs()
    print(jax.jit(kernel)(*tuple(_d.values())))

</pallas_src>

<mosaic_0001>
#map = affine_map<(d0, d1) -> (0, 0)>
#map1 = affine_map<(d0, d1) -> (0)>
module attributes {stable_mosaic.version = 14 : i64} {
  func.func @_sc_gather(%arg0: i32, %arg1: i32, %arg2: memref<65536x16xf32, #tpu.memory_space<hbm>>, %arg3: memref<65536xf32, #tpu.memory_space<hbm>>, %arg4: memref<65536xf32, #tpu.memory_space<hbm>>, %arg5: memref<16x65536xf32, #tpu.memory_space<hbm>>, %arg6: memref<2048xf32, #tpu.memory_space<vmem>>, %arg7: memref<2048xf32, #tpu.memory_space<vmem>>, %arg8: memref<1024xi32, #tpu.memory_space<vmem>>, %arg9: memref<1024xi32, #tpu.memory_space<vmem>>, %arg10: memref<1024xi32, #tpu.memory_space<vmem>>, %arg11: memref<1024xi32, #tpu.memory_space<vmem>>, %arg12: memref<1024xf32, #tpu.memory_space<vmem>>, %arg13: memref<1024xf32, #tpu.memory_space<vmem>>, %arg14: memref<1024xf32, #tpu.memory_space<vmem>>, %arg15: memref<1024xf32, #tpu.memory_space<vmem>>, %arg16: memref<1024x16xf32, #tpu.memory_space<vmem>>, %arg17: memref<1024x16xf32, #tpu.memory_space<vmem>>, %arg18: memref<1024x16xf32, #tpu.memory_space<vmem>>, %arg19: memref<1024x16xf32, #tpu.memory_space<vmem>>, %arg20: memref<16512xf32, #tpu.memory_space<vmem>>, %arg21: memref<!tpu.dma_semaphore, #tpu.memory_space<semaphore_mem>>, %arg22: memref<!tpu.dma_semaphore, #tpu.memory_space<semaphore_mem>>) attributes {dimension_semantics = [#tpu.dimension_semantics<core_parallel>, #tpu.dimension_semantics<subcore_parallel>], iteration_bounds = array<i64: 2, 16>, scalar_prefetch = 0 : i64, scratch_operands = 17 : i64, tpu.core_type = #tpu.core_type<sc_vector_subcore>, window_params = [{transform_indices = #map}, {transform_indices = #map1}, {transform_indices = #map1}, {transform_indices = #map}]} {
    %mul3A = arith.constant 2 : i32
    %mul3A_0 = arith.muli %arg1, %mul3A : i32
    %add3A = arith.addi %mul3A_0, %arg0 : i32
    %mul3A_1 = arith.constant 2048 : i32
    %mul3A_2 = arith.muli %add3A, %mul3A_1 : i32
    "tpu.region"() ({
      %run_scoped3A = tpu.sem_alloc : memref<!tpu.dma_semaphore, #tpu.memory_space<semaphore_mem>>
      %dma_start3A_719 = tpu.memref_slice %arg3[%mul3A_2] : memref<65536xf32, #tpu.memory_space<hbm>> -> memref<2048xf32, #tpu.memory_space<hbm>>
      %dma_start3A_720 = tpu.memref_slice %arg3[%mul3A_2] : memref<65536xf32, #tpu.memory_space<hbm>> -> memref<2048xf32, #tpu.memory_space<hbm>>
      tpu.enqueue_dma source(%dma_start3A_720 : memref<2048xf32, #tpu.memory_space<hbm>>) target(%arg6 : memref<2048xf32, #tpu.memory_space<vmem>>) target_semaphore(%run_scoped3A : memref<!tpu.dma_semaphore, #tpu.memory_space<semaphore_mem>>)
      %dma_wait3A_721 = tpu.memref_slice %arg3[%mul3A_2] : memref<65536xf32, #tpu.memory_space<hbm>> -> memref<2048xf32, #tpu.memory_space<hbm>>
      %dma_wait3A_722 = tpu.memref_slice %arg3[%mul3A_2] : memref<65536xf32, #tpu.memory_space<hbm>> -> memref<2048xf32, #tpu.memory_space<hbm>>
      tpu.wait_dma2 semaphore(%run_scoped3A : memref<!tpu.dma_semaphore, #tpu.memory_space<semaphore_mem>>) src(%dma_wait3A_722 : memref<2048xf32, #tpu.memory_space<hbm>>) dst(%arg6 : memref<2048xf32, #tpu.memory_space<vmem>>)
      tpu.yield
    }) : () -> ()
    "tpu.region"() ({
      %run_scoped3A = tpu.sem_alloc : memref<!tpu.dma_semaphore, #tpu.memory_space<semaphore_mem>>
      %dma_start3A_719 = tpu.memref_slice %arg4[%mul3A_2] : memref<65536xf32, #tpu.memory_space<hbm>> -> memref<2048xf32, #tpu.memory_space<hbm>>
      %dma_start3A_720 = tpu.memref_slice %arg4[%mul3A_2] : memref<65536xf32, #tpu.memory_space<hbm>> -> memref<2048xf32, #tpu.memory_space<hbm>>
      tpu.enqueue_dma source(%dma_start3A_720 : memref<2048xf32, #tpu.memory_space<hbm>>) target(%arg7 : memref<2048xf32, #tpu.memory_space<vmem>>) target_semaphore(%run_scoped3A : memref<!tpu.dma_semaphore, #tpu.memory_space<semaphore_mem>>)
      %dma_wait3A_721 = tpu.memref_slice %arg4[%mul3A_2] : memref<65536xf32, #tpu.memory_space<hbm>> -> memref<2048xf32, #tpu.memory_space<hbm>>
      %dma_wait3A_722 = tpu.memref_slice %arg4[%mul3A_2] : memref<65536xf32, #tpu.memory_space<hbm>> -> memref<2048xf32, #tpu.memory_space<hbm>>
      tpu.wait_dma2 semaphore(%run_scoped3A : memref<!tpu.dma_semaphore, #tpu.memory_space<semaphore_mem>>) src(%dma_wait3A_722 : memref<2048xf32, #tpu.memory_space<hbm>>) dst(%arg7 : memref<2048xf32, #tpu.memory_space<vmem>>)
      tpu.yield
    }) : () -> ()
    %iota3A = tpu.iota {dimensions = array<i32: 0>} : vector<16xi32>
    %mul3A_3 = arith.constant 1032 : i32
    %mul3A_4 = vector.broadcast %mul3A_3 : i32 to vector<16xi32>
    %mul3A_5 = arith.muli %iota3A, %mul3A_4 : vector<16xi32>
    %scan3A = arith.constant 0 : i32
    %scan3A_6 = arith.constant 0 : i32
    %scan3A_7 = arith.constant 64 : i32
    %scan3A_8 = arith.addi %scan3A_6, %scan3A_7 : i32
    %scan3A_9 = arith.constant 1 : i32
    %scan3A_10 = scf.for %scan3A_719 = %scan3A_6 to %scan3A_8 step %scan3A_9 iter_args(%scan3A_720 = %scan3A) -> (i32)  : i32 {
      %mul3A_721 = arith.constant 16 : i32
      %mul3A_722 = arith.muli %scan3A_719, %mul3A_721 : i32
      %add3A_723 = arith.constant 0 : i32
      %add3A_724 = arith.addi %add3A_723, %mul3A_722 : i32
      %get3A = arith.index_cast %add3A_724 : i32 to index
      %get3A_725 = tpu.vector_load %arg6[%get3A] {strides = array<i32>} : memref<2048xf32, #tpu.memory_space<vmem>>, vector<16xf32>,
      %get3A_726 = arith.index_cast %add3A_724 : i32 to index
      %get3A_727 = tpu.vector_load %arg7[%get3A_726] {strides = array<i32>} : memref<2048xf32, #tpu.memory_space<vmem>>, vector<16xf32>,
      %add3A_728 = arith.constant 1.000000e+00 : f32
      %add3A_729 = vector.broadcast %add3A_728 : f32 to vector<16xf32>
      %add3A_730 = arith.addf %get3A_725, %add3A_729 : vector<16xf32>
      %mul3A_731 = arith.constant 5.000000e-01 : f32
      %mul3A_732 = vector.broadcast %mul3A_731 : f32 to vector<16xf32>
      %mul3A_733 = arith.mulf %add3A_730, %mul3A_732 : vector<16xf32>
      %mul3A_734 = arith.constant 2.550000e+02 : f32
      %mul3A_735 = vector.broadcast %mul3A_734 : f32 to vector<16xf32>
      %mul3A_736 = arith.mulf %mul3A_733, %mul3A_735 : vector<16xf32>
      %add3A_737 = arith.constant 1.000000e+00 : f32
      %add3A_738 = vector.broadcast %add3A_737 : f32 to vector<16xf32>
      %add3A_739 = arith.addf %get3A_727, %add3A_738 : vector<16xf32>
      %mul3A_740 = arith.constant 5.000000e-01 : f32
      %mul3A_741 = vector.broadcast %mul3A_740 : f32 to vector<16xf32>
      %mul3A_742 = arith.mulf %add3A_739, %mul3A_741 : vector<16xf32>
      %mul3A_743 = arith.constant 2.550000e+02 : f32
      %mul3A_744 = vector.broadcast %mul3A_743 : f32 to vector<16xf32>
      %mul3A_745 = arith.mulf %mul3A_742, %mul3A_744 : vector<16xf32>
      %convert_element_type3A = arith.fptosi %mul3A_736 : vector<16xf32> to vector<16xi32>
      %convert_element_type3A_746 = arith.fptosi %mul3A_745 : vector<16xf32> to vector<16xi32>
      %convert_element_type3A_747 = arith.sitofp %convert_element_type3A : vector<16xi32> to vector<16xf32>
      %sub3A = arith.subf %mul3A_736, %convert_element_type3A_747 : vector<16xf32>
      %convert_element_type3A_748 = arith.sitofp %convert_element_type3A_746 : vector<16xi32> to vector<16xf32>
      %sub3A_749 = arith.subf %mul3A_745, %convert_element_type3A_748 : vector<16xf32>
      %jit3A = arith.constant 0 : i32
      %jit3A_750 = arith.constant 255 : i32
      %max3A = vector.broadcast %jit3A : i32 to vector<16xi32>
      %max3A_751 = arith.maxsi %max3A, %convert_element_type3A : vector<16xi32>
      %min3A = vector.broadcast %jit3A_750 : i32 to vector<16xi32>
      %min3A_752 = arith.minsi %min3A, %max3A_751 : vector<16xi32>
      %mul3A_753 = arith.constant 256 : i32
      %mul3A_754 = vector.broadcast %mul3A_753 : i32 to vector<16xi32>
      %mul3A_755 = arith.muli %min3A_752, %mul3A_754 : vector<16xi32>
      %add3A_756 = arith.constant 1 : i32
      %add3A_757 = vector.broadcast %add3A_756 : i32 to vector<16xi32>
      %add3A_758 = arith.addi %convert_element_type3A, %add3A_757 : vector<16xi32>
      %jit3A_759 = arith.constant 0 : i32
      %jit3A_760 = arith.constant 255 : i32
      %max3A_761 = vector.broadcast %jit3A_759 : i32 to vector<16xi32>
      %max3A_762 = arith.maxsi %max3A_761, %add3A_758 : vector<16xi32>
      %min3A_763 = vector.broadcast %jit3A_760 : i32 to vector<16xi32>
      %min3A_764 = arith.minsi %min3A_763, %max3A_762 : vector<16xi32>
      %mul3A_765 = arith.constant 256 : i32
      %mul3A_766 = vector.broadcast %mul3A_765 : i32 to vector<16xi32>
      %mul3A_767 = arith.muli %min3A_764, %mul3A_766 : vector<16xi32>
      %jit3A_768 = arith.constant 0 : i32
      %jit3A_769 = arith.constant 255 : i32
      %max3A_770 = vector.broadcast %jit3A_768 : i32 to vector<16xi32>
      %max3A_771 = arith.maxsi %max3A_770, %convert_element_type3A_746 : vector<16xi32>
      %min3A_772 = vector.broadcast %jit3A_769 : i32 to vector<16xi32>
      %min3A_773 = arith.minsi %min3A_772, %max3A_771 : vector<16xi32>
      %add3A_774 = arith.constant 1 : i32
      %add3A_775 = vector.broadcast %add3A_774 : i32 to vector<16xi32>
      %add3A_776 = arith.addi %convert_element_type3A_746, %add3A_775 : vector<16xi32>
      %jit3A_777 = arith.constant 0 : i32
      %jit3A_778 = arith.constant 255 : i32
      %max3A_779 = vector.broadcast %jit3A_777 : i32 to vector<16xi32>
      %max3A_780 = arith.maxsi %max3A_779, %add3A_776 : vector<16xi32>
      %min3A_781 = vector.broadcast %jit3A_778 : i32 to vector<16xi32>
      %min3A_782 = arith.minsi %min3A_781, %max3A_780 : vector<16xi32>
      %mul3A_783 = arith.constant 16 : i32
      %mul3A_784 = arith.muli %scan3A_719, %mul3A_783 : i32
      %add3A_785 = arith.addi %mul3A_755, %min3A_773 : vector<16xi32>
      %swap3A = arith.index_cast %mul3A_784 : i32 to index
      %swap3A_786 = tpu.vector_load %arg8[%swap3A] {strides = array<i32>} : memref<1024xi32, #tpu.memory_space<vmem>>, vector<16xi32>,
      tpu.vector_store %arg8[%swap3A], %add3A_785 {strides = array<i32>} : memref<1024xi32, #tpu.memory_space<vmem>>, vector<16xi32>,
      %add3A_787 = arith.addi %mul3A_755, %min3A_782 : vector<16xi32>
      %swap3A_788 = arith.index_cast %mul3A_784 : i32 to index
      %swap3A_789 = tpu.vector_load %arg9[%swap3A_788] {strides = array<i32>} : memref<1024xi32, #tpu.memory_space<vmem>>, vector<16xi32>,
      tpu.vector_store %arg9[%swap3A_788], %add3A_787 {strides = array<i32>} : memref<1024xi32, #tpu.memory_space<vmem>>, vector<16xi32>,
      %add3A_790 = arith.addi %mul3A_767, %min3A_773 : vector<16xi32>
      %swap3A_791 = arith.index_cast %mul3A_784 : i32 to index
      %swap3A_792 = tpu.vector_load %arg10[%swap3A_791] {strides = array<i32>} : memref<1024xi32, #tpu.memory_space<vmem>>, vector<16xi32>,
      tpu.vector_store %arg10[%swap3A_791], %add3A_790 {strides = array<i32>} : memref<1024xi32, #tpu.memory_space<vmem>>, vector<16xi32>,
      %add3A_793 = arith.addi %mul3A_767, %min3A_782 : vector<16xi32>
      %swap3A_794 = arith.index_cast %mul3A_784 : i32 to index
      %swap3A_795 = tpu.vector_load %arg11[%swap3A_794] {strides = array<i32>} : memref<1024xi32, #tpu.memory_space<vmem>>, vector<16xi32>,
      tpu.vector_store %arg11[%swap3A_794], %add3A_793 {strides = array<i32>} : memref<1024xi32, #tpu.memory_space<vmem>>, vector<16xi32>,
      %sub3A_796 = arith.constant 1.000000e+00 : f32
      %sub3A_797 = vector.broadcast %sub3A_796 : f32 to vector<16xf32>
      %sub3A_798 = arith.subf %sub3A_797, %sub3A : vector<16xf32>
      %sub3A_799 = arith.constant 1.000000e+00 : f32
      %sub3A_800 = vector.broadcast %sub3A_799 : f32 to vector<16xf32>
      %sub3A_801 = arith.subf %sub3A_800, %sub3A_749 : vector<16xf32>
      %mul3A_802 = arith.mulf %sub3A_798, %sub3A_801 : vector<16xf32>
      %swap3A_803 = arith.index_cast %mul3A_784 : i32 to index
      %swap3A_804 = tpu.vector_load %arg12[%swap3A_803] {strides = array<i32>} : memref<1024xf32, #tpu.memory_space<vmem>>, vector<16xf32>,
      tpu.vector_store %arg12[%swap3A_803], %mul3A_802 {strides = array<i32>} : memref<1024xf32, #tpu.memory_space<vmem>>, vector<16xf32>,
      %mul3A_805 = arith.mulf %sub3A_798, %sub3A_749 : vector<16xf32>
      %swap3A_806 = arith.index_cast %mul3A_784 : i32 to index
      %swap3A_807 = tpu.vector_load %arg13[%swap3A_806] {strides = array<i32>} : memref<1024xf32, #tpu.memory_space<vmem>>, vector<16xf32>,
      tpu.vector_store %arg13[%swap3A_806], %mul3A_805 {strides = array<i32>} : memref<1024xf32, #tpu.memory_space<vmem>>, vector<16xf32>,
      %mul3A_808 = arith.mulf %sub3A, %sub3A_801 : vector<16xf32>
      %swap3A_809 = arith.index_cast %mul3A_784 : i32 to index
      %swap3A_810 = tpu.vector_load %arg14[%swap3A_809] {strides = array<i32>} : memref<1024xf32, #tpu.memory_space<vmem>>, vector<16xf32>,
      tpu.vector_store %arg14[%swap3A_809], %mul3A_808 {strides = array<i32>} : memref<1024xf32, #tpu.memory_space<vmem>>, vector<16xf32>,
      %mul3A_811 = arith.mulf %sub3A, %sub3A_749 : vector<16xf32>
      %swap3A_812 = arith.index_cast %mul3A_784 : i32 to index
      %swap3A_813 = tpu.vector_load %arg15[%swap3A_812] {strides = array<i32>} : memref<1024xf32, #tpu.memory_space<vmem>>, vector<16xf32>,
      tpu.vector_store %arg15[%swap3A_812], %mul3A_811 {strides = array<i32>} : memref<1024xf32, #tpu.memory_space<vmem>>, vector<16xf32>,
      %scan3A_814 = arith.constant 0 : i32
      scf.yield %scan3A_814 : i32
    }
    %scan3A_11 = arith.constant 64 : i32
    %dma_start3A = arith.constant 0 : i32
    %dma_start3A_12 = arith.constant 0 : i32
    %dma_start3A_13 = tpu.memref_slice %arg2[%dma_start3A, %dma_start3A_12] : memref<65536x16xf32, #tpu.memory_space<hbm>> -> memref<65536x16xf32, #tpu.memory_space<hbm>>
    tpu.enqueue_indirect_dma source(%dma_start3A_13 : memref<65536x16xf32, #tpu.memory_space<hbm>>) target(%arg16 : memref<1024x16xf32, #tpu.memory_space<vmem>>) offsets(%arg8 : memref<1024xi32, #tpu.memory_space<vmem>>) semaphore(%arg21 : memref<!tpu.dma_semaphore, #tpu.memory_space<semaphore_mem>>)
    %dma_start3A_14 = arith.constant 0 : i32
    %dma_start3A_15 = arith.constant 0 : i32
    %dma_start3A_16 = tpu.memref_slice %arg2[%dma_start3A_14, %dma_start3A_15] : memref<65536x16xf32, #tpu.memory_space<hbm>> -> memref<65536x16xf32, #tpu.memory_space<hbm>>
    tpu.enqueue_indirect_dma source(%dma_start3A_16 : memref<65536x16xf32, #tpu.memory_space<hbm>>) target(%arg17 : memref<1024x16xf32, #tpu.memory_space<vmem>>) offsets(%arg9 : memref<1024xi32, #tpu.memory_space<vmem>>) semaphore(%arg21 : memref<!tpu.dma_semaphore, #tpu.memory_space<semaphore_mem>>)
    %dma_start3A_17 = arith.constant 0 : i32
    %dma_start3A_18 = arith.constant 0 : i32
    %dma_start3A_19 = tpu.memref_slice %arg2[%dma_start3A_17, %dma_start3A_18] : memref<65536x16xf32, #tpu.memory_space<hbm>> -> memref<65536x16xf32, #tpu.memory_space<hbm>>
    tpu.enqueue_indirect_dma source(%dma_start3A_19 : memref<65536x16xf32, #tpu.memory_space<hbm>>) target(%arg18 : memref<1024x16xf32, #tpu.memory_space<vmem>>) offsets(%arg10 : memref<1024xi32, #tpu.memory_space<vmem>>) semaphore(%arg21 : memref<!tpu.dma_semaphore, #tpu.memory_space<semaphore_mem>>)
    %dma_start3A_20 = arith.constant 0 : i32
    %dma_start3A_21 = arith.constant 0 : i32
    %dma_start3A_22 = tpu.memref_slice %arg2[%dma_start3A_20, %dma_start3A_21] : memref<65536x16xf32, #tpu.memory_space<hbm>> -> memref<65536x16xf32, #tpu.memory_space<hbm>>
    tpu.enqueue_indirect_dma source(%dma_start3A_22 : memref<65536x16xf32, #tpu.memory_space<hbm>>) target(%arg19 : memref<1024x16xf32, #tpu.memory_space<vmem>>) offsets(%arg11 : memref<1024xi32, #tpu.memory_space<vmem>>) semaphore(%arg21 : memref<!tpu.dma_semaphore, #tpu.memory_space<semaphore_mem>>)
    %dma_wait3A = arith.constant 0 : i32
    %dma_wait3A_23 = arith.constant 0 : i32
    %dma_wait3A_24 = tpu.memref_slice %arg2[%dma_wait3A, %dma_wait3A_23] : memref<65536x16xf32, #tpu.memory_space<hbm>> -> memref<65536x16xf32, #tpu.memory_space<hbm>>
    tpu.wait_indirect_dma semaphore(%arg21 : memref<!tpu.dma_semaphore, #tpu.memory_space<semaphore_mem>>) src(%dma_wait3A_24 : memref<65536x16xf32, #tpu.memory_space<hbm>>) dst(%arg16 : memref<1024x16xf32, #tpu.memory_space<vmem>>)
    %dma_wait3A_25 = arith.constant 0 : i32
    %dma_wait3A_26 = arith.constant 0 : i32
    %dma_wait3A_27 = tpu.memref_slice %arg2[%dma_wait3A_25, %dma_wait3A_26] : memref<65536x16xf32, #tpu.memory_space<hbm>> -> memref<65536x16xf32, #tpu.memory_space<hbm>>
    tpu.wait_indirect_dma semaphore(%arg21 : memref<!tpu.dma_semaphore, #tpu.memory_space<semaphore_mem>>) src(%dma_wait3A_27 : memref<65536x16xf32, #tpu.memory_space<hbm>>) dst(%arg17 : memref<1024x16xf32, #tpu.memory_space<vmem>>)
    %dma_wait3A_28 = arith.constant 0 : i32
    %dma_wait3A_29 = arith.constant 0 : i32
    %dma_wait3A_30 = tpu.memref_slice %arg2[%dma_wait3A_28, %dma_wait3A_29] : memref<65536x16xf32, #tpu.memory_space<hbm>> -> memref<65536x16xf32, #tpu.memory_space<hbm>>
    tpu.wait_indirect_dma semaphore(%arg21 : memref<!tpu.dma_semaphore, #tpu.memory_space<semaphore_mem>>) src(%dma_wait3A_30 : memref<65536x16xf32, #tpu.memory_space<hbm>>) dst(%arg18 : memref<1024x16xf32, #tpu.memory_space<vmem>>)
    %dma_wait3A_31 = arith.constant 0 : i32
    %dma_wait3A_32 = arith.constant 0 : i32
    %dma_wait3A_33 = tpu.memref_slice %arg2[%dma_wait3A_31, %dma_wait3A_32] : memref<65536x16xf32, #tpu.memory_space<hbm>> -> memref<65536x16xf32, #tpu.memory_space<hbm>>
    tpu.wait_indirect_dma semaphore(%arg21 : memref<!tpu.dma_semaphore, #tpu.memory_space<semaphore_mem>>) src(%dma_wait3A_33 : memref<65536x16xf32, #tpu.memory_space<hbm>>) dst(%arg19 : memref<1024x16xf32, #tpu.memory_space<vmem>>)
    %scan3A_34 = arith.constant 0 : i32
    %scan3A_35 = arith.constant 0 : i32
    %scan3A_36 = arith.constant 64 : i32
    %scan3A_37 = arith.addi %scan3A_35, %scan3A_36 : i32
    %scan3A_38 = arith.constant 1 : i32
    %scan3A_39 = scf.for %scan3A_719 = %scan3A_35 to %scan3A_37 step %scan3A_38 iter_args(%scan3A_720 = %scan3A_34) -> (i32)  : i32 {
      %mul3A_721 = arith.constant 16 : i32
      %mul3A_722 = arith.muli %scan3A_719, %mul3A_721 : i32
      %get3A = arith.index_cast %mul3A_722 : i32 to index
      %get3A_723 = tpu.vector_load %arg12[%get3A] {strides = array<i32>} : memref<1024xf32, #tpu.memory_space<vmem>>, vector<16xf32>,
      %get3A_724 = arith.index_cast %mul3A_722 : i32 to index
      %get3A_725 = tpu.vector_load %arg13[%get3A_724] {strides = array<i32>} : memref<1024xf32, #tpu.memory_space<vmem>>, vector<16xf32>,
      %get3A_726 = arith.index_cast %mul3A_722 : i32 to index
      %get3A_727 = tpu.vector_load %arg14[%get3A_726] {strides = array<i32>} : memref<1024xf32, #tpu.memory_space<vmem>>, vector<16xf32>,
      %get3A_728 = arith.index_cast %mul3A_722 : i32 to index
      %get3A_729 = tpu.vector_load %arg15[%get3A_728] {strides = array<i32>} : memref<1024xf32, #tpu.memory_space<vmem>>, vector<16xf32>,
      %mul3A_730 = arith.constant 16 : i32
      %mul3A_731 = arith.muli %scan3A_719, %mul3A_730 : i32
      %add3A_732 = arith.constant 0 : i32
      %add3A_733 = arith.addi %mul3A_731, %add3A_732 : i32
      %slice3A = vector.extract_strided_slice %get3A_723 {offsets = [0], sizes = [1], strides = [1]} : vector<16xf32> to vector<1xf32>
      %squeeze3A = vector.extract %slice3A[0] : f32 from vector<1xf32>
      %get3A_734 = arith.index_cast %add3A_733 : i32 to index
      %get3A_735 = arith.constant 0 : index
      %get3A_736 = tpu.vector_load %arg16[%get3A_734, %get3A_735] {strides = array<i32>} : memref<1024x16xf32, #tpu.memory_space<vmem>>, vector<16xf32>,
      %mul3A_737 = vector.broadcast %squeeze3A : f32 to vector<16xf32>
      %mul3A_738 = arith.mulf %mul3A_737, %get3A_736 : vector<16xf32>
      %slice3A_739 = vector.extract_strided_slice %get3A_725 {offsets = [0], sizes = [1], strides = [1]} : vector<16xf32> to vector<1xf32>
      %squeeze3A_740 = vector.extract %slice3A_739[0] : f32 from vector<1xf32>
      %get3A_741 = arith.index_cast %add3A_733 : i32 to index
      %get3A_742 = arith.constant 0 : index
      %get3A_743 = tpu.vector_load %arg17[%get3A_741, %get3A_742] {strides = array<i32>} : memref<1024x16xf32, #tpu.memory_space<vmem>>, vector<16xf32>,
      %mul3A_744 = vector.broadcast %squeeze3A_740 : f32 to vector<16xf32>
      %mul3A_745 = arith.mulf %mul3A_744, %get3A_743 : vector<16xf32>
      %add3A_746 = arith.addf %mul3A_738, %mul3A_745 : vector<16xf32>
      %slice3A_747 = vector.extract_strided_slice %get3A_727 {offsets = [0], sizes = [1], strides = [1]} : vector<16xf32> to vector<1xf32>
      %squeeze3A_748 = vector.extract %slice3A_747[0] : f32 from vector<1xf32>
      %get3A_749 = arith.index_cast %add3A_733 : i32 to index
      %get3A_750 = arith.constant 0 : index
      %get3A_751 = tpu.vector_load %arg18[%get3A_749, %get3A_750] {strides = array<i32>} : memref<1024x16xf32, #tpu.memory_space<vmem>>, vector<16xf32>,
      %mul3A_752 = vector.broadcast %squeeze3A_748 : f32 to vector<16xf32>
      %mul3A_753 = arith.mulf %mul3A_752, %get3A_751 : vector<16xf32>
      %slice3A_754 = vector.extract_strided_slice %get3A_729 {offsets = [0], sizes = [1], strides = [1]} : vector<16xf32> to vector<1xf32>
      %squeeze3A_755 = vector.extract %slice3A_754[0] : f32 from vector<1xf32>
      %get3A_756 = arith.index_cast %add3A_733 : i32 to index
      %get3A_757 = arith.constant 0 : index
      %get3A_758 = tpu.vector_load %arg19[%get3A_756, %get3A_757] {strides = array<i32>} : memref<1024x16xf32, #tpu.memory_space<vmem>>, vector<16xf32>,
      %mul3A_759 = vector.broadcast %squeeze3A_755 : f32 to vector<16xf32>
      %mul3A_760 = arith.mulf %mul3A_759, %get3A_758 : vector<16xf32>
      %add3A_761 = arith.addf %mul3A_753, %mul3A_760 : vector<16xf32>
      %add3A_762 = arith.addf %add3A_746, %add3A_761 : vector<16xf32>
      %add3A_763 = vector.broadcast %add3A_733 : i32 to vector<16xi32>
      %add3A_764 = arith.addi %mul3A_5, %add3A_763 : vector<16xi32>
      tpu.vector_store_idx %arg20[%add3A_764], %add3A_762 : memref<16512xf32, #tpu.memory_space<vmem>>[vector<16xi32>], vector<16xf32>,
      %mul3A_765 = arith.constant 16 : i32
      %mul3A_766 = arith.muli %scan3A_719, %mul3A_765 : i32
      %add3A_767 = arith.constant 1 : i32
      %add3A_768 = arith.addi %mul3A_766, %add3A_767 : i32
      %slice3A_769 = vector.extract_strided_slice %get3A_723 {offsets = [1], sizes = [1], strides = [1]} : vector<16xf32> to vector<1xf32>
      %squeeze3A_770 = vector.extract %slice3A_769[0] : f32 from vector<1xf32>
      %get3A_771 = arith.index_cast %add3A_768 : i32 to index
      %get3A_772 = arith.constant 0 : index
      %get3A_773 = tpu.vector_load %arg16[%get3A_771, %get3A_772] {strides = array<i32>} : memref<1024x16xf32, #tpu.memory_space<vmem>>, vector<16xf32>,
      %mul3A_774 = vector.broadcast %squeeze3A_770 : f32 to vector<16xf32>
      %mul3A_775 = arith.mulf %mul3A_774, %get3A_773 : vector<16xf32>
      %slice3A_776 = vector.extract_strided_slice %get3A_725 {offsets = [1], sizes = [1], strides = [1]} : vector<16xf32> to vector<1xf32>
      %squeeze3A_777 = vector.extract %slice3A_776[0] : f32 from vector<1xf32>
      %get3A_778 = arith.index_cast %add3A_768 : i32 to index
      %get3A_779 = arith.constant 0 : index
      %get3A_780 = tpu.vector_load %arg17[%get3A_778, %get3A_779] {strides = array<i32>} : memref<1024x16xf32, #tpu.memory_space<vmem>>, vector<16xf32>,
      %mul3A_781 = vector.broadcast %squeeze3A_777 : f32 to vector<16xf32>
      %mul3A_782 = arith.mulf %mul3A_781, %get3A_780 : vector<16xf32>
      %add3A_783 = arith.addf %mul3A_775, %mul3A_782 : vector<16xf32>
      %slice3A_784 = vector.extract_strided_slice %get3A_727 {offsets = [1], sizes = [1], strides = [1]} : vector<16xf32> to vector<1xf32>
      %squeeze3A_785 = vector.extract %slice3A_784[0] : f32 from vector<1xf32>
      %get3A_786 = arith.index_cast %add3A_768 : i32 to index
      %get3A_787 = arith.constant 0 : index
      %get3A_788 = tpu.vector_load %arg18[%get3A_786, %get3A_787] {strides = array<i32>} : memref<1024x16xf32, #tpu.memory_space<vmem>>, vector<16xf32>,
      %mul3A_789 = vector.broadcast %squeeze3A_785 : f32 to vector<16xf32>
      %mul3A_790 = arith.mulf %mul3A_789, %get3A_788 : vector<16xf32>
      %slice3A_791 = vector.extract_strided_slice %get3A_729 {offsets = [1], sizes = [1], strides = [1]} : vector<16xf32> to vector<1xf32>
      %squeeze3A_792 = vector.extract %slice3A_791[0] : f32 from vector<1xf32>
      %get3A_793 = arith.index_cast %add3A_768 : i32 to index
      %get3A_794 = arith.constant 0 : index
      %get3A_795 = tpu.vector_load %arg19[%get3A_793, %get3A_794] {strides = array<i32>} : memref<1024x16xf32, #tpu.memory_space<vmem>>, vector<16xf32>,
      %mul3A_796 = vector.broadcast %squeeze3A_792 : f32 to vector<16xf32>
      %mul3A_797 = arith.mulf %mul3A_796, %get3A_795 : vector<16xf32>
      %add3A_798 = arith.addf %mul3A_790, %mul3A_797 : vector<16xf32>
      %add3A_799 = arith.addf %add3A_783, %add3A_798 : vector<16xf32>
      %add3A_800 = vector.broadcast %add3A_768 : i32 to vector<16xi32>
      %add3A_801 = arith.addi %mul3A_5, %add3A_800 : vector<16xi32>
      tpu.vector_store_idx %arg20[%add3A_801], %add3A_799 : memref<16512xf32, #tpu.memory_space<vmem>>[vector<16xi32>], vector<16xf32>,
      %mul3A_802 = arith.constant 16 : i32
      %mul3A_803 = arith.muli %scan3A_719, %mul3A_802 : i32
      %add3A_804 = arith.constant 2 : i32
      %add3A_805 = arith.addi %mul3A_803, %add3A_804 : i32
      %slice3A_806 = vector.extract_strided_slice %get3A_723 {offsets = [2], sizes = [1], strides = [1]} : vector<16xf32> to vector<1xf32>
      %squeeze3A_807 = vector.extract %slice3A_806[0] : f32 from vector<1xf32>
      %get3A_808 = arith.index_cast %add3A_805 : i32 to index
      %get3A_809 = arith.constant 0 : index
      %get3A_810 = tpu.vector_load %arg16[%get3A_808, %get3A_809] {strides = array<i32>} : memref<1024x16xf32, #tpu.memory_space<vmem>>, vector<16xf32>,
      %mul3A_811 = vector.broadcast %squeeze3A_807 : f32 to vector<16xf32>
      %mul3A_812 = arith.mulf %mul3A_811, %get3A_810 : vector<16xf32>
      %slice3A_813 = vector.extract_strided_slice %get3A_725 {offsets = [2], sizes = [1], strides = [1]} : vector<16xf32> to vector<1xf32>
      %squeeze3A_814 = vector.extract %slice3A_813[0] : f32 from vector<1xf32>
      %get3A_815 = arith.index_cast %add3A_805 : i32 to index
      %get3A_816 = arith.constant 0 : index
      %get3A_817 = tpu.vector_load %arg17[%get3A_815, %get3A_816] {strides = array<i32>} : memref<1024x16xf32, #tpu.memory_space<vmem>>, vector<16xf32>,
      %mul3A_818 = vector.broadcast %squeeze3A_814 : f32 to vector<16xf32>
      %mul3A_819 = arith.mulf %mul3A_818, %get3A_817 : vector<16xf32>
      %add3A_820 = arith.addf %mul3A_812, %mul3A_819 : vector<16xf32>
      %slice3A_821 = vector.extract_strided_slice %get3A_727 {offsets = [2], sizes = [1], strides = [1]} : vector<16xf32> to vector<1xf32>
      %squeeze3A_822 = vector.extract %slice3A_821[0] : f32 from vector<1xf32>
      %get3A_823 = arith.index_cast %add3A_805 : i32 to index
      %get3A_824 = arith.constant 0 : index
      %get3A_825 = tpu.vector_load %arg18[%get3A_823, %get3A_824] {strides = array<i32>} : memref<1024x16xf32, #tpu.memory_space<vmem>>, vector<16xf32>,
      %mul3A_826 = vector.broadcast %squeeze3A_822 : f32 to vector<16xf32>
      %mul3A_827 = arith.mulf %mul3A_826, %get3A_825 : vector<16xf32>
      %slice3A_828 = vector.extract_strided_slice %get3A_729 {offsets = [2], sizes = [1], strides = [1]} : vector<16xf32> to vector<1xf32>
      %squeeze3A_829 = vector.extract %slice3A_828[0] : f32 from vector<1xf32>
      %get3A_830 = arith.index_cast %add3A_805 : i32 to index
      %get3A_831 = arith.constant 0 : index
      %get3A_832 = tpu.vector_load %arg19[%get3A_830, %get3A_831] {strides = array<i32>} : memref<1024x16xf32, #tpu.memory_space<vmem>>, vector<16xf32>,
      %mul3A_833 = vector.broadcast %squeeze3A_829 : f32 to vector<16xf32>
      %mul3A_834 = arith.mulf %mul3A_833, %get3A_832 : vector<16xf32>
      %add3A_835 = arith.addf %mul3A_827, %mul3A_834 : vector<16xf32>
      %add3A_836 = arith.addf %add3A_820, %add3A_835 : vector<16xf32>
      %add3A_837 = vector.broadcast %add3A_805 : i32 to vector<16xi32>
      %add3A_838 = arith.addi %mul3A_5, %add3A_837 : vector<16xi32>
      tpu.vector_store_idx %arg20[%add3A_838], %add3A_836 : memref<16512xf32, #tpu.memory_space<vmem>>[vector<16xi32>], vector<16xf32>,
      %mul3A_839 = arith.constant 16 : i32
      %mul3A_840 = arith.muli %scan3A_719, %mul3A_839 : i32
      %add3A_841 = arith.constant 3 : i32
      %add3A_842 = arith.addi %mul3A_840, %add3A_841 : i32
      %slice3A_843 = vector.extract_strided_slice %get3A_723 {offsets = [3], sizes = [1], strides = [1]} : vector<16xf32> to vector<1xf32>
      %squeeze3A_844 = vector.extract %slice3A_843[0] : f32 from vector<1xf32>
      %get3A_845 = arith.index_cast %add3A_842 : i32 to index
      %get3A_846 = arith.constant 0 : index
      %get3A_847 = tpu.vector_load %arg16[%get3A_845, %get3A_846] {strides = array<i32>} : memref<1024x16xf32, #tpu.memory_space<vmem>>, vector<16xf32>,
      %mul3A_848 = vector.broadcast %squeeze3A_844 : f32 to vector<16xf32>
      %mul3A_849 = arith.mulf %mul3A_848, %get3A_847 : vector<16xf32>
      %slice3A_850 = vector.extract_strided_slice %get3A_725 {offsets = [3], sizes = [1], strides = [1]} : vector<16xf32> to vector<1xf32>
      %squeeze3A_851 = vector.extract %slice3A_850[0] : f32 from vector<1xf32>
      %get3A_852 = arith.index_cast %add3A_842 : i32 to index
      %get3A_853 = arith.constant 0 : index
      %get3A_854 = tpu.vector_load %arg17[%get3A_852, %get3A_853] {strides = array<i32>} : memref<1024x16xf32, #tpu.memory_space<vmem>>, vector<16xf32>,
      %mul3A_855 = vector.broadcast %squeeze3A_851 : f32 to vector<16xf32>
      %mul3A_856 = arith.mulf %mul3A_855, %get3A_854 : vector<16xf32>
      %add3A_857 = arith.addf %mul3A_849, %mul3A_856 : vector<16xf32>
      %slice3A_858 = vector.extract_strided_slice %get3A_727 {offsets = [3], sizes = [1], strides = [1]} : vector<16xf32> to vector<1xf32>
      %squeeze3A_859 = vector.extract %slice3A_858[0] : f32 from vector<1xf32>
      %get3A_860 = arith.index_cast %add3A_842 : i32 to index
      %get3A_861 = arith.constant 0 : index
      %get3A_862 = tpu.vector_load %arg18[%get3A_860, %get3A_861] {strides = array<i32>} : memref<1024x16xf32, #tpu.memory_space<vmem>>, vector<16xf32>,
      %mul3A_863 = vector.broadcast %squeeze3A_859 : f32 to vector<16xf32>
      %mul3A_864 = arith.mulf %mul3A_863, %get3A_862 : vector<16xf32>
      %slice3A_865 = vector.extract_strided_slice %get3A_729 {offsets = [3], sizes = [1], strides = [1]} : vector<16xf32> to vector<1xf32>
      %squeeze3A_866 = vector.extract %slice3A_865[0] : f32 from vector<1xf32>
      %get3A_867 = arith.index_cast %add3A_842 : i32 to index
      %get3A_868 = arith.constant 0 : index
      %get3A_869 = tpu.vector_load %arg19[%get3A_867, %get3A_868] {strides = array<i32>} : memref<1024x16xf32, #tpu.memory_space<vmem>>, vector<16xf32>,
      %mul3A_870 = vector.broadcast %squeeze3A_866 : f32 to vector<16xf32>
      %mul3A_871 = arith.mulf %mul3A_870, %get3A_869 : vector<16xf32>
      %add3A_872 = arith.addf %mul3A_864, %mul3A_871 : vector<16xf32>
      %add3A_873 = arith.addf %add3A_857, %add3A_872 : vector<16xf32>
      %add3A_874 = vector.broadcast %add3A_842 : i32 to vector<16xi32>
      %add3A_875 = arith.addi %mul3A_5, %add3A_874 : vector<16xi32>
      tpu.vector_store_idx %arg20[%add3A_875], %add3A_873 : memref<16512xf32, #tpu.memory_space<vmem>>[vector<16xi32>], vector<16xf32>,
      %mul3A_876 = arith.constant 16 : i32
      %mul3A_877 = arith.muli %scan3A_719, %mul3A_876 : i32
      %add3A_878 = arith.constant 4 : i32
      %add3A_879 = arith.addi %mul3A_877, %add3A_878 : i32
      %slice3A_880 = vector.extract_strided_slice %get3A_723 {offsets = [4], sizes = [1], strides = [1]} : vector<16xf32> to vector<1xf32>
      %squeeze3A_881 = vector.extract %slice3A_880[0] : f32 from vector<1xf32>
      %get3A_882 = arith.index_cast %add3A_879 : i32 to index
      %get3A_883 = arith.constant 0 : index
      %get3A_884 = tpu.vector_load %arg16[%get3A_882, %get3A_883] {strides = array<i32>} : memref<1024x16xf32, #tpu.memory_space<vmem>>, vector<16xf32>,
      %mul3A_885 = vector.broadcast %squeeze3A_881 : f32 to vector<16xf32>
      %mul3A_886 = arith.mulf %mul3A_885, %get3A_884 : vector<16xf32>
      %slice3A_887 = vector.extract_strided_slice %get3A_725 {offsets = [4], sizes = [1], strides = [1]} : vector<16xf32> to vector<1xf32>
      %squeeze3A_888 = vector.extract %slice3A_887[0] : f32 from vector<1xf32>
      %get3A_889 = arith.index_cast %add3A_879 : i32 to index
      %get3A_890 = arith.constant 0 : index
      %get3A_891 = tpu.vector_load %arg17[%get3A_889, %get3A_890] {strides = array<i32>} : memref<1024x16xf32, #tpu.memory_space<vmem>>, vector<16xf32>,
      %mul3A_892 = vector.broadcast %squeeze3A_888 : f32 to vector<16xf32>
      %mul3A_893 = arith.mulf %mul3A_892, %get3A_891 : vector<16xf32>
      %add3A_894 = arith.addf %mul3A_886, %mul3A_893 : vector<16xf32>
      %slice3A_895 = vector.extract_strided_slice %get3A_727 {offsets = [4], sizes = [1], strides = [1]} : vector<16xf32> to vector<1xf32>
      %squeeze3A_896 = vector.extract %slice3A_895[0] : f32 from vector<1xf32>
      %get3A_897 = arith.index_cast %add3A_879 : i32 to index
      %get3A_898 = arith.constant 0 : index
      %get3A_899 = tpu.vector_load %arg18[%get3A_897, %get3A_898] {strides = array<i32>} : memref<1024x16xf32, #tpu.memory_space<vmem>>, vector<16xf32>,
      %mul3A_900 = vector.broadcast %squeeze3A_896 : f32 to vector<16xf32>
      %mul3A_901 = arith.mulf %mul3A_900, %get3A_899 : vector<16xf32>
      %slice3A_902 = vector.extract_strided_slice %get3A_729 {offsets = [4], sizes = [1], strides = [1]} : vector<16xf32> to vector<1xf32>
      %squeeze3A_903 = vector.extract %slice3A_902[0] : f32 from vector<1xf32>
      %get3A_904 = arith.index_cast %add3A_879 : i32 to index
      %get3A_905 = arith.constant 0 : index
      %get3A_906 = tpu.vector_load %arg19[%get3A_904, %get3A_905] {strides = array<i32>} : memref<1024x16xf32, #tpu.memory_space<vmem>>, vector<16xf32>,
      %mul3A_907 = vector.broadcast %squeeze3A_903 : f32 to vector<16xf32>
      %mul3A_908 = arith.mulf %mul3A_907, %get3A_906 : vector<16xf32>
      %add3A_909 = arith.addf %mul3A_901, %mul3A_908 : vector<16xf32>
      %add3A_910 = arith.addf %add3A_894, %add3A_909 : vector<16xf32>
      %add3A_911 = vector.broadcast %add3A_879 : i32 to vector<16xi32>
      %add3A_912 = arith.addi %mul3A_5, %add3A_911 : vector<16xi32>
      tpu.vector_store_idx %arg20[%add3A_912], %add3A_910 : memref<16512xf32, #tpu.memory_space<vmem>>[vector<16xi32>], vector<16xf32>,
      %mul3A_913 = arith.constant 16 : i32
      %mul3A_914 = arith.muli %scan3A_719, %mul3A_913 : i32
      %add3A_915 = arith.constant 5 : i32
      %add3A_916 = arith.addi %mul3A_914, %add3A_915 : i32
      %slice3A_917 = vector.extract_strided_slice %get3A_723 {offsets = [5], sizes = [1], strides = [1]} : vector<16xf32> to vector<1xf32>
      %squeeze3A_918 = vector.extract %slice3A_917[0] : f32 from vector<1xf32>
      %get3A_919 = arith.index_cast %add3A_916 : i32 to index
      %get3A_920 = arith.constant 0 : index
      %get3A_921 = tpu.vector_load %arg16[%get3A_919, %get3A_920] {strides = array<i32>} : memref<1024x16xf32, #tpu.memory_space<vmem>>, vector<16xf32>,
      %mul3A_922 = vector.broadcast %squeeze3A_918 : f32 to vector<16xf32>
      %mul3A_923 = arith.mulf %mul3A_922, %get3A_921 : vector<16xf32>
      %slice3A_924 = vector.extract_strided_slice %get3A_725 {offsets = [5], sizes = [1], strides = [1]} : vector<16xf32> to vector<1xf32>
      %squeeze3A_925 = vector.extract %slice3A_924[0] : f32 from vector<1xf32>
      %get3A_926 = arith.index_cast %add3A_916 : i32 to index
      %get3A_927 = arith.constant 0 : index
      %get3A_928 = tpu.vector_load %arg17[%get3A_926, %get3A_927] {strides = array<i32>} : memref<1024x16xf32, #tpu.memory_space<vmem>>, vector<16xf32>,
      %mul3A_929 = vector.broadcast %squeeze3A_925 : f32 to vector<16xf32>
      %mul3A_930 = arith.mulf %mul3A_929, %get3A_928 : vector<16xf32>
      %add3A_931 = arith.addf %mul3A_923, %mul3A_930 : vector<16xf32>
      %slice3A_932 = vector.extract_strided_slice %get3A_727 {offsets = [5], sizes = [1], strides = [1]} : vector<16xf32> to vector<1xf32>
      %squeeze3A_933 = vector.extract %slice3A_932[0] : f32 from vector<1xf32>
      %get3A_934 = arith.index_cast %add3A_916 : i32 to index
      %get3A_935 = arith.constant 0 : index
      %get3A_936 = tpu.vector_load %arg18[%get3A_934, %get3A_935] {strides = array<i32>} : memref<1024x16xf32, #tpu.memory_space<vmem>>, vector<16xf32>,
      %mul3A_937 = vector.broadcast %squeeze3A_933 : f32 to vector<16xf32>
      %mul3A_938 = arith.mulf %mul3A_937, %get3A_936 : vector<16xf32>
      %slice3A_939 = vector.extract_strided_slice %get3A_729 {offsets = [5], sizes = [1], strides = [1]} : vector<16xf32> to vector<1xf32>
      %squeeze3A_940 = vector.extract %slice3A_939[0] : f32 from vector<1xf32>
      %get3A_941 = arith.index_cast %add3A_916 : i32 to index
      %get3A_942 = arith.constant 0 : index
      %get3A_943 = tpu.vector_load %arg19[%get3A_941, %get3A_942] {strides = array<i32>} : memref<1024x16xf32, #tpu.memory_space<vmem>>, vector<16xf32>,
      %mul3A_944 = vector.broadcast %squeeze3A_940 : f32 to vector<16xf32>
      %mul3A_945 = arith.mulf %mul3A_944, %get3A_943 : vector<16xf32>
      %add3A_946 = arith.addf %mul3A_938, %mul3A_945 : vector<16xf32>
      %add3A_947 = arith.addf %add3A_931, %add3A_946 : vector<16xf32>
      %add3A_948 = vector.broadcast %add3A_916 : i32 to vector<16xi32>
      %add3A_949 = arith.addi %mul3A_5, %add3A_948 : vector<16xi32>
      tpu.vector_store_idx %arg20[%add3A_949], %add3A_947 : memref<16512xf32, #tpu.memory_space<vmem>>[vector<16xi32>], vector<16xf32>,
      %mul3A_950 = arith.constant 16 : i32
      %mul3A_951 = arith.muli %scan3A_719, %mul3A_950 : i32
      %add3A_952 = arith.constant 6 : i32
      %add3A_953 = arith.addi %mul3A_951, %add3A_952 : i32
      %slice3A_954 = vector.extract_strided_slice %get3A_723 {offsets = [6], sizes = [1], strides = [1]} : vector<16xf32> to vector<1xf32>
      %squeeze3A_955 = vector.extract %slice3A_954[0] : f32 from vector<1xf32>
      %get3A_956 = arith.index_cast %add3A_953 : i32 to index
      %get3A_957 = arith.constant 0 : index
      %get3A_958 = tpu.vector_load %arg16[%get3A_956, %get3A_957] {strides = array<i32>} : memref<1024x16xf32, #tpu.memory_space<vmem>>, vector<16xf32>,
      %mul3A_959 = vector.broadcast %squeeze3A_955 : f32 to vector<16xf32>
      %mul3A_960 = arith.mulf %mul3A_959, %get3A_958 : vector<16xf32>
      %slice3A_961 = vector.extract_strided_slice %get3A_725 {offsets = [6], sizes = [1], strides = [1]} : vector<16xf32> to vector<1xf32>
      %squeeze3A_962 = vector.extract %slice3A_961[0] : f32 from vector<1xf32>
      %get3A_963 = arith.index_cast %add3A_953 : i32 to index
      %get3A_964 = arith.constant 0 : index
      %get3A_965 = tpu.vector_load %arg17[%get3A_963, %get3A_964] {strides = array<i32>} : memref<1024x16xf32, #tpu.memory_space<vmem>>, vector<16xf32>,
      %mul3A_966 = vector.broadcast %squeeze3A_962 : f32 to vector<16xf32>
      %mul3A_967 = arith.mulf %mul3A_966, %get3A_965 : vector<16xf32>
      %add3A_968 = arith.addf %mul3A_960, %mul3A_967 : vector<16xf32>
      %slice3A_969 = vector.extract_strided_slice %get3A_727 {offsets = [6], sizes = [1], strides = [1]} : vector<16xf32> to vector<1xf32>
      %squeeze3A_970 = vector.extract %slice3A_969[0] : f32 from vector<1xf32>
      %get3A_971 = arith.index_cast %add3A_953 : i32 to index
      %get3A_972 = arith.constant 0 : index
      %get3A_973 = tpu.vector_load %arg18[%get3A_971, %get3A_972] {strides = array<i32>} : memref<1024x16xf32, #tpu.memory_space<vmem>>, vector<16xf32>,
      %mul3A_974 = vector.broadcast %squeeze3A_970 : f32 to vector<16xf32>
      %mul3A_975 = arith.mulf %mul3A_974, %get3A_973 : vector<16xf32>
      %slice3A_976 = vector.extract_strided_slice %get3A_729 {offsets = [6], sizes = [1], strides = [1]} : vector<16xf32> to vector<1xf32>
      %squeeze3A_977 = vector.extract %slice3A_976[0] : f32 from vector<1xf32>
      %get3A_978 = arith.index_cast %add3A_953 : i32 to index
      %get3A_979 = arith.constant 0 : index
      %get3A_980 = tpu.vector_load %arg19[%get3A_978, %get3A_979] {strides = array<i32>} : memref<1024x16xf32, #tpu.memory_space<vmem>>, vector<16xf32>,
      %mul3A_981 = vector.broadcast %squeeze3A_977 : f32 to vector<16xf32>
      %mul3A_982 = arith.mulf %mul3A_981, %get3A_980 : vector<16xf32>
      %add3A_983 = arith.addf %mul3A_975, %mul3A_982 : vector<16xf32>
      %add3A_984 = arith.addf %add3A_968, %add3A_983 : vector<16xf32>
      %add3A_985 = vector.broadcast %add3A_953 : i32 to vector<16xi32>
      %add3A_986 = arith.addi %mul3A_5, %add3A_985 : vector<16xi32>
      tpu.vector_store_idx %arg20[%add3A_986], %add3A_984 : memref<16512xf32, #tpu.memory_space<vmem>>[vector<16xi32>], vector<16xf32>,
      %mul3A_987 = arith.constant 16 : i32
      %mul3A_988 = arith.muli %scan3A_719, %mul3A_987 : i32
      %add3A_989 = arith.constant 7 : i32
      %add3A_990 = arith.addi %mul3A_988, %add3A_989 : i32
      %slice3A_991 = vector.extract_strided_slice %get3A_723 {offsets = [7], sizes = [1], strides = [1]} : vector<16xf32> to vector<1xf32>
      %squeeze3A_992 = vector.extract %slice3A_991[0] : f32 from vector<1xf32>
      %get3A_993 = arith.index_cast %add3A_990 : i32 to index
      %get3A_994 = arith.constant 0 : index
      %get3A_995 = tpu.vector_load %arg16[%get3A_993, %get3A_994] {strides = array<i32>} : memref<1024x16xf32, #tpu.memory_space<vmem>>, vector<16xf32>,
      %mul3A_996 = vector.broadcast %squeeze3A_992 : f32 to vector<16xf32>
      %mul3A_997 = arith.mulf %mul3A_996, %get3A_995 : vector<16xf32>
      %slice3A_998 = vector.extract_strided_slice %get3A_725 {offsets = [7], sizes = [1], strides = [1]} : vector<16xf32> to vector<1xf32>
      %squeeze3A_999 = vector.extract %slice3A_998[0] : f32 from vector<1xf32>
      %get3A_1000 = arith.index_cast %add3A_990 : i32 to index
      %get3A_1001 = arith.constant 0 : index
      %get3A_1002 = tpu.vector_load %arg17[%get3A_1000, %get3A_1001] {strides = array<i32>} : memref<1024x16xf32, #tpu.memory_space<vmem>>, vector<16xf32>,
      %mul3A_1003 = vector.broadcast %squeeze3A_999 : f32 to vector<16xf32>
      %mul3A_1004 = arith.mulf %mul3A_1003, %get3A_1002 : vector<16xf32>
      %add3A_1005 = arith.addf %mul3A_997, %mul3A_1004 : vector<16xf32>
      %slice3A_1006 = vector.extract_strided_slice %get3A_727 {offsets = [7], sizes = [1], strides = [1]} : vector<16xf32> to vector<1xf32>
      %squeeze3A_1007 = vector.extract %slice3A_1006[0] : f32 from vector<1xf32>
      %get3A_1008 = arith.index_cast %add3A_990 : i32 to index
      %get3A_1009 = arith.constant 0 : index
      %get3A_1010 = tpu.vector_load %arg18[%get3A_1008, %get3A_1009] {strides = array<i32>} : memref<1024x16xf32, #tpu.memory_space<vmem>>, vector<16xf32>,
      %mul3A_1011 = vector.broadcast %squeeze3A_1007 : f32 to vector<16xf32>
      %mul3A_1012 = arith.mulf %mul3A_1011, %get3A_1010 : vector<16xf32>
      %slice3A_1013 = vector.extract_strided_slice %get3A_729 {offsets = [7], sizes = [1], strides = [1]} : vector<16xf32> to vector<1xf32>
      %squeeze3A_1014 = vector.extract %slice3A_1013[0] : f32 from vector<1xf32>
      %get3A_1015 = arith.index_cast %add3A_990 : i32 to index
      %get3A_1016 = arith.constant 0 : index
      %get3A_1017 = tpu.vector_load %arg19[%get3A_1015, %get3A_1016] {strides = array<i32>} : memref<1024x16xf32, #tpu.memory_space<vmem>>, vector<16xf32>,
      %mul3A_1018 = vector.broadcast %squeeze3A_1014 : f32 to vector<16xf32>
      %mul3A_1019 = arith.mulf %mul3A_1018, %get3A_1017 : vector<16xf32>
      %add3A_1020 = arith.addf %mul3A_1012, %mul3A_1019 : vector<16xf32>
      %add3A_1021 = arith.addf %add3A_1005, %add3A_1020 : vector<16xf32>
      %add3A_1022 = vector.broadcast %add3A_990 : i32 to vector<16xi32>
      %add3A_1023 = arith.addi %mul3A_5, %add3A_1022 : vector<16xi32>
      tpu.vector_store_idx %arg20[%add3A_1023], %add3A_1021 : memref<16512xf32, #tpu.memory_space<vmem>>[vector<16xi32>], vector<16xf32>,
      %mul3A_1024 = arith.constant 16 : i32
      %mul3A_1025 = arith.muli %scan3A_719, %mul3A_1024 : i32
      %add3A_1026 = arith.constant 8 : i32
      %add3A_1027 = arith.addi %mul3A_1025, %add3A_1026 : i32
      %slice3A_1028 = vector.extract_strided_slice %get3A_723 {offsets = [8], sizes = [1], strides = [1]} : vector<16xf32> to vector<1xf32>
      %squeeze3A_1029 = vector.extract %slice3A_1028[0] : f32 from vector<1xf32>
      %get3A_1030 = arith.index_cast %add3A_1027 : i32 to index
      %get3A_1031 = arith.constant 0 : index
      %get3A_1032 = tpu.vector_load %arg16[%get3A_1030, %get3A_1031] {strides = array<i32>} : memref<1024x16xf32, #tpu.memory_space<vmem>>, vector<16xf32>,
      %mul3A_1033 = vector.broadcast %squeeze3A_1029 : f32 to vector<16xf32>
      %mul3A_1034 = arith.mulf %mul3A_1033, %get3A_1032 : vector<16xf32>
      %slice3A_1035 = vector.extract_strided_slice %get3A_725 {offsets = [8], sizes = [1], strides = [1]} : vector<16xf32> to vector<1xf32>
      %squeeze3A_1036 = vector.extract %slice3A_1035[0] : f32 from vector<1xf32>
      %get3A_1037 = arith.index_cast %add3A_1027 : i32 to index
      %get3A_1038 = arith.constant 0 : index
      %get3A_1039 = tpu.vector_load %arg17[%get3A_1037, %get3A_1038] {strides = array<i32>} : memref<1024x16xf32, #tpu.memory_space<vmem>>, vector<16xf32>,
      %mul3A_1040 = vector.broadcast %squeeze3A_1036 : f32 to vector<16xf32>
      %mul3A_1041 = arith.mulf %mul3A_1040, %get3A_1039 : vector<16xf32>
      %add3A_1042 = arith.addf %mul3A_1034, %mul3A_1041 : vector<16xf32>
      %slice3A_1043 = vector.extract_strided_slice %get3A_727 {offsets = [8], sizes = [1], strides = [1]} : vector<16xf32> to vector<1xf32>
      %squeeze3A_1044 = vector.extract %slice3A_1043[0] : f32 from vector<1xf32>
      %get3A_1045 = arith.index_cast %add3A_1027 : i32 to index
      %get3A_1046 = arith.constant 0 : index
      %get3A_1047 = tpu.vector_load %arg18[%get3A_1045, %get3A_1046] {strides = array<i32>} : memref<1024x16xf32, #tpu.memory_space<vmem>>, vector<16xf32>,
      %mul3A_1048 = vector.broadcast %squeeze3A_1044 : f32 to vector<16xf32>
      %mul3A_1049 = arith.mulf %mul3A_1048, %get3A_1047 : vector<16xf32>
      %slice3A_1050 = vector.extract_strided_slice %get3A_729 {offsets = [8], sizes = [1], strides = [1]} : vector<16xf32> to vector<1xf32>
      %squeeze3A_1051 = vector.extract %slice3A_1050[0] : f32 from vector<1xf32>
      %get3A_1052 = arith.index_cast %add3A_1027 : i32 to index
      %get3A_1053 = arith.constant 0 : index
      %get3A_1054 = tpu.vector_load %arg19[%get3A_1052, %get3A_1053] {strides = array<i32>} : memref<1024x16xf32, #tpu.memory_space<vmem>>, vector<16xf32>,
      %mul3A_1055 = vector.broadcast %squeeze3A_1051 : f32 to vector<16xf32>
      %mul3A_1056 = arith.mulf %mul3A_1055, %get3A_1054 : vector<16xf32>
      %add3A_1057 = arith.addf %mul3A_1049, %mul3A_1056 : vector<16xf32>
      %add3A_1058 = arith.addf %add3A_1042, %add3A_1057 : vector<16xf32>
      %add3A_1059 = vector.broadcast %add3A_1027 : i32 to vector<16xi32>
      %add3A_1060 = arith.addi %mul3A_5, %add3A_1059 : vector<16xi32>
      tpu.vector_store_idx %arg20[%add3A_1060], %add3A_1058 : memref<16512xf32, #tpu.memory_space<vmem>>[vector<16xi32>], vector<16xf32>,
      %mul3A_1061 = arith.constant 16 : i32
      %mul3A_1062 = arith.muli %scan3A_719, %mul3A_1061 : i32
      %add3A_1063 = arith.constant 9 : i32
      %add3A_1064 = arith.addi %mul3A_1062, %add3A_1063 : i32
      %slice3A_1065 = vector.extract_strided_slice %get3A_723 {offsets = [9], sizes = [1], strides = [1]} : vector<16xf32> to vector<1xf32>
      %squeeze3A_1066 = vector.extract %slice3A_1065[0] : f32 from vector<1xf32>
      %get3A_1067 = arith.index_cast %add3A_1064 : i32 to index
      %get3A_1068 = arith.constant 0 : index
      %get3A_1069 = tpu.vector_load %arg16[%get3A_1067, %get3A_1068] {strides = array<i32>} : memref<1024x16xf32, #tpu.memory_space<vmem>>, vector<16xf32>,
      %mul3A_1070 = vector.broadcast %squeeze3A_1066 : f32 to vector<16xf32>
      %mul3A_1071 = arith.mulf %mul3A_1070, %get3A_1069 : vector<16xf32>
      %slice3A_1072 = vector.extract_strided_slice %get3A_725 {offsets = [9], sizes = [1], strides = [1]} : vector<16xf32> to vector<1xf32>
      %squeeze3A_1073 = vector.extract %slice3A_1072[0] : f32 from vector<1xf32>
      %get3A_1074 = arith.index_cast %add3A_1064 : i32 to index
      %get3A_1075 = arith.constant 0 : index
      %get3A_1076 = tpu.vector_load %arg17[%get3A_1074, %get3A_1075] {strides = array<i32>} : memref<1024x16xf32, #tpu.memory_space<vmem>>, vector<16xf32>,
      %mul3A_1077 = vector.broadcast %squeeze3A_1073 : f32 to vector<16xf32>
      %mul3A_1078 = arith.mulf %mul3A_1077, %get3A_1076 : vector<16xf32>
      %add3A_1079 = arith.addf %mul3A_1071, %mul3A_1078 : vector<16xf32>
      %slice3A_1080 = vector.extract_strided_slice %get3A_727 {offsets = [9], sizes = [1], strides = [1]} : vector<16xf32> to vector<1xf32>
      %squeeze3A_1081 = vector.extract %slice3A_1080[0] : f32 from vector<1xf32>
      %get3A_1082 = arith.index_cast %add3A_1064 : i32 to index
      %get3A_1083 = arith.constant 0 : index
      %get3A_1084 = tpu.vector_load %arg18[%get3A_1082, %get3A_1083] {strides = array<i32>} : memref<1024x16xf32, #tpu.memory_space<vmem>>, vector<16xf32>,
      %mul3A_1085 = vector.broadcast %squeeze3A_1081 : f32 to vector<16xf32>
      %mul3A_1086 = arith.mulf %mul3A_1085, %get3A_1084 : vector<16xf32>
      %slice3A_1087 = vector.extract_strided_slice %get3A_729 {offsets = [9], sizes = [1], strides = [1]} : vector<16xf32> to vector<1xf32>
      %squeeze3A_1088 = vector.extract %slice3A_1087[0] : f32 from vector<1xf32>
      %get3A_1089 = arith.index_cast %add3A_1064 : i32 to index
      %get3A_1090 = arith.constant 0 : index
      %get3A_1091 = tpu.vector_load %arg19[%get3A_1089, %get3A_1090] {strides = array<i32>} : memref<1024x16xf32, #tpu.memory_space<vmem>>, vector<16xf32>,
      %mul3A_1092 = vector.broadcast %squeeze3A_1088 : f32 to vector<16xf32>
      %mul3A_1093 = arith.mulf %mul3A_1092, %get3A_1091 : vector<16xf32>
      %add3A_1094 = arith.addf %mul3A_1086, %mul3A_1093 : vector<16xf32>
      %add3A_1095 = arith.addf %add3A_1079, %add3A_1094 : vector<16xf32>
      %add3A_1096 = vector.broadcast %add3A_1064 : i32 to vector<16xi32>
      %add3A_1097 = arith.addi %mul3A_5, %add3A_1096 : vector<16xi32>
      tpu.vector_store_idx %arg20[%add3A_1097], %add3A_1095 : memref<16512xf32, #tpu.memory_space<vmem>>[vector<16xi32>], vector<16xf32>,
      %mul3A_1098 = arith.constant 16 : i32
      %mul3A_1099 = arith.muli %scan3A_719, %mul3A_1098 : i32
      %add3A_1100 = arith.constant 10 : i32
      %add3A_1101 = arith.addi %mul3A_1099, %add3A_1100 : i32
      %slice3A_1102 = vector.extract_strided_slice %get3A_723 {offsets = [10], sizes = [1], strides = [1]} : vector<16xf32> to vector<1xf32>
      %squeeze3A_1103 = vector.extract %slice3A_1102[0] : f32 from vector<1xf32>
      %get3A_1104 = arith.index_cast %add3A_1101 : i32 to index
      %get3A_1105 = arith.constant 0 : index
      %get3A_1106 = tpu.vector_load %arg16[%get3A_1104, %get3A_1105] {strides = array<i32>} : memref<1024x16xf32, #tpu.memory_space<vmem>>, vector<16xf32>,
      %mul3A_1107 = vector.broadcast %squeeze3A_1103 : f32 to vector<16xf32>
      %mul3A_1108 = arith.mulf %mul3A_1107, %get3A_1106 : vector<16xf32>
      %slice3A_1109 = vector.extract_strided_slice %get3A_725 {offsets = [10], sizes = [1], strides = [1]} : vector<16xf32> to vector<1xf32>
      %squeeze3A_1110 = vector.extract %slice3A_1109[0] : f32 from vector<1xf32>
      %get3A_1111 = arith.index_cast %add3A_1101 : i32 to index
      %get3A_1112 = arith.constant 0 : index
      %get3A_1113 = tpu.vector_load %arg17[%get3A_1111, %get3A_1112] {strides = array<i32>} : memref<1024x16xf32, #tpu.memory_space<vmem>>, vector<16xf32>,
      %mul3A_1114 = vector.broadcast %squeeze3A_1110 : f32 to vector<16xf32>
      %mul3A_1115 = arith.mulf %mul3A_1114, %get3A_1113 : vector<16xf32>
      %add3A_1116 = arith.addf %mul3A_1108, %mul3A_1115 : vector<16xf32>
      %slice3A_1117 = vector.extract_strided_slice %get3A_727 {offsets = [10], sizes = [1], strides = [1]} : vector<16xf32> to vector<1xf32>
      %squeeze3A_1118 = vector.extract %slice3A_1117[0] : f32 from vector<1xf32>
      %get3A_1119 = arith.index_cast %add3A_1101 : i32 to index
      %get3A_1120 = arith.constant 0 : index
      %get3A_1121 = tpu.vector_load %arg18[%get3A_1119, %get3A_1120] {strides = array<i32>} : memref<1024x16xf32, #tpu.memory_space<vmem>>, vector<16xf32>,
      %mul3A_1122 = vector.broadcast %squeeze3A_1118 : f32 to vector<16xf32>
      %mul3A_1123 = arith.mulf %mul3A_1122, %get3A_1121 : vector<16xf32>
      %slice3A_1124 = vector.extract_strided_slice %get3A_729 {offsets = [10], sizes = [1], strides = [1]} : vector<16xf32> to vector<1xf32>
      %squeeze3A_1125 = vector.extract %slice3A_1124[0] : f32 from vector<1xf32>
      %get3A_1126 = arith.index_cast %add3A_1101 : i32 to index
      %get3A_1127 = arith.constant 0 : index
      %get3A_1128 = tpu.vector_load %arg19[%get3A_1126, %get3A_1127] {strides = array<i32>} : memref<1024x16xf32, #tpu.memory_space<vmem>>, vector<16xf32>,
      %mul3A_1129 = vector.broadcast %squeeze3A_1125 : f32 to vector<16xf32>
      %mul3A_1130 = arith.mulf %mul3A_1129, %get3A_1128 : vector<16xf32>
      %add3A_1131 = arith.addf %mul3A_1123, %mul3A_1130 : vector<16xf32>
      %add3A_1132 = arith.addf %add3A_1116, %add3A_1131 : vector<16xf32>
      %add3A_1133 = vector.broadcast %add3A_1101 : i32 to vector<16xi32>
      %add3A_1134 = arith.addi %mul3A_5, %add3A_1133 : vector<16xi32>
      tpu.vector_store_idx %arg20[%add3A_1134], %add3A_1132 : memref<16512xf32, #tpu.memory_space<vmem>>[vector<16xi32>], vector<16xf32>,
      %mul3A_1135 = arith.constant 16 : i32
      %mul3A_1136 = arith.muli %scan3A_719, %mul3A_1135 : i32
      %add3A_1137 = arith.constant 11 : i32
      %add3A_1138 = arith.addi %mul3A_1136, %add3A_1137 : i32
      %slice3A_1139 = vector.extract_strided_slice %get3A_723 {offsets = [11], sizes = [1], strides = [1]} : vector<16xf32> to vector<1xf32>
      %squeeze3A_1140 = vector.extract %slice3A_1139[0] : f32 from vector<1xf32>
      %get3A_1141 = arith.index_cast %add3A_1138 : i32 to index
      %get3A_1142 = arith.constant 0 : index
      %get3A_1143 = tpu.vector_load %arg16[%get3A_1141, %get3A_1142] {strides = array<i32>} : memref<1024x16xf32, #tpu.memory_space<vmem>>, vector<16xf32>,
      %mul3A_1144 = vector.broadcast %squeeze3A_1140 : f32 to vector<16xf32>
      %mul3A_1145 = arith.mulf %mul3A_1144, %get3A_1143 : vector<16xf32>
      %slice3A_1146 = vector.extract_strided_slice %get3A_725 {offsets = [11], sizes = [1], strides = [1]} : vector<16xf32> to vector<1xf32>
      %squeeze3A_1147 = vector.extract %slice3A_1146[0] : f32 from vector<1xf32>
      %get3A_1148 = arith.index_cast %add3A_1138 : i32 to index
      %get3A_1149 = arith.constant 0 : index
      %get3A_1150 = tpu.vector_load %arg17[%get3A_1148, %get3A_1149] {strides = array<i32>} : memref<1024x16xf32, #tpu.memory_space<vmem>>, vector<16xf32>,
      %mul3A_1151 = vector.broadcast %squeeze3A_1147 : f32 to vector<16xf32>
      %mul3A_1152 = arith.mulf %mul3A_1151, %get3A_1150 : vector<16xf32>
      %add3A_1153 = arith.addf %mul3A_1145, %mul3A_1152 : vector<16xf32>
      %slice3A_1154 = vector.extract_strided_slice %get3A_727 {offsets = [11], sizes = [1], strides = [1]} : vector<16xf32> to vector<1xf32>
      %squeeze3A_1155 = vector.extract %slice3A_1154[0] : f32 from vector<1xf32>
      %get3A_1156 = arith.index_cast %add3A_1138 : i32 to index
      %get3A_1157 = arith.constant 0 : index
      %get3A_1158 = tpu.vector_load %arg18[%get3A_1156, %get3A_1157] {strides = array<i32>} : memref<1024x16xf32, #tpu.memory_space<vmem>>, vector<16xf32>,
      %mul3A_1159 = vector.broadcast %squeeze3A_1155 : f32 to vector<16xf32>
      %mul3A_1160 = arith.mulf %mul3A_1159, %get3A_1158 : vector<16xf32>
      %slice3A_1161 = vector.extract_strided_slice %get3A_729 {offsets = [11], sizes = [1], strides = [1]} : vector<16xf32> to vector<1xf32>
      %squeeze3A_1162 = vector.extract %slice3A_1161[0] : f32 from vector<1xf32>
      %get3A_1163 = arith.index_cast %add3A_1138 : i32 to index
      %get3A_1164 = arith.constant 0 : index
      %get3A_1165 = tpu.vector_load %arg19[%get3A_1163, %get3A_1164] {strides = array<i32>} : memref<1024x16xf32, #tpu.memory_space<vmem>>, vector<16xf32>,
      %mul3A_1166 = vector.broadcast %squeeze3A_1162 : f32 to vector<16xf32>
      %mul3A_1167 = arith.mulf %mul3A_1166, %get3A_1165 : vector<16xf32>
      %add3A_1168 = arith.addf %mul3A_1160, %mul3A_1167 : vector<16xf32>
      %add3A_1169 = arith.addf %add3A_1153, %add3A_1168 : vector<16xf32>
      %add3A_1170 = vector.broadcast %add3A_1138 : i32 to vector<16xi32>
      %add3A_1171 = arith.addi %mul3A_5, %add3A_1170 : vector<16xi32>
      tpu.vector_store_idx %arg20[%add3A_1171], %add3A_1169 : memref<16512xf32, #tpu.memory_space<vmem>>[vector<16xi32>], vector<16xf32>,
      %mul3A_1172 = arith.constant 16 : i32
      %mul3A_1173 = arith.muli %scan3A_719, %mul3A_1172 : i32
      %add3A_1174 = arith.constant 12 : i32
      %add3A_1175 = arith.addi %mul3A_1173, %add3A_1174 : i32
      %slice3A_1176 = vector.extract_strided_slice %get3A_723 {offsets = [12], sizes = [1], strides = [1]} : vector<16xf32> to vector<1xf32>
      %squeeze3A_1177 = vector.extract %slice3A_1176[0] : f32 from vector<1xf32>
      %get3A_1178 = arith.index_cast %add3A_1175 : i32 to index
      %get3A_1179 = arith.constant 0 : index
      %get3A_1180 = tpu.vector_load %arg16[%get3A_1178, %get3A_1179] {strides = array<i32>} : memref<1024x16xf32, #tpu.memory_space<vmem>>, vector<16xf32>,
      %mul3A_1181 = vector.broadcast %squeeze3A_1177 : f32 to vector<16xf32>
      %mul3A_1182 = arith.mulf %mul3A_1181, %get3A_1180 : vector<16xf32>
      %slice3A_1183 = vector.extract_strided_slice %get3A_725 {offsets = [12], sizes = [1], strides = [1]} : vector<16xf32> to vector<1xf32>
      %squeeze3A_1184 = vector.extract %slice3A_1183[0] : f32 from vector<1xf32>
      %get3A_1185 = arith.index_cast %add3A_1175 : i32 to index
      %get3A_1186 = arith.constant 0 : index
      %get3A_1187 = tpu.vector_load %arg17[%get3A_1185, %get3A_1186] {strides = array<i32>} : memref<1024x16xf32, #tpu.memory_space<vmem>>, vector<16xf32>,
      %mul3A_1188 = vector.broadcast %squeeze3A_1184 : f32 to vector<16xf32>
      %mul3A_1189 = arith.mulf %mul3A_1188, %get3A_1187 : vector<16xf32>
      %add3A_1190 = arith.addf %mul3A_1182, %mul3A_1189 : vector<16xf32>
      %slice3A_1191 = vector.extract_strided_slice %get3A_727 {offsets = [12], sizes = [1], strides = [1]} : vector<16xf32> to vector<1xf32>
      %squeeze3A_1192 = vector.extract %slice3A_1191[0] : f32 from vector<1xf32>
      %get3A_1193 = arith.index_cast %add3A_1175 : i32 to index
      %get3A_1194 = arith.constant 0 : index
      %get3A_1195 = tpu.vector_load %arg18[%get3A_1193, %get3A_1194] {strides = array<i32>} : memref<1024x16xf32, #tpu.memory_space<vmem>>, vector<16xf32>,
      %mul3A_1196 = vector.broadcast %squeeze3A_1192 : f32 to vector<16xf32>
      %mul3A_1197 = arith.mulf %mul3A_1196, %get3A_1195 : vector<16xf32>
      %slice3A_1198 = vector.extract_strided_slice %get3A_729 {offsets = [12], sizes = [1], strides = [1]} : vector<16xf32> to vector<1xf32>
      %squeeze3A_1199 = vector.extract %slice3A_1198[0] : f32 from vector<1xf32>
      %get3A_1200 = arith.index_cast %add3A_1175 : i32 to index
      %get3A_1201 = arith.constant 0 : index
      %get3A_1202 = tpu.vector_load %arg19[%get3A_1200, %get3A_1201] {strides = array<i32>} : memref<1024x16xf32, #tpu.memory_space<vmem>>, vector<16xf32>,
      %mul3A_1203 = vector.broadcast %squeeze3A_1199 : f32 to vector<16xf32>
      %mul3A_1204 = arith.mulf %mul3A_1203, %get3A_1202 : vector<16xf32>
      %add3A_1205 = arith.addf %mul3A_1197, %mul3A_1204 : vector<16xf32>
      %add3A_1206 = arith.addf %add3A_1190, %add3A_1205 : vector<16xf32>
      %add3A_1207 = vector.broadcast %add3A_1175 : i32 to vector<16xi32>
      %add3A_1208 = arith.addi %mul3A_5, %add3A_1207 : vector<16xi32>
      tpu.vector_store_idx %arg20[%add3A_1208], %add3A_1206 : memref<16512xf32, #tpu.memory_space<vmem>>[vector<16xi32>], vector<16xf32>,
      %mul3A_1209 = arith.constant 16 : i32
      %mul3A_1210 = arith.muli %scan3A_719, %mul3A_1209 : i32
      %add3A_1211 = arith.constant 13 : i32
      %add3A_1212 = arith.addi %mul3A_1210, %add3A_1211 : i32
      %slice3A_1213 = vector.extract_strided_slice %get3A_723 {offsets = [13], sizes = [1], strides = [1]} : vector<16xf32> to vector<1xf32>
      %squeeze3A_1214 = vector.extract %slice3A_1213[0] : f32 from vector<1xf32>
      %get3A_1215 = arith.index_cast %add3A_1212 : i32 to index
      %get3A_1216 = arith.constant 0 : index
      %get3A_1217 = tpu.vector_load %arg16[%get3A_1215, %get3A_1216] {strides = array<i32>} : memref<1024x16xf32, #tpu.memory_space<vmem>>, vector<16xf32>,
      %mul3A_1218 = vector.broadcast %squeeze3A_1214 : f32 to vector<16xf32>
      %mul3A_1219 = arith.mulf %mul3A_1218, %get3A_1217 : vector<16xf32>
      %slice3A_1220 = vector.extract_strided_slice %get3A_725 {offsets = [13], sizes = [1], strides = [1]} : vector<16xf32> to vector<1xf32>
      %squeeze3A_1221 = vector.extract %slice3A_1220[0] : f32 from vector<1xf32>
      %get3A_1222 = arith.index_cast %add3A_1212 : i32 to index
      %get3A_1223 = arith.constant 0 : index
      %get3A_1224 = tpu.vector_load %arg17[%get3A_1222, %get3A_1223] {strides = array<i32>} : memref<1024x16xf32, #tpu.memory_space<vmem>>, vector<16xf32>,
      %mul3A_1225 = vector.broadcast %squeeze3A_1221 : f32 to vector<16xf32>
      %mul3A_1226 = arith.mulf %mul3A_1225, %get3A_1224 : vector<16xf32>
      %add3A_1227 = arith.addf %mul3A_1219, %mul3A_1226 : vector<16xf32>
      %slice3A_1228 = vector.extract_strided_slice %get3A_727 {offsets = [13], sizes = [1], strides = [1]} : vector<16xf32> to vector<1xf32>
      %squeeze3A_1229 = vector.extract %slice3A_1228[0] : f32 from vector<1xf32>
      %get3A_1230 = arith.index_cast %add3A_1212 : i32 to index
      %get3A_1231 = arith.constant 0 : index
      %get3A_1232 = tpu.vector_load %arg18[%get3A_1230, %get3A_1231] {strides = array<i32>} : memref<1024x16xf32, #tpu.memory_space<vmem>>, vector<16xf32>,
      %mul3A_1233 = vector.broadcast %squeeze3A_1229 : f32 to vector<16xf32>
      %mul3A_1234 = arith.mulf %mul3A_1233, %get3A_1232 : vector<16xf32>
      %slice3A_1235 = vector.extract_strided_slice %get3A_729 {offsets = [13], sizes = [1], strides = [1]} : vector<16xf32> to vector<1xf32>
      %squeeze3A_1236 = vector.extract %slice3A_1235[0] : f32 from vector<1xf32>
      %get3A_1237 = arith.index_cast %add3A_1212 : i32 to index
      %get3A_1238 = arith.constant 0 : index
      %get3A_1239 = tpu.vector_load %arg19[%get3A_1237, %get3A_1238] {strides = array<i32>} : memref<1024x16xf32, #tpu.memory_space<vmem>>, vector<16xf32>,
      %mul3A_1240 = vector.broadcast %squeeze3A_1236 : f32 to vector<16xf32>
      %mul3A_1241 = arith.mulf %mul3A_1240, %get3A_1239 : vector<16xf32>
      %add3A_1242 = arith.addf %mul3A_1234, %mul3A_1241 : vector<16xf32>
      %add3A_1243 = arith.addf %add3A_1227, %add3A_1242 : vector<16xf32>
      %add3A_1244 = vector.broadcast %add3A_1212 : i32 to vector<16xi32>
      %add3A_1245 = arith.addi %mul3A_5, %add3A_1244 : vector<16xi32>
      tpu.vector_store_idx %arg20[%add3A_1245], %add3A_1243 : memref<16512xf32, #tpu.memory_space<vmem>>[vector<16xi32>], vector<16xf32>,
      %mul3A_1246 = arith.constant 16 : i32
      %mul3A_1247 = arith.muli %scan3A_719, %mul3A_1246 : i32
      %add3A_1248 = arith.constant 14 : i32
      %add3A_1249 = arith.addi %mul3A_1247, %add3A_1248 : i32
      %slice3A_1250 = vector.extract_strided_slice %get3A_723 {offsets = [14], sizes = [1], strides = [1]} : vector<16xf32> to vector<1xf32>
      %squeeze3A_1251 = vector.extract %slice3A_1250[0] : f32 from vector<1xf32>
      %get3A_1252 = arith.index_cast %add3A_1249 : i32 to index
      %get3A_1253 = arith.constant 0 : index
      %get3A_1254 = tpu.vector_load %arg16[%get3A_1252, %get3A_1253] {strides = array<i32>} : memref<1024x16xf32, #tpu.memory_space<vmem>>, vector<16xf32>,
      %mul3A_1255 = vector.broadcast %squeeze3A_1251 : f32 to vector<16xf32>
      %mul3A_1256 = arith.mulf %mul3A_1255, %get3A_1254 : vector<16xf32>
      %slice3A_1257 = vector.extract_strided_slice %get3A_725 {offsets = [14], sizes = [1], strides = [1]} : vector<16xf32> to vector<1xf32>
      %squeeze3A_1258 = vector.extract %slice3A_1257[0] : f32 from vector<1xf32>
      %get3A_1259 = arith.index_cast %add3A_1249 : i32 to index
      %get3A_1260 = arith.constant 0 : index
      %get3A_1261 = tpu.vector_load %arg17[%get3A_1259, %get3A_1260] {strides = array<i32>} : memref<1024x16xf32, #tpu.memory_space<vmem>>, vector<16xf32>,
      %mul3A_1262 = vector.broadcast %squeeze3A_1258 : f32 to vector<16xf32>
      %mul3A_1263 = arith.mulf %mul3A_1262, %get3A_1261 : vector<16xf32>
      %add3A_1264 = arith.addf %mul3A_1256, %mul3A_1263 : vector<16xf32>
      %slice3A_1265 = vector.extract_strided_slice %get3A_727 {offsets = [14], sizes = [1], strides = [1]} : vector<16xf32> to vector<1xf32>
      %squeeze3A_1266 = vector.extract %slice3A_1265[0] : f32 from vector<1xf32>
      %get3A_1267 = arith.index_cast %add3A_1249 : i32 to index
      %get3A_1268 = arith.constant 0 : index
      %get3A_1269 = tpu.vector_load %arg18[%get3A_1267, %get3A_1268] {strides = array<i32>} : memref<1024x16xf32, #tpu.memory_space<vmem>>, vector<16xf32>,
      %mul3A_1270 = vector.broadcast %squeeze3A_1266 : f32 to vector<16xf32>
      %mul3A_1271 = arith.mulf %mul3A_1270, %get3A_1269 : vector<16xf32>
      %slice3A_1272 = vector.extract_strided_slice %get3A_729 {offsets = [14], sizes = [1], strides = [1]} : vector<16xf32> to vector<1xf32>
      %squeeze3A_1273 = vector.extract %slice3A_1272[0] : f32 from vector<1xf32>
      %get3A_1274 = arith.index_cast %add3A_1249 : i32 to index
      %get3A_1275 = arith.constant 0 : index
      %get3A_1276 = tpu.vector_load %arg19[%get3A_1274, %get3A_1275] {strides = array<i32>} : memref<1024x16xf32, #tpu.memory_space<vmem>>, vector<16xf32>,
      %mul3A_1277 = vector.broadcast %squeeze3A_1273 : f32 to vector<16xf32>
      %mul3A_1278 = arith.mulf %mul3A_1277, %get3A_1276 : vector<16xf32>
      %add3A_1279 = arith.addf %mul3A_1271, %mul3A_1278 : vector<16xf32>
      %add3A_1280 = arith.addf %add3A_1264, %add3A_1279 : vector<16xf32>
      %add3A_1281 = vector.broadcast %add3A_1249 : i32 to vector<16xi32>
      %add3A_1282 = arith.addi %mul3A_5, %add3A_1281 : vector<16xi32>
      tpu.vector_store_idx %arg20[%add3A_1282], %add3A_1280 : memref<16512xf32, #tpu.memory_space<vmem>>[vector<16xi32>], vector<16xf32>,
      %mul3A_1283 = arith.constant 16 : i32
      %mul3A_1284 = arith.muli %scan3A_719, %mul3A_1283 : i32
      %add3A_1285 = arith.constant 15 : i32
      %add3A_1286 = arith.addi %mul3A_1284, %add3A_1285 : i32
      %slice3A_1287 = vector.extract_strided_slice %get3A_723 {offsets = [15], sizes = [1], strides = [1]} : vector<16xf32> to vector<1xf32>
      %squeeze3A_1288 = vector.extract %slice3A_1287[0] : f32 from vector<1xf32>
      %get3A_1289 = arith.index_cast %add3A_1286 : i32 to index
      %get3A_1290 = arith.constant 0 : index
      %get3A_1291 = tpu.vector_load %arg16[%get3A_1289, %get3A_1290] {strides = array<i32>} : memref<1024x16xf32, #tpu.memory_space<vmem>>, vector<16xf32>,
      %mul3A_1292 = vector.broadcast %squeeze3A_1288 : f32 to vector<16xf32>
      %mul3A_1293 = arith.mulf %mul3A_1292, %get3A_1291 : vector<16xf32>
      %slice3A_1294 = vector.extract_strided_slice %get3A_725 {offsets = [15], sizes = [1], strides = [1]} : vector<16xf32> to vector<1xf32>
      %squeeze3A_1295 = vector.extract %slice3A_1294[0] : f32 from vector<1xf32>
      %get3A_1296 = arith.index_cast %add3A_1286 : i32 to index
      %get3A_1297 = arith.constant 0 : index
      %get3A_1298 = tpu.vector_load %arg17[%get3A_1296, %get3A_1297] {strides = array<i32>} : memref<1024x16xf32, #tpu.memory_space<vmem>>, vector<16xf32>,
      %mul3A_1299 = vector.broadcast %squeeze3A_1295 : f32 to vector<16xf32>
      %mul3A_1300 = arith.mulf %mul3A_1299, %get3A_1298 : vector<16xf32>
      %add3A_1301 = arith.addf %mul3A_1293, %mul3A_1300 : vector<16xf32>
      %slice3A_1302 = vector.extract_strided_slice %get3A_727 {offsets = [15], sizes = [1], strides = [1]} : vector<16xf32> to vector<1xf32>
      %squeeze3A_1303 = vector.extract %slice3A_1302[0] : f32 from vector<1xf32>
      %get3A_1304 = arith.index_cast %add3A_1286 : i32 to index
      %get3A_1305 = arith.constant 0 : index
      %get3A_1306 = tpu.vector_load %arg18[%get3A_1304, %get3A_1305] {strides = array<i32>} : memref<1024x16xf32, #tpu.memory_space<vmem>>, vector<16xf32>,
      %mul3A_1307 = vector.broadcast %squeeze3A_1303 : f32 to vector<16xf32>
      %mul3A_1308 = arith.mulf %mul3A_1307, %get3A_1306 : vector<16xf32>
      %slice3A_1309 = vector.extract_strided_slice %get3A_729 {offsets = [15], sizes = [1], strides = [1]} : vector<16xf32> to vector<1xf32>
      %squeeze3A_1310 = vector.extract %slice3A_1309[0] : f32 from vector<1xf32>
      %get3A_1311 = arith.index_cast %add3A_1286 : i32 to index
      %get3A_1312 = arith.constant 0 : index
      %get3A_1313 = tpu.vector_load %arg19[%get3A_1311, %get3A_1312] {strides = array<i32>} : memref<1024x16xf32, #tpu.memory_space<vmem>>, vector<16xf32>,
      %mul3A_1314 = vector.broadcast %squeeze3A_1310 : f32 to vector<16xf32>
      %mul3A_1315 = arith.mulf %mul3A_1314, %get3A_1313 : vector<16xf32>
      %add3A_1316 = arith.addf %mul3A_1308, %mul3A_1315 : vector<16xf32>
      %add3A_1317 = arith.addf %add3A_1301, %add3A_1316 : vector<16xf32>
      %add3A_1318 = vector.broadcast %add3A_1286 : i32 to vector<16xi32>
      %add3A_1319 = arith.addi %mul3A_5, %add3A_1318 : vector<16xi32>
      tpu.vector_store_idx %arg20[%add3A_1319], %add3A_1317 : memref<16512xf32, #tpu.memory_space<vmem>>[vector<16xi32>], vector<16xf32>,
      %scan3A_1320 = arith.constant 0 : i32
      scf.yield %scan3A_1320 : i32
    }
    %scan3A_40 = arith.constant 64 : i32
    %add3A_41 = arith.constant 0 : i32
    %add3A_42 = arith.addi %mul3A_2, %add3A_41 : i32
    %dma_start3A_43 = arith.constant 0 : i32
    %dma_start3A_44 = arith.constant 0 : i32
    %dma_start3A_45 = tpu.memref_slice %arg20[%dma_start3A_44] : memref<16512xf32, #tpu.memory_space<vmem>> -> memref<1024xf32, #tpu.memory_space<vmem>>
    %dma_start3A_46 = tpu.memref_slice %arg5[%dma_start3A_43, %add3A_42] : memref<16x65536xf32, #tpu.memory_space<hbm>> -> memref<1x1024xf32, #tpu.memory_space<hbm>>
    %dma_start3A_47 = tpu.memref_squeeze %dma_start3A_46 : memref<1x1024xf32, #tpu.memory_space<hbm>> -> memref<1024xf32, #tpu.memory_space<hbm>>
    %dma_start3A_48 = tpu.memref_slice %arg5[%dma_start3A_43, %add3A_42] : memref<16x65536xf32, #tpu.memory_space<hbm>> -> memref<1x1024xf32, #tpu.memory_space<hbm>>
    %dma_start3A_49 = tpu.memref_squeeze %dma_start3A_48 : memref<1x1024xf32, #tpu.memory_space<hbm>> -> memref<1024xf32, #tpu.memory_space<hbm>>
    %dma_start3A_50 = arith.constant 0 : i32
    %dma_start3A_51 = tpu.memref_slice %arg20[%dma_start3A_50] : memref<16512xf32, #tpu.memory_space<vmem>> -> memref<1024xf32, #tpu.memory_space<vmem>>
    tpu.enqueue_dma source(%dma_start3A_51 : memref<1024xf32, #tpu.memory_space<vmem>>) target(%dma_start3A_49 : memref<1024xf32, #tpu.memory_space<hbm>>) target_semaphore(%arg22 : memref<!tpu.dma_semaphore, #tpu.memory_space<semaphore_mem>>)
    %add3A_52 = arith.constant 0 : i32
    %add3A_53 = arith.addi %mul3A_2, %add3A_52 : i32
    %dma_start3A_54 = arith.constant 1 : i32
    %dma_start3A_55 = arith.constant 1032 : i32
    %dma_start3A_56 = tpu.memref_slice %arg20[%dma_start3A_55] : memref<16512xf32, #tpu.memory_space<vmem>> -> memref<1024xf32, #tpu.memory_space<vmem>>
    %dma_start3A_57 = tpu.memref_slice %arg5[%dma_start3A_54, %add3A_53] : memref<16x65536xf32, #tpu.memory_space<hbm>> -> memref<1x1024xf32, #tpu.memory_space<hbm>>
    %dma_start3A_58 = tpu.memref_squeeze %dma_start3A_57 : memref<1x1024xf32, #tpu.memory_space<hbm>> -> memref<1024xf32, #tpu.memory_space<hbm>>
    %dma_start3A_59 = tpu.memref_slice %arg5[%dma_start3A_54, %add3A_53] : memref<16x65536xf32, #tpu.memory_space<hbm>> -> memref<1x1024xf32, #tpu.memory_space<hbm>>
    %dma_start3A_60 = tpu.memref_squeeze %dma_start3A_59 : memref<1x1024xf32, #tpu.memory_space<hbm>> -> memref<1024xf32, #tpu.memory_space<hbm>>
    %dma_start3A_61 = arith.constant 1032 : i32
    %dma_start3A_62 = tpu.memref_slice %arg20[%dma_start3A_61] : memref<16512xf32, #tpu.memory_space<vmem>> -> memref<1024xf32, #tpu.memory_space<vmem>>
    tpu.enqueue_dma source(%dma_start3A_62 : memref<1024xf32, #tpu.memory_space<vmem>>) target(%dma_start3A_60 : memref<1024xf32, #tpu.memory_space<hbm>>) target_semaphore(%arg22 : memref<!tpu.dma_semaphore, #tpu.memory_space<semaphore_mem>>)
    %add3A_63 = arith.constant 0 : i32
    %add3A_64 = arith.addi %mul3A_2, %add3A_63 : i32
    %dma_start3A_65 = arith.constant 2 : i32
    %dma_start3A_66 = arith.constant 2064 : i32
    %dma_start3A_67 = tpu.memref_slice %arg20[%dma_start3A_66] : memref<16512xf32, #tpu.memory_space<vmem>> -> memref<1024xf32, #tpu.memory_space<vmem>>
    %dma_start3A_68 = tpu.memref_slice %arg5[%dma_start3A_65, %add3A_64] : memref<16x65536xf32, #tpu.memory_space<hbm>> -> memref<1x1024xf32, #tpu.memory_space<hbm>>
    %dma_start3A_69 = tpu.memref_squeeze %dma_start3A_68 : memref<1x1024xf32, #tpu.memory_space<hbm>> -> memref<1024xf32, #tpu.memory_space<hbm>>
    %dma_start3A_70 = tpu.memref_slice %arg5[%dma_start3A_65, %add3A_64] : memref<16x65536xf32, #tpu.memory_space<hbm>> -> memref<1x1024xf32, #tpu.memory_space<hbm>>
    %dma_start3A_71 = tpu.memref_squeeze %dma_start3A_70 : memref<1x1024xf32, #tpu.memory_space<hbm>> -> memref<1024xf32, #tpu.memory_space<hbm>>
    %dma_start3A_72 = arith.constant 2064 : i32
    %dma_start3A_73 = tpu.memref_slice %arg20[%dma_start3A_72] : memref<16512xf32, #tpu.memory_space<vmem>> -> memref<1024xf32, #tpu.memory_space<vmem>>
    tpu.enqueue_dma source(%dma_start3A_73 : memref<1024xf32, #tpu.memory_space<vmem>>) target(%dma_start3A_71 : memref<1024xf32, #tpu.memory_space<hbm>>) target_semaphore(%arg22 : memref<!tpu.dma_semaphore, #tpu.memory_space<semaphore_mem>>)
    %add3A_74 = arith.constant 0 : i32
    %add3A_75 = arith.addi %mul3A_2, %add3A_74 : i32
    %dma_start3A_76 = arith.constant 3 : i32
    %dma_start3A_77 = arith.constant 3096 : i32
    %dma_start3A_78 = tpu.memref_slice %arg20[%dma_start3A_77] : memref<16512xf32, #tpu.memory_space<vmem>> -> memref<1024xf32, #tpu.memory_space<vmem>>
    %dma_start3A_79 = tpu.memref_slice %arg5[%dma_start3A_76, %add3A_75] : memref<16x65536xf32, #tpu.memory_space<hbm>> -> memref<1x1024xf32, #tpu.memory_space<hbm>>
    %dma_start3A_80 = tpu.memref_squeeze %dma_start3A_79 : memref<1x1024xf32, #tpu.memory_space<hbm>> -> memref<1024xf32, #tpu.memory_space<hbm>>
    %dma_start3A_81 = tpu.memref_slice %arg5[%dma_start3A_76, %add3A_75] : memref<16x65536xf32, #tpu.memory_space<hbm>> -> memref<1x1024xf32, #tpu.memory_space<hbm>>
    %dma_start3A_82 = tpu.memref_squeeze %dma_start3A_81 : memref<1x1024xf32, #tpu.memory_space<hbm>> -> memref<1024xf32, #tpu.memory_space<hbm>>
    %dma_start3A_83 = arith.constant 3096 : i32
    %dma_start3A_84 = tpu.memref_slice %arg20[%dma_start3A_83] : memref<16512xf32, #tpu.memory_space<vmem>> -> memref<1024xf32, #tpu.memory_space<vmem>>
    tpu.enqueue_dma source(%dma_start3A_84 : memref<1024xf32, #tpu.memory_space<vmem>>) target(%dma_start3A_82 : memref<1024xf32, #tpu.memory_space<hbm>>) target_semaphore(%arg22 : memref<!tpu.dma_semaphore, #tpu.memory_space<semaphore_mem>>)
    %add3A_85 = arith.constant 0 : i32
    %add3A_86 = arith.addi %mul3A_2, %add3A_85 : i32
    %dma_start3A_87 = arith.constant 4 : i32
    %dma_start3A_88 = arith.constant 4128 : i32
    %dma_start3A_89 = tpu.memref_slice %arg20[%dma_start3A_88] : memref<16512xf32, #tpu.memory_space<vmem>> -> memref<1024xf32, #tpu.memory_space<vmem>>
    %dma_start3A_90 = tpu.memref_slice %arg5[%dma_start3A_87, %add3A_86] : memref<16x65536xf32, #tpu.memory_space<hbm>> -> memref<1x1024xf32, #tpu.memory_space<hbm>>
    %dma_start3A_91 = tpu.memref_squeeze %dma_start3A_90 : memref<1x1024xf32, #tpu.memory_space<hbm>> -> memref<1024xf32, #tpu.memory_space<hbm>>
    %dma_start3A_92 = tpu.memref_slice %arg5[%dma_start3A_87, %add3A_86] : memref<16x65536xf32, #tpu.memory_space<hbm>> -> memref<1x1024xf32, #tpu.memory_space<hbm>>
    %dma_start3A_93 = tpu.memref_squeeze %dma_start3A_92 : memref<1x1024xf32, #tpu.memory_space<hbm>> -> memref<1024xf32, #tpu.memory_space<hbm>>
    %dma_start3A_94 = arith.constant 4128 : i32
    %dma_start3A_95 = tpu.memref_slice %arg20[%dma_start3A_94] : memref<16512xf32, #tpu.memory_space<vmem>> -> memref<1024xf32, #tpu.memory_space<vmem>>
    tpu.enqueue_dma source(%dma_start3A_95 : memref<1024xf32, #tpu.memory_space<vmem>>) target(%dma_start3A_93 : memref<1024xf32, #tpu.memory_space<hbm>>) target_semaphore(%arg22 : memref<!tpu.dma_semaphore, #tpu.memory_space<semaphore_mem>>)
    %add3A_96 = arith.constant 0 : i32
    %add3A_97 = arith.addi %mul3A_2, %add3A_96 : i32
    %dma_start3A_98 = arith.constant 5 : i32
    %dma_start3A_99 = arith.constant 5160 : i32
    %dma_start3A_100 = tpu.memref_slice %arg20[%dma_start3A_99] : memref<16512xf32, #tpu.memory_space<vmem>> -> memref<1024xf32, #tpu.memory_space<vmem>>
    %dma_start3A_101 = tpu.memref_slice %arg5[%dma_start3A_98, %add3A_97] : memref<16x65536xf32, #tpu.memory_space<hbm>> -> memref<1x1024xf32, #tpu.memory_space<hbm>>
    %dma_start3A_102 = tpu.memref_squeeze %dma_start3A_101 : memref<1x1024xf32, #tpu.memory_space<hbm>> -> memref<1024xf32, #tpu.memory_space<hbm>>
    %dma_start3A_103 = tpu.memref_slice %arg5[%dma_start3A_98, %add3A_97] : memref<16x65536xf32, #tpu.memory_space<hbm>> -> memref<1x1024xf32, #tpu.memory_space<hbm>>
    %dma_start3A_104 = tpu.memref_squeeze %dma_start3A_103 : memref<1x1024xf32, #tpu.memory_space<hbm>> -> memref<1024xf32, #tpu.memory_space<hbm>>
    %dma_start3A_105 = arith.constant 5160 : i32
    %dma_start3A_106 = tpu.memref_slice %arg20[%dma_start3A_105] : memref<16512xf32, #tpu.memory_space<vmem>> -> memref<1024xf32, #tpu.memory_space<vmem>>
    tpu.enqueue_dma source(%dma_start3A_106 : memref<1024xf32, #tpu.memory_space<vmem>>) target(%dma_start3A_104 : memref<1024xf32, #tpu.memory_space<hbm>>) target_semaphore(%arg22 : memref<!tpu.dma_semaphore, #tpu.memory_space<semaphore_mem>>)
    %add3A_107 = arith.constant 0 : i32
    %add3A_108 = arith.addi %mul3A_2, %add3A_107 : i32
    %dma_start3A_109 = arith.constant 6 : i32
    %dma_start3A_110 = arith.constant 6192 : i32
    %dma_start3A_111 = tpu.memref_slice %arg20[%dma_start3A_110] : memref<16512xf32, #tpu.memory_space<vmem>> -> memref<1024xf32, #tpu.memory_space<vmem>>
    %dma_start3A_112 = tpu.memref_slice %arg5[%dma_start3A_109, %add3A_108] : memref<16x65536xf32, #tpu.memory_space<hbm>> -> memref<1x1024xf32, #tpu.memory_space<hbm>>
    %dma_start3A_113 = tpu.memref_squeeze %dma_start3A_112 : memref<1x1024xf32, #tpu.memory_space<hbm>> -> memref<1024xf32, #tpu.memory_space<hbm>>
    %dma_start3A_114 = tpu.memref_slice %arg5[%dma_start3A_109, %add3A_108] : memref<16x65536xf32, #tpu.memory_space<hbm>> -> memref<1x1024xf32, #tpu.memory_space<hbm>>
    %dma_start3A_115 = tpu.memref_squeeze %dma_start3A_114 : memref<1x1024xf32, #tpu.memory_space<hbm>> -> memref<1024xf32, #tpu.memory_space<hbm>>
    %dma_start3A_116 = arith.constant 6192 : i32
    %dma_start3A_117 = tpu.memref_slice %arg20[%dma_start3A_116] : memref<16512xf32, #tpu.memory_space<vmem>> -> memref<1024xf32, #tpu.memory_space<vmem>>
    tpu.enqueue_dma source(%dma_start3A_117 : memref<1024xf32, #tpu.memory_space<vmem>>) target(%dma_start3A_115 : memref<1024xf32, #tpu.memory_space<hbm>>) target_semaphore(%arg22 : memref<!tpu.dma_semaphore, #tpu.memory_space<semaphore_mem>>)
    %add3A_118 = arith.constant 0 : i32
    %add3A_119 = arith.addi %mul3A_2, %add3A_118 : i32
    %dma_start3A_120 = arith.constant 7 : i32
    %dma_start3A_121 = arith.constant 7224 : i32
    %dma_start3A_122 = tpu.memref_slice %arg20[%dma_start3A_121] : memref<16512xf32, #tpu.memory_space<vmem>> -> memref<1024xf32, #tpu.memory_space<vmem>>
    %dma_start3A_123 = tpu.memref_slice %arg5[%dma_start3A_120, %add3A_119] : memref<16x65536xf32, #tpu.memory_space<hbm>> -> memref<1x1024xf32, #tpu.memory_space<hbm>>
    %dma_start3A_124 = tpu.memref_squeeze %dma_start3A_123 : memref<1x1024xf32, #tpu.memory_space<hbm>> -> memref<1024xf32, #tpu.memory_space<hbm>>
    %dma_start3A_125 = tpu.memref_slice %arg5[%dma_start3A_120, %add3A_119] : memref<16x65536xf32, #tpu.memory_space<hbm>> -> memref<1x1024xf32, #tpu.memory_space<hbm>>
    %dma_start3A_126 = tpu.memref_squeeze %dma_start3A_125 : memref<1x1024xf32, #tpu.memory_space<hbm>> -> memref<1024xf32, #tpu.memory_space<hbm>>
    %dma_start3A_127 = arith.constant 7224 : i32
    %dma_start3A_128 = tpu.memref_slice %arg20[%dma_start3A_127] : memref<16512xf32, #tpu.memory_space<vmem>> -> memref<1024xf32, #tpu.memory_space<vmem>>
    tpu.enqueue_dma source(%dma_start3A_128 : memref<1024xf32, #tpu.memory_space<vmem>>) target(%dma_start3A_126 : memref<1024xf32, #tpu.memory_space<hbm>>) target_semaphore(%arg22 : memref<!tpu.dma_semaphore, #tpu.memory_space<semaphore_mem>>)
    %add3A_129 = arith.constant 0 : i32
    %add3A_130 = arith.addi %mul3A_2, %add3A_129 : i32
    %dma_start3A_131 = arith.constant 8 : i32
    %dma_start3A_132 = arith.constant 8256 : i32
    %dma_start3A_133 = tpu.memref_slice %arg20[%dma_start3A_132] : memref<16512xf32, #tpu.memory_space<vmem>> -> memref<1024xf32, #tpu.memory_space<vmem>>
    %dma_start3A_134 = tpu.memref_slice %arg5[%dma_start3A_131, %add3A_130] : memref<16x65536xf32, #tpu.memory_space<hbm>> -> memref<1x1024xf32, #tpu.memory_space<hbm>>
    %dma_start3A_135 = tpu.memref_squeeze %dma_start3A_134 : memref<1x1024xf32, #tpu.memory_space<hbm>> -> memref<1024xf32, #tpu.memory_space<hbm>>
    %dma_start3A_136 = tpu.memref_slice %arg5[%dma_start3A_131, %add3A_130] : memref<16x65536xf32, #tpu.memory_space<hbm>> -> memref<1x1024xf32, #tpu.memory_space<hbm>>
    %dma_start3A_137 = tpu.memref_squeeze %dma_start3A_136 : memref<1x1024xf32, #tpu.memory_space<hbm>> -> memref<1024xf32, #tpu.memory_space<hbm>>
    %dma_start3A_138 = arith.constant 8256 : i32
    %dma_start3A_139 = tpu.memref_slice %arg20[%dma_start3A_138] : memref<16512xf32, #tpu.memory_space<vmem>> -> memref<1024xf32, #tpu.memory_space<vmem>>
    tpu.enqueue_dma source(%dma_start3A_139 : memref<1024xf32, #tpu.memory_space<vmem>>) target(%dma_start3A_137 : memref<1024xf32, #tpu.memory_space<hbm>>) target_semaphore(%arg22 : memref<!tpu.dma_semaphore, #tpu.memory_space<semaphore_mem>>)
    %add3A_140 = arith.constant 0 : i32
    %add3A_141 = arith.addi %mul3A_2, %add3A_140 : i32
    %dma_start3A_142 = arith.constant 9 : i32
    %dma_start3A_143 = arith.constant 9288 : i32
    %dma_start3A_144 = tpu.memref_slice %arg20[%dma_start3A_143] : memref<16512xf32, #tpu.memory_space<vmem>> -> memref<1024xf32, #tpu.memory_space<vmem>>
    %dma_start3A_145 = tpu.memref_slice %arg5[%dma_start3A_142, %add3A_141] : memref<16x65536xf32, #tpu.memory_space<hbm>> -> memref<1x1024xf32, #tpu.memory_space<hbm>>
    %dma_start3A_146 = tpu.memref_squeeze %dma_start3A_145 : memref<1x1024xf32, #tpu.memory_space<hbm>> -> memref<1024xf32, #tpu.memory_space<hbm>>
    %dma_start3A_147 = tpu.memref_slice %arg5[%dma_start3A_142, %add3A_141] : memref<16x65536xf32, #tpu.memory_space<hbm>> -> memref<1x1024xf32, #tpu.memory_space<hbm>>
    %dma_start3A_148 = tpu.memref_squeeze %dma_start3A_147 : memref<1x1024xf32, #tpu.memory_space<hbm>> -> memref<1024xf32, #tpu.memory_space<hbm>>
    %dma_start3A_149 = arith.constant 9288 : i32
    %dma_start3A_150 = tpu.memref_slice %arg20[%dma_start3A_149] : memref<16512xf32, #tpu.memory_space<vmem>> -> memref<1024xf32, #tpu.memory_space<vmem>>
    tpu.enqueue_dma source(%dma_start3A_150 : memref<1024xf32, #tpu.memory_space<vmem>>) target(%dma_start3A_148 : memref<1024xf32, #tpu.memory_space<hbm>>) target_semaphore(%arg22 : memref<!tpu.dma_semaphore, #tpu.memory_space<semaphore_mem>>)
    %add3A_151 = arith.constant 0 : i32
    %add3A_152 = arith.addi %mul3A_2, %add3A_151 : i32
    %dma_start3A_153 = arith.constant 10 : i32
    %dma_start3A_154 = arith.constant 10320 : i32
    %dma_start3A_155 = tpu.memref_slice %arg20[%dma_start3A_154] : memref<16512xf32, #tpu.memory_space<vmem>> -> memref<1024xf32, #tpu.memory_space<vmem>>
    %dma_start3A_156 = tpu.memref_slice %arg5[%dma_start3A_153, %add3A_152] : memref<16x65536xf32, #tpu.memory_space<hbm>> -> memref<1x1024xf32, #tpu.memory_space<hbm>>
    %dma_start3A_157 = tpu.memref_squeeze %dma_start3A_156 : memref<1x1024xf32, #tpu.memory_space<hbm>> -> memref<1024xf32, #tpu.memory_space<hbm>>
    %dma_start3A_158 = tpu.memref_slice %arg5[%dma_start3A_153, %add3A_152] : memref<16x65536xf32, #tpu.memory_space<hbm>> -> memref<1x1024xf32, #tpu.memory_space<hbm>>
    %dma_start3A_159 = tpu.memref_squeeze %dma_start3A_158 : memref<1x1024xf32, #tpu.memory_space<hbm>> -> memref<1024xf32, #tpu.memory_space<hbm>>
    %dma_start3A_160 = arith.constant 10320 : i32
    %dma_start3A_161 = tpu.memref_slice %arg20[%dma_start3A_160] : memref<16512xf32, #tpu.memory_space<vmem>> -> memref<1024xf32, #tpu.memory_space<vmem>>
    tpu.enqueue_dma source(%dma_start3A_161 : memref<1024xf32, #tpu.memory_space<vmem>>) target(%dma_start3A_159 : memref<1024xf32, #tpu.memory_space<hbm>>) target_semaphore(%arg22 : memref<!tpu.dma_semaphore, #tpu.memory_space<semaphore_mem>>)
    %add3A_162 = arith.constant 0 : i32
    %add3A_163 = arith.addi %mul3A_2, %add3A_162 : i32
    %dma_start3A_164 = arith.constant 11 : i32
    %dma_start3A_165 = arith.constant 11352 : i32
    %dma_start3A_166 = tpu.memref_slice %arg20[%dma_start3A_165] : memref<16512xf32, #tpu.memory_space<vmem>> -> memref<1024xf32, #tpu.memory_space<vmem>>
    %dma_start3A_167 = tpu.memref_slice %arg5[%dma_start3A_164, %add3A_163] : memref<16x65536xf32, #tpu.memory_space<hbm>> -> memref<1x1024xf32, #tpu.memory_space<hbm>>
    %dma_start3A_168 = tpu.memref_squeeze %dma_start3A_167 : memref<1x1024xf32, #tpu.memory_space<hbm>> -> memref<1024xf32, #tpu.memory_space<hbm>>
    %dma_start3A_169 = tpu.memref_slice %arg5[%dma_start3A_164, %add3A_163] : memref<16x65536xf32, #tpu.memory_space<hbm>> -> memref<1x1024xf32, #tpu.memory_space<hbm>>
    %dma_start3A_170 = tpu.memref_squeeze %dma_start3A_169 : memref<1x1024xf32, #tpu.memory_space<hbm>> -> memref<1024xf32, #tpu.memory_space<hbm>>
    %dma_start3A_171 = arith.constant 11352 : i32
    %dma_start3A_172 = tpu.memref_slice %arg20[%dma_start3A_171] : memref<16512xf32, #tpu.memory_space<vmem>> -> memref<1024xf32, #tpu.memory_space<vmem>>
    tpu.enqueue_dma source(%dma_start3A_172 : memref<1024xf32, #tpu.memory_space<vmem>>) target(%dma_start3A_170 : memref<1024xf32, #tpu.memory_space<hbm>>) target_semaphore(%arg22 : memref<!tpu.dma_semaphore, #tpu.memory_space<semaphore_mem>>)
    %add3A_173 = arith.constant 0 : i32
    %add3A_174 = arith.addi %mul3A_2, %add3A_173 : i32
    %dma_start3A_175 = arith.constant 12 : i32
    %dma_start3A_176 = arith.constant 12384 : i32
    %dma_start3A_177 = tpu.memref_slice %arg20[%dma_start3A_176] : memref<16512xf32, #tpu.memory_space<vmem>> -> memref<1024xf32, #tpu.memory_space<vmem>>
    %dma_start3A_178 = tpu.memref_slice %arg5[%dma_start3A_175, %add3A_174] : memref<16x65536xf32, #tpu.memory_space<hbm>> -> memref<1x1024xf32, #tpu.memory_space<hbm>>
    %dma_start3A_179 = tpu.memref_squeeze %dma_start3A_178 : memref<1x1024xf32, #tpu.memory_space<hbm>> -> memref<1024xf32, #tpu.memory_space<hbm>>
    %dma_start3A_180 = tpu.memref_slice %arg5[%dma_start3A_175, %add3A_174] : memref<16x65536xf32, #tpu.memory_space<hbm>> -> memref<1x1024xf32, #tpu.memory_space<hbm>>
    %dma_start3A_181 = tpu.memref_squeeze %dma_start3A_180 : memref<1x1024xf32, #tpu.memory_space<hbm>> -> memref<1024xf32, #tpu.memory_space<hbm>>
    %dma_start3A_182 = arith.constant 12384 : i32
    %dma_start3A_183 = tpu.memref_slice %arg20[%dma_start3A_182] : memref<16512xf32, #tpu.memory_space<vmem>> -> memref<1024xf32, #tpu.memory_space<vmem>>
    tpu.enqueue_dma source(%dma_start3A_183 : memref<1024xf32, #tpu.memory_space<vmem>>) target(%dma_start3A_181 : memref<1024xf32, #tpu.memory_space<hbm>>) target_semaphore(%arg22 : memref<!tpu.dma_semaphore, #tpu.memory_space<semaphore_mem>>)
    %add3A_184 = arith.constant 0 : i32
    %add3A_185 = arith.addi %mul3A_2, %add3A_184 : i32
    %dma_start3A_186 = arith.constant 13 : i32
    %dma_start3A_187 = arith.constant 13416 : i32
    %dma_start3A_188 = tpu.memref_slice %arg20[%dma_start3A_187] : memref<16512xf32, #tpu.memory_space<vmem>> -> memref<1024xf32, #tpu.memory_space<vmem>>
    %dma_start3A_189 = tpu.memref_slice %arg5[%dma_start3A_186, %add3A_185] : memref<16x65536xf32, #tpu.memory_space<hbm>> -> memref<1x1024xf32, #tpu.memory_space<hbm>>
    %dma_start3A_190 = tpu.memref_squeeze %dma_start3A_189 : memref<1x1024xf32, #tpu.memory_space<hbm>> -> memref<1024xf32, #tpu.memory_space<hbm>>
    %dma_start3A_191 = tpu.memref_slice %arg5[%dma_start3A_186, %add3A_185] : memref<16x65536xf32, #tpu.memory_space<hbm>> -> memref<1x1024xf32, #tpu.memory_space<hbm>>
    %dma_start3A_192 = tpu.memref_squeeze %dma_start3A_191 : memref<1x1024xf32, #tpu.memory_space<hbm>> -> memref<1024xf32, #tpu.memory_space<hbm>>
    %dma_start3A_193 = arith.constant 13416 : i32
    %dma_start3A_194 = tpu.memref_slice %arg20[%dma_start3A_193] : memref<16512xf32, #tpu.memory_space<vmem>> -> memref<1024xf32, #tpu.memory_space<vmem>>
    tpu.enqueue_dma source(%dma_start3A_194 : memref<1024xf32, #tpu.memory_space<vmem>>) target(%dma_start3A_192 : memref<1024xf32, #tpu.memory_space<hbm>>) target_semaphore(%arg22 : memref<!tpu.dma_semaphore, #tpu.memory_space<semaphore_mem>>)
    %add3A_195 = arith.constant 0 : i32
    %add3A_196 = arith.addi %mul3A_2, %add3A_195 : i32
    %dma_start3A_197 = arith.constant 14 : i32
    %dma_start3A_198 = arith.constant 14448 : i32
    %dma_start3A_199 = tpu.memref_slice %arg20[%dma_start3A_198] : memref<16512xf32, #tpu.memory_space<vmem>> -> memref<1024xf32, #tpu.memory_space<vmem>>
    %dma_start3A_200 = tpu.memref_slice %arg5[%dma_start3A_197, %add3A_196] : memref<16x65536xf32, #tpu.memory_space<hbm>> -> memref<1x1024xf32, #tpu.memory_space<hbm>>
    %dma_start3A_201 = tpu.memref_squeeze %dma_start3A_200 : memref<1x1024xf32, #tpu.memory_space<hbm>> -> memref<1024xf32, #tpu.memory_space<hbm>>
    %dma_start3A_202 = tpu.memref_slice %arg5[%dma_start3A_197, %add3A_196] : memref<16x65536xf32, #tpu.memory_space<hbm>> -> memref<1x1024xf32, #tpu.memory_space<hbm>>
    %dma_start3A_203 = tpu.memref_squeeze %dma_start3A_202 : memref<1x1024xf32, #tpu.memory_space<hbm>> -> memref<1024xf32, #tpu.memory_space<hbm>>
    %dma_start3A_204 = arith.constant 14448 : i32
    %dma_start3A_205 = tpu.memref_slice %arg20[%dma_start3A_204] : memref<16512xf32, #tpu.memory_space<vmem>> -> memref<1024xf32, #tpu.memory_space<vmem>>
    tpu.enqueue_dma source(%dma_start3A_205 : memref<1024xf32, #tpu.memory_space<vmem>>) target(%dma_start3A_203 : memref<1024xf32, #tpu.memory_space<hbm>>) target_semaphore(%arg22 : memref<!tpu.dma_semaphore, #tpu.memory_space<semaphore_mem>>)
    %add3A_206 = arith.constant 0 : i32
    %add3A_207 = arith.addi %mul3A_2, %add3A_206 : i32
    %dma_start3A_208 = arith.constant 15 : i32
    %dma_start3A_209 = arith.constant 15480 : i32
    %dma_start3A_210 = tpu.memref_slice %arg20[%dma_start3A_209] : memref<16512xf32, #tpu.memory_space<vmem>> -> memref<1024xf32, #tpu.memory_space<vmem>>
    %dma_start3A_211 = tpu.memref_slice %arg5[%dma_start3A_208, %add3A_207] : memref<16x65536xf32, #tpu.memory_space<hbm>> -> memref<1x1024xf32, #tpu.memory_space<hbm>>
    %dma_start3A_212 = tpu.memref_squeeze %dma_start3A_211 : memref<1x1024xf32, #tpu.memory_space<hbm>> -> memref<1024xf32, #tpu.memory_space<hbm>>
    %dma_start3A_213 = tpu.memref_slice %arg5[%dma_start3A_208, %add3A_207] : memref<16x65536xf32, #tpu.memory_space<hbm>> -> memref<1x1024xf32, #tpu.memory_space<hbm>>
    %dma_start3A_214 = tpu.memref_squeeze %dma_start3A_213 : memref<1x1024xf32, #tpu.memory_space<hbm>> -> memref<1024xf32, #tpu.memory_space<hbm>>
    %dma_start3A_215 = arith.constant 15480 : i32
    %dma_start3A_216 = tpu.memref_slice %arg20[%dma_start3A_215] : memref<16512xf32, #tpu.memory_space<vmem>> -> memref<1024xf32, #tpu.memory_space<vmem>>
    tpu.enqueue_dma source(%dma_start3A_216 : memref<1024xf32, #tpu.memory_space<vmem>>) target(%dma_start3A_214 : memref<1024xf32, #tpu.memory_space<hbm>>) target_semaphore(%arg22 : memref<!tpu.dma_semaphore, #tpu.memory_space<semaphore_mem>>)
    %scan3A_217 = arith.constant 0 : i32
    %scan3A_218 = arith.constant 0 : i32
    %scan3A_219 = arith.constant 64 : i32
    %scan3A_220 = arith.addi %scan3A_218, %scan3A_219 : i32
    %scan3A_221 = arith.constant 1 : i32
    %scan3A_222 = scf.for %scan3A_719 = %scan3A_218 to %scan3A_220 step %scan3A_221 iter_args(%scan3A_720 = %scan3A_217) -> (i32)  : i32 {
      %mul3A_721 = arith.constant 16 : i32
      %mul3A_722 = arith.muli %scan3A_719, %mul3A_721 : i32
      %add3A_723 = arith.constant 1024 : i32
      %add3A_724 = arith.addi %add3A_723, %mul3A_722 : i32
      %get3A = arith.index_cast %add3A_724 : i32 to index
      %get3A_725 = tpu.vector_load %arg6[%get3A] {strides = array<i32>} : memref<2048xf32, #tpu.memory_space<vmem>>, vector<16xf32>,
      %get3A_726 = arith.index_cast %add3A_724 : i32 to index
      %get3A_727 = tpu.vector_load %arg7[%get3A_726] {strides = array<i32>} : memref<2048xf32, #tpu.memory_space<vmem>>, vector<16xf32>,
      %add3A_728 = arith.constant 1.000000e+00 : f32
      %add3A_729 = vector.broadcast %add3A_728 : f32 to vector<16xf32>
      %add3A_730 = arith.addf %get3A_725, %add3A_729 : vector<16xf32>
      %mul3A_731 = arith.constant 5.000000e-01 : f32
      %mul3A_732 = vector.broadcast %mul3A_731 : f32 to vector<16xf32>
      %mul3A_733 = arith.mulf %add3A_730, %mul3A_732 : vector<16xf32>
      %mul3A_734 = arith.constant 2.550000e+02 : f32
      %mul3A_735 = vector.broadcast %mul3A_734 : f32 to vector<16xf32>
      %mul3A_736 = arith.mulf %mul3A_733, %mul3A_735 : vector<16xf32>
      %add3A_737 = arith.constant 1.000000e+00 : f32
      %add3A_738 = vector.broadcast %add3A_737 : f32 to vector<16xf32>
      %add3A_739 = arith.addf %get3A_727, %add3A_738 : vector<16xf32>
      %mul3A_740 = arith.constant 5.000000e-01 : f32
      %mul3A_741 = vector.broadcast %mul3A_740 : f32 to vector<16xf32>
      %mul3A_742 = arith.mulf %add3A_739, %mul3A_741 : vector<16xf32>
      %mul3A_743 = arith.constant 2.550000e+02 : f32
      %mul3A_744 = vector.broadcast %mul3A_743 : f32 to vector<16xf32>
      %mul3A_745 = arith.mulf %mul3A_742, %mul3A_744 : vector<16xf32>
      %convert_element_type3A = arith.fptosi %mul3A_736 : vector<16xf32> to vector<16xi32>
      %convert_element_type3A_746 = arith.fptosi %mul3A_745 : vector<16xf32> to vector<16xi32>
      %convert_element_type3A_747 = arith.sitofp %convert_element_type3A : vector<16xi32> to vector<16xf32>
      %sub3A = arith.subf %mul3A_736, %convert_element_type3A_747 : vector<16xf32>
      %convert_element_type3A_748 = arith.sitofp %convert_element_type3A_746 : vector<16xi32> to vector<16xf32>
      %sub3A_749 = arith.subf %mul3A_745, %convert_element_type3A_748 : vector<16xf32>
      %jit3A = arith.constant 0 : i32
      %jit3A_750 = arith.constant 255 : i32
      %max3A = vector.broadcast %jit3A : i32 to vector<16xi32>
      %max3A_751 = arith.maxsi %max3A, %convert_element_type3A : vector<16xi32>
      %min3A = vector.broadcast %jit3A_750 : i32 to vector<16xi32>
      %min3A_752 = arith.minsi %min3A, %max3A_751 : vector<16xi32>
      %mul3A_753 = arith.constant 256 : i32
      %mul3A_754 = vector.broadcast %mul3A_753 : i32 to vector<16xi32>
      %mul3A_755 = arith.muli %min3A_752, %mul3A_754 : vector<16xi32>
      %add3A_756 = arith.constant 1 : i32
      %add3A_757 = vector.broadcast %add3A_756 : i32 to vector<16xi32>
      %add3A_758 = arith.addi %convert_element_type3A, %add3A_757 : vector<16xi32>
      %jit3A_759 = arith.constant 0 : i32
      %jit3A_760 = arith.constant 255 : i32
      %max3A_761 = vector.broadcast %jit3A_759 : i32 to vector<16xi32>
      %max3A_762 = arith.maxsi %max3A_761, %add3A_758 : vector<16xi32>
      %min3A_763 = vector.broadcast %jit3A_760 : i32 to vector<16xi32>
      %min3A_764 = arith.minsi %min3A_763, %max3A_762 : vector<16xi32>
      %mul3A_765 = arith.constant 256 : i32
      %mul3A_766 = vector.broadcast %mul3A_765 : i32 to vector<16xi32>
      %mul3A_767 = arith.muli %min3A_764, %mul3A_766 : vector<16xi32>
      %jit3A_768 = arith.constant 0 : i32
      %jit3A_769 = arith.constant 255 : i32
      %max3A_770 = vector.broadcast %jit3A_768 : i32 to vector<16xi32>
      %max3A_771 = arith.maxsi %max3A_770, %convert_element_type3A_746 : vector<16xi32>
      %min3A_772 = vector.broadcast %jit3A_769 : i32 to vector<16xi32>
      %min3A_773 = arith.minsi %min3A_772, %max3A_771 : vector<16xi32>
      %add3A_774 = arith.constant 1 : i32
      %add3A_775 = vector.broadcast %add3A_774 : i32 to vector<16xi32>
      %add3A_776 = arith.addi %convert_element_type3A_746, %add3A_775 : vector<16xi32>
      %jit3A_777 = arith.constant 0 : i32
      %jit3A_778 = arith.constant 255 : i32
      %max3A_779 = vector.broadcast %jit3A_777 : i32 to vector<16xi32>
      %max3A_780 = arith.maxsi %max3A_779, %add3A_776 : vector<16xi32>
      %min3A_781 = vector.broadcast %jit3A_778 : i32 to vector<16xi32>
      %min3A_782 = arith.minsi %min3A_781, %max3A_780 : vector<16xi32>
      %mul3A_783 = arith.constant 16 : i32
      %mul3A_784 = arith.muli %scan3A_719, %mul3A_783 : i32
      %add3A_785 = arith.addi %mul3A_755, %min3A_773 : vector<16xi32>
      %swap3A = arith.index_cast %mul3A_784 : i32 to index
      %swap3A_786 = tpu.vector_load %arg8[%swap3A] {strides = array<i32>} : memref<1024xi32, #tpu.memory_space<vmem>>, vector<16xi32>,
      tpu.vector_store %arg8[%swap3A], %add3A_785 {strides = array<i32>} : memref<1024xi32, #tpu.memory_space<vmem>>, vector<16xi32>,
      %add3A_787 = arith.addi %mul3A_755, %min3A_782 : vector<16xi32>
      %swap3A_788 = arith.index_cast %mul3A_784 : i32 to index
      %swap3A_789 = tpu.vector_load %arg9[%swap3A_788] {strides = array<i32>} : memref<1024xi32, #tpu.memory_space<vmem>>, vector<16xi32>,
      tpu.vector_store %arg9[%swap3A_788], %add3A_787 {strides = array<i32>} : memref<1024xi32, #tpu.memory_space<vmem>>, vector<16xi32>,
      %add3A_790 = arith.addi %mul3A_767, %min3A_773 : vector<16xi32>
      %swap3A_791 = arith.index_cast %mul3A_784 : i32 to index
      %swap3A_792 = tpu.vector_load %arg10[%swap3A_791] {strides = array<i32>} : memref<1024xi32, #tpu.memory_space<vmem>>, vector<16xi32>,
      tpu.vector_store %arg10[%swap3A_791], %add3A_790 {strides = array<i32>} : memref<1024xi32, #tpu.memory_space<vmem>>, vector<16xi32>,
      %add3A_793 = arith.addi %mul3A_767, %min3A_782 : vector<16xi32>
      %swap3A_794 = arith.index_cast %mul3A_784 : i32 to index
      %swap3A_795 = tpu.vector_load %arg11[%swap3A_794] {strides = array<i32>} : memref<1024xi32, #tpu.memory_space<vmem>>, vector<16xi32>,
      tpu.vector_store %arg11[%swap3A_794], %add3A_793 {strides = array<i32>} : memref<1024xi32, #tpu.memory_space<vmem>>, vector<16xi32>,
      %sub3A_796 = arith.constant 1.000000e+00 : f32
      %sub3A_797 = vector.broadcast %sub3A_796 : f32 to vector<16xf32>
      %sub3A_798 = arith.subf %sub3A_797, %sub3A : vector<16xf32>
      %sub3A_799 = arith.constant 1.000000e+00 : f32
      %sub3A_800 = vector.broadcast %sub3A_799 : f32 to vector<16xf32>
      %sub3A_801 = arith.subf %sub3A_800, %sub3A_749 : vector<16xf32>
      %mul3A_802 = arith.mulf %sub3A_798, %sub3A_801 : vector<16xf32>
      %swap3A_803 = arith.index_cast %mul3A_784 : i32 to index
      %swap3A_804 = tpu.vector_load %arg12[%swap3A_803] {strides = array<i32>} : memref<1024xf32, #tpu.memory_space<vmem>>, vector<16xf32>,
      tpu.vector_store %arg12[%swap3A_803], %mul3A_802 {strides = array<i32>} : memref<1024xf32, #tpu.memory_space<vmem>>, vector<16xf32>,
      %mul3A_805 = arith.mulf %sub3A_798, %sub3A_749 : vector<16xf32>
      %swap3A_806 = arith.index_cast %mul3A_784 : i32 to index
      %swap3A_807 = tpu.vector_load %arg13[%swap3A_806] {strides = array<i32>} : memref<1024xf32, #tpu.memory_space<vmem>>, vector<16xf32>,
      tpu.vector_store %arg13[%swap3A_806], %mul3A_805 {strides = array<i32>} : memref<1024xf32, #tpu.memory_space<vmem>>, vector<16xf32>,
      %mul3A_808 = arith.mulf %sub3A, %sub3A_801 : vector<16xf32>
      %swap3A_809 = arith.index_cast %mul3A_784 : i32 to index
      %swap3A_810 = tpu.vector_load %arg14[%swap3A_809] {strides = array<i32>} : memref<1024xf32, #tpu.memory_space<vmem>>, vector<16xf32>,
      tpu.vector_store %arg14[%swap3A_809], %mul3A_808 {strides = array<i32>} : memref<1024xf32, #tpu.memory_space<vmem>>, vector<16xf32>,
      %mul3A_811 = arith.mulf %sub3A, %sub3A_749 : vector<16xf32>
      %swap3A_812 = arith.index_cast %mul3A_784 : i32 to index
      %swap3A_813 = tpu.vector_load %arg15[%swap3A_812] {strides = array<i32>} : memref<1024xf32, #tpu.memory_space<vmem>>, vector<16xf32>,
      tpu.vector_store %arg15[%swap3A_812], %mul3A_811 {strides = array<i32>} : memref<1024xf32, #tpu.memory_space<vmem>>, vector<16xf32>,
      %scan3A_814 = arith.constant 0 : i32
      scf.yield %scan3A_814 : i32
    }
    %scan3A_223 = arith.constant 64 : i32
    %dma_start3A_224 = arith.constant 0 : i32
    %dma_start3A_225 = arith.constant 0 : i32
    %dma_start3A_226 = tpu.memref_slice %arg2[%dma_start3A_224, %dma_start3A_225] : memref<65536x16xf32, #tpu.memory_space<hbm>> -> memref<65536x16xf32, #tpu.memory_space<hbm>>
    tpu.enqueue_indirect_dma source(%dma_start3A_226 : memref<65536x16xf32, #tpu.memory_space<hbm>>) target(%arg16 : memref<1024x16xf32, #tpu.memory_space<vmem>>) offsets(%arg8 : memref<1024xi32, #tpu.memory_space<vmem>>) semaphore(%arg21 : memref<!tpu.dma_semaphore, #tpu.memory_space<semaphore_mem>>)
    %dma_start3A_227 = arith.constant 0 : i32
    %dma_start3A_228 = arith.constant 0 : i32
    %dma_start3A_229 = tpu.memref_slice %arg2[%dma_start3A_227, %dma_start3A_228] : memref<65536x16xf32, #tpu.memory_space<hbm>> -> memref<65536x16xf32, #tpu.memory_space<hbm>>
    tpu.enqueue_indirect_dma source(%dma_start3A_229 : memref<65536x16xf32, #tpu.memory_space<hbm>>) target(%arg17 : memref<1024x16xf32, #tpu.memory_space<vmem>>) offsets(%arg9 : memref<1024xi32, #tpu.memory_space<vmem>>) semaphore(%arg21 : memref<!tpu.dma_semaphore, #tpu.memory_space<semaphore_mem>>)
    %dma_start3A_230 = arith.constant 0 : i32
    %dma_start3A_231 = arith.constant 0 : i32
    %dma_start3A_232 = tpu.memref_slice %arg2[%dma_start3A_230, %dma_start3A_231] : memref<65536x16xf32, #tpu.memory_space<hbm>> -> memref<65536x16xf32, #tpu.memory_space<hbm>>
    tpu.enqueue_indirect_dma source(%dma_start3A_232 : memref<65536x16xf32, #tpu.memory_space<hbm>>) target(%arg18 : memref<1024x16xf32, #tpu.memory_space<vmem>>) offsets(%arg10 : memref<1024xi32, #tpu.memory_space<vmem>>) semaphore(%arg21 : memref<!tpu.dma_semaphore, #tpu.memory_space<semaphore_mem>>)
    %dma_start3A_233 = arith.constant 0 : i32
    %dma_start3A_234 = arith.constant 0 : i32
    %dma_start3A_235 = tpu.memref_slice %arg2[%dma_start3A_233, %dma_start3A_234] : memref<65536x16xf32, #tpu.memory_space<hbm>> -> memref<65536x16xf32, #tpu.memory_space<hbm>>
    tpu.enqueue_indirect_dma source(%dma_start3A_235 : memref<65536x16xf32, #tpu.memory_space<hbm>>) target(%arg19 : memref<1024x16xf32, #tpu.memory_space<vmem>>) offsets(%arg11 : memref<1024xi32, #tpu.memory_space<vmem>>) semaphore(%arg21 : memref<!tpu.dma_semaphore, #tpu.memory_space<semaphore_mem>>)
    %dma_wait3A_236 = arith.constant 0 : i32
    %dma_wait3A_237 = arith.constant 0 : i32
    %dma_wait3A_238 = tpu.memref_slice %arg2[%dma_wait3A_236, %dma_wait3A_237] : memref<65536x16xf32, #tpu.memory_space<hbm>> -> memref<65536x16xf32, #tpu.memory_space<hbm>>
    tpu.wait_indirect_dma semaphore(%arg21 : memref<!tpu.dma_semaphore, #tpu.memory_space<semaphore_mem>>) src(%dma_wait3A_238 : memref<65536x16xf32, #tpu.memory_space<hbm>>) dst(%arg16 : memref<1024x16xf32, #tpu.memory_space<vmem>>)
    %dma_wait3A_239 = arith.constant 0 : i32
    %dma_wait3A_240 = arith.constant 0 : i32
    %dma_wait3A_241 = tpu.memref_slice %arg2[%dma_wait3A_239, %dma_wait3A_240] : memref<65536x16xf32, #tpu.memory_space<hbm>> -> memref<65536x16xf32, #tpu.memory_space<hbm>>
    tpu.wait_indirect_dma semaphore(%arg21 : memref<!tpu.dma_semaphore, #tpu.memory_space<semaphore_mem>>) src(%dma_wait3A_241 : memref<65536x16xf32, #tpu.memory_space<hbm>>) dst(%arg17 : memref<1024x16xf32, #tpu.memory_space<vmem>>)
    %dma_wait3A_242 = arith.constant 0 : i32
    %dma_wait3A_243 = arith.constant 0 : i32
    %dma_wait3A_244 = tpu.memref_slice %arg2[%dma_wait3A_242, %dma_wait3A_243] : memref<65536x16xf32, #tpu.memory_space<hbm>> -> memref<65536x16xf32, #tpu.memory_space<hbm>>
    tpu.wait_indirect_dma semaphore(%arg21 : memref<!tpu.dma_semaphore, #tpu.memory_space<semaphore_mem>>) src(%dma_wait3A_244 : memref<65536x16xf32, #tpu.memory_space<hbm>>) dst(%arg18 : memref<1024x16xf32, #tpu.memory_space<vmem>>)
    %dma_wait3A_245 = arith.constant 0 : i32
    %dma_wait3A_246 = arith.constant 0 : i32
    %dma_wait3A_247 = tpu.memref_slice %arg2[%dma_wait3A_245, %dma_wait3A_246] : memref<65536x16xf32, #tpu.memory_space<hbm>> -> memref<65536x16xf32, #tpu.memory_space<hbm>>
    tpu.wait_indirect_dma semaphore(%arg21 : memref<!tpu.dma_semaphore, #tpu.memory_space<semaphore_mem>>) src(%dma_wait3A_247 : memref<65536x16xf32, #tpu.memory_space<hbm>>) dst(%arg19 : memref<1024x16xf32, #tpu.memory_space<vmem>>)
    %dma_wait3A_248 = arith.constant 0 : i32
    %dma_wait3A_249 = arith.constant 0 : i32
    %dma_wait3A_250 = tpu.memref_slice %arg20[%dma_wait3A_249] : memref<16512xf32, #tpu.memory_space<vmem>> -> memref<1024xf32, #tpu.memory_space<vmem>>
    %dma_wait3A_251 = tpu.memref_slice %arg5[%dma_wait3A_248, %add3A_42] : memref<16x65536xf32, #tpu.memory_space<hbm>> -> memref<1x1024xf32, #tpu.memory_space<hbm>>
    %dma_wait3A_252 = tpu.memref_squeeze %dma_wait3A_251 : memref<1x1024xf32, #tpu.memory_space<hbm>> -> memref<1024xf32, #tpu.memory_space<hbm>>
    %dma_wait3A_253 = tpu.memref_slice %arg5[%dma_wait3A_248, %add3A_42] : memref<16x65536xf32, #tpu.memory_space<hbm>> -> memref<1x1024xf32, #tpu.memory_space<hbm>>
    %dma_wait3A_254 = tpu.memref_squeeze %dma_wait3A_253 : memref<1x1024xf32, #tpu.memory_space<hbm>> -> memref<1024xf32, #tpu.memory_space<hbm>>
    %dma_wait3A_255 = arith.constant 0 : i32
    %dma_wait3A_256 = tpu.memref_slice %arg20[%dma_wait3A_255] : memref<16512xf32, #tpu.memory_space<vmem>> -> memref<1024xf32, #tpu.memory_space<vmem>>
    tpu.wait_dma2 semaphore(%arg22 : memref<!tpu.dma_semaphore, #tpu.memory_space<semaphore_mem>>) src(%dma_wait3A_256 : memref<1024xf32, #tpu.memory_space<vmem>>) dst(%dma_wait3A_254 : memref<1024xf32, #tpu.memory_space<hbm>>)
    %dma_wait3A_257 = arith.constant 1 : i32
    %dma_wait3A_258 = arith.constant 1032 : i32
    %dma_wait3A_259 = tpu.memref_slice %arg20[%dma_wait3A_258] : memref<16512xf32, #tpu.memory_space<vmem>> -> memref<1024xf32, #tpu.memory_space<vmem>>
    %dma_wait3A_260 = tpu.memref_slice %arg5[%dma_wait3A_257, %add3A_53] : memref<16x65536xf32, #tpu.memory_space<hbm>> -> memref<1x1024xf32, #tpu.memory_space<hbm>>
    %dma_wait3A_261 = tpu.memref_squeeze %dma_wait3A_260 : memref<1x1024xf32, #tpu.memory_space<hbm>> -> memref<1024xf32, #tpu.memory_space<hbm>>
    %dma_wait3A_262 = tpu.memref_slice %arg5[%dma_wait3A_257, %add3A_53] : memref<16x65536xf32, #tpu.memory_space<hbm>> -> memref<1x1024xf32, #tpu.memory_space<hbm>>
    %dma_wait3A_263 = tpu.memref_squeeze %dma_wait3A_262 : memref<1x1024xf32, #tpu.memory_space<hbm>> -> memref<1024xf32, #tpu.memory_space<hbm>>
    %dma_wait3A_264 = arith.constant 1032 : i32
    %dma_wait3A_265 = tpu.memref_slice %arg20[%dma_wait3A_264] : memref<16512xf32, #tpu.memory_space<vmem>> -> memref<1024xf32, #tpu.memory_space<vmem>>
    tpu.wait_dma2 semaphore(%arg22 : memref<!tpu.dma_semaphore, #tpu.memory_space<semaphore_mem>>) src(%dma_wait3A_265 : memref<1024xf32, #tpu.memory_space<vmem>>) dst(%dma_wait3A_263 : memref<1024xf32, #tpu.memory_space<hbm>>)
    %dma_wait3A_266 = arith.constant 2 : i32
    %dma_wait3A_267 = arith.constant 2064 : i32
    %dma_wait3A_268 = tpu.memref_slice %arg20[%dma_wait3A_267] : memref<16512xf32, #tpu.memory_space<vmem>> -> memref<1024xf32, #tpu.memory_space<vmem>>
    %dma_wait3A_269 = tpu.memref_slice %arg5[%dma_wait3A_266, %add3A_64] : memref<16x65536xf32, #tpu.memory_space<hbm>> -> memref<1x1024xf32, #tpu.memory_space<hbm>>
    %dma_wait3A_270 = tpu.memref_squeeze %dma_wait3A_269 : memref<1x1024xf32, #tpu.memory_space<hbm>> -> memref<1024xf32, #tpu.memory_space<hbm>>
    %dma_wait3A_271 = tpu.memref_slice %arg5[%dma_wait3A_266, %add3A_64] : memref<16x65536xf32, #tpu.memory_space<hbm>> -> memref<1x1024xf32, #tpu.memory_space<hbm>>
    %dma_wait3A_272 = tpu.memref_squeeze %dma_wait3A_271 : memref<1x1024xf32, #tpu.memory_space<hbm>> -> memref<1024xf32, #tpu.memory_space<hbm>>
    %dma_wait3A_273 = arith.constant 2064 : i32
    %dma_wait3A_274 = tpu.memref_slice %arg20[%dma_wait3A_273] : memref<16512xf32, #tpu.memory_space<vmem>> -> memref<1024xf32, #tpu.memory_space<vmem>>
    tpu.wait_dma2 semaphore(%arg22 : memref<!tpu.dma_semaphore, #tpu.memory_space<semaphore_mem>>) src(%dma_wait3A_274 : memref<1024xf32, #tpu.memory_space<vmem>>) dst(%dma_wait3A_272 : memref<1024xf32, #tpu.memory_space<hbm>>)
    %dma_wait3A_275 = arith.constant 3 : i32
    %dma_wait3A_276 = arith.constant 3096 : i32
    %dma_wait3A_277 = tpu.memref_slice %arg20[%dma_wait3A_276] : memref<16512xf32, #tpu.memory_space<vmem>> -> memref<1024xf32, #tpu.memory_space<vmem>>
    %dma_wait3A_278 = tpu.memref_slice %arg5[%dma_wait3A_275, %add3A_75] : memref<16x65536xf32, #tpu.memory_space<hbm>> -> memref<1x1024xf32, #tpu.memory_space<hbm>>
    %dma_wait3A_279 = tpu.memref_squeeze %dma_wait3A_278 : memref<1x1024xf32, #tpu.memory_space<hbm>> -> memref<1024xf32, #tpu.memory_space<hbm>>
    %dma_wait3A_280 = tpu.memref_slice %arg5[%dma_wait3A_275, %add3A_75] : memref<16x65536xf32, #tpu.memory_space<hbm>> -> memref<1x1024xf32, #tpu.memory_space<hbm>>
    %dma_wait3A_281 = tpu.memref_squeeze %dma_wait3A_280 : memref<1x1024xf32, #tpu.memory_space<hbm>> -> memref<1024xf32, #tpu.memory_space<hbm>>
    %dma_wait3A_282 = arith.constant 3096 : i32
    %dma_wait3A_283 = tpu.memref_slice %arg20[%dma_wait3A_282] : memref<16512xf32, #tpu.memory_space<vmem>> -> memref<1024xf32, #tpu.memory_space<vmem>>
    tpu.wait_dma2 semaphore(%arg22 : memref<!tpu.dma_semaphore, #tpu.memory_space<semaphore_mem>>) src(%dma_wait3A_283 : memref<1024xf32, #tpu.memory_space<vmem>>) dst(%dma_wait3A_281 : memref<1024xf32, #tpu.memory_space<hbm>>)
    %dma_wait3A_284 = arith.constant 4 : i32
    %dma_wait3A_285 = arith.constant 4128 : i32
    %dma_wait3A_286 = tpu.memref_slice %arg20[%dma_wait3A_285] : memref<16512xf32, #tpu.memory_space<vmem>> -> memref<1024xf32, #tpu.memory_space<vmem>>
    %dma_wait3A_287 = tpu.memref_slice %arg5[%dma_wait3A_284, %add3A_86] : memref<16x65536xf32, #tpu.memory_space<hbm>> -> memref<1x1024xf32, #tpu.memory_space<hbm>>
    %dma_wait3A_288 = tpu.memref_squeeze %dma_wait3A_287 : memref<1x1024xf32, #tpu.memory_space<hbm>> -> memref<1024xf32, #tpu.memory_space<hbm>>
    %dma_wait3A_289 = tpu.memref_slice %arg5[%dma_wait3A_284, %add3A_86] : memref<16x65536xf32, #tpu.memory_space<hbm>> -> memref<1x1024xf32, #tpu.memory_space<hbm>>
    %dma_wait3A_290 = tpu.memref_squeeze %dma_wait3A_289 : memref<1x1024xf32, #tpu.memory_space<hbm>> -> memref<1024xf32, #tpu.memory_space<hbm>>
    %dma_wait3A_291 = arith.constant 4128 : i32
    %dma_wait3A_292 = tpu.memref_slice %arg20[%dma_wait3A_291] : memref<16512xf32, #tpu.memory_space<vmem>> -> memref<1024xf32, #tpu.memory_space<vmem>>
    tpu.wait_dma2 semaphore(%arg22 : memref<!tpu.dma_semaphore, #tpu.memory_space<semaphore_mem>>) src(%dma_wait3A_292 : memref<1024xf32, #tpu.memory_space<vmem>>) dst(%dma_wait3A_290 : memref<1024xf32, #tpu.memory_space<hbm>>)
    %dma_wait3A_293 = arith.constant 5 : i32
    %dma_wait3A_294 = arith.constant 5160 : i32
    %dma_wait3A_295 = tpu.memref_slice %arg20[%dma_wait3A_294] : memref<16512xf32, #tpu.memory_space<vmem>> -> memref<1024xf32, #tpu.memory_space<vmem>>
    %dma_wait3A_296 = tpu.memref_slice %arg5[%dma_wait3A_293, %add3A_97] : memref<16x65536xf32, #tpu.memory_space<hbm>> -> memref<1x1024xf32, #tpu.memory_space<hbm>>
    %dma_wait3A_297 = tpu.memref_squeeze %dma_wait3A_296 : memref<1x1024xf32, #tpu.memory_space<hbm>> -> memref<1024xf32, #tpu.memory_space<hbm>>
    %dma_wait3A_298 = tpu.memref_slice %arg5[%dma_wait3A_293, %add3A_97] : memref<16x65536xf32, #tpu.memory_space<hbm>> -> memref<1x1024xf32, #tpu.memory_space<hbm>>
    %dma_wait3A_299 = tpu.memref_squeeze %dma_wait3A_298 : memref<1x1024xf32, #tpu.memory_space<hbm>> -> memref<1024xf32, #tpu.memory_space<hbm>>
    %dma_wait3A_300 = arith.constant 5160 : i32
    %dma_wait3A_301 = tpu.memref_slice %arg20[%dma_wait3A_300] : memref<16512xf32, #tpu.memory_space<vmem>> -> memref<1024xf32, #tpu.memory_space<vmem>>
    tpu.wait_dma2 semaphore(%arg22 : memref<!tpu.dma_semaphore, #tpu.memory_space<semaphore_mem>>) src(%dma_wait3A_301 : memref<1024xf32, #tpu.memory_space<vmem>>) dst(%dma_wait3A_299 : memref<1024xf32, #tpu.memory_space<hbm>>)
    %dma_wait3A_302 = arith.constant 6 : i32
    %dma_wait3A_303 = arith.constant 6192 : i32
    %dma_wait3A_304 = tpu.memref_slice %arg20[%dma_wait3A_303] : memref<16512xf32, #tpu.memory_space<vmem>> -> memref<1024xf32, #tpu.memory_space<vmem>>
    %dma_wait3A_305 = tpu.memref_slice %arg5[%dma_wait3A_302, %add3A_108] : memref<16x65536xf32, #tpu.memory_space<hbm>> -> memref<1x1024xf32, #tpu.memory_space<hbm>>
    %dma_wait3A_306 = tpu.memref_squeeze %dma_wait3A_305 : memref<1x1024xf32, #tpu.memory_space<hbm>> -> memref<1024xf32, #tpu.memory_space<hbm>>
    %dma_wait3A_307 = tpu.memref_slice %arg5[%dma_wait3A_302, %add3A_108] : memref<16x65536xf32, #tpu.memory_space<hbm>> -> memref<1x1024xf32, #tpu.memory_space<hbm>>
    %dma_wait3A_308 = tpu.memref_squeeze %dma_wait3A_307 : memref<1x1024xf32, #tpu.memory_space<hbm>> -> memref<1024xf32, #tpu.memory_space<hbm>>
    %dma_wait3A_309 = arith.constant 6192 : i32
    %dma_wait3A_310 = tpu.memref_slice %arg20[%dma_wait3A_309] : memref<16512xf32, #tpu.memory_space<vmem>> -> memref<1024xf32, #tpu.memory_space<vmem>>
    tpu.wait_dma2 semaphore(%arg22 : memref<!tpu.dma_semaphore, #tpu.memory_space<semaphore_mem>>) src(%dma_wait3A_310 : memref<1024xf32, #tpu.memory_space<vmem>>) dst(%dma_wait3A_308 : memref<1024xf32, #tpu.memory_space<hbm>>)
    %dma_wait3A_311 = arith.constant 7 : i32
    %dma_wait3A_312 = arith.constant 7224 : i32
    %dma_wait3A_313 = tpu.memref_slice %arg20[%dma_wait3A_312] : memref<16512xf32, #tpu.memory_space<vmem>> -> memref<1024xf32, #tpu.memory_space<vmem>>
    %dma_wait3A_314 = tpu.memref_slice %arg5[%dma_wait3A_311, %add3A_119] : memref<16x65536xf32, #tpu.memory_space<hbm>> -> memref<1x1024xf32, #tpu.memory_space<hbm>>
    %dma_wait3A_315 = tpu.memref_squeeze %dma_wait3A_314 : memref<1x1024xf32, #tpu.memory_space<hbm>> -> memref<1024xf32, #tpu.memory_space<hbm>>
    %dma_wait3A_316 = tpu.memref_slice %arg5[%dma_wait3A_311, %add3A_119] : memref<16x65536xf32, #tpu.memory_space<hbm>> -> memref<1x1024xf32, #tpu.memory_space<hbm>>
    %dma_wait3A_317 = tpu.memref_squeeze %dma_wait3A_316 : memref<1x1024xf32, #tpu.memory_space<hbm>> -> memref<1024xf32, #tpu.memory_space<hbm>>
    %dma_wait3A_318 = arith.constant 7224 : i32
    %dma_wait3A_319 = tpu.memref_slice %arg20[%dma_wait3A_318] : memref<16512xf32, #tpu.memory_space<vmem>> -> memref<1024xf32, #tpu.memory_space<vmem>>
    tpu.wait_dma2 semaphore(%arg22 : memref<!tpu.dma_semaphore, #tpu.memory_space<semaphore_mem>>) src(%dma_wait3A_319 : memref<1024xf32, #tpu.memory_space<vmem>>) dst(%dma_wait3A_317 : memref<1024xf32, #tpu.memory_space<hbm>>)
    %dma_wait3A_320 = arith.constant 8 : i32
    %dma_wait3A_321 = arith.constant 8256 : i32
    %dma_wait3A_322 = tpu.memref_slice %arg20[%dma_wait3A_321] : memref<16512xf32, #tpu.memory_space<vmem>> -> memref<1024xf32, #tpu.memory_space<vmem>>
    %dma_wait3A_323 = tpu.memref_slice %arg5[%dma_wait3A_320, %add3A_130] : memref<16x65536xf32, #tpu.memory_space<hbm>> -> memref<1x1024xf32, #tpu.memory_space<hbm>>
    %dma_wait3A_324 = tpu.memref_squeeze %dma_wait3A_323 : memref<1x1024xf32, #tpu.memory_space<hbm>> -> memref<1024xf32, #tpu.memory_space<hbm>>
    %dma_wait3A_325 = tpu.memref_slice %arg5[%dma_wait3A_320, %add3A_130] : memref<16x65536xf32, #tpu.memory_space<hbm>> -> memref<1x1024xf32, #tpu.memory_space<hbm>>
    %dma_wait3A_326 = tpu.memref_squeeze %dma_wait3A_325 : memref<1x1024xf32, #tpu.memory_space<hbm>> -> memref<1024xf32, #tpu.memory_space<hbm>>
    %dma_wait3A_327 = arith.constant 8256 : i32
    %dma_wait3A_328 = tpu.memref_slice %arg20[%dma_wait3A_327] : memref<16512xf32, #tpu.memory_space<vmem>> -> memref<1024xf32, #tpu.memory_space<vmem>>
    tpu.wait_dma2 semaphore(%arg22 : memref<!tpu.dma_semaphore, #tpu.memory_space<semaphore_mem>>) src(%dma_wait3A_328 : memref<1024xf32, #tpu.memory_space<vmem>>) dst(%dma_wait3A_326 : memref<1024xf32, #tpu.memory_space<hbm>>)
    %dma_wait3A_329 = arith.constant 9 : i32
    %dma_wait3A_330 = arith.constant 9288 : i32
    %dma_wait3A_331 = tpu.memref_slice %arg20[%dma_wait3A_330] : memref<16512xf32, #tpu.memory_space<vmem>> -> memref<1024xf32, #tpu.memory_space<vmem>>
    %dma_wait3A_332 = tpu.memref_slice %arg5[%dma_wait3A_329, %add3A_141] : memref<16x65536xf32, #tpu.memory_space<hbm>> -> memref<1x1024xf32, #tpu.memory_space<hbm>>
    %dma_wait3A_333 = tpu.memref_squeeze %dma_wait3A_332 : memref<1x1024xf32, #tpu.memory_space<hbm>> -> memref<1024xf32, #tpu.memory_space<hbm>>
    %dma_wait3A_334 = tpu.memref_slice %arg5[%dma_wait3A_329, %add3A_141] : memref<16x65536xf32, #tpu.memory_space<hbm>> -> memref<1x1024xf32, #tpu.memory_space<hbm>>
    %dma_wait3A_335 = tpu.memref_squeeze %dma_wait3A_334 : memref<1x1024xf32, #tpu.memory_space<hbm>> -> memref<1024xf32, #tpu.memory_space<hbm>>
    %dma_wait3A_336 = arith.constant 9288 : i32
    %dma_wait3A_337 = tpu.memref_slice %arg20[%dma_wait3A_336] : memref<16512xf32, #tpu.memory_space<vmem>> -> memref<1024xf32, #tpu.memory_space<vmem>>
    tpu.wait_dma2 semaphore(%arg22 : memref<!tpu.dma_semaphore, #tpu.memory_space<semaphore_mem>>) src(%dma_wait3A_337 : memref<1024xf32, #tpu.memory_space<vmem>>) dst(%dma_wait3A_335 : memref<1024xf32, #tpu.memory_space<hbm>>)
    %dma_wait3A_338 = arith.constant 10 : i32
    %dma_wait3A_339 = arith.constant 10320 : i32
    %dma_wait3A_340 = tpu.memref_slice %arg20[%dma_wait3A_339] : memref<16512xf32, #tpu.memory_space<vmem>> -> memref<1024xf32, #tpu.memory_space<vmem>>
    %dma_wait3A_341 = tpu.memref_slice %arg5[%dma_wait3A_338, %add3A_152] : memref<16x65536xf32, #tpu.memory_space<hbm>> -> memref<1x1024xf32, #tpu.memory_space<hbm>>
    %dma_wait3A_342 = tpu.memref_squeeze %dma_wait3A_341 : memref<1x1024xf32, #tpu.memory_space<hbm>> -> memref<1024xf32, #tpu.memory_space<hbm>>
    %dma_wait3A_343 = tpu.memref_slice %arg5[%dma_wait3A_338, %add3A_152] : memref<16x65536xf32, #tpu.memory_space<hbm>> -> memref<1x1024xf32, #tpu.memory_space<hbm>>
    %dma_wait3A_344 = tpu.memref_squeeze %dma_wait3A_343 : memref<1x1024xf32, #tpu.memory_space<hbm>> -> memref<1024xf32, #tpu.memory_space<hbm>>
    %dma_wait3A_345 = arith.constant 10320 : i32
    %dma_wait3A_346 = tpu.memref_slice %arg20[%dma_wait3A_345] : memref<16512xf32, #tpu.memory_space<vmem>> -> memref<1024xf32, #tpu.memory_space<vmem>>
    tpu.wait_dma2 semaphore(%arg22 : memref<!tpu.dma_semaphore, #tpu.memory_space<semaphore_mem>>) src(%dma_wait3A_346 : memref<1024xf32, #tpu.memory_space<vmem>>) dst(%dma_wait3A_344 : memref<1024xf32, #tpu.memory_space<hbm>>)
    %dma_wait3A_347 = arith.constant 11 : i32
    %dma_wait3A_348 = arith.constant 11352 : i32
    %dma_wait3A_349 = tpu.memref_slice %arg20[%dma_wait3A_348] : memref<16512xf32, #tpu.memory_space<vmem>> -> memref<1024xf32, #tpu.memory_space<vmem>>
    %dma_wait3A_350 = tpu.memref_slice %arg5[%dma_wait3A_347, %add3A_163] : memref<16x65536xf32, #tpu.memory_space<hbm>> -> memref<1x1024xf32, #tpu.memory_space<hbm>>
    %dma_wait3A_351 = tpu.memref_squeeze %dma_wait3A_350 : memref<1x1024xf32, #tpu.memory_space<hbm>> -> memref<1024xf32, #tpu.memory_space<hbm>>
    %dma_wait3A_352 = tpu.memref_slice %arg5[%dma_wait3A_347, %add3A_163] : memref<16x65536xf32, #tpu.memory_space<hbm>> -> memref<1x1024xf32, #tpu.memory_space<hbm>>
    %dma_wait3A_353 = tpu.memref_squeeze %dma_wait3A_352 : memref<1x1024xf32, #tpu.memory_space<hbm>> -> memref<1024xf32, #tpu.memory_space<hbm>>
    %dma_wait3A_354 = arith.constant 11352 : i32
    %dma_wait3A_355 = tpu.memref_slice %arg20[%dma_wait3A_354] : memref<16512xf32, #tpu.memory_space<vmem>> -> memref<1024xf32, #tpu.memory_space<vmem>>
    tpu.wait_dma2 semaphore(%arg22 : memref<!tpu.dma_semaphore, #tpu.memory_space<semaphore_mem>>) src(%dma_wait3A_355 : memref<1024xf32, #tpu.memory_space<vmem>>) dst(%dma_wait3A_353 : memref<1024xf32, #tpu.memory_space<hbm>>)
    %dma_wait3A_356 = arith.constant 12 : i32
    %dma_wait3A_357 = arith.constant 12384 : i32
    %dma_wait3A_358 = tpu.memref_slice %arg20[%dma_wait3A_357] : memref<16512xf32, #tpu.memory_space<vmem>> -> memref<1024xf32, #tpu.memory_space<vmem>>
    %dma_wait3A_359 = tpu.memref_slice %arg5[%dma_wait3A_356, %add3A_174] : memref<16x65536xf32, #tpu.memory_space<hbm>> -> memref<1x1024xf32, #tpu.memory_space<hbm>>
    %dma_wait3A_360 = tpu.memref_squeeze %dma_wait3A_359 : memref<1x1024xf32, #tpu.memory_space<hbm>> -> memref<1024xf32, #tpu.memory_space<hbm>>
    %dma_wait3A_361 = tpu.memref_slice %arg5[%dma_wait3A_356, %add3A_174] : memref<16x65536xf32, #tpu.memory_space<hbm>> -> memref<1x1024xf32, #tpu.memory_space<hbm>>
    %dma_wait3A_362 = tpu.memref_squeeze %dma_wait3A_361 : memref<1x1024xf32, #tpu.memory_space<hbm>> -> memref<1024xf32, #tpu.memory_space<hbm>>
    %dma_wait3A_363 = arith.constant 12384 : i32
    %dma_wait3A_364 = tpu.memref_slice %arg20[%dma_wait3A_363] : memref<16512xf32, #tpu.memory_space<vmem>> -> memref<1024xf32, #tpu.memory_space<vmem>>
    tpu.wait_dma2 semaphore(%arg22 : memref<!tpu.dma_semaphore, #tpu.memory_space<semaphore_mem>>) src(%dma_wait3A_364 : memref<1024xf32, #tpu.memory_space<vmem>>) dst(%dma_wait3A_362 : memref<1024xf32, #tpu.memory_space<hbm>>)
    %dma_wait3A_365 = arith.constant 13 : i32
    %dma_wait3A_366 = arith.constant 13416 : i32
    %dma_wait3A_367 = tpu.memref_slice %arg20[%dma_wait3A_366] : memref<16512xf32, #tpu.memory_space<vmem>> -> memref<1024xf32, #tpu.memory_space<vmem>>
    %dma_wait3A_368 = tpu.memref_slice %arg5[%dma_wait3A_365, %add3A_185] : memref<16x65536xf32, #tpu.memory_space<hbm>> -> memref<1x1024xf32, #tpu.memory_space<hbm>>
    %dma_wait3A_369 = tpu.memref_squeeze %dma_wait3A_368 : memref<1x1024xf32, #tpu.memory_space<hbm>> -> memref<1024xf32, #tpu.memory_space<hbm>>
    %dma_wait3A_370 = tpu.memref_slice %arg5[%dma_wait3A_365, %add3A_185] : memref<16x65536xf32, #tpu.memory_space<hbm>> -> memref<1x1024xf32, #tpu.memory_space<hbm>>
    %dma_wait3A_371 = tpu.memref_squeeze %dma_wait3A_370 : memref<1x1024xf32, #tpu.memory_space<hbm>> -> memref<1024xf32, #tpu.memory_space<hbm>>
    %dma_wait3A_372 = arith.constant 13416 : i32
    %dma_wait3A_373 = tpu.memref_slice %arg20[%dma_wait3A_372] : memref<16512xf32, #tpu.memory_space<vmem>> -> memref<1024xf32, #tpu.memory_space<vmem>>
    tpu.wait_dma2 semaphore(%arg22 : memref<!tpu.dma_semaphore, #tpu.memory_space<semaphore_mem>>) src(%dma_wait3A_373 : memref<1024xf32, #tpu.memory_space<vmem>>) dst(%dma_wait3A_371 : memref<1024xf32, #tpu.memory_space<hbm>>)
    %dma_wait3A_374 = arith.constant 14 : i32
    %dma_wait3A_375 = arith.constant 14448 : i32
    %dma_wait3A_376 = tpu.memref_slice %arg20[%dma_wait3A_375] : memref<16512xf32, #tpu.memory_space<vmem>> -> memref<1024xf32, #tpu.memory_space<vmem>>
    %dma_wait3A_377 = tpu.memref_slice %arg5[%dma_wait3A_374, %add3A_196] : memref<16x65536xf32, #tpu.memory_space<hbm>> -> memref<1x1024xf32, #tpu.memory_space<hbm>>
    %dma_wait3A_378 = tpu.memref_squeeze %dma_wait3A_377 : memref<1x1024xf32, #tpu.memory_space<hbm>> -> memref<1024xf32, #tpu.memory_space<hbm>>
    %dma_wait3A_379 = tpu.memref_slice %arg5[%dma_wait3A_374, %add3A_196] : memref<16x65536xf32, #tpu.memory_space<hbm>> -> memref<1x1024xf32, #tpu.memory_space<hbm>>
    %dma_wait3A_380 = tpu.memref_squeeze %dma_wait3A_379 : memref<1x1024xf32, #tpu.memory_space<hbm>> -> memref<1024xf32, #tpu.memory_space<hbm>>
    %dma_wait3A_381 = arith.constant 14448 : i32
    %dma_wait3A_382 = tpu.memref_slice %arg20[%dma_wait3A_381] : memref<16512xf32, #tpu.memory_space<vmem>> -> memref<1024xf32, #tpu.memory_space<vmem>>
    tpu.wait_dma2 semaphore(%arg22 : memref<!tpu.dma_semaphore, #tpu.memory_space<semaphore_mem>>) src(%dma_wait3A_382 : memref<1024xf32, #tpu.memory_space<vmem>>) dst(%dma_wait3A_380 : memref<1024xf32, #tpu.memory_space<hbm>>)
    %dma_wait3A_383 = arith.constant 15 : i32
    %dma_wait3A_384 = arith.constant 15480 : i32
    %dma_wait3A_385 = tpu.memref_slice %arg20[%dma_wait3A_384] : memref<16512xf32, #tpu.memory_space<vmem>> -> memref<1024xf32, #tpu.memory_space<vmem>>
    %dma_wait3A_386 = tpu.memref_slice %arg5[%dma_wait3A_383, %add3A_207] : memref<16x65536xf32, #tpu.memory_space<hbm>> -> memref<1x1024xf32, #tpu.memory_space<hbm>>
    %dma_wait3A_387 = tpu.memref_squeeze %dma_wait3A_386 : memref<1x1024xf32, #tpu.memory_space<hbm>> -> memref<1024xf32, #tpu.memory_space<hbm>>
    %dma_wait3A_388 = tpu.memref_slice %arg5[%dma_wait3A_383, %add3A_207] : memref<16x65536xf32, #tpu.memory_space<hbm>> -> memref<1x1024xf32, #tpu.memory_space<hbm>>
    %dma_wait3A_389 = tpu.memref_squeeze %dma_wait3A_388 : memref<1x1024xf32, #tpu.memory_space<hbm>> -> memref<1024xf32, #tpu.memory_space<hbm>>
    %dma_wait3A_390 = arith.constant 15480 : i32
    %dma_wait3A_391 = tpu.memref_slice %arg20[%dma_wait3A_390] : memref<16512xf32, #tpu.memory_space<vmem>> -> memref<1024xf32, #tpu.memory_space<vmem>>
    tpu.wait_dma2 semaphore(%arg22 : memref<!tpu.dma_semaphore, #tpu.memory_space<semaphore_mem>>) src(%dma_wait3A_391 : memref<1024xf32, #tpu.memory_space<vmem>>) dst(%dma_wait3A_389 : memref<1024xf32, #tpu.memory_space<hbm>>)
    %scan3A_392 = arith.constant 0 : i32
    %scan3A_393 = arith.constant 0 : i32
    %scan3A_394 = arith.constant 64 : i32
    %scan3A_395 = arith.addi %scan3A_393, %scan3A_394 : i32
    %scan3A_396 = arith.constant 1 : i32
    %scan3A_397 = scf.for %scan3A_719 = %scan3A_393 to %scan3A_395 step %scan3A_396 iter_args(%scan3A_720 = %scan3A_392) -> (i32)  : i32 {
      %mul3A_721 = arith.constant 16 : i32
      %mul3A_722 = arith.muli %scan3A_719, %mul3A_721 : i32
      %get3A = arith.index_cast %mul3A_722 : i32 to index
      %get3A_723 = tpu.vector_load %arg12[%get3A] {strides = array<i32>} : memref<1024xf32, #tpu.memory_space<vmem>>, vector<16xf32>,
      %get3A_724 = arith.index_cast %mul3A_722 : i32 to index
      %get3A_725 = tpu.vector_load %arg13[%get3A_724] {strides = array<i32>} : memref<1024xf32, #tpu.memory_space<vmem>>, vector<16xf32>,
      %get3A_726 = arith.index_cast %mul3A_722 : i32 to index
      %get3A_727 = tpu.vector_load %arg14[%get3A_726] {strides = array<i32>} : memref<1024xf32, #tpu.memory_space<vmem>>, vector<16xf32>,
      %get3A_728 = arith.index_cast %mul3A_722 : i32 to index
      %get3A_729 = tpu.vector_load %arg15[%get3A_728] {strides = array<i32>} : memref<1024xf32, #tpu.memory_space<vmem>>, vector<16xf32>,
      %mul3A_730 = arith.constant 16 : i32
      %mul3A_731 = arith.muli %scan3A_719, %mul3A_730 : i32
      %add3A_732 = arith.constant 0 : i32
      %add3A_733 = arith.addi %mul3A_731, %add3A_732 : i32
      %slice3A = vector.extract_strided_slice %get3A_723 {offsets = [0], sizes = [1], strides = [1]} : vector<16xf32> to vector<1xf32>
      %squeeze3A = vector.extract %slice3A[0] : f32 from vector<1xf32>
      %get3A_734 = arith.index_cast %add3A_733 : i32 to index
      %get3A_735 = arith.constant 0 : index
      %get3A_736 = tpu.vector_load %arg16[%get3A_734, %get3A_735] {strides = array<i32>} : memref<1024x16xf32, #tpu.memory_space<vmem>>, vector<16xf32>,
      %mul3A_737 = vector.broadcast %squeeze3A : f32 to vector<16xf32>
      %mul3A_738 = arith.mulf %mul3A_737, %get3A_736 : vector<16xf32>
      %slice3A_739 = vector.extract_strided_slice %get3A_725 {offsets = [0], sizes = [1], strides = [1]} : vector<16xf32> to vector<1xf32>
      %squeeze3A_740 = vector.extract %slice3A_739[0] : f32 from vector<1xf32>
      %get3A_741 = arith.index_cast %add3A_733 : i32 to index
      %get3A_742 = arith.constant 0 : index
      %get3A_743 = tpu.vector_load %arg17[%get3A_741, %get3A_742] {strides = array<i32>} : memref<1024x16xf32, #tpu.memory_space<vmem>>, vector<16xf32>,
      %mul3A_744 = vector.broadcast %squeeze3A_740 : f32 to vector<16xf32>
      %mul3A_745 = arith.mulf %mul3A_744, %get3A_743 : vector<16xf32>
      %add3A_746 = arith.addf %mul3A_738, %mul3A_745 : vector<16xf32>
      %slice3A_747 = vector.extract_strided_slice %get3A_727 {offsets = [0], sizes = [1], strides = [1]} : vector<16xf32> to vector<1xf32>
      %squeeze3A_748 = vector.extract %slice3A_747[0] : f32 from vector<1xf32>
      %get3A_749 = arith.index_cast %add3A_733 : i32 to index
      %get3A_750 = arith.constant 0 : index
      %get3A_751 = tpu.vector_load %arg18[%get3A_749, %get3A_750] {strides = array<i32>} : memref<1024x16xf32, #tpu.memory_space<vmem>>, vector<16xf32>,
      %mul3A_752 = vector.broadcast %squeeze3A_748 : f32 to vector<16xf32>
      %mul3A_753 = arith.mulf %mul3A_752, %get3A_751 : vector<16xf32>
      %slice3A_754 = vector.extract_strided_slice %get3A_729 {offsets = [0], sizes = [1], strides = [1]} : vector<16xf32> to vector<1xf32>
      %squeeze3A_755 = vector.extract %slice3A_754[0] : f32 from vector<1xf32>
      %get3A_756 = arith.index_cast %add3A_733 : i32 to index
      %get3A_757 = arith.constant 0 : index
      %get3A_758 = tpu.vector_load %arg19[%get3A_756, %get3A_757] {strides = array<i32>} : memref<1024x16xf32, #tpu.memory_space<vmem>>, vector<16xf32>,
      %mul3A_759 = vector.broadcast %squeeze3A_755 : f32 to vector<16xf32>
      %mul3A_760 = arith.mulf %mul3A_759, %get3A_758 : vector<16xf32>
      %add3A_761 = arith.addf %mul3A_753, %mul3A_760 : vector<16xf32>
      %add3A_762 = arith.addf %add3A_746, %add3A_761 : vector<16xf32>
      %add3A_763 = vector.broadcast %add3A_733 : i32 to vector<16xi32>
      %add3A_764 = arith.addi %mul3A_5, %add3A_763 : vector<16xi32>
      tpu.vector_store_idx %arg20[%add3A_764], %add3A_762 : memref<16512xf32, #tpu.memory_space<vmem>>[vector<16xi32>], vector<16xf32>,
      %mul3A_765 = arith.constant 16 : i32
      %mul3A_766 = arith.muli %scan3A_719, %mul3A_765 : i32
      %add3A_767 = arith.constant 1 : i32
      %add3A_768 = arith.addi %mul3A_766, %add3A_767 : i32
      %slice3A_769 = vector.extract_strided_slice %get3A_723 {offsets = [1], sizes = [1], strides = [1]} : vector<16xf32> to vector<1xf32>
      %squeeze3A_770 = vector.extract %slice3A_769[0] : f32 from vector<1xf32>
      %get3A_771 = arith.index_cast %add3A_768 : i32 to index
      %get3A_772 = arith.constant 0 : index
      %get3A_773 = tpu.vector_load %arg16[%get3A_771, %get3A_772] {strides = array<i32>} : memref<1024x16xf32, #tpu.memory_space<vmem>>, vector<16xf32>,
      %mul3A_774 = vector.broadcast %squeeze3A_770 : f32 to vector<16xf32>
      %mul3A_775 = arith.mulf %mul3A_774, %get3A_773 : vector<16xf32>
      %slice3A_776 = vector.extract_strided_slice %get3A_725 {offsets = [1], sizes = [1], strides = [1]} : vector<16xf32> to vector<1xf32>
      %squeeze3A_777 = vector.extract %slice3A_776[0] : f32 from vector<1xf32>
      %get3A_778 = arith.index_cast %add3A_768 : i32 to index
      %get3A_779 = arith.constant 0 : index
      %get3A_780 = tpu.vector_load %arg17[%get3A_778, %get3A_779] {strides = array<i32>} : memref<1024x16xf32, #tpu.memory_space<vmem>>, vector<16xf32>,
      %mul3A_781 = vector.broadcast %squeeze3A_777 : f32 to vector<16xf32>
      %mul3A_782 = arith.mulf %mul3A_781, %get3A_780 : vector<16xf32>
      %add3A_783 = arith.addf %mul3A_775, %mul3A_782 : vector<16xf32>
      %slice3A_784 = vector.extract_strided_slice %get3A_727 {offsets = [1], sizes = [1], strides = [1]} : vector<16xf32> to vector<1xf32>
      %squeeze3A_785 = vector.extract %slice3A_784[0] : f32 from vector<1xf32>
      %get3A_786 = arith.index_cast %add3A_768 : i32 to index
      %get3A_787 = arith.constant 0 : index
      %get3A_788 = tpu.vector_load %arg18[%get3A_786, %get3A_787] {strides = array<i32>} : memref<1024x16xf32, #tpu.memory_space<vmem>>, vector<16xf32>,
      %mul3A_789 = vector.broadcast %squeeze3A_785 : f32 to vector<16xf32>
      %mul3A_790 = arith.mulf %mul3A_789, %get3A_788 : vector<16xf32>
      %slice3A_791 = vector.extract_strided_slice %get3A_729 {offsets = [1], sizes = [1], strides = [1]} : vector<16xf32> to vector<1xf32>
      %squeeze3A_792 = vector.extract %slice3A_791[0] : f32 from vector<1xf32>
      %get3A_793 = arith.index_cast %add3A_768 : i32 to index
      %get3A_794 = arith.constant 0 : index
      %get3A_795 = tpu.vector_load %arg19[%get3A_793, %get3A_794] {strides = array<i32>} : memref<1024x16xf32, #tpu.memory_space<vmem>>, vector<16xf32>,
      %mul3A_796 = vector.broadcast %squeeze3A_792 : f32 to vector<16xf32>
      %mul3A_797 = arith.mulf %mul3A_796, %get3A_795 : vector<16xf32>
      %add3A_798 = arith.addf %mul3A_790, %mul3A_797 : vector<16xf32>
      %add3A_799 = arith.addf %add3A_783, %add3A_798 : vector<16xf32>
      %add3A_800 = vector.broadcast %add3A_768 : i32 to vector<16xi32>
      %add3A_801 = arith.addi %mul3A_5, %add3A_800 : vector<16xi32>
      tpu.vector_store_idx %arg20[%add3A_801], %add3A_799 : memref<16512xf32, #tpu.memory_space<vmem>>[vector<16xi32>], vector<16xf32>,
      %mul3A_802 = arith.constant 16 : i32
      %mul3A_803 = arith.muli %scan3A_719, %mul3A_802 : i32
      %add3A_804 = arith.constant 2 : i32
      %add3A_805 = arith.addi %mul3A_803, %add3A_804 : i32
      %slice3A_806 = vector.extract_strided_slice %get3A_723 {offsets = [2], sizes = [1], strides = [1]} : vector<16xf32> to vector<1xf32>
      %squeeze3A_807 = vector.extract %slice3A_806[0] : f32 from vector<1xf32>
      %get3A_808 = arith.index_cast %add3A_805 : i32 to index
      %get3A_809 = arith.constant 0 : index
      %get3A_810 = tpu.vector_load %arg16[%get3A_808, %get3A_809] {strides = array<i32>} : memref<1024x16xf32, #tpu.memory_space<vmem>>, vector<16xf32>,
      %mul3A_811 = vector.broadcast %squeeze3A_807 : f32 to vector<16xf32>
      %mul3A_812 = arith.mulf %mul3A_811, %get3A_810 : vector<16xf32>
      %slice3A_813 = vector.extract_strided_slice %get3A_725 {offsets = [2], sizes = [1], strides = [1]} : vector<16xf32> to vector<1xf32>
      %squeeze3A_814 = vector.extract %slice3A_813[0] : f32 from vector<1xf32>
      %get3A_815 = arith.index_cast %add3A_805 : i32 to index
      %get3A_816 = arith.constant 0 : index
      %get3A_817 = tpu.vector_load %arg17[%get3A_815, %get3A_816] {strides = array<i32>} : memref<1024x16xf32, #tpu.memory_space<vmem>>, vector<16xf32>,
      %mul3A_818 = vector.broadcast %squeeze3A_814 : f32 to vector<16xf32>
      %mul3A_819 = arith.mulf %mul3A_818, %get3A_817 : vector<16xf32>
      %add3A_820 = arith.addf %mul3A_812, %mul3A_819 : vector<16xf32>
      %slice3A_821 = vector.extract_strided_slice %get3A_727 {offsets = [2], sizes = [1], strides = [1]} : vector<16xf32> to vector<1xf32>
      %squeeze3A_822 = vector.extract %slice3A_821[0] : f32 from vector<1xf32>
      %get3A_823 = arith.index_cast %add3A_805 : i32 to index
      %get3A_824 = arith.constant 0 : index
      %get3A_825 = tpu.vector_load %arg18[%get3A_823, %get3A_824] {strides = array<i32>} : memref<1024x16xf32, #tpu.memory_space<vmem>>, vector<16xf32>,
      %mul3A_826 = vector.broadcast %squeeze3A_822 : f32 to vector<16xf32>
      %mul3A_827 = arith.mulf %mul3A_826, %get3A_825 : vector<16xf32>
      %slice3A_828 = vector.extract_strided_slice %get3A_729 {offsets = [2], sizes = [1], strides = [1]} : vector<16xf32> to vector<1xf32>
      %squeeze3A_829 = vector.extract %slice3A_828[0] : f32 from vector<1xf32>
      %get3A_830 = arith.index_cast %add3A_805 : i32 to index
      %get3A_831 = arith.constant 0 : index
      %get3A_832 = tpu.vector_load %arg19[%get3A_830, %get3A_831] {strides = array<i32>} : memref<1024x16xf32, #tpu.memory_space<vmem>>, vector<16xf32>,
      %mul3A_833 = vector.broadcast %squeeze3A_829 : f32 to vector<16xf32>
      %mul3A_834 = arith.mulf %mul3A_833, %get3A_832 : vector<16xf32>
      %add3A_835 = arith.addf %mul3A_827, %mul3A_834 : vector<16xf32>
      %add3A_836 = arith.addf %add3A_820, %add3A_835 : vector<16xf32>
      %add3A_837 = vector.broadcast %add3A_805 : i32 to vector<16xi32>
      %add3A_838 = arith.addi %mul3A_5, %add3A_837 : vector<16xi32>
      tpu.vector_store_idx %arg20[%add3A_838], %add3A_836 : memref<16512xf32, #tpu.memory_space<vmem>>[vector<16xi32>], vector<16xf32>,
      %mul3A_839 = arith.constant 16 : i32
      %mul3A_840 = arith.muli %scan3A_719, %mul3A_839 : i32
      %add3A_841 = arith.constant 3 : i32
      %add3A_842 = arith.addi %mul3A_840, %add3A_841 : i32
      %slice3A_843 = vector.extract_strided_slice %get3A_723 {offsets = [3], sizes = [1], strides = [1]} : vector<16xf32> to vector<1xf32>
      %squeeze3A_844 = vector.extract %slice3A_843[0] : f32 from vector<1xf32>
      %get3A_845 = arith.index_cast %add3A_842 : i32 to index
      %get3A_846 = arith.constant 0 : index
      %get3A_847 = tpu.vector_load %arg16[%get3A_845, %get3A_846] {strides = array<i32>} : memref<1024x16xf32, #tpu.memory_space<vmem>>, vector<16xf32>,
      %mul3A_848 = vector.broadcast %squeeze3A_844 : f32 to vector<16xf32>
      %mul3A_849 = arith.mulf %mul3A_848, %get3A_847 : vector<16xf32>
      %slice3A_850 = vector.extract_strided_slice %get3A_725 {offsets = [3], sizes = [1], strides = [1]} : vector<16xf32> to vector<1xf32>
      %squeeze3A_851 = vector.extract %slice3A_850[0] : f32 from vector<1xf32>
      %get3A_852 = arith.index_cast %add3A_842 : i32 to index
      %get3A_853 = arith.constant 0 : index
      %get3A_854 = tpu.vector_load %arg17[%get3A_852, %get3A_853] {strides = array<i32>} : memref<1024x16xf32, #tpu.memory_space<vmem>>, vector<16xf32>,
      %mul3A_855 = vector.broadcast %squeeze3A_851 : f32 to vector<16xf32>
      %mul3A_856 = arith.mulf %mul3A_855, %get3A_854 : vector<16xf32>
      %add3A_857 = arith.addf %mul3A_849, %mul3A_856 : vector<16xf32>
      %slice3A_858 = vector.extract_strided_slice %get3A_727 {offsets = [3], sizes = [1], strides = [1]} : vector<16xf32> to vector<1xf32>
      %squeeze3A_859 = vector.extract %slice3A_858[0] : f32 from vector<1xf32>
      %get3A_860 = arith.index_cast %add3A_842 : i32 to index
      %get3A_861 = arith.constant 0 : index
      %get3A_862 = tpu.vector_load %arg18[%get3A_860, %get3A_861] {strides = array<i32>} : memref<1024x16xf32, #tpu.memory_space<vmem>>, vector<16xf32>,
      %mul3A_863 = vector.broadcast %squeeze3A_859 : f32 to vector<16xf32>
      %mul3A_864 = arith.mulf %mul3A_863, %get3A_862 : vector<16xf32>
      %slice3A_865 = vector.extract_strided_slice %get3A_729 {offsets = [3], sizes = [1], strides = [1]} : vector<16xf32> to vector<1xf32>
      %squeeze3A_866 = vector.extract %slice3A_865[0] : f32 from vector<1xf32>
      %get3A_867 = arith.index_cast %add3A_842 : i32 to index
      %get3A_868 = arith.constant 0 : index
      %get3A_869 = tpu.vector_load %arg19[%get3A_867, %get3A_868] {strides = array<i32>} : memref<1024x16xf32, #tpu.memory_space<vmem>>, vector<16xf32>,
      %mul3A_870 = vector.broadcast %squeeze3A_866 : f32 to vector<16xf32>
      %mul3A_871 = arith.mulf %mul3A_870, %get3A_869 : vector<16xf32>
      %add3A_872 = arith.addf %mul3A_864, %mul3A_871 : vector<16xf32>
      %add3A_873 = arith.addf %add3A_857, %add3A_872 : vector<16xf32>
      %add3A_874 = vector.broadcast %add3A_842 : i32 to vector<16xi32>
      %add3A_875 = arith.addi %mul3A_5, %add3A_874 : vector<16xi32>
      tpu.vector_store_idx %arg20[%add3A_875], %add3A_873 : memref<16512xf32, #tpu.memory_space<vmem>>[vector<16xi32>], vector<16xf32>,
      %mul3A_876 = arith.constant 16 : i32
      %mul3A_877 = arith.muli %scan3A_719, %mul3A_876 : i32
      %add3A_878 = arith.constant 4 : i32
      %add3A_879 = arith.addi %mul3A_877, %add3A_878 : i32
      %slice3A_880 = vector.extract_strided_slice %get3A_723 {offsets = [4], sizes = [1], strides = [1]} : vector<16xf32> to vector<1xf32>
      %squeeze3A_881 = vector.extract %slice3A_880[0] : f32 from vector<1xf32>
      %get3A_882 = arith.index_cast %add3A_879 : i32 to index
      %get3A_883 = arith.constant 0 : index
      %get3A_884 = tpu.vector_load %arg16[%get3A_882, %get3A_883] {strides = array<i32>} : memref<1024x16xf32, #tpu.memory_space<vmem>>, vector<16xf32>,
      %mul3A_885 = vector.broadcast %squeeze3A_881 : f32 to vector<16xf32>
      %mul3A_886 = arith.mulf %mul3A_885, %get3A_884 : vector<16xf32>
      %slice3A_887 = vector.extract_strided_slice %get3A_725 {offsets = [4], sizes = [1], strides = [1]} : vector<16xf32> to vector<1xf32>
      %squeeze3A_888 = vector.extract %slice3A_887[0] : f32 from vector<1xf32>
      %get3A_889 = arith.index_cast %add3A_879 : i32 to index
      %get3A_890 = arith.constant 0 : index
      %get3A_891 = tpu.vector_load %arg17[%get3A_889, %get3A_890] {strides = array<i32>} : memref<1024x16xf32, #tpu.memory_space<vmem>>, vector<16xf32>,
      %mul3A_892 = vector.broadcast %squeeze3A_888 : f32 to vector<16xf32>
      %mul3A_893 = arith.mulf %mul3A_892, %get3A_891 : vector<16xf32>
      %add3A_894 = arith.addf %mul3A_886, %mul3A_893 : vector<16xf32>
      %slice3A_895 = vector.extract_strided_slice %get3A_727 {offsets = [4], sizes = [1], strides = [1]} : vector<16xf32> to vector<1xf32>
      %squeeze3A_896 = vector.extract %slice3A_895[0] : f32 from vector<1xf32>
      %get3A_897 = arith.index_cast %add3A_879 : i32 to index
      %get3A_898 = arith.constant 0 : index
      %get3A_899 = tpu.vector_load %arg18[%get3A_897, %get3A_898] {strides = array<i32>} : memref<1024x16xf32, #tpu.memory_space<vmem>>, vector<16xf32>,
      %mul3A_900 = vector.broadcast %squeeze3A_896 : f32 to vector<16xf32>
      %mul3A_901 = arith.mulf %mul3A_900, %get3A_899 : vector<16xf32>
      %slice3A_902 = vector.extract_strided_slice %get3A_729 {offsets = [4], sizes = [1], strides = [1]} : vector<16xf32> to vector<1xf32>
      %squeeze3A_903 = vector.extract %slice3A_902[0] : f32 from vector<1xf32>
      %get3A_904 = arith.index_cast %add3A_879 : i32 to index
      %get3A_905 = arith.constant 0 : index
      %get3A_906 = tpu.vector_load %arg19[%get3A_904, %get3A_905] {strides = array<i32>} : memref<1024x16xf32, #tpu.memory_space<vmem>>, vector<16xf32>,
      %mul3A_907 = vector.broadcast %squeeze3A_903 : f32 to vector<16xf32>
      %mul3A_908 = arith.mulf %mul3A_907, %get3A_906 : vector<16xf32>
      %add3A_909 = arith.addf %mul3A_901, %mul3A_908 : vector<16xf32>
      %add3A_910 = arith.addf %add3A_894, %add3A_909 : vector<16xf32>
      %add3A_911 = vector.broadcast %add3A_879 : i32 to vector<16xi32>
      %add3A_912 = arith.addi %mul3A_5, %add3A_911 : vector<16xi32>
      tpu.vector_store_idx %arg20[%add3A_912], %add3A_910 : memref<16512xf32, #tpu.memory_space<vmem>>[vector<16xi32>], vector<16xf32>,
      %mul3A_913 = arith.constant 16 : i32
      %mul3A_914 = arith.muli %scan3A_719, %mul3A_913 : i32
      %add3A_915 = arith.constant 5 : i32
      %add3A_916 = arith.addi %mul3A_914, %add3A_915 : i32
      %slice3A_917 = vector.extract_strided_slice %get3A_723 {offsets = [5], sizes = [1], strides = [1]} : vector<16xf32> to vector<1xf32>
      %squeeze3A_918 = vector.extract %slice3A_917[0] : f32 from vector<1xf32>
      %get3A_919 = arith.index_cast %add3A_916 : i32 to index
      %get3A_920 = arith.constant 0 : index
      %get3A_921 = tpu.vector_load %arg16[%get3A_919, %get3A_920] {strides = array<i32>} : memref<1024x16xf32, #tpu.memory_space<vmem>>, vector<16xf32>,
      %mul3A_922 = vector.broadcast %squeeze3A_918 : f32 to vector<16xf32>
      %mul3A_923 = arith.mulf %mul3A_922, %get3A_921 : vector<16xf32>
      %slice3A_924 = vector.extract_strided_slice %get3A_725 {offsets = [5], sizes = [1], strides = [1]} : vector<16xf32> to vector<1xf32>
      %squeeze3A_925 = vector.extract %slice3A_924[0] : f32 from vector<1xf32>
      %get3A_926 = arith.index_cast %add3A_916 : i32 to index
      %get3A_927 = arith.constant 0 : index
      %get3A_928 = tpu.vector_load %arg17[%get3A_926, %get3A_927] {strides = array<i32>} : memref<1024x16xf32, #tpu.memory_space<vmem>>, vector<16xf32>,
      %mul3A_929 = vector.broadcast %squeeze3A_925 : f32 to vector<16xf32>
      %mul3A_930 = arith.mulf %mul3A_929, %get3A_928 : vector<16xf32>
      %add3A_931 = arith.addf %mul3A_923, %mul3A_930 : vector<16xf32>
      %slice3A_932 = vector.extract_strided_slice %get3A_727 {offsets = [5], sizes = [1], strides = [1]} : vector<16xf32> to vector<1xf32>
      %squeeze3A_933 = vector.extract %slice3A_932[0] : f32 from vector<1xf32>
      %get3A_934 = arith.index_cast %add3A_916 : i32 to index
      %get3A_935 = arith.constant 0 : index
      %get3A_936 = tpu.vector_load %arg18[%get3A_934, %get3A_935] {strides = array<i32>} : memref<1024x16xf32, #tpu.memory_space<vmem>>, vector<16xf32>,
      %mul3A_937 = vector.broadcast %squeeze3A_933 : f32 to vector<16xf32>
      %mul3A_938 = arith.mulf %mul3A_937, %get3A_936 : vector<16xf32>
      %slice3A_939 = vector.extract_strided_slice %get3A_729 {offsets = [5], sizes = [1], strides = [1]} : vector<16xf32> to vector<1xf32>
      %squeeze3A_940 = vector.extract %slice3A_939[0] : f32 from vector<1xf32>
      %get3A_941 = arith.index_cast %add3A_916 : i32 to index
      %get3A_942 = arith.constant 0 : index
      %get3A_943 = tpu.vector_load %arg19[%get3A_941, %get3A_942] {strides = array<i32>} : memref<1024x16xf32, #tpu.memory_space<vmem>>, vector<16xf32>,
      %mul3A_944 = vector.broadcast %squeeze3A_940 : f32 to vector<16xf32>
      %mul3A_945 = arith.mulf %mul3A_944, %get3A_943 : vector<16xf32>
      %add3A_946 = arith.addf %mul3A_938, %mul3A_945 : vector<16xf32>
      %add3A_947 = arith.addf %add3A_931, %add3A_946 : vector<16xf32>
      %add3A_948 = vector.broadcast %add3A_916 : i32 to vector<16xi32>
      %add3A_949 = arith.addi %mul3A_5, %add3A_948 : vector<16xi32>
      tpu.vector_store_idx %arg20[%add3A_949], %add3A_947 : memref<16512xf32, #tpu.memory_space<vmem>>[vector<16xi32>], vector<16xf32>,
      %mul3A_950 = arith.constant 16 : i32
      %mul3A_951 = arith.muli %scan3A_719, %mul3A_950 : i32
      %add3A_952 = arith.constant 6 : i32
      %add3A_953 = arith.addi %mul3A_951, %add3A_952 : i32
      %slice3A_954 = vector.extract_strided_slice %get3A_723 {offsets = [6], sizes = [1], strides = [1]} : vector<16xf32> to vector<1xf32>
      %squeeze3A_955 = vector.extract %slice3A_954[0] : f32 from vector<1xf32>
      %get3A_956 = arith.index_cast %add3A_953 : i32 to index
      %get3A_957 = arith.constant 0 : index
      %get3A_958 = tpu.vector_load %arg16[%get3A_956, %get3A_957] {strides = array<i32>} : memref<1024x16xf32, #tpu.memory_space<vmem>>, vector<16xf32>,
      %mul3A_959 = vector.broadcast %squeeze3A_955 : f32 to vector<16xf32>
      %mul3A_960 = arith.mulf %mul3A_959, %get3A_958 : vector<16xf32>
      %slice3A_961 = vector.extract_strided_slice %get3A_725 {offsets = [6], sizes = [1], strides = [1]} : vector<16xf32> to vector<1xf32>
      %squeeze3A_962 = vector.extract %slice3A_961[0] : f32 from vector<1xf32>
      %get3A_963 = arith.index_cast %add3A_953 : i32 to index
      %get3A_964 = arith.constant 0 : index
      %get3A_965 = tpu.vector_load %arg17[%get3A_963, %get3A_964] {strides = array<i32>} : memref<1024x16xf32, #tpu.memory_space<vmem>>, vector<16xf32>,
      %mul3A_966 = vector.broadcast %squeeze3A_962 : f32 to vector<16xf32>
      %mul3A_967 = arith.mulf %mul3A_966, %get3A_965 : vector<16xf32>
      %add3A_968 = arith.addf %mul3A_960, %mul3A_967 : vector<16xf32>
      %slice3A_969 = vector.extract_strided_slice %get3A_727 {offsets = [6], sizes = [1], strides = [1]} : vector<16xf32> to vector<1xf32>
      %squeeze3A_970 = vector.extract %slice3A_969[0] : f32 from vector<1xf32>
      %get3A_971 = arith.index_cast %add3A_953 : i32 to index
      %get3A_972 = arith.constant 0 : index
      %get3A_973 = tpu.vector_load %arg18[%get3A_971, %get3A_972] {strides = array<i32>} : memref<1024x16xf32, #tpu.memory_space<vmem>>, vector<16xf32>,
      %mul3A_974 = vector.broadcast %squeeze3A_970 : f32 to vector<16xf32>
      %mul3A_975 = arith.mulf %mul3A_974, %get3A_973 : vector<16xf32>
      %slice3A_976 = vector.extract_strided_slice %get3A_729 {offsets = [6], sizes = [1], strides = [1]} : vector<16xf32> to vector<1xf32>
      %squeeze3A_977 = vector.extract %slice3A_976[0] : f32 from vector<1xf32>
      %get3A_978 = arith.index_cast %add3A_953 : i32 to index
      %get3A_979 = arith.constant 0 : index
      %get3A_980 = tpu.vector_load %arg19[%get3A_978, %get3A_979] {strides = array<i32>} : memref<1024x16xf32, #tpu.memory_space<vmem>>, vector<16xf32>,
      %mul3A_981 = vector.broadcast %squeeze3A_977 : f32 to vector<16xf32>
      %mul3A_982 = arith.mulf %mul3A_981, %get3A_980 : vector<16xf32>
      %add3A_983 = arith.addf %mul3A_975, %mul3A_982 : vector<16xf32>
      %add3A_984 = arith.addf %add3A_968, %add3A_983 : vector<16xf32>
      %add3A_985 = vector.broadcast %add3A_953 : i32 to vector<16xi32>
      %add3A_986 = arith.addi %mul3A_5, %add3A_985 : vector<16xi32>
      tpu.vector_store_idx %arg20[%add3A_986], %add3A_984 : memref<16512xf32, #tpu.memory_space<vmem>>[vector<16xi32>], vector<16xf32>,
      %mul3A_987 = arith.constant 16 : i32
      %mul3A_988 = arith.muli %scan3A_719, %mul3A_987 : i32
      %add3A_989 = arith.constant 7 : i32
      %add3A_990 = arith.addi %mul3A_988, %add3A_989 : i32
      %slice3A_991 = vector.extract_strided_slice %get3A_723 {offsets = [7], sizes = [1], strides = [1]} : vector<16xf32> to vector<1xf32>
      %squeeze3A_992 = vector.extract %slice3A_991[0] : f32 from vector<1xf32>
      %get3A_993 = arith.index_cast %add3A_990 : i32 to index
      %get3A_994 = arith.constant 0 : index
      %get3A_995 = tpu.vector_load %arg16[%get3A_993, %get3A_994] {strides = array<i32>} : memref<1024x16xf32, #tpu.memory_space<vmem>>, vector<16xf32>,
      %mul3A_996 = vector.broadcast %squeeze3A_992 : f32 to vector<16xf32>
      %mul3A_997 = arith.mulf %mul3A_996, %get3A_995 : vector<16xf32>
      %slice3A_998 = vector.extract_strided_slice %get3A_725 {offsets = [7], sizes = [1], strides = [1]} : vector<16xf32> to vector<1xf32>
      %squeeze3A_999 = vector.extract %slice3A_998[0] : f32 from vector<1xf32>
      %get3A_1000 = arith.index_cast %add3A_990 : i32 to index
      %get3A_1001 = arith.constant 0 : index
      %get3A_1002 = tpu.vector_load %arg17[%get3A_1000, %get3A_1001] {strides = array<i32>} : memref<1024x16xf32, #tpu.memory_space<vmem>>, vector<16xf32>,
      %mul3A_1003 = vector.broadcast %squeeze3A_999 : f32 to vector<16xf32>
      %mul3A_1004 = arith.mulf %mul3A_1003, %get3A_1002 : vector<16xf32>
      %add3A_1005 = arith.addf %mul3A_997, %mul3A_1004 : vector<16xf32>
      %slice3A_1006 = vector.extract_strided_slice %get3A_727 {offsets = [7], sizes = [1], strides = [1]} : vector<16xf32> to vector<1xf32>
      %squeeze3A_1007 = vector.extract %slice3A_1006[0] : f32 from vector<1xf32>
      %get3A_1008 = arith.index_cast %add3A_990 : i32 to index
      %get3A_1009 = arith.constant 0 : index
      %get3A_1010 = tpu.vector_load %arg18[%get3A_1008, %get3A_1009] {strides = array<i32>} : memref<1024x16xf32, #tpu.memory_space<vmem>>, vector<16xf32>,
      %mul3A_1011 = vector.broadcast %squeeze3A_1007 : f32 to vector<16xf32>
      %mul3A_1012 = arith.mulf %mul3A_1011, %get3A_1010 : vector<16xf32>
      %slice3A_1013 = vector.extract_strided_slice %get3A_729 {offsets = [7], sizes = [1], strides = [1]} : vector<16xf32> to vector<1xf32>
      %squeeze3A_1014 = vector.extract %slice3A_1013[0] : f32 from vector<1xf32>
      %get3A_1015 = arith.index_cast %add3A_990 : i32 to index
      %get3A_1016 = arith.constant 0 : index
      %get3A_1017 = tpu.vector_load %arg19[%get3A_1015, %get3A_1016] {strides = array<i32>} : memref<1024x16xf32, #tpu.memory_space<vmem>>, vector<16xf32>,
      %mul3A_1018 = vector.broadcast %squeeze3A_1014 : f32 to vector<16xf32>
      %mul3A_1019 = arith.mulf %mul3A_1018, %get3A_1017 : vector<16xf32>
      %add3A_1020 = arith.addf %mul3A_1012, %mul3A_1019 : vector<16xf32>
      %add3A_1021 = arith.addf %add3A_1005, %add3A_1020 : vector<16xf32>
      %add3A_1022 = vector.broadcast %add3A_990 : i32 to vector<16xi32>
      %add3A_1023 = arith.addi %mul3A_5, %add3A_1022 : vector<16xi32>
      tpu.vector_store_idx %arg20[%add3A_1023], %add3A_1021 : memref<16512xf32, #tpu.memory_space<vmem>>[vector<16xi32>], vector<16xf32>,
      %mul3A_1024 = arith.constant 16 : i32
      %mul3A_1025 = arith.muli %scan3A_719, %mul3A_1024 : i32
      %add3A_1026 = arith.constant 8 : i32
      %add3A_1027 = arith.addi %mul3A_1025, %add3A_1026 : i32
      %slice3A_1028 = vector.extract_strided_slice %get3A_723 {offsets = [8], sizes = [1], strides = [1]} : vector<16xf32> to vector<1xf32>
      %squeeze3A_1029 = vector.extract %slice3A_1028[0] : f32 from vector<1xf32>
      %get3A_1030 = arith.index_cast %add3A_1027 : i32 to index
      %get3A_1031 = arith.constant 0 : index
      %get3A_1032 = tpu.vector_load %arg16[%get3A_1030, %get3A_1031] {strides = array<i32>} : memref<1024x16xf32, #tpu.memory_space<vmem>>, vector<16xf32>,
      %mul3A_1033 = vector.broadcast %squeeze3A_1029 : f32 to vector<16xf32>
      %mul3A_1034 = arith.mulf %mul3A_1033, %get3A_1032 : vector<16xf32>
      %slice3A_1035 = vector.extract_strided_slice %get3A_725 {offsets = [8], sizes = [1], strides = [1]} : vector<16xf32> to vector<1xf32>
      %squeeze3A_1036 = vector.extract %slice3A_1035[0] : f32 from vector<1xf32>
      %get3A_1037 = arith.index_cast %add3A_1027 : i32 to index
      %get3A_1038 = arith.constant 0 : index
      %get3A_1039 = tpu.vector_load %arg17[%get3A_1037, %get3A_1038] {strides = array<i32>} : memref<1024x16xf32, #tpu.memory_space<vmem>>, vector<16xf32>,
      %mul3A_1040 = vector.broadcast %squeeze3A_1036 : f32 to vector<16xf32>
      %mul3A_1041 = arith.mulf %mul3A_1040, %get3A_1039 : vector<16xf32>
      %add3A_1042 = arith.addf %mul3A_1034, %mul3A_1041 : vector<16xf32>
      %slice3A_1043 = vector.extract_strided_slice %get3A_727 {offsets = [8], sizes = [1], strides = [1]} : vector<16xf32> to vector<1xf32>
      %squeeze3A_1044 = vector.extract %slice3A_1043[0] : f32 from vector<1xf32>
      %get3A_1045 = arith.index_cast %add3A_1027 : i32 to index
      %get3A_1046 = arith.constant 0 : index
      %get3A_1047 = tpu.vector_load %arg18[%get3A_1045, %get3A_1046] {strides = array<i32>} : memref<1024x16xf32, #tpu.memory_space<vmem>>, vector<16xf32>,
      %mul3A_1048 = vector.broadcast %squeeze3A_1044 : f32 to vector<16xf32>
      %mul3A_1049 = arith.mulf %mul3A_1048, %get3A_1047 : vector<16xf32>
      %slice3A_1050 = vector.extract_strided_slice %get3A_729 {offsets = [8], sizes = [1], strides = [1]} : vector<16xf32> to vector<1xf32>
      %squeeze3A_1051 = vector.extract %slice3A_1050[0] : f32 from vector<1xf32>
      %get3A_1052 = arith.index_cast %add3A_1027 : i32 to index
      %get3A_1053 = arith.constant 0 : index
      %get3A_1054 = tpu.vector_load %arg19[%get3A_1052, %get3A_1053] {strides = array<i32>} : memref<1024x16xf32, #tpu.memory_space<vmem>>, vector<16xf32>,
      %mul3A_1055 = vector.broadcast %squeeze3A_1051 : f32 to vector<16xf32>
      %mul3A_1056 = arith.mulf %mul3A_1055, %get3A_1054 : vector<16xf32>
      %add3A_1057 = arith.addf %mul3A_1049, %mul3A_1056 : vector<16xf32>
      %add3A_1058 = arith.addf %add3A_1042, %add3A_1057 : vector<16xf32>
      %add3A_1059 = vector.broadcast %add3A_1027 : i32 to vector<16xi32>
      %add3A_1060 = arith.addi %mul3A_5, %add3A_1059 : vector<16xi32>
      tpu.vector_store_idx %arg20[%add3A_1060], %add3A_1058 : memref<16512xf32, #tpu.memory_space<vmem>>[vector<16xi32>], vector<16xf32>,
      %mul3A_1061 = arith.constant 16 : i32
      %mul3A_1062 = arith.muli %scan3A_719, %mul3A_1061 : i32
      %add3A_1063 = arith.constant 9 : i32
      %add3A_1064 = arith.addi %mul3A_1062, %add3A_1063 : i32
      %slice3A_1065 = vector.extract_strided_slice %get3A_723 {offsets = [9], sizes = [1], strides = [1]} : vector<16xf32> to vector<1xf32>
      %squeeze3A_1066 = vector.extract %slice3A_1065[0] : f32 from vector<1xf32>
      %get3A_1067 = arith.index_cast %add3A_1064 : i32 to index
      %get3A_1068 = arith.constant 0 : index
      %get3A_1069 = tpu.vector_load %arg16[%get3A_1067, %get3A_1068] {strides = array<i32>} : memref<1024x16xf32, #tpu.memory_space<vmem>>, vector<16xf32>,
      %mul3A_1070 = vector.broadcast %squeeze3A_1066 : f32 to vector<16xf32>
      %mul3A_1071 = arith.mulf %mul3A_1070, %get3A_1069 : vector<16xf32>
      %slice3A_1072 = vector.extract_strided_slice %get3A_725 {offsets = [9], sizes = [1], strides = [1]} : vector<16xf32> to vector<1xf32>
      %squeeze3A_1073 = vector.extract %slice3A_1072[0] : f32 from vector<1xf32>
      %get3A_1074 = arith.index_cast %add3A_1064 : i32 to index
      %get3A_1075 = arith.constant 0 : index
      %get3A_1076 = tpu.vector_load %arg17[%get3A_1074, %get3A_1075] {strides = array<i32>} : memref<1024x16xf32, #tpu.memory_space<vmem>>, vector<16xf32>,
      %mul3A_1077 = vector.broadcast %squeeze3A_1073 : f32 to vector<16xf32>
      %mul3A_1078 = arith.mulf %mul3A_1077, %get3A_1076 : vector<16xf32>
      %add3A_1079 = arith.addf %mul3A_1071, %mul3A_1078 : vector<16xf32>
      %slice3A_1080 = vector.extract_strided_slice %get3A_727 {offsets = [9], sizes = [1], strides = [1]} : vector<16xf32> to vector<1xf32>
      %squeeze3A_1081 = vector.extract %slice3A_1080[0] : f32 from vector<1xf32>
      %get3A_1082 = arith.index_cast %add3A_1064 : i32 to index
      %get3A_1083 = arith.constant 0 : index
      %get3A_1084 = tpu.vector_load %arg18[%get3A_1082, %get3A_1083] {strides = array<i32>} : memref<1024x16xf32, #tpu.memory_space<vmem>>, vector<16xf32>,
      %mul3A_1085 = vector.broadcast %squeeze3A_1081 : f32 to vector<16xf32>
      %mul3A_1086 = arith.mulf %mul3A_1085, %get3A_1084 : vector<16xf32>
      %slice3A_1087 = vector.extract_strided_slice %get3A_729 {offsets = [9], sizes = [1], strides = [1]} : vector<16xf32> to vector<1xf32>
      %squeeze3A_1088 = vector.extract %slice3A_1087[0] : f32 from vector<1xf32>
      %get3A_1089 = arith.index_cast %add3A_1064 : i32 to index
      %get3A_1090 = arith.constant 0 : index
      %get3A_1091 = tpu.vector_load %arg19[%get3A_1089, %get3A_1090] {strides = array<i32>} : memref<1024x16xf32, #tpu.memory_space<vmem>>, vector<16xf32>,
      %mul3A_1092 = vector.broadcast %squeeze3A_1088 : f32 to vector<16xf32>
      %mul3A_1093 = arith.mulf %mul3A_1092, %get3A_1091 : vector<16xf32>
      %add3A_1094 = arith.addf %mul3A_1086, %mul3A_1093 : vector<16xf32>
      %add3A_1095 = arith.addf %add3A_1079, %add3A_1094 : vector<16xf32>
      %add3A_1096 = vector.broadcast %add3A_1064 : i32 to vector<16xi32>
      %add3A_1097 = arith.addi %mul3A_5, %add3A_1096 : vector<16xi32>
      tpu.vector_store_idx %arg20[%add3A_1097], %add3A_1095 : memref<16512xf32, #tpu.memory_space<vmem>>[vector<16xi32>], vector<16xf32>,
      %mul3A_1098 = arith.constant 16 : i32
      %mul3A_1099 = arith.muli %scan3A_719, %mul3A_1098 : i32
      %add3A_1100 = arith.constant 10 : i32
      %add3A_1101 = arith.addi %mul3A_1099, %add3A_1100 : i32
      %slice3A_1102 = vector.extract_strided_slice %get3A_723 {offsets = [10], sizes = [1], strides = [1]} : vector<16xf32> to vector<1xf32>
      %squeeze3A_1103 = vector.extract %slice3A_1102[0] : f32 from vector<1xf32>
      %get3A_1104 = arith.index_cast %add3A_1101 : i32 to index
      %get3A_1105 = arith.constant 0 : index
      %get3A_1106 = tpu.vector_load %arg16[%get3A_1104, %get3A_1105] {strides = array<i32>} : memref<1024x16xf32, #tpu.memory_space<vmem>>, vector<16xf32>,
      %mul3A_1107 = vector.broadcast %squeeze3A_1103 : f32 to vector<16xf32>
      %mul3A_1108 = arith.mulf %mul3A_1107, %get3A_1106 : vector<16xf32>
      %slice3A_1109 = vector.extract_strided_slice %get3A_725 {offsets = [10], sizes = [1], strides = [1]} : vector<16xf32> to vector<1xf32>
      %squeeze3A_1110 = vector.extract %slice3A_1109[0] : f32 from vector<1xf32>
      %get3A_1111 = arith.index_cast %add3A_1101 : i32 to index
      %get3A_1112 = arith.constant 0 : index
      %get3A_1113 = tpu.vector_load %arg17[%get3A_1111, %get3A_1112] {strides = array<i32>} : memref<1024x16xf32, #tpu.memory_space<vmem>>, vector<16xf32>,
      %mul3A_1114 = vector.broadcast %squeeze3A_1110 : f32 to vector<16xf32>
      %mul3A_1115 = arith.mulf %mul3A_1114, %get3A_1113 : vector<16xf32>
      %add3A_1116 = arith.addf %mul3A_1108, %mul3A_1115 : vector<16xf32>
      %slice3A_1117 = vector.extract_strided_slice %get3A_727 {offsets = [10], sizes = [1], strides = [1]} : vector<16xf32> to vector<1xf32>
      %squeeze3A_1118 = vector.extract %slice3A_1117[0] : f32 from vector<1xf32>
      %get3A_1119 = arith.index_cast %add3A_1101 : i32 to index
      %get3A_1120 = arith.constant 0 : index
      %get3A_1121 = tpu.vector_load %arg18[%get3A_1119, %get3A_1120] {strides = array<i32>} : memref<1024x16xf32, #tpu.memory_space<vmem>>, vector<16xf32>,
      %mul3A_1122 = vector.broadcast %squeeze3A_1118 : f32 to vector<16xf32>
      %mul3A_1123 = arith.mulf %mul3A_1122, %get3A_1121 : vector<16xf32>
      %slice3A_1124 = vector.extract_strided_slice %get3A_729 {offsets = [10], sizes = [1], strides = [1]} : vector<16xf32> to vector<1xf32>
      %squeeze3A_1125 = vector.extract %slice3A_1124[0] : f32 from vector<1xf32>
      %get3A_1126 = arith.index_cast %add3A_1101 : i32 to index
      %get3A_1127 = arith.constant 0 : index
      %get3A_1128 = tpu.vector_load %arg19[%get3A_1126, %get3A_1127] {strides = array<i32>} : memref<1024x16xf32, #tpu.memory_space<vmem>>, vector<16xf32>,
      %mul3A_1129 = vector.broadcast %squeeze3A_1125 : f32 to vector<16xf32>
      %mul3A_1130 = arith.mulf %mul3A_1129, %get3A_1128 : vector<16xf32>
      %add3A_1131 = arith.addf %mul3A_1123, %mul3A_1130 : vector<16xf32>
      %add3A_1132 = arith.addf %add3A_1116, %add3A_1131 : vector<16xf32>
      %add3A_1133 = vector.broadcast %add3A_1101 : i32 to vector<16xi32>
      %add3A_1134 = arith.addi %mul3A_5, %add3A_1133 : vector<16xi32>
      tpu.vector_store_idx %arg20[%add3A_1134], %add3A_1132 : memref<16512xf32, #tpu.memory_space<vmem>>[vector<16xi32>], vector<16xf32>,
      %mul3A_1135 = arith.constant 16 : i32
      %mul3A_1136 = arith.muli %scan3A_719, %mul3A_1135 : i32
      %add3A_1137 = arith.constant 11 : i32
      %add3A_1138 = arith.addi %mul3A_1136, %add3A_1137 : i32
      %slice3A_1139 = vector.extract_strided_slice %get3A_723 {offsets = [11], sizes = [1], strides = [1]} : vector<16xf32> to vector<1xf32>
      %squeeze3A_1140 = vector.extract %slice3A_1139[0] : f32 from vector<1xf32>
      %get3A_1141 = arith.index_cast %add3A_1138 : i32 to index
      %get3A_1142 = arith.constant 0 : index
      %get3A_1143 = tpu.vector_load %arg16[%get3A_1141, %get3A_1142] {strides = array<i32>} : memref<1024x16xf32, #tpu.memory_space<vmem>>, vector<16xf32>,
      %mul3A_1144 = vector.broadcast %squeeze3A_1140 : f32 to vector<16xf32>
      %mul3A_1145 = arith.mulf %mul3A_1144, %get3A_1143 : vector<16xf32>
      %slice3A_1146 = vector.extract_strided_slice %get3A_725 {offsets = [11], sizes = [1], strides = [1]} : vector<16xf32> to vector<1xf32>
      %squeeze3A_1147 = vector.extract %slice3A_1146[0] : f32 from vector<1xf32>
      %get3A_1148 = arith.index_cast %add3A_1138 : i32 to index
      %get3A_1149 = arith.constant 0 : index
      %get3A_1150 = tpu.vector_load %arg17[%get3A_1148, %get3A_1149] {strides = array<i32>} : memref<1024x16xf32, #tpu.memory_space<vmem>>, vector<16xf32>,
      %mul3A_1151 = vector.broadcast %squeeze3A_1147 : f32 to vector<16xf32>
      %mul3A_1152 = arith.mulf %mul3A_1151, %get3A_1150 : vector<16xf32>
      %add3A_1153 = arith.addf %mul3A_1145, %mul3A_1152 : vector<16xf32>
      %slice3A_1154 = vector.extract_strided_slice %get3A_727 {offsets = [11], sizes = [1], strides = [1]} : vector<16xf32> to vector<1xf32>
      %squeeze3A_1155 = vector.extract %slice3A_1154[0] : f32 from vector<1xf32>
      %get3A_1156 = arith.index_cast %add3A_1138 : i32 to index
      %get3A_1157 = arith.constant 0 : index
      %get3A_1158 = tpu.vector_load %arg18[%get3A_1156, %get3A_1157] {strides = array<i32>} : memref<1024x16xf32, #tpu.memory_space<vmem>>, vector<16xf32>,
      %mul3A_1159 = vector.broadcast %squeeze3A_1155 : f32 to vector<16xf32>
      %mul3A_1160 = arith.mulf %mul3A_1159, %get3A_1158 : vector<16xf32>
      %slice3A_1161 = vector.extract_strided_slice %get3A_729 {offsets = [11], sizes = [1], strides = [1]} : vector<16xf32> to vector<1xf32>
      %squeeze3A_1162 = vector.extract %slice3A_1161[0] : f32 from vector<1xf32>
      %get3A_1163 = arith.index_cast %add3A_1138 : i32 to index
      %get3A_1164 = arith.constant 0 : index
      %get3A_1165 = tpu.vector_load %arg19[%get3A_1163, %get3A_1164] {strides = array<i32>} : memref<1024x16xf32, #tpu.memory_space<vmem>>, vector<16xf32>,
      %mul3A_1166 = vector.broadcast %squeeze3A_1162 : f32 to vector<16xf32>
      %mul3A_1167 = arith.mulf %mul3A_1166, %get3A_1165 : vector<16xf32>
      %add3A_1168 = arith.addf %mul3A_1160, %mul3A_1167 : vector<16xf32>
      %add3A_1169 = arith.addf %add3A_1153, %add3A_1168 : vector<16xf32>
      %add3A_1170 = vector.broadcast %add3A_1138 : i32 to vector<16xi32>
      %add3A_1171 = arith.addi %mul3A_5, %add3A_1170 : vector<16xi32>
      tpu.vector_store_idx %arg20[%add3A_1171], %add3A_1169 : memref<16512xf32, #tpu.memory_space<vmem>>[vector<16xi32>], vector<16xf32>,
      %mul3A_1172 = arith.constant 16 : i32
      %mul3A_1173 = arith.muli %scan3A_719, %mul3A_1172 : i32
      %add3A_1174 = arith.constant 12 : i32
      %add3A_1175 = arith.addi %mul3A_1173, %add3A_1174 : i32
      %slice3A_1176 = vector.extract_strided_slice %get3A_723 {offsets = [12], sizes = [1], strides = [1]} : vector<16xf32> to vector<1xf32>
      %squeeze3A_1177 = vector.extract %slice3A_1176[0] : f32 from vector<1xf32>
      %get3A_1178 = arith.index_cast %add3A_1175 : i32 to index
      %get3A_1179 = arith.constant 0 : index
      %get3A_1180 = tpu.vector_load %arg16[%get3A_1178, %get3A_1179] {strides = array<i32>} : memref<1024x16xf32, #tpu.memory_space<vmem>>, vector<16xf32>,
      %mul3A_1181 = vector.broadcast %squeeze3A_1177 : f32 to vector<16xf32>
      %mul3A_1182 = arith.mulf %mul3A_1181, %get3A_1180 : vector<16xf32>
      %slice3A_1183 = vector.extract_strided_slice %get3A_725 {offsets = [12], sizes = [1], strides = [1]} : vector<16xf32> to vector<1xf32>
      %squeeze3A_1184 = vector.extract %slice3A_1183[0] : f32 from vector<1xf32>
      %get3A_1185 = arith.index_cast %add3A_1175 : i32 to index
      %get3A_1186 = arith.constant 0 : index
      %get3A_1187 = tpu.vector_load %arg17[%get3A_1185, %get3A_1186] {strides = array<i32>} : memref<1024x16xf32, #tpu.memory_space<vmem>>, vector<16xf32>,
      %mul3A_1188 = vector.broadcast %squeeze3A_1184 : f32 to vector<16xf32>
      %mul3A_1189 = arith.mulf %mul3A_1188, %get3A_1187 : vector<16xf32>
      %add3A_1190 = arith.addf %mul3A_1182, %mul3A_1189 : vector<16xf32>
      %slice3A_1191 = vector.extract_strided_slice %get3A_727 {offsets = [12], sizes = [1], strides = [1]} : vector<16xf32> to vector<1xf32>
      %squeeze3A_1192 = vector.extract %slice3A_1191[0] : f32 from vector<1xf32>
      %get3A_1193 = arith.index_cast %add3A_1175 : i32 to index
      %get3A_1194 = arith.constant 0 : index
      %get3A_1195 = tpu.vector_load %arg18[%get3A_1193, %get3A_1194] {strides = array<i32>} : memref<1024x16xf32, #tpu.memory_space<vmem>>, vector<16xf32>,
      %mul3A_1196 = vector.broadcast %squeeze3A_1192 : f32 to vector<16xf32>
      %mul3A_1197 = arith.mulf %mul3A_1196, %get3A_1195 : vector<16xf32>
      %slice3A_1198 = vector.extract_strided_slice %get3A_729 {offsets = [12], sizes = [1], strides = [1]} : vector<16xf32> to vector<1xf32>
      %squeeze3A_1199 = vector.extract %slice3A_1198[0] : f32 from vector<1xf32>
      %get3A_1200 = arith.index_cast %add3A_1175 : i32 to index
      %get3A_1201 = arith.constant 0 : index
      %get3A_1202 = tpu.vector_load %arg19[%get3A_1200, %get3A_1201] {strides = array<i32>} : memref<1024x16xf32, #tpu.memory_space<vmem>>, vector<16xf32>,
      %mul3A_1203 = vector.broadcast %squeeze3A_1199 : f32 to vector<16xf32>
      %mul3A_1204 = arith.mulf %mul3A_1203, %get3A_1202 : vector<16xf32>
      %add3A_1205 = arith.addf %mul3A_1197, %mul3A_1204 : vector<16xf32>
      %add3A_1206 = arith.addf %add3A_1190, %add3A_1205 : vector<16xf32>
      %add3A_1207 = vector.broadcast %add3A_1175 : i32 to vector<16xi32>
      %add3A_1208 = arith.addi %mul3A_5, %add3A_1207 : vector<16xi32>
      tpu.vector_store_idx %arg20[%add3A_1208], %add3A_1206 : memref<16512xf32, #tpu.memory_space<vmem>>[vector<16xi32>], vector<16xf32>,
      %mul3A_1209 = arith.constant 16 : i32
      %mul3A_1210 = arith.muli %scan3A_719, %mul3A_1209 : i32
      %add3A_1211 = arith.constant 13 : i32
      %add3A_1212 = arith.addi %mul3A_1210, %add3A_1211 : i32
      %slice3A_1213 = vector.extract_strided_slice %get3A_723 {offsets = [13], sizes = [1], strides = [1]} : vector<16xf32> to vector<1xf32>
      %squeeze3A_1214 = vector.extract %slice3A_1213[0] : f32 from vector<1xf32>
      %get3A_1215 = arith.index_cast %add3A_1212 : i32 to index
      %get3A_1216 = arith.constant 0 : index
      %get3A_1217 = tpu.vector_load %arg16[%get3A_1215, %get3A_1216] {strides = array<i32>} : memref<1024x16xf32, #tpu.memory_space<vmem>>, vector<16xf32>,
      %mul3A_1218 = vector.broadcast %squeeze3A_1214 : f32 to vector<16xf32>
      %mul3A_1219 = arith.mulf %mul3A_1218, %get3A_1217 : vector<16xf32>
      %slice3A_1220 = vector.extract_strided_slice %get3A_725 {offsets = [13], sizes = [1], strides = [1]} : vector<16xf32> to vector<1xf32>
      %squeeze3A_1221 = vector.extract %slice3A_1220[0] : f32 from vector<1xf32>
      %get3A_1222 = arith.index_cast %add3A_1212 : i32 to index
      %get3A_1223 = arith.constant 0 : index
      %get3A_1224 = tpu.vector_load %arg17[%get3A_1222, %get3A_1223] {strides = array<i32>} : memref<1024x16xf32, #tpu.memory_space<vmem>>, vector<16xf32>,
      %mul3A_1225 = vector.broadcast %squeeze3A_1221 : f32 to vector<16xf32>
      %mul3A_1226 = arith.mulf %mul3A_1225, %get3A_1224 : vector<16xf32>
      %add3A_1227 = arith.addf %mul3A_1219, %mul3A_1226 : vector<16xf32>
      %slice3A_1228 = vector.extract_strided_slice %get3A_727 {offsets = [13], sizes = [1], strides = [1]} : vector<16xf32> to vector<1xf32>
      %squeeze3A_1229 = vector.extract %slice3A_1228[0] : f32 from vector<1xf32>
      %get3A_1230 = arith.index_cast %add3A_1212 : i32 to index
      %get3A_1231 = arith.constant 0 : index
      %get3A_1232 = tpu.vector_load %arg18[%get3A_1230, %get3A_1231] {strides = array<i32>} : memref<1024x16xf32, #tpu.memory_space<vmem>>, vector<16xf32>,
      %mul3A_1233 = vector.broadcast %squeeze3A_1229 : f32 to vector<16xf32>
      %mul3A_1234 = arith.mulf %mul3A_1233, %get3A_1232 : vector<16xf32>
      %slice3A_1235 = vector.extract_strided_slice %get3A_729 {offsets = [13], sizes = [1], strides = [1]} : vector<16xf32> to vector<1xf32>
      %squeeze3A_1236 = vector.extract %slice3A_1235[0] : f32 from vector<1xf32>
      %get3A_1237 = arith.index_cast %add3A_1212 : i32 to index
      %get3A_1238 = arith.constant 0 : index
      %get3A_1239 = tpu.vector_load %arg19[%get3A_1237, %get3A_1238] {strides = array<i32>} : memref<1024x16xf32, #tpu.memory_space<vmem>>, vector<16xf32>,
      %mul3A_1240 = vector.broadcast %squeeze3A_1236 : f32 to vector<16xf32>
      %mul3A_1241 = arith.mulf %mul3A_1240, %get3A_1239 : vector<16xf32>
      %add3A_1242 = arith.addf %mul3A_1234, %mul3A_1241 : vector<16xf32>
      %add3A_1243 = arith.addf %add3A_1227, %add3A_1242 : vector<16xf32>
      %add3A_1244 = vector.broadcast %add3A_1212 : i32 to vector<16xi32>
      %add3A_1245 = arith.addi %mul3A_5, %add3A_1244 : vector<16xi32>
      tpu.vector_store_idx %arg20[%add3A_1245], %add3A_1243 : memref<16512xf32, #tpu.memory_space<vmem>>[vector<16xi32>], vector<16xf32>,
      %mul3A_1246 = arith.constant 16 : i32
      %mul3A_1247 = arith.muli %scan3A_719, %mul3A_1246 : i32
      %add3A_1248 = arith.constant 14 : i32
      %add3A_1249 = arith.addi %mul3A_1247, %add3A_1248 : i32
      %slice3A_1250 = vector.extract_strided_slice %get3A_723 {offsets = [14], sizes = [1], strides = [1]} : vector<16xf32> to vector<1xf32>
      %squeeze3A_1251 = vector.extract %slice3A_1250[0] : f32 from vector<1xf32>
      %get3A_1252 = arith.index_cast %add3A_1249 : i32 to index
      %get3A_1253 = arith.constant 0 : index
      %get3A_1254 = tpu.vector_load %arg16[%get3A_1252, %get3A_1253] {strides = array<i32>} : memref<1024x16xf32, #tpu.memory_space<vmem>>, vector<16xf32>,
      %mul3A_1255 = vector.broadcast %squeeze3A_1251 : f32 to vector<16xf32>
      %mul3A_1256 = arith.mulf %mul3A_1255, %get3A_1254 : vector<16xf32>
      %slice3A_1257 = vector.extract_strided_slice %get3A_725 {offsets = [14], sizes = [1], strides = [1]} : vector<16xf32> to vector<1xf32>
      %squeeze3A_1258 = vector.extract %slice3A_1257[0] : f32 from vector<1xf32>
      %get3A_1259 = arith.index_cast %add3A_1249 : i32 to index
      %get3A_1260 = arith.constant 0 : index
      %get3A_1261 = tpu.vector_load %arg17[%get3A_1259, %get3A_1260] {strides = array<i32>} : memref<1024x16xf32, #tpu.memory_space<vmem>>, vector<16xf32>,
      %mul3A_1262 = vector.broadcast %squeeze3A_1258 : f32 to vector<16xf32>
      %mul3A_1263 = arith.mulf %mul3A_1262, %get3A_1261 : vector<16xf32>
      %add3A_1264 = arith.addf %mul3A_1256, %mul3A_1263 : vector<16xf32>
      %slice3A_1265 = vector.extract_strided_slice %get3A_727 {offsets = [14], sizes = [1], strides = [1]} : vector<16xf32> to vector<1xf32>
      %squeeze3A_1266 = vector.extract %slice3A_1265[0] : f32 from vector<1xf32>
      %get3A_1267 = arith.index_cast %add3A_1249 : i32 to index
      %get3A_1268 = arith.constant 0 : index
      %get3A_1269 = tpu.vector_load %arg18[%get3A_1267, %get3A_1268] {strides = array<i32>} : memref<1024x16xf32, #tpu.memory_space<vmem>>, vector<16xf32>,
      %mul3A_1270 = vector.broadcast %squeeze3A_1266 : f32 to vector<16xf32>
      %mul3A_1271 = arith.mulf %mul3A_1270, %get3A_1269 : vector<16xf32>
      %slice3A_1272 = vector.extract_strided_slice %get3A_729 {offsets = [14], sizes = [1], strides = [1]} : vector<16xf32> to vector<1xf32>
      %squeeze3A_1273 = vector.extract %slice3A_1272[0] : f32 from vector<1xf32>
      %get3A_1274 = arith.index_cast %add3A_1249 : i32 to index
      %get3A_1275 = arith.constant 0 : index
      %get3A_1276 = tpu.vector_load %arg19[%get3A_1274, %get3A_1275] {strides = array<i32>} : memref<1024x16xf32, #tpu.memory_space<vmem>>, vector<16xf32>,
      %mul3A_1277 = vector.broadcast %squeeze3A_1273 : f32 to vector<16xf32>
      %mul3A_1278 = arith.mulf %mul3A_1277, %get3A_1276 : vector<16xf32>
      %add3A_1279 = arith.addf %mul3A_1271, %mul3A_1278 : vector<16xf32>
      %add3A_1280 = arith.addf %add3A_1264, %add3A_1279 : vector<16xf32>
      %add3A_1281 = vector.broadcast %add3A_1249 : i32 to vector<16xi32>
      %add3A_1282 = arith.addi %mul3A_5, %add3A_1281 : vector<16xi32>
      tpu.vector_store_idx %arg20[%add3A_1282], %add3A_1280 : memref<16512xf32, #tpu.memory_space<vmem>>[vector<16xi32>], vector<16xf32>,
      %mul3A_1283 = arith.constant 16 : i32
      %mul3A_1284 = arith.muli %scan3A_719, %mul3A_1283 : i32
      %add3A_1285 = arith.constant 15 : i32
      %add3A_1286 = arith.addi %mul3A_1284, %add3A_1285 : i32
      %slice3A_1287 = vector.extract_strided_slice %get3A_723 {offsets = [15], sizes = [1], strides = [1]} : vector<16xf32> to vector<1xf32>
      %squeeze3A_1288 = vector.extract %slice3A_1287[0] : f32 from vector<1xf32>
      %get3A_1289 = arith.index_cast %add3A_1286 : i32 to index
      %get3A_1290 = arith.constant 0 : index
      %get3A_1291 = tpu.vector_load %arg16[%get3A_1289, %get3A_1290] {strides = array<i32>} : memref<1024x16xf32, #tpu.memory_space<vmem>>, vector<16xf32>,
      %mul3A_1292 = vector.broadcast %squeeze3A_1288 : f32 to vector<16xf32>
      %mul3A_1293 = arith.mulf %mul3A_1292, %get3A_1291 : vector<16xf32>
      %slice3A_1294 = vector.extract_strided_slice %get3A_725 {offsets = [15], sizes = [1], strides = [1]} : vector<16xf32> to vector<1xf32>
      %squeeze3A_1295 = vector.extract %slice3A_1294[0] : f32 from vector<1xf32>
      %get3A_1296 = arith.index_cast %add3A_1286 : i32 to index
      %get3A_1297 = arith.constant 0 : index
      %get3A_1298 = tpu.vector_load %arg17[%get3A_1296, %get3A_1297] {strides = array<i32>} : memref<1024x16xf32, #tpu.memory_space<vmem>>, vector<16xf32>,
      %mul3A_1299 = vector.broadcast %squeeze3A_1295 : f32 to vector<16xf32>
      %mul3A_1300 = arith.mulf %mul3A_1299, %get3A_1298 : vector<16xf32>
      %add3A_1301 = arith.addf %mul3A_1293, %mul3A_1300 : vector<16xf32>
      %slice3A_1302 = vector.extract_strided_slice %get3A_727 {offsets = [15], sizes = [1], strides = [1]} : vector<16xf32> to vector<1xf32>
      %squeeze3A_1303 = vector.extract %slice3A_1302[0] : f32 from vector<1xf32>
      %get3A_1304 = arith.index_cast %add3A_1286 : i32 to index
      %get3A_1305 = arith.constant 0 : index
      %get3A_1306 = tpu.vector_load %arg18[%get3A_1304, %get3A_1305] {strides = array<i32>} : memref<1024x16xf32, #tpu.memory_space<vmem>>, vector<16xf32>,
      %mul3A_1307 = vector.broadcast %squeeze3A_1303 : f32 to vector<16xf32>
      %mul3A_1308 = arith.mulf %mul3A_1307, %get3A_1306 : vector<16xf32>
      %slice3A_1309 = vector.extract_strided_slice %get3A_729 {offsets = [15], sizes = [1], strides = [1]} : vector<16xf32> to vector<1xf32>
      %squeeze3A_1310 = vector.extract %slice3A_1309[0] : f32 from vector<1xf32>
      %get3A_1311 = arith.index_cast %add3A_1286 : i32 to index
      %get3A_1312 = arith.constant 0 : index
      %get3A_1313 = tpu.vector_load %arg19[%get3A_1311, %get3A_1312] {strides = array<i32>} : memref<1024x16xf32, #tpu.memory_space<vmem>>, vector<16xf32>,
      %mul3A_1314 = vector.broadcast %squeeze3A_1310 : f32 to vector<16xf32>
      %mul3A_1315 = arith.mulf %mul3A_1314, %get3A_1313 : vector<16xf32>
      %add3A_1316 = arith.addf %mul3A_1308, %mul3A_1315 : vector<16xf32>
      %add3A_1317 = arith.addf %add3A_1301, %add3A_1316 : vector<16xf32>
      %add3A_1318 = vector.broadcast %add3A_1286 : i32 to vector<16xi32>
      %add3A_1319 = arith.addi %mul3A_5, %add3A_1318 : vector<16xi32>
      tpu.vector_store_idx %arg20[%add3A_1319], %add3A_1317 : memref<16512xf32, #tpu.memory_space<vmem>>[vector<16xi32>], vector<16xf32>,
      %scan3A_1320 = arith.constant 0 : i32
      scf.yield %scan3A_1320 : i32
    }
    %scan3A_398 = arith.constant 64 : i32
    %add3A_399 = arith.constant 1024 : i32
    %add3A_400 = arith.addi %mul3A_2, %add3A_399 : i32
    %dma_start3A_401 = arith.constant 0 : i32
    %dma_start3A_402 = arith.constant 0 : i32
    %dma_start3A_403 = tpu.memref_slice %arg20[%dma_start3A_402] : memref<16512xf32, #tpu.memory_space<vmem>> -> memref<1024xf32, #tpu.memory_space<vmem>>
    %dma_start3A_404 = tpu.memref_slice %arg5[%dma_start3A_401, %add3A_400] : memref<16x65536xf32, #tpu.memory_space<hbm>> -> memref<1x1024xf32, #tpu.memory_space<hbm>>
    %dma_start3A_405 = tpu.memref_squeeze %dma_start3A_404 : memref<1x1024xf32, #tpu.memory_space<hbm>> -> memref<1024xf32, #tpu.memory_space<hbm>>
    %dma_start3A_406 = tpu.memref_slice %arg5[%dma_start3A_401, %add3A_400] : memref<16x65536xf32, #tpu.memory_space<hbm>> -> memref<1x1024xf32, #tpu.memory_space<hbm>>
    %dma_start3A_407 = tpu.memref_squeeze %dma_start3A_406 : memref<1x1024xf32, #tpu.memory_space<hbm>> -> memref<1024xf32, #tpu.memory_space<hbm>>
    %dma_start3A_408 = arith.constant 0 : i32
    %dma_start3A_409 = tpu.memref_slice %arg20[%dma_start3A_408] : memref<16512xf32, #tpu.memory_space<vmem>> -> memref<1024xf32, #tpu.memory_space<vmem>>
    tpu.enqueue_dma source(%dma_start3A_409 : memref<1024xf32, #tpu.memory_space<vmem>>) target(%dma_start3A_407 : memref<1024xf32, #tpu.memory_space<hbm>>) target_semaphore(%arg22 : memref<!tpu.dma_semaphore, #tpu.memory_space<semaphore_mem>>)
    %add3A_410 = arith.constant 1024 : i32
    %add3A_411 = arith.addi %mul3A_2, %add3A_410 : i32
    %dma_start3A_412 = arith.constant 1 : i32
    %dma_start3A_413 = arith.constant 1032 : i32
    %dma_start3A_414 = tpu.memref_slice %arg20[%dma_start3A_413] : memref<16512xf32, #tpu.memory_space<vmem>> -> memref<1024xf32, #tpu.memory_space<vmem>>
    %dma_start3A_415 = tpu.memref_slice %arg5[%dma_start3A_412, %add3A_411] : memref<16x65536xf32, #tpu.memory_space<hbm>> -> memref<1x1024xf32, #tpu.memory_space<hbm>>
    %dma_start3A_416 = tpu.memref_squeeze %dma_start3A_415 : memref<1x1024xf32, #tpu.memory_space<hbm>> -> memref<1024xf32, #tpu.memory_space<hbm>>
    %dma_start3A_417 = tpu.memref_slice %arg5[%dma_start3A_412, %add3A_411] : memref<16x65536xf32, #tpu.memory_space<hbm>> -> memref<1x1024xf32, #tpu.memory_space<hbm>>
    %dma_start3A_418 = tpu.memref_squeeze %dma_start3A_417 : memref<1x1024xf32, #tpu.memory_space<hbm>> -> memref<1024xf32, #tpu.memory_space<hbm>>
    %dma_start3A_419 = arith.constant 1032 : i32
    %dma_start3A_420 = tpu.memref_slice %arg20[%dma_start3A_419] : memref<16512xf32, #tpu.memory_space<vmem>> -> memref<1024xf32, #tpu.memory_space<vmem>>
    tpu.enqueue_dma source(%dma_start3A_420 : memref<1024xf32, #tpu.memory_space<vmem>>) target(%dma_start3A_418 : memref<1024xf32, #tpu.memory_space<hbm>>) target_semaphore(%arg22 : memref<!tpu.dma_semaphore, #tpu.memory_space<semaphore_mem>>)
    %add3A_421 = arith.constant 1024 : i32
    %add3A_422 = arith.addi %mul3A_2, %add3A_421 : i32
    %dma_start3A_423 = arith.constant 2 : i32
    %dma_start3A_424 = arith.constant 2064 : i32
    %dma_start3A_425 = tpu.memref_slice %arg20[%dma_start3A_424] : memref<16512xf32, #tpu.memory_space<vmem>> -> memref<1024xf32, #tpu.memory_space<vmem>>
    %dma_start3A_426 = tpu.memref_slice %arg5[%dma_start3A_423, %add3A_422] : memref<16x65536xf32, #tpu.memory_space<hbm>> -> memref<1x1024xf32, #tpu.memory_space<hbm>>
    %dma_start3A_427 = tpu.memref_squeeze %dma_start3A_426 : memref<1x1024xf32, #tpu.memory_space<hbm>> -> memref<1024xf32, #tpu.memory_space<hbm>>
    %dma_start3A_428 = tpu.memref_slice %arg5[%dma_start3A_423, %add3A_422] : memref<16x65536xf32, #tpu.memory_space<hbm>> -> memref<1x1024xf32, #tpu.memory_space<hbm>>
    %dma_start3A_429 = tpu.memref_squeeze %dma_start3A_428 : memref<1x1024xf32, #tpu.memory_space<hbm>> -> memref<1024xf32, #tpu.memory_space<hbm>>
    %dma_start3A_430 = arith.constant 2064 : i32
    %dma_start3A_431 = tpu.memref_slice %arg20[%dma_start3A_430] : memref<16512xf32, #tpu.memory_space<vmem>> -> memref<1024xf32, #tpu.memory_space<vmem>>
    tpu.enqueue_dma source(%dma_start3A_431 : memref<1024xf32, #tpu.memory_space<vmem>>) target(%dma_start3A_429 : memref<1024xf32, #tpu.memory_space<hbm>>) target_semaphore(%arg22 : memref<!tpu.dma_semaphore, #tpu.memory_space<semaphore_mem>>)
    %add3A_432 = arith.constant 1024 : i32
    %add3A_433 = arith.addi %mul3A_2, %add3A_432 : i32
    %dma_start3A_434 = arith.constant 3 : i32
    %dma_start3A_435 = arith.constant 3096 : i32
    %dma_start3A_436 = tpu.memref_slice %arg20[%dma_start3A_435] : memref<16512xf32, #tpu.memory_space<vmem>> -> memref<1024xf32, #tpu.memory_space<vmem>>
    %dma_start3A_437 = tpu.memref_slice %arg5[%dma_start3A_434, %add3A_433] : memref<16x65536xf32, #tpu.memory_space<hbm>> -> memref<1x1024xf32, #tpu.memory_space<hbm>>
    %dma_start3A_438 = tpu.memref_squeeze %dma_start3A_437 : memref<1x1024xf32, #tpu.memory_space<hbm>> -> memref<1024xf32, #tpu.memory_space<hbm>>
    %dma_start3A_439 = tpu.memref_slice %arg5[%dma_start3A_434, %add3A_433] : memref<16x65536xf32, #tpu.memory_space<hbm>> -> memref<1x1024xf32, #tpu.memory_space<hbm>>
    %dma_start3A_440 = tpu.memref_squeeze %dma_start3A_439 : memref<1x1024xf32, #tpu.memory_space<hbm>> -> memref<1024xf32, #tpu.memory_space<hbm>>
    %dma_start3A_441 = arith.constant 3096 : i32
    %dma_start3A_442 = tpu.memref_slice %arg20[%dma_start3A_441] : memref<16512xf32, #tpu.memory_space<vmem>> -> memref<1024xf32, #tpu.memory_space<vmem>>
    tpu.enqueue_dma source(%dma_start3A_442 : memref<1024xf32, #tpu.memory_space<vmem>>) target(%dma_start3A_440 : memref<1024xf32, #tpu.memory_space<hbm>>) target_semaphore(%arg22 : memref<!tpu.dma_semaphore, #tpu.memory_space<semaphore_mem>>)
    %add3A_443 = arith.constant 1024 : i32
    %add3A_444 = arith.addi %mul3A_2, %add3A_443 : i32
    %dma_start3A_445 = arith.constant 4 : i32
    %dma_start3A_446 = arith.constant 4128 : i32
    %dma_start3A_447 = tpu.memref_slice %arg20[%dma_start3A_446] : memref<16512xf32, #tpu.memory_space<vmem>> -> memref<1024xf32, #tpu.memory_space<vmem>>
    %dma_start3A_448 = tpu.memref_slice %arg5[%dma_start3A_445, %add3A_444] : memref<16x65536xf32, #tpu.memory_space<hbm>> -> memref<1x1024xf32, #tpu.memory_space<hbm>>
    %dma_start3A_449 = tpu.memref_squeeze %dma_start3A_448 : memref<1x1024xf32, #tpu.memory_space<hbm>> -> memref<1024xf32, #tpu.memory_space<hbm>>
    %dma_start3A_450 = tpu.memref_slice %arg5[%dma_start3A_445, %add3A_444] : memref<16x65536xf32, #tpu.memory_space<hbm>> -> memref<1x1024xf32, #tpu.memory_space<hbm>>
    %dma_start3A_451 = tpu.memref_squeeze %dma_start3A_450 : memref<1x1024xf32, #tpu.memory_space<hbm>> -> memref<1024xf32, #tpu.memory_space<hbm>>
    %dma_start3A_452 = arith.constant 4128 : i32
    %dma_start3A_453 = tpu.memref_slice %arg20[%dma_start3A_452] : memref<16512xf32, #tpu.memory_space<vmem>> -> memref<1024xf32, #tpu.memory_space<vmem>>
    tpu.enqueue_dma source(%dma_start3A_453 : memref<1024xf32, #tpu.memory_space<vmem>>) target(%dma_start3A_451 : memref<1024xf32, #tpu.memory_space<hbm>>) target_semaphore(%arg22 : memref<!tpu.dma_semaphore, #tpu.memory_space<semaphore_mem>>)
    %add3A_454 = arith.constant 1024 : i32
    %add3A_455 = arith.addi %mul3A_2, %add3A_454 : i32
    %dma_start3A_456 = arith.constant 5 : i32
    %dma_start3A_457 = arith.constant 5160 : i32
    %dma_start3A_458 = tpu.memref_slice %arg20[%dma_start3A_457] : memref<16512xf32, #tpu.memory_space<vmem>> -> memref<1024xf32, #tpu.memory_space<vmem>>
    %dma_start3A_459 = tpu.memref_slice %arg5[%dma_start3A_456, %add3A_455] : memref<16x65536xf32, #tpu.memory_space<hbm>> -> memref<1x1024xf32, #tpu.memory_space<hbm>>
    %dma_start3A_460 = tpu.memref_squeeze %dma_start3A_459 : memref<1x1024xf32, #tpu.memory_space<hbm>> -> memref<1024xf32, #tpu.memory_space<hbm>>
    %dma_start3A_461 = tpu.memref_slice %arg5[%dma_start3A_456, %add3A_455] : memref<16x65536xf32, #tpu.memory_space<hbm>> -> memref<1x1024xf32, #tpu.memory_space<hbm>>
    %dma_start3A_462 = tpu.memref_squeeze %dma_start3A_461 : memref<1x1024xf32, #tpu.memory_space<hbm>> -> memref<1024xf32, #tpu.memory_space<hbm>>
    %dma_start3A_463 = arith.constant 5160 : i32
    %dma_start3A_464 = tpu.memref_slice %arg20[%dma_start3A_463] : memref<16512xf32, #tpu.memory_space<vmem>> -> memref<1024xf32, #tpu.memory_space<vmem>>
    tpu.enqueue_dma source(%dma_start3A_464 : memref<1024xf32, #tpu.memory_space<vmem>>) target(%dma_start3A_462 : memref<1024xf32, #tpu.memory_space<hbm>>) target_semaphore(%arg22 : memref<!tpu.dma_semaphore, #tpu.memory_space<semaphore_mem>>)
    %add3A_465 = arith.constant 1024 : i32
    %add3A_466 = arith.addi %mul3A_2, %add3A_465 : i32
    %dma_start3A_467 = arith.constant 6 : i32
    %dma_start3A_468 = arith.constant 6192 : i32
    %dma_start3A_469 = tpu.memref_slice %arg20[%dma_start3A_468] : memref<16512xf32, #tpu.memory_space<vmem>> -> memref<1024xf32, #tpu.memory_space<vmem>>
    %dma_start3A_470 = tpu.memref_slice %arg5[%dma_start3A_467, %add3A_466] : memref<16x65536xf32, #tpu.memory_space<hbm>> -> memref<1x1024xf32, #tpu.memory_space<hbm>>
    %dma_start3A_471 = tpu.memref_squeeze %dma_start3A_470 : memref<1x1024xf32, #tpu.memory_space<hbm>> -> memref<1024xf32, #tpu.memory_space<hbm>>
    %dma_start3A_472 = tpu.memref_slice %arg5[%dma_start3A_467, %add3A_466] : memref<16x65536xf32, #tpu.memory_space<hbm>> -> memref<1x1024xf32, #tpu.memory_space<hbm>>
    %dma_start3A_473 = tpu.memref_squeeze %dma_start3A_472 : memref<1x1024xf32, #tpu.memory_space<hbm>> -> memref<1024xf32, #tpu.memory_space<hbm>>
    %dma_start3A_474 = arith.constant 6192 : i32
    %dma_start3A_475 = tpu.memref_slice %arg20[%dma_start3A_474] : memref<16512xf32, #tpu.memory_space<vmem>> -> memref<1024xf32, #tpu.memory_space<vmem>>
    tpu.enqueue_dma source(%dma_start3A_475 : memref<1024xf32, #tpu.memory_space<vmem>>) target(%dma_start3A_473 : memref<1024xf32, #tpu.memory_space<hbm>>) target_semaphore(%arg22 : memref<!tpu.dma_semaphore, #tpu.memory_space<semaphore_mem>>)
    %add3A_476 = arith.constant 1024 : i32
    %add3A_477 = arith.addi %mul3A_2, %add3A_476 : i32
    %dma_start3A_478 = arith.constant 7 : i32
    %dma_start3A_479 = arith.constant 7224 : i32
    %dma_start3A_480 = tpu.memref_slice %arg20[%dma_start3A_479] : memref<16512xf32, #tpu.memory_space<vmem>> -> memref<1024xf32, #tpu.memory_space<vmem>>
    %dma_start3A_481 = tpu.memref_slice %arg5[%dma_start3A_478, %add3A_477] : memref<16x65536xf32, #tpu.memory_space<hbm>> -> memref<1x1024xf32, #tpu.memory_space<hbm>>
    %dma_start3A_482 = tpu.memref_squeeze %dma_start3A_481 : memref<1x1024xf32, #tpu.memory_space<hbm>> -> memref<1024xf32, #tpu.memory_space<hbm>>
    %dma_start3A_483 = tpu.memref_slice %arg5[%dma_start3A_478, %add3A_477] : memref<16x65536xf32, #tpu.memory_space<hbm>> -> memref<1x1024xf32, #tpu.memory_space<hbm>>
    %dma_start3A_484 = tpu.memref_squeeze %dma_start3A_483 : memref<1x1024xf32, #tpu.memory_space<hbm>> -> memref<1024xf32, #tpu.memory_space<hbm>>
    %dma_start3A_485 = arith.constant 7224 : i32
    %dma_start3A_486 = tpu.memref_slice %arg20[%dma_start3A_485] : memref<16512xf32, #tpu.memory_space<vmem>> -> memref<1024xf32, #tpu.memory_space<vmem>>
    tpu.enqueue_dma source(%dma_start3A_486 : memref<1024xf32, #tpu.memory_space<vmem>>) target(%dma_start3A_484 : memref<1024xf32, #tpu.memory_space<hbm>>) target_semaphore(%arg22 : memref<!tpu.dma_semaphore, #tpu.memory_space<semaphore_mem>>)
    %add3A_487 = arith.constant 1024 : i32
    %add3A_488 = arith.addi %mul3A_2, %add3A_487 : i32
    %dma_start3A_489 = arith.constant 8 : i32
    %dma_start3A_490 = arith.constant 8256 : i32
    %dma_start3A_491 = tpu.memref_slice %arg20[%dma_start3A_490] : memref<16512xf32, #tpu.memory_space<vmem>> -> memref<1024xf32, #tpu.memory_space<vmem>>
    %dma_start3A_492 = tpu.memref_slice %arg5[%dma_start3A_489, %add3A_488] : memref<16x65536xf32, #tpu.memory_space<hbm>> -> memref<1x1024xf32, #tpu.memory_space<hbm>>
    %dma_start3A_493 = tpu.memref_squeeze %dma_start3A_492 : memref<1x1024xf32, #tpu.memory_space<hbm>> -> memref<1024xf32, #tpu.memory_space<hbm>>
    %dma_start3A_494 = tpu.memref_slice %arg5[%dma_start3A_489, %add3A_488] : memref<16x65536xf32, #tpu.memory_space<hbm>> -> memref<1x1024xf32, #tpu.memory_space<hbm>>
    %dma_start3A_495 = tpu.memref_squeeze %dma_start3A_494 : memref<1x1024xf32, #tpu.memory_space<hbm>> -> memref<1024xf32, #tpu.memory_space<hbm>>
    %dma_start3A_496 = arith.constant 8256 : i32
    %dma_start3A_497 = tpu.memref_slice %arg20[%dma_start3A_496] : memref<16512xf32, #tpu.memory_space<vmem>> -> memref<1024xf32, #tpu.memory_space<vmem>>
    tpu.enqueue_dma source(%dma_start3A_497 : memref<1024xf32, #tpu.memory_space<vmem>>) target(%dma_start3A_495 : memref<1024xf32, #tpu.memory_space<hbm>>) target_semaphore(%arg22 : memref<!tpu.dma_semaphore, #tpu.memory_space<semaphore_mem>>)
    %add3A_498 = arith.constant 1024 : i32
    %add3A_499 = arith.addi %mul3A_2, %add3A_498 : i32
    %dma_start3A_500 = arith.constant 9 : i32
    %dma_start3A_501 = arith.constant 9288 : i32
    %dma_start3A_502 = tpu.memref_slice %arg20[%dma_start3A_501] : memref<16512xf32, #tpu.memory_space<vmem>> -> memref<1024xf32, #tpu.memory_space<vmem>>
    %dma_start3A_503 = tpu.memref_slice %arg5[%dma_start3A_500, %add3A_499] : memref<16x65536xf32, #tpu.memory_space<hbm>> -> memref<1x1024xf32, #tpu.memory_space<hbm>>
    %dma_start3A_504 = tpu.memref_squeeze %dma_start3A_503 : memref<1x1024xf32, #tpu.memory_space<hbm>> -> memref<1024xf32, #tpu.memory_space<hbm>>
    %dma_start3A_505 = tpu.memref_slice %arg5[%dma_start3A_500, %add3A_499] : memref<16x65536xf32, #tpu.memory_space<hbm>> -> memref<1x1024xf32, #tpu.memory_space<hbm>>
    %dma_start3A_506 = tpu.memref_squeeze %dma_start3A_505 : memref<1x1024xf32, #tpu.memory_space<hbm>> -> memref<1024xf32, #tpu.memory_space<hbm>>
    %dma_start3A_507 = arith.constant 9288 : i32
    %dma_start3A_508 = tpu.memref_slice %arg20[%dma_start3A_507] : memref<16512xf32, #tpu.memory_space<vmem>> -> memref<1024xf32, #tpu.memory_space<vmem>>
    tpu.enqueue_dma source(%dma_start3A_508 : memref<1024xf32, #tpu.memory_space<vmem>>) target(%dma_start3A_506 : memref<1024xf32, #tpu.memory_space<hbm>>) target_semaphore(%arg22 : memref<!tpu.dma_semaphore, #tpu.memory_space<semaphore_mem>>)
    %add3A_509 = arith.constant 1024 : i32
    %add3A_510 = arith.addi %mul3A_2, %add3A_509 : i32
    %dma_start3A_511 = arith.constant 10 : i32
    %dma_start3A_512 = arith.constant 10320 : i32
    %dma_start3A_513 = tpu.memref_slice %arg20[%dma_start3A_512] : memref<16512xf32, #tpu.memory_space<vmem>> -> memref<1024xf32, #tpu.memory_space<vmem>>
    %dma_start3A_514 = tpu.memref_slice %arg5[%dma_start3A_511, %add3A_510] : memref<16x65536xf32, #tpu.memory_space<hbm>> -> memref<1x1024xf32, #tpu.memory_space<hbm>>
    %dma_start3A_515 = tpu.memref_squeeze %dma_start3A_514 : memref<1x1024xf32, #tpu.memory_space<hbm>> -> memref<1024xf32, #tpu.memory_space<hbm>>
    %dma_start3A_516 = tpu.memref_slice %arg5[%dma_start3A_511, %add3A_510] : memref<16x65536xf32, #tpu.memory_space<hbm>> -> memref<1x1024xf32, #tpu.memory_space<hbm>>
    %dma_start3A_517 = tpu.memref_squeeze %dma_start3A_516 : memref<1x1024xf32, #tpu.memory_space<hbm>> -> memref<1024xf32, #tpu.memory_space<hbm>>
    %dma_start3A_518 = arith.constant 10320 : i32
    %dma_start3A_519 = tpu.memref_slice %arg20[%dma_start3A_518] : memref<16512xf32, #tpu.memory_space<vmem>> -> memref<1024xf32, #tpu.memory_space<vmem>>
    tpu.enqueue_dma source(%dma_start3A_519 : memref<1024xf32, #tpu.memory_space<vmem>>) target(%dma_start3A_517 : memref<1024xf32, #tpu.memory_space<hbm>>) target_semaphore(%arg22 : memref<!tpu.dma_semaphore, #tpu.memory_space<semaphore_mem>>)
    %add3A_520 = arith.constant 1024 : i32
    %add3A_521 = arith.addi %mul3A_2, %add3A_520 : i32
    %dma_start3A_522 = arith.constant 11 : i32
    %dma_start3A_523 = arith.constant 11352 : i32
    %dma_start3A_524 = tpu.memref_slice %arg20[%dma_start3A_523] : memref<16512xf32, #tpu.memory_space<vmem>> -> memref<1024xf32, #tpu.memory_space<vmem>>
    %dma_start3A_525 = tpu.memref_slice %arg5[%dma_start3A_522, %add3A_521] : memref<16x65536xf32, #tpu.memory_space<hbm>> -> memref<1x1024xf32, #tpu.memory_space<hbm>>
    %dma_start3A_526 = tpu.memref_squeeze %dma_start3A_525 : memref<1x1024xf32, #tpu.memory_space<hbm>> -> memref<1024xf32, #tpu.memory_space<hbm>>
    %dma_start3A_527 = tpu.memref_slice %arg5[%dma_start3A_522, %add3A_521] : memref<16x65536xf32, #tpu.memory_space<hbm>> -> memref<1x1024xf32, #tpu.memory_space<hbm>>
    %dma_start3A_528 = tpu.memref_squeeze %dma_start3A_527 : memref<1x1024xf32, #tpu.memory_space<hbm>> -> memref<1024xf32, #tpu.memory_space<hbm>>
    %dma_start3A_529 = arith.constant 11352 : i32
    %dma_start3A_530 = tpu.memref_slice %arg20[%dma_start3A_529] : memref<16512xf32, #tpu.memory_space<vmem>> -> memref<1024xf32, #tpu.memory_space<vmem>>
    tpu.enqueue_dma source(%dma_start3A_530 : memref<1024xf32, #tpu.memory_space<vmem>>) target(%dma_start3A_528 : memref<1024xf32, #tpu.memory_space<hbm>>) target_semaphore(%arg22 : memref<!tpu.dma_semaphore, #tpu.memory_space<semaphore_mem>>)
    %add3A_531 = arith.constant 1024 : i32
    %add3A_532 = arith.addi %mul3A_2, %add3A_531 : i32
    %dma_start3A_533 = arith.constant 12 : i32
    %dma_start3A_534 = arith.constant 12384 : i32
    %dma_start3A_535 = tpu.memref_slice %arg20[%dma_start3A_534] : memref<16512xf32, #tpu.memory_space<vmem>> -> memref<1024xf32, #tpu.memory_space<vmem>>
    %dma_start3A_536 = tpu.memref_slice %arg5[%dma_start3A_533, %add3A_532] : memref<16x65536xf32, #tpu.memory_space<hbm>> -> memref<1x1024xf32, #tpu.memory_space<hbm>>
    %dma_start3A_537 = tpu.memref_squeeze %dma_start3A_536 : memref<1x1024xf32, #tpu.memory_space<hbm>> -> memref<1024xf32, #tpu.memory_space<hbm>>
    %dma_start3A_538 = tpu.memref_slice %arg5[%dma_start3A_533, %add3A_532] : memref<16x65536xf32, #tpu.memory_space<hbm>> -> memref<1x1024xf32, #tpu.memory_space<hbm>>
    %dma_start3A_539 = tpu.memref_squeeze %dma_start3A_538 : memref<1x1024xf32, #tpu.memory_space<hbm>> -> memref<1024xf32, #tpu.memory_space<hbm>>
    %dma_start3A_540 = arith.constant 12384 : i32
    %dma_start3A_541 = tpu.memref_slice %arg20[%dma_start3A_540] : memref<16512xf32, #tpu.memory_space<vmem>> -> memref<1024xf32, #tpu.memory_space<vmem>>
    tpu.enqueue_dma source(%dma_start3A_541 : memref<1024xf32, #tpu.memory_space<vmem>>) target(%dma_start3A_539 : memref<1024xf32, #tpu.memory_space<hbm>>) target_semaphore(%arg22 : memref<!tpu.dma_semaphore, #tpu.memory_space<semaphore_mem>>)
    %add3A_542 = arith.constant 1024 : i32
    %add3A_543 = arith.addi %mul3A_2, %add3A_542 : i32
    %dma_start3A_544 = arith.constant 13 : i32
    %dma_start3A_545 = arith.constant 13416 : i32
    %dma_start3A_546 = tpu.memref_slice %arg20[%dma_start3A_545] : memref<16512xf32, #tpu.memory_space<vmem>> -> memref<1024xf32, #tpu.memory_space<vmem>>
    %dma_start3A_547 = tpu.memref_slice %arg5[%dma_start3A_544, %add3A_543] : memref<16x65536xf32, #tpu.memory_space<hbm>> -> memref<1x1024xf32, #tpu.memory_space<hbm>>
    %dma_start3A_548 = tpu.memref_squeeze %dma_start3A_547 : memref<1x1024xf32, #tpu.memory_space<hbm>> -> memref<1024xf32, #tpu.memory_space<hbm>>
    %dma_start3A_549 = tpu.memref_slice %arg5[%dma_start3A_544, %add3A_543] : memref<16x65536xf32, #tpu.memory_space<hbm>> -> memref<1x1024xf32, #tpu.memory_space<hbm>>
    %dma_start3A_550 = tpu.memref_squeeze %dma_start3A_549 : memref<1x1024xf32, #tpu.memory_space<hbm>> -> memref<1024xf32, #tpu.memory_space<hbm>>
    %dma_start3A_551 = arith.constant 13416 : i32
    %dma_start3A_552 = tpu.memref_slice %arg20[%dma_start3A_551] : memref<16512xf32, #tpu.memory_space<vmem>> -> memref<1024xf32, #tpu.memory_space<vmem>>
    tpu.enqueue_dma source(%dma_start3A_552 : memref<1024xf32, #tpu.memory_space<vmem>>) target(%dma_start3A_550 : memref<1024xf32, #tpu.memory_space<hbm>>) target_semaphore(%arg22 : memref<!tpu.dma_semaphore, #tpu.memory_space<semaphore_mem>>)
    %add3A_553 = arith.constant 1024 : i32
    %add3A_554 = arith.addi %mul3A_2, %add3A_553 : i32
    %dma_start3A_555 = arith.constant 14 : i32
    %dma_start3A_556 = arith.constant 14448 : i32
    %dma_start3A_557 = tpu.memref_slice %arg20[%dma_start3A_556] : memref<16512xf32, #tpu.memory_space<vmem>> -> memref<1024xf32, #tpu.memory_space<vmem>>
    %dma_start3A_558 = tpu.memref_slice %arg5[%dma_start3A_555, %add3A_554] : memref<16x65536xf32, #tpu.memory_space<hbm>> -> memref<1x1024xf32, #tpu.memory_space<hbm>>
    %dma_start3A_559 = tpu.memref_squeeze %dma_start3A_558 : memref<1x1024xf32, #tpu.memory_space<hbm>> -> memref<1024xf32, #tpu.memory_space<hbm>>
    %dma_start3A_560 = tpu.memref_slice %arg5[%dma_start3A_555, %add3A_554] : memref<16x65536xf32, #tpu.memory_space<hbm>> -> memref<1x1024xf32, #tpu.memory_space<hbm>>
    %dma_start3A_561 = tpu.memref_squeeze %dma_start3A_560 : memref<1x1024xf32, #tpu.memory_space<hbm>> -> memref<1024xf32, #tpu.memory_space<hbm>>
    %dma_start3A_562 = arith.constant 14448 : i32
    %dma_start3A_563 = tpu.memref_slice %arg20[%dma_start3A_562] : memref<16512xf32, #tpu.memory_space<vmem>> -> memref<1024xf32, #tpu.memory_space<vmem>>
    tpu.enqueue_dma source(%dma_start3A_563 : memref<1024xf32, #tpu.memory_space<vmem>>) target(%dma_start3A_561 : memref<1024xf32, #tpu.memory_space<hbm>>) target_semaphore(%arg22 : memref<!tpu.dma_semaphore, #tpu.memory_space<semaphore_mem>>)
    %add3A_564 = arith.constant 1024 : i32
    %add3A_565 = arith.addi %mul3A_2, %add3A_564 : i32
    %dma_start3A_566 = arith.constant 15 : i32
    %dma_start3A_567 = arith.constant 15480 : i32
    %dma_start3A_568 = tpu.memref_slice %arg20[%dma_start3A_567] : memref<16512xf32, #tpu.memory_space<vmem>> -> memref<1024xf32, #tpu.memory_space<vmem>>
    %dma_start3A_569 = tpu.memref_slice %arg5[%dma_start3A_566, %add3A_565] : memref<16x65536xf32, #tpu.memory_space<hbm>> -> memref<1x1024xf32, #tpu.memory_space<hbm>>
    %dma_start3A_570 = tpu.memref_squeeze %dma_start3A_569 : memref<1x1024xf32, #tpu.memory_space<hbm>> -> memref<1024xf32, #tpu.memory_space<hbm>>
    %dma_start3A_571 = tpu.memref_slice %arg5[%dma_start3A_566, %add3A_565] : memref<16x65536xf32, #tpu.memory_space<hbm>> -> memref<1x1024xf32, #tpu.memory_space<hbm>>
    %dma_start3A_572 = tpu.memref_squeeze %dma_start3A_571 : memref<1x1024xf32, #tpu.memory_space<hbm>> -> memref<1024xf32, #tpu.memory_space<hbm>>
    %dma_start3A_573 = arith.constant 15480 : i32
    %dma_start3A_574 = tpu.memref_slice %arg20[%dma_start3A_573] : memref<16512xf32, #tpu.memory_space<vmem>> -> memref<1024xf32, #tpu.memory_space<vmem>>
    tpu.enqueue_dma source(%dma_start3A_574 : memref<1024xf32, #tpu.memory_space<vmem>>) target(%dma_start3A_572 : memref<1024xf32, #tpu.memory_space<hbm>>) target_semaphore(%arg22 : memref<!tpu.dma_semaphore, #tpu.memory_space<semaphore_mem>>)
    %dma_wait3A_575 = arith.constant 0 : i32
    %dma_wait3A_576 = arith.constant 0 : i32
    %dma_wait3A_577 = tpu.memref_slice %arg20[%dma_wait3A_576] : memref<16512xf32, #tpu.memory_space<vmem>> -> memref<1024xf32, #tpu.memory_space<vmem>>
    %dma_wait3A_578 = tpu.memref_slice %arg5[%dma_wait3A_575, %add3A_400] : memref<16x65536xf32, #tpu.memory_space<hbm>> -> memref<1x1024xf32, #tpu.memory_space<hbm>>
    %dma_wait3A_579 = tpu.memref_squeeze %dma_wait3A_578 : memref<1x1024xf32, #tpu.memory_space<hbm>> -> memref<1024xf32, #tpu.memory_space<hbm>>
    %dma_wait3A_580 = tpu.memref_slice %arg5[%dma_wait3A_575, %add3A_400] : memref<16x65536xf32, #tpu.memory_space<hbm>> -> memref<1x1024xf32, #tpu.memory_space<hbm>>
    %dma_wait3A_581 = tpu.memref_squeeze %dma_wait3A_580 : memref<1x1024xf32, #tpu.memory_space<hbm>> -> memref<1024xf32, #tpu.memory_space<hbm>>
    %dma_wait3A_582 = arith.constant 0 : i32
    %dma_wait3A_583 = tpu.memref_slice %arg20[%dma_wait3A_582] : memref<16512xf32, #tpu.memory_space<vmem>> -> memref<1024xf32, #tpu.memory_space<vmem>>
    tpu.wait_dma2 semaphore(%arg22 : memref<!tpu.dma_semaphore, #tpu.memory_space<semaphore_mem>>) src(%dma_wait3A_583 : memref<1024xf32, #tpu.memory_space<vmem>>) dst(%dma_wait3A_581 : memref<1024xf32, #tpu.memory_space<hbm>>)
    %dma_wait3A_584 = arith.constant 1 : i32
    %dma_wait3A_585 = arith.constant 1032 : i32
    %dma_wait3A_586 = tpu.memref_slice %arg20[%dma_wait3A_585] : memref<16512xf32, #tpu.memory_space<vmem>> -> memref<1024xf32, #tpu.memory_space<vmem>>
    %dma_wait3A_587 = tpu.memref_slice %arg5[%dma_wait3A_584, %add3A_411] : memref<16x65536xf32, #tpu.memory_space<hbm>> -> memref<1x1024xf32, #tpu.memory_space<hbm>>
    %dma_wait3A_588 = tpu.memref_squeeze %dma_wait3A_587 : memref<1x1024xf32, #tpu.memory_space<hbm>> -> memref<1024xf32, #tpu.memory_space<hbm>>
    %dma_wait3A_589 = tpu.memref_slice %arg5[%dma_wait3A_584, %add3A_411] : memref<16x65536xf32, #tpu.memory_space<hbm>> -> memref<1x1024xf32, #tpu.memory_space<hbm>>
    %dma_wait3A_590 = tpu.memref_squeeze %dma_wait3A_589 : memref<1x1024xf32, #tpu.memory_space<hbm>> -> memref<1024xf32, #tpu.memory_space<hbm>>
    %dma_wait3A_591 = arith.constant 1032 : i32
    %dma_wait3A_592 = tpu.memref_slice %arg20[%dma_wait3A_591] : memref<16512xf32, #tpu.memory_space<vmem>> -> memref<1024xf32, #tpu.memory_space<vmem>>
    tpu.wait_dma2 semaphore(%arg22 : memref<!tpu.dma_semaphore, #tpu.memory_space<semaphore_mem>>) src(%dma_wait3A_592 : memref<1024xf32, #tpu.memory_space<vmem>>) dst(%dma_wait3A_590 : memref<1024xf32, #tpu.memory_space<hbm>>)
    %dma_wait3A_593 = arith.constant 2 : i32
    %dma_wait3A_594 = arith.constant 2064 : i32
    %dma_wait3A_595 = tpu.memref_slice %arg20[%dma_wait3A_594] : memref<16512xf32, #tpu.memory_space<vmem>> -> memref<1024xf32, #tpu.memory_space<vmem>>
    %dma_wait3A_596 = tpu.memref_slice %arg5[%dma_wait3A_593, %add3A_422] : memref<16x65536xf32, #tpu.memory_space<hbm>> -> memref<1x1024xf32, #tpu.memory_space<hbm>>
    %dma_wait3A_597 = tpu.memref_squeeze %dma_wait3A_596 : memref<1x1024xf32, #tpu.memory_space<hbm>> -> memref<1024xf32, #tpu.memory_space<hbm>>
    %dma_wait3A_598 = tpu.memref_slice %arg5[%dma_wait3A_593, %add3A_422] : memref<16x65536xf32, #tpu.memory_space<hbm>> -> memref<1x1024xf32, #tpu.memory_space<hbm>>
    %dma_wait3A_599 = tpu.memref_squeeze %dma_wait3A_598 : memref<1x1024xf32, #tpu.memory_space<hbm>> -> memref<1024xf32, #tpu.memory_space<hbm>>
    %dma_wait3A_600 = arith.constant 2064 : i32
    %dma_wait3A_601 = tpu.memref_slice %arg20[%dma_wait3A_600] : memref<16512xf32, #tpu.memory_space<vmem>> -> memref<1024xf32, #tpu.memory_space<vmem>>
    tpu.wait_dma2 semaphore(%arg22 : memref<!tpu.dma_semaphore, #tpu.memory_space<semaphore_mem>>) src(%dma_wait3A_601 : memref<1024xf32, #tpu.memory_space<vmem>>) dst(%dma_wait3A_599 : memref<1024xf32, #tpu.memory_space<hbm>>)
    %dma_wait3A_602 = arith.constant 3 : i32
    %dma_wait3A_603 = arith.constant 3096 : i32
    %dma_wait3A_604 = tpu.memref_slice %arg20[%dma_wait3A_603] : memref<16512xf32, #tpu.memory_space<vmem>> -> memref<1024xf32, #tpu.memory_space<vmem>>
    %dma_wait3A_605 = tpu.memref_slice %arg5[%dma_wait3A_602, %add3A_433] : memref<16x65536xf32, #tpu.memory_space<hbm>> -> memref<1x1024xf32, #tpu.memory_space<hbm>>
    %dma_wait3A_606 = tpu.memref_squeeze %dma_wait3A_605 : memref<1x1024xf32, #tpu.memory_space<hbm>> -> memref<1024xf32, #tpu.memory_space<hbm>>
    %dma_wait3A_607 = tpu.memref_slice %arg5[%dma_wait3A_602, %add3A_433] : memref<16x65536xf32, #tpu.memory_space<hbm>> -> memref<1x1024xf32, #tpu.memory_space<hbm>>
    %dma_wait3A_608 = tpu.memref_squeeze %dma_wait3A_607 : memref<1x1024xf32, #tpu.memory_space<hbm>> -> memref<1024xf32, #tpu.memory_space<hbm>>
    %dma_wait3A_609 = arith.constant 3096 : i32
    %dma_wait3A_610 = tpu.memref_slice %arg20[%dma_wait3A_609] : memref<16512xf32, #tpu.memory_space<vmem>> -> memref<1024xf32, #tpu.memory_space<vmem>>
    tpu.wait_dma2 semaphore(%arg22 : memref<!tpu.dma_semaphore, #tpu.memory_space<semaphore_mem>>) src(%dma_wait3A_610 : memref<1024xf32, #tpu.memory_space<vmem>>) dst(%dma_wait3A_608 : memref<1024xf32, #tpu.memory_space<hbm>>)
    %dma_wait3A_611 = arith.constant 4 : i32
    %dma_wait3A_612 = arith.constant 4128 : i32
    %dma_wait3A_613 = tpu.memref_slice %arg20[%dma_wait3A_612] : memref<16512xf32, #tpu.memory_space<vmem>> -> memref<1024xf32, #tpu.memory_space<vmem>>
    %dma_wait3A_614 = tpu.memref_slice %arg5[%dma_wait3A_611, %add3A_444] : memref<16x65536xf32, #tpu.memory_space<hbm>> -> memref<1x1024xf32, #tpu.memory_space<hbm>>
    %dma_wait3A_615 = tpu.memref_squeeze %dma_wait3A_614 : memref<1x1024xf32, #tpu.memory_space<hbm>> -> memref<1024xf32, #tpu.memory_space<hbm>>
    %dma_wait3A_616 = tpu.memref_slice %arg5[%dma_wait3A_611, %add3A_444] : memref<16x65536xf32, #tpu.memory_space<hbm>> -> memref<1x1024xf32, #tpu.memory_space<hbm>>
    %dma_wait3A_617 = tpu.memref_squeeze %dma_wait3A_616 : memref<1x1024xf32, #tpu.memory_space<hbm>> -> memref<1024xf32, #tpu.memory_space<hbm>>
    %dma_wait3A_618 = arith.constant 4128 : i32
    %dma_wait3A_619 = tpu.memref_slice %arg20[%dma_wait3A_618] : memref<16512xf32, #tpu.memory_space<vmem>> -> memref<1024xf32, #tpu.memory_space<vmem>>
    tpu.wait_dma2 semaphore(%arg22 : memref<!tpu.dma_semaphore, #tpu.memory_space<semaphore_mem>>) src(%dma_wait3A_619 : memref<1024xf32, #tpu.memory_space<vmem>>) dst(%dma_wait3A_617 : memref<1024xf32, #tpu.memory_space<hbm>>)
    %dma_wait3A_620 = arith.constant 5 : i32
    %dma_wait3A_621 = arith.constant 5160 : i32
    %dma_wait3A_622 = tpu.memref_slice %arg20[%dma_wait3A_621] : memref<16512xf32, #tpu.memory_space<vmem>> -> memref<1024xf32, #tpu.memory_space<vmem>>
    %dma_wait3A_623 = tpu.memref_slice %arg5[%dma_wait3A_620, %add3A_455] : memref<16x65536xf32, #tpu.memory_space<hbm>> -> memref<1x1024xf32, #tpu.memory_space<hbm>>
    %dma_wait3A_624 = tpu.memref_squeeze %dma_wait3A_623 : memref<1x1024xf32, #tpu.memory_space<hbm>> -> memref<1024xf32, #tpu.memory_space<hbm>>
    %dma_wait3A_625 = tpu.memref_slice %arg5[%dma_wait3A_620, %add3A_455] : memref<16x65536xf32, #tpu.memory_space<hbm>> -> memref<1x1024xf32, #tpu.memory_space<hbm>>
    %dma_wait3A_626 = tpu.memref_squeeze %dma_wait3A_625 : memref<1x1024xf32, #tpu.memory_space<hbm>> -> memref<1024xf32, #tpu.memory_space<hbm>>
    %dma_wait3A_627 = arith.constant 5160 : i32
    %dma_wait3A_628 = tpu.memref_slice %arg20[%dma_wait3A_627] : memref<16512xf32, #tpu.memory_space<vmem>> -> memref<1024xf32, #tpu.memory_space<vmem>>
    tpu.wait_dma2 semaphore(%arg22 : memref<!tpu.dma_semaphore, #tpu.memory_space<semaphore_mem>>) src(%dma_wait3A_628 : memref<1024xf32, #tpu.memory_space<vmem>>) dst(%dma_wait3A_626 : memref<1024xf32, #tpu.memory_space<hbm>>)
    %dma_wait3A_629 = arith.constant 6 : i32
    %dma_wait3A_630 = arith.constant 6192 : i32
    %dma_wait3A_631 = tpu.memref_slice %arg20[%dma_wait3A_630] : memref<16512xf32, #tpu.memory_space<vmem>> -> memref<1024xf32, #tpu.memory_space<vmem>>
    %dma_wait3A_632 = tpu.memref_slice %arg5[%dma_wait3A_629, %add3A_466] : memref<16x65536xf32, #tpu.memory_space<hbm>> -> memref<1x1024xf32, #tpu.memory_space<hbm>>
    %dma_wait3A_633 = tpu.memref_squeeze %dma_wait3A_632 : memref<1x1024xf32, #tpu.memory_space<hbm>> -> memref<1024xf32, #tpu.memory_space<hbm>>
    %dma_wait3A_634 = tpu.memref_slice %arg5[%dma_wait3A_629, %add3A_466] : memref<16x65536xf32, #tpu.memory_space<hbm>> -> memref<1x1024xf32, #tpu.memory_space<hbm>>
    %dma_wait3A_635 = tpu.memref_squeeze %dma_wait3A_634 : memref<1x1024xf32, #tpu.memory_space<hbm>> -> memref<1024xf32, #tpu.memory_space<hbm>>
    %dma_wait3A_636 = arith.constant 6192 : i32
    %dma_wait3A_637 = tpu.memref_slice %arg20[%dma_wait3A_636] : memref<16512xf32, #tpu.memory_space<vmem>> -> memref<1024xf32, #tpu.memory_space<vmem>>
    tpu.wait_dma2 semaphore(%arg22 : memref<!tpu.dma_semaphore, #tpu.memory_space<semaphore_mem>>) src(%dma_wait3A_637 : memref<1024xf32, #tpu.memory_space<vmem>>) dst(%dma_wait3A_635 : memref<1024xf32, #tpu.memory_space<hbm>>)
    %dma_wait3A_638 = arith.constant 7 : i32
    %dma_wait3A_639 = arith.constant 7224 : i32
    %dma_wait3A_640 = tpu.memref_slice %arg20[%dma_wait3A_639] : memref<16512xf32, #tpu.memory_space<vmem>> -> memref<1024xf32, #tpu.memory_space<vmem>>
    %dma_wait3A_641 = tpu.memref_slice %arg5[%dma_wait3A_638, %add3A_477] : memref<16x65536xf32, #tpu.memory_space<hbm>> -> memref<1x1024xf32, #tpu.memory_space<hbm>>
    %dma_wait3A_642 = tpu.memref_squeeze %dma_wait3A_641 : memref<1x1024xf32, #tpu.memory_space<hbm>> -> memref<1024xf32, #tpu.memory_space<hbm>>
    %dma_wait3A_643 = tpu.memref_slice %arg5[%dma_wait3A_638, %add3A_477] : memref<16x65536xf32, #tpu.memory_space<hbm>> -> memref<1x1024xf32, #tpu.memory_space<hbm>>
    %dma_wait3A_644 = tpu.memref_squeeze %dma_wait3A_643 : memref<1x1024xf32, #tpu.memory_space<hbm>> -> memref<1024xf32, #tpu.memory_space<hbm>>
    %dma_wait3A_645 = arith.constant 7224 : i32
    %dma_wait3A_646 = tpu.memref_slice %arg20[%dma_wait3A_645] : memref<16512xf32, #tpu.memory_space<vmem>> -> memref<1024xf32, #tpu.memory_space<vmem>>
    tpu.wait_dma2 semaphore(%arg22 : memref<!tpu.dma_semaphore, #tpu.memory_space<semaphore_mem>>) src(%dma_wait3A_646 : memref<1024xf32, #tpu.memory_space<vmem>>) dst(%dma_wait3A_644 : memref<1024xf32, #tpu.memory_space<hbm>>)
    %dma_wait3A_647 = arith.constant 8 : i32
    %dma_wait3A_648 = arith.constant 8256 : i32
    %dma_wait3A_649 = tpu.memref_slice %arg20[%dma_wait3A_648] : memref<16512xf32, #tpu.memory_space<vmem>> -> memref<1024xf32, #tpu.memory_space<vmem>>
    %dma_wait3A_650 = tpu.memref_slice %arg5[%dma_wait3A_647, %add3A_488] : memref<16x65536xf32, #tpu.memory_space<hbm>> -> memref<1x1024xf32, #tpu.memory_space<hbm>>
    %dma_wait3A_651 = tpu.memref_squeeze %dma_wait3A_650 : memref<1x1024xf32, #tpu.memory_space<hbm>> -> memref<1024xf32, #tpu.memory_space<hbm>>
    %dma_wait3A_652 = tpu.memref_slice %arg5[%dma_wait3A_647, %add3A_488] : memref<16x65536xf32, #tpu.memory_space<hbm>> -> memref<1x1024xf32, #tpu.memory_space<hbm>>
    %dma_wait3A_653 = tpu.memref_squeeze %dma_wait3A_652 : memref<1x1024xf32, #tpu.memory_space<hbm>> -> memref<1024xf32, #tpu.memory_space<hbm>>
    %dma_wait3A_654 = arith.constant 8256 : i32
    %dma_wait3A_655 = tpu.memref_slice %arg20[%dma_wait3A_654] : memref<16512xf32, #tpu.memory_space<vmem>> -> memref<1024xf32, #tpu.memory_space<vmem>>
    tpu.wait_dma2 semaphore(%arg22 : memref<!tpu.dma_semaphore, #tpu.memory_space<semaphore_mem>>) src(%dma_wait3A_655 : memref<1024xf32, #tpu.memory_space<vmem>>) dst(%dma_wait3A_653 : memref<1024xf32, #tpu.memory_space<hbm>>)
    %dma_wait3A_656 = arith.constant 9 : i32
    %dma_wait3A_657 = arith.constant 9288 : i32
    %dma_wait3A_658 = tpu.memref_slice %arg20[%dma_wait3A_657] : memref<16512xf32, #tpu.memory_space<vmem>> -> memref<1024xf32, #tpu.memory_space<vmem>>
    %dma_wait3A_659 = tpu.memref_slice %arg5[%dma_wait3A_656, %add3A_499] : memref<16x65536xf32, #tpu.memory_space<hbm>> -> memref<1x1024xf32, #tpu.memory_space<hbm>>
    %dma_wait3A_660 = tpu.memref_squeeze %dma_wait3A_659 : memref<1x1024xf32, #tpu.memory_space<hbm>> -> memref<1024xf32, #tpu.memory_space<hbm>>
    %dma_wait3A_661 = tpu.memref_slice %arg5[%dma_wait3A_656, %add3A_499] : memref<16x65536xf32, #tpu.memory_space<hbm>> -> memref<1x1024xf32, #tpu.memory_space<hbm>>
    %dma_wait3A_662 = tpu.memref_squeeze %dma_wait3A_661 : memref<1x1024xf32, #tpu.memory_space<hbm>> -> memref<1024xf32, #tpu.memory_space<hbm>>
    %dma_wait3A_663 = arith.constant 9288 : i32
    %dma_wait3A_664 = tpu.memref_slice %arg20[%dma_wait3A_663] : memref<16512xf32, #tpu.memory_space<vmem>> -> memref<1024xf32, #tpu.memory_space<vmem>>
    tpu.wait_dma2 semaphore(%arg22 : memref<!tpu.dma_semaphore, #tpu.memory_space<semaphore_mem>>) src(%dma_wait3A_664 : memref<1024xf32, #tpu.memory_space<vmem>>) dst(%dma_wait3A_662 : memref<1024xf32, #tpu.memory_space<hbm>>)
    %dma_wait3A_665 = arith.constant 10 : i32
    %dma_wait3A_666 = arith.constant 10320 : i32
    %dma_wait3A_667 = tpu.memref_slice %arg20[%dma_wait3A_666] : memref<16512xf32, #tpu.memory_space<vmem>> -> memref<1024xf32, #tpu.memory_space<vmem>>
    %dma_wait3A_668 = tpu.memref_slice %arg5[%dma_wait3A_665, %add3A_510] : memref<16x65536xf32, #tpu.memory_space<hbm>> -> memref<1x1024xf32, #tpu.memory_space<hbm>>
    %dma_wait3A_669 = tpu.memref_squeeze %dma_wait3A_668 : memref<1x1024xf32, #tpu.memory_space<hbm>> -> memref<1024xf32, #tpu.memory_space<hbm>>
    %dma_wait3A_670 = tpu.memref_slice %arg5[%dma_wait3A_665, %add3A_510] : memref<16x65536xf32, #tpu.memory_space<hbm>> -> memref<1x1024xf32, #tpu.memory_space<hbm>>
    %dma_wait3A_671 = tpu.memref_squeeze %dma_wait3A_670 : memref<1x1024xf32, #tpu.memory_space<hbm>> -> memref<1024xf32, #tpu.memory_space<hbm>>
    %dma_wait3A_672 = arith.constant 10320 : i32
    %dma_wait3A_673 = tpu.memref_slice %arg20[%dma_wait3A_672] : memref<16512xf32, #tpu.memory_space<vmem>> -> memref<1024xf32, #tpu.memory_space<vmem>>
    tpu.wait_dma2 semaphore(%arg22 : memref<!tpu.dma_semaphore, #tpu.memory_space<semaphore_mem>>) src(%dma_wait3A_673 : memref<1024xf32, #tpu.memory_space<vmem>>) dst(%dma_wait3A_671 : memref<1024xf32, #tpu.memory_space<hbm>>)
    %dma_wait3A_674 = arith.constant 11 : i32
    %dma_wait3A_675 = arith.constant 11352 : i32
    %dma_wait3A_676 = tpu.memref_slice %arg20[%dma_wait3A_675] : memref<16512xf32, #tpu.memory_space<vmem>> -> memref<1024xf32, #tpu.memory_space<vmem>>
    %dma_wait3A_677 = tpu.memref_slice %arg5[%dma_wait3A_674, %add3A_521] : memref<16x65536xf32, #tpu.memory_space<hbm>> -> memref<1x1024xf32, #tpu.memory_space<hbm>>
    %dma_wait3A_678 = tpu.memref_squeeze %dma_wait3A_677 : memref<1x1024xf32, #tpu.memory_space<hbm>> -> memref<1024xf32, #tpu.memory_space<hbm>>
    %dma_wait3A_679 = tpu.memref_slice %arg5[%dma_wait3A_674, %add3A_521] : memref<16x65536xf32, #tpu.memory_space<hbm>> -> memref<1x1024xf32, #tpu.memory_space<hbm>>
    %dma_wait3A_680 = tpu.memref_squeeze %dma_wait3A_679 : memref<1x1024xf32, #tpu.memory_space<hbm>> -> memref<1024xf32, #tpu.memory_space<hbm>>
    %dma_wait3A_681 = arith.constant 11352 : i32
    %dma_wait3A_682 = tpu.memref_slice %arg20[%dma_wait3A_681] : memref<16512xf32, #tpu.memory_space<vmem>> -> memref<1024xf32, #tpu.memory_space<vmem>>
    tpu.wait_dma2 semaphore(%arg22 : memref<!tpu.dma_semaphore, #tpu.memory_space<semaphore_mem>>) src(%dma_wait3A_682 : memref<1024xf32, #tpu.memory_space<vmem>>) dst(%dma_wait3A_680 : memref<1024xf32, #tpu.memory_space<hbm>>)
    %dma_wait3A_683 = arith.constant 12 : i32
    %dma_wait3A_684 = arith.constant 12384 : i32
    %dma_wait3A_685 = tpu.memref_slice %arg20[%dma_wait3A_684] : memref<16512xf32, #tpu.memory_space<vmem>> -> memref<1024xf32, #tpu.memory_space<vmem>>
    %dma_wait3A_686 = tpu.memref_slice %arg5[%dma_wait3A_683, %add3A_532] : memref<16x65536xf32, #tpu.memory_space<hbm>> -> memref<1x1024xf32, #tpu.memory_space<hbm>>
    %dma_wait3A_687 = tpu.memref_squeeze %dma_wait3A_686 : memref<1x1024xf32, #tpu.memory_space<hbm>> -> memref<1024xf32, #tpu.memory_space<hbm>>
    %dma_wait3A_688 = tpu.memref_slice %arg5[%dma_wait3A_683, %add3A_532] : memref<16x65536xf32, #tpu.memory_space<hbm>> -> memref<1x1024xf32, #tpu.memory_space<hbm>>
    %dma_wait3A_689 = tpu.memref_squeeze %dma_wait3A_688 : memref<1x1024xf32, #tpu.memory_space<hbm>> -> memref<1024xf32, #tpu.memory_space<hbm>>
    %dma_wait3A_690 = arith.constant 12384 : i32
    %dma_wait3A_691 = tpu.memref_slice %arg20[%dma_wait3A_690] : memref<16512xf32, #tpu.memory_space<vmem>> -> memref<1024xf32, #tpu.memory_space<vmem>>
    tpu.wait_dma2 semaphore(%arg22 : memref<!tpu.dma_semaphore, #tpu.memory_space<semaphore_mem>>) src(%dma_wait3A_691 : memref<1024xf32, #tpu.memory_space<vmem>>) dst(%dma_wait3A_689 : memref<1024xf32, #tpu.memory_space<hbm>>)
    %dma_wait3A_692 = arith.constant 13 : i32
    %dma_wait3A_693 = arith.constant 13416 : i32
    %dma_wait3A_694 = tpu.memref_slice %arg20[%dma_wait3A_693] : memref<16512xf32, #tpu.memory_space<vmem>> -> memref<1024xf32, #tpu.memory_space<vmem>>
    %dma_wait3A_695 = tpu.memref_slice %arg5[%dma_wait3A_692, %add3A_543] : memref<16x65536xf32, #tpu.memory_space<hbm>> -> memref<1x1024xf32, #tpu.memory_space<hbm>>
    %dma_wait3A_696 = tpu.memref_squeeze %dma_wait3A_695 : memref<1x1024xf32, #tpu.memory_space<hbm>> -> memref<1024xf32, #tpu.memory_space<hbm>>
    %dma_wait3A_697 = tpu.memref_slice %arg5[%dma_wait3A_692, %add3A_543] : memref<16x65536xf32, #tpu.memory_space<hbm>> -> memref<1x1024xf32, #tpu.memory_space<hbm>>
    %dma_wait3A_698 = tpu.memref_squeeze %dma_wait3A_697 : memref<1x1024xf32, #tpu.memory_space<hbm>> -> memref<1024xf32, #tpu.memory_space<hbm>>
    %dma_wait3A_699 = arith.constant 13416 : i32
    %dma_wait3A_700 = tpu.memref_slice %arg20[%dma_wait3A_699] : memref<16512xf32, #tpu.memory_space<vmem>> -> memref<1024xf32, #tpu.memory_space<vmem>>
    tpu.wait_dma2 semaphore(%arg22 : memref<!tpu.dma_semaphore, #tpu.memory_space<semaphore_mem>>) src(%dma_wait3A_700 : memref<1024xf32, #tpu.memory_space<vmem>>) dst(%dma_wait3A_698 : memref<1024xf32, #tpu.memory_space<hbm>>)
    %dma_wait3A_701 = arith.constant 14 : i32
    %dma_wait3A_702 = arith.constant 14448 : i32
    %dma_wait3A_703 = tpu.memref_slice %arg20[%dma_wait3A_702] : memref<16512xf32, #tpu.memory_space<vmem>> -> memref<1024xf32, #tpu.memory_space<vmem>>
    %dma_wait3A_704 = tpu.memref_slice %arg5[%dma_wait3A_701, %add3A_554] : memref<16x65536xf32, #tpu.memory_space<hbm>> -> memref<1x1024xf32, #tpu.memory_space<hbm>>
    %dma_wait3A_705 = tpu.memref_squeeze %dma_wait3A_704 : memref<1x1024xf32, #tpu.memory_space<hbm>> -> memref<1024xf32, #tpu.memory_space<hbm>>
    %dma_wait3A_706 = tpu.memref_slice %arg5[%dma_wait3A_701, %add3A_554] : memref<16x65536xf32, #tpu.memory_space<hbm>> -> memref<1x1024xf32, #tpu.memory_space<hbm>>
    %dma_wait3A_707 = tpu.memref_squeeze %dma_wait3A_706 : memref<1x1024xf32, #tpu.memory_space<hbm>> -> memref<1024xf32, #tpu.memory_space<hbm>>
    %dma_wait3A_708 = arith.constant 14448 : i32
    %dma_wait3A_709 = tpu.memref_slice %arg20[%dma_wait3A_708] : memref<16512xf32, #tpu.memory_space<vmem>> -> memref<1024xf32, #tpu.memory_space<vmem>>
    tpu.wait_dma2 semaphore(%arg22 : memref<!tpu.dma_semaphore, #tpu.memory_space<semaphore_mem>>) src(%dma_wait3A_709 : memref<1024xf32, #tpu.memory_space<vmem>>) dst(%dma_wait3A_707 : memref<1024xf32, #tpu.memory_space<hbm>>)
    %dma_wait3A_710 = arith.constant 15 : i32
    %dma_wait3A_711 = arith.constant 15480 : i32
    %dma_wait3A_712 = tpu.memref_slice %arg20[%dma_wait3A_711] : memref<16512xf32, #tpu.memory_space<vmem>> -> memref<1024xf32, #tpu.memory_space<vmem>>
    %dma_wait3A_713 = tpu.memref_slice %arg5[%dma_wait3A_710, %add3A_565] : memref<16x65536xf32, #tpu.memory_space<hbm>> -> memref<1x1024xf32, #tpu.memory_space<hbm>>
    %dma_wait3A_714 = tpu.memref_squeeze %dma_wait3A_713 : memref<1x1024xf32, #tpu.memory_space<hbm>> -> memref<1024xf32, #tpu.memory_space<hbm>>
    %dma_wait3A_715 = tpu.memref_slice %arg5[%dma_wait3A_710, %add3A_565] : memref<16x65536xf32, #tpu.memory_space<hbm>> -> memref<1x1024xf32, #tpu.memory_space<hbm>>
    %dma_wait3A_716 = tpu.memref_squeeze %dma_wait3A_715 : memref<1x1024xf32, #tpu.memory_space<hbm>> -> memref<1024xf32, #tpu.memory_space<hbm>>
    %dma_wait3A_717 = arith.constant 15480 : i32
    %dma_wait3A_718 = tpu.memref_slice %arg20[%dma_wait3A_717] : memref<16512xf32, #tpu.memory_space<vmem>> -> memref<1024xf32, #tpu.memory_space<vmem>>
    tpu.wait_dma2 semaphore(%arg22 : memref<!tpu.dma_semaphore, #tpu.memory_space<semaphore_mem>>) src(%dma_wait3A_718 : memref<1024xf32, #tpu.memory_space<vmem>>) dst(%dma_wait3A_716 : memref<1024xf32, #tpu.memory_space<hbm>>)
    return
  }
}

module attributes {stable_mosaic.version = 14 : i64} {
  func.func @_tc_table_body(%arg0: memref<6xf32, #tpu.memory_space<smem>>, %arg1: memref<5x256x256xf32, #tpu.memory_space<vmem>>, %arg2: memref<5x256x256xf32, #tpu.memory_space<vmem>>, %arg3: memref<8x16x128xf32, #tpu.memory_space<vmem>>, %arg4: memref<16x256x256xf32, #tpu.memory_space<vmem>>, %arg5: memref<8192x128xf32, #tpu.memory_space<vmem>>) attributes {dimension_semantics = [], scalar_prefetch = 0 : i64, scratch_operands = 0 : i64, tpu.core_type = #tpu.core_type<tc>} {
    %get3A = arith.constant 0 : index
    %get3A_0 = arith.constant 0 : index
    %get3A_1 = arith.constant 0 : index
    %get3A_2 = vector.load %arg4[%get3A, %get3A_0, %get3A_1] : memref<16x256x256xf32, #tpu.memory_space<vmem>>, vector<16x256x256xf32>
    %reshape3A = vector.shape_cast %get3A_2 : vector<16x256x256xf32> to vector<4096x256xf32>
    %get3A_3 = arith.constant 0 : index
    %get3A_4 = memref.load %arg0[%get3A_3] : memref<6xf32, #tpu.memory_space<smem>>
    %slice3A = vector.extract_strided_slice %get3A_2 {offsets = [0, 0, 0], sizes = [1, 256, 256], strides = [1, 1, 1]} : vector<16x256x256xf32> to vector<1x256x256xf32>
    %squeeze3A = vector.shape_cast %slice3A : vector<1x256x256xf32> to vector<256x256xf32>
    %mul3A = vector.broadcast %get3A_4 : f32 to vector<256x256xf32>
    %mul3A_5 = arith.mulf %mul3A, %squeeze3A : vector<256x256xf32>
    %get3A_6 = arith.constant 0 : index
    %get3A_7 = memref.load %arg0[%get3A_6] : memref<6xf32, #tpu.memory_space<smem>>
    %slice3A_8 = vector.extract_strided_slice %get3A_2 {offsets = [1, 0, 0], sizes = [1, 256, 256], strides = [1, 1, 1]} : vector<16x256x256xf32> to vector<1x256x256xf32>
    %squeeze3A_9 = vector.shape_cast %slice3A_8 : vector<1x256x256xf32> to vector<256x256xf32>
    %mul3A_10 = vector.broadcast %get3A_7 : f32 to vector<256x256xf32>
    %mul3A_11 = arith.mulf %mul3A_10, %squeeze3A_9 : vector<256x256xf32>
    %get3A_12 = arith.constant 0 : index
    %get3A_13 = memref.load %arg0[%get3A_12] : memref<6xf32, #tpu.memory_space<smem>>
    %slice3A_14 = vector.extract_strided_slice %get3A_2 {offsets = [2, 0, 0], sizes = [1, 256, 256], strides = [1, 1, 1]} : vector<16x256x256xf32> to vector<1x256x256xf32>
    %squeeze3A_15 = vector.shape_cast %slice3A_14 : vector<1x256x256xf32> to vector<256x256xf32>
    %mul3A_16 = vector.broadcast %get3A_13 : f32 to vector<256x256xf32>
    %mul3A_17 = arith.mulf %mul3A_16, %squeeze3A_15 : vector<256x256xf32>
    %get3A_18 = arith.constant 0 : index
    %get3A_19 = memref.load %arg0[%get3A_18] : memref<6xf32, #tpu.memory_space<smem>>
    %slice3A_20 = vector.extract_strided_slice %get3A_2 {offsets = [3, 0, 0], sizes = [1, 256, 256], strides = [1, 1, 1]} : vector<16x256x256xf32> to vector<1x256x256xf32>
    %squeeze3A_21 = vector.shape_cast %slice3A_20 : vector<1x256x256xf32> to vector<256x256xf32>
    %mul3A_22 = vector.broadcast %get3A_19 : f32 to vector<256x256xf32>
    %mul3A_23 = arith.mulf %mul3A_22, %squeeze3A_21 : vector<256x256xf32>
    %get3A_24 = arith.constant 0 : index
    %get3A_25 = memref.load %arg0[%get3A_24] : memref<6xf32, #tpu.memory_space<smem>>
    %slice3A_26 = vector.extract_strided_slice %get3A_2 {offsets = [4, 0, 0], sizes = [1, 256, 256], strides = [1, 1, 1]} : vector<16x256x256xf32> to vector<1x256x256xf32>
    %squeeze3A_27 = vector.shape_cast %slice3A_26 : vector<1x256x256xf32> to vector<256x256xf32>
    %mul3A_28 = vector.broadcast %get3A_25 : f32 to vector<256x256xf32>
    %mul3A_29 = arith.mulf %mul3A_28, %squeeze3A_27 : vector<256x256xf32>
    %get3A_30 = arith.constant 0 : index
    %get3A_31 = memref.load %arg0[%get3A_30] : memref<6xf32, #tpu.memory_space<smem>>
    %slice3A_32 = vector.extract_strided_slice %get3A_2 {offsets = [5, 0, 0], sizes = [1, 256, 256], strides = [1, 1, 1]} : vector<16x256x256xf32> to vector<1x256x256xf32>
    %squeeze3A_33 = vector.shape_cast %slice3A_32 : vector<1x256x256xf32> to vector<256x256xf32>
    %mul3A_34 = vector.broadcast %get3A_31 : f32 to vector<256x256xf32>
    %mul3A_35 = arith.mulf %mul3A_34, %squeeze3A_33 : vector<256x256xf32>
    %get3A_36 = arith.constant 0 : index
    %get3A_37 = memref.load %arg0[%get3A_36] : memref<6xf32, #tpu.memory_space<smem>>
    %slice3A_38 = vector.extract_strided_slice %get3A_2 {offsets = [6, 0, 0], sizes = [1, 256, 256], strides = [1, 1, 1]} : vector<16x256x256xf32> to vector<1x256x256xf32>
    %squeeze3A_39 = vector.shape_cast %slice3A_38 : vector<1x256x256xf32> to vector<256x256xf32>
    %mul3A_40 = vector.broadcast %get3A_37 : f32 to vector<256x256xf32>
    %mul3A_41 = arith.mulf %mul3A_40, %squeeze3A_39 : vector<256x256xf32>
    %get3A_42 = arith.constant 0 : index
    %get3A_43 = memref.load %arg0[%get3A_42] : memref<6xf32, #tpu.memory_space<smem>>
    %slice3A_44 = vector.extract_strided_slice %get3A_2 {offsets = [7, 0, 0], sizes = [1, 256, 256], strides = [1, 1, 1]} : vector<16x256x256xf32> to vector<1x256x256xf32>
    %squeeze3A_45 = vector.shape_cast %slice3A_44 : vector<1x256x256xf32> to vector<256x256xf32>
    %mul3A_46 = vector.broadcast %get3A_43 : f32 to vector<256x256xf32>
    %mul3A_47 = arith.mulf %mul3A_46, %squeeze3A_45 : vector<256x256xf32>
    %get3A_48 = arith.constant 0 : index
    %get3A_49 = memref.load %arg0[%get3A_48] : memref<6xf32, #tpu.memory_space<smem>>
    %slice3A_50 = vector.extract_strided_slice %get3A_2 {offsets = [8, 0, 0], sizes = [1, 256, 256], strides = [1, 1, 1]} : vector<16x256x256xf32> to vector<1x256x256xf32>
    %squeeze3A_51 = vector.shape_cast %slice3A_50 : vector<1x256x256xf32> to vector<256x256xf32>
    %mul3A_52 = vector.broadcast %get3A_49 : f32 to vector<256x256xf32>
    %mul3A_53 = arith.mulf %mul3A_52, %squeeze3A_51 : vector<256x256xf32>
    %get3A_54 = arith.constant 0 : index
    %get3A_55 = memref.load %arg0[%get3A_54] : memref<6xf32, #tpu.memory_space<smem>>
    %slice3A_56 = vector.extract_strided_slice %get3A_2 {offsets = [9, 0, 0], sizes = [1, 256, 256], strides = [1, 1, 1]} : vector<16x256x256xf32> to vector<1x256x256xf32>
    %squeeze3A_57 = vector.shape_cast %slice3A_56 : vector<1x256x256xf32> to vector<256x256xf32>
    %mul3A_58 = vector.broadcast %get3A_55 : f32 to vector<256x256xf32>
    %mul3A_59 = arith.mulf %mul3A_58, %squeeze3A_57 : vector<256x256xf32>
    %get3A_60 = arith.constant 0 : index
    %get3A_61 = memref.load %arg0[%get3A_60] : memref<6xf32, #tpu.memory_space<smem>>
    %slice3A_62 = vector.extract_strided_slice %get3A_2 {offsets = [10, 0, 0], sizes = [1, 256, 256], strides = [1, 1, 1]} : vector<16x256x256xf32> to vector<1x256x256xf32>
    %squeeze3A_63 = vector.shape_cast %slice3A_62 : vector<1x256x256xf32> to vector<256x256xf32>
    %mul3A_64 = vector.broadcast %get3A_61 : f32 to vector<256x256xf32>
    %mul3A_65 = arith.mulf %mul3A_64, %squeeze3A_63 : vector<256x256xf32>
    %get3A_66 = arith.constant 0 : index
    %get3A_67 = memref.load %arg0[%get3A_66] : memref<6xf32, #tpu.memory_space<smem>>
    %slice3A_68 = vector.extract_strided_slice %get3A_2 {offsets = [11, 0, 0], sizes = [1, 256, 256], strides = [1, 1, 1]} : vector<16x256x256xf32> to vector<1x256x256xf32>
    %squeeze3A_69 = vector.shape_cast %slice3A_68 : vector<1x256x256xf32> to vector<256x256xf32>
    %mul3A_70 = vector.broadcast %get3A_67 : f32 to vector<256x256xf32>
    %mul3A_71 = arith.mulf %mul3A_70, %squeeze3A_69 : vector<256x256xf32>
    %get3A_72 = arith.constant 0 : index
    %get3A_73 = memref.load %arg0[%get3A_72] : memref<6xf32, #tpu.memory_space<smem>>
    %slice3A_74 = vector.extract_strided_slice %get3A_2 {offsets = [12, 0, 0], sizes = [1, 256, 256], strides = [1, 1, 1]} : vector<16x256x256xf32> to vector<1x256x256xf32>
    %squeeze3A_75 = vector.shape_cast %slice3A_74 : vector<1x256x256xf32> to vector<256x256xf32>
    %mul3A_76 = vector.broadcast %get3A_73 : f32 to vector<256x256xf32>
    %mul3A_77 = arith.mulf %mul3A_76, %squeeze3A_75 : vector<256x256xf32>
    %get3A_78 = arith.constant 0 : index
    %get3A_79 = memref.load %arg0[%get3A_78] : memref<6xf32, #tpu.memory_space<smem>>
    %slice3A_80 = vector.extract_strided_slice %get3A_2 {offsets = [13, 0, 0], sizes = [1, 256, 256], strides = [1, 1, 1]} : vector<16x256x256xf32> to vector<1x256x256xf32>
    %squeeze3A_81 = vector.shape_cast %slice3A_80 : vector<1x256x256xf32> to vector<256x256xf32>
    %mul3A_82 = vector.broadcast %get3A_79 : f32 to vector<256x256xf32>
    %mul3A_83 = arith.mulf %mul3A_82, %squeeze3A_81 : vector<256x256xf32>
    %get3A_84 = arith.constant 0 : index
    %get3A_85 = memref.load %arg0[%get3A_84] : memref<6xf32, #tpu.memory_space<smem>>
    %slice3A_86 = vector.extract_strided_slice %get3A_2 {offsets = [14, 0, 0], sizes = [1, 256, 256], strides = [1, 1, 1]} : vector<16x256x256xf32> to vector<1x256x256xf32>
    %squeeze3A_87 = vector.shape_cast %slice3A_86 : vector<1x256x256xf32> to vector<256x256xf32>
    %mul3A_88 = vector.broadcast %get3A_85 : f32 to vector<256x256xf32>
    %mul3A_89 = arith.mulf %mul3A_88, %squeeze3A_87 : vector<256x256xf32>
    %get3A_90 = arith.constant 0 : index
    %get3A_91 = memref.load %arg0[%get3A_90] : memref<6xf32, #tpu.memory_space<smem>>
    %slice3A_92 = vector.extract_strided_slice %get3A_2 {offsets = [15, 0, 0], sizes = [1, 256, 256], strides = [1, 1, 1]} : vector<16x256x256xf32> to vector<1x256x256xf32>
    %squeeze3A_93 = vector.shape_cast %slice3A_92 : vector<1x256x256xf32> to vector<256x256xf32>
    %mul3A_94 = vector.broadcast %get3A_91 : f32 to vector<256x256xf32>
    %mul3A_95 = arith.mulf %mul3A_94, %squeeze3A_93 : vector<256x256xf32>
    %get3A_96 = arith.constant 0 : index
    %get3A_97 = arith.constant 0 : index
    %get3A_98 = arith.constant 0 : index
    %get3A_99 = vector.load %arg2[%get3A_96, %get3A_97, %get3A_98] : memref<5x256x256xf32, #tpu.memory_space<vmem>>, vector<1x256x256xf32>
    %get3A_100 = vector.shape_cast %get3A_99 : vector<1x256x256xf32> to vector<256x256xf32>
    %dot_general3A = arith.constant dense<0.000000e+00> : vector<4096x256xf32>
    %dot_general3A_101 = tpu.matmul %reshape3A, %get3A_100, %dot_general3A {dimension_numbers = #tpu.dot_dimension_numbers<[1], [0], [0], [1], [0, 0, 1, 1], [], []>, transpose_lhs_hint = false} : vector<4096x256xf32>, vector<256x256xf32>, vector<4096x256xf32> -> vector<4096x256xf32>
    %get3A_102 = arith.constant 1 : index
    %get3A_103 = memref.load %arg0[%get3A_102] : memref<6xf32, #tpu.memory_space<smem>>
    %mul3A_104 = vector.broadcast %get3A_103 : f32 to vector<4096x256xf32>
    %mul3A_105 = arith.mulf %dot_general3A_101, %mul3A_104 : vector<4096x256xf32>
    %reshape3A_106 = vector.shape_cast %mul3A_105 : vector<4096x256xf32> to vector<16x256x256xf32>
    %get3A_107 = arith.constant 0 : index
    %get3A_108 = arith.constant 0 : index
    %get3A_109 = arith.constant 0 : index
    %get3A_110 = vector.load %arg1[%get3A_107, %get3A_108, %get3A_109] : memref<5x256x256xf32, #tpu.memory_space<vmem>>, vector<1x256x256xf32>
    %get3A_111 = vector.shape_cast %get3A_110 : vector<1x256x256xf32> to vector<256x256xf32>
    %slice3A_112 = vector.extract_strided_slice %reshape3A_106 {offsets = [0, 0, 0], sizes = [1, 256, 256], strides = [1, 1, 1]} : vector<16x256x256xf32> to vector<1x256x256xf32>
    %squeeze3A_113 = vector.shape_cast %slice3A_112 : vector<1x256x256xf32> to vector<256x256xf32>
    %dot_general3A_114 = arith.constant dense<0.000000e+00> : vector<256x256xf32>
    %dot_general3A_115 = tpu.matmul %get3A_111, %squeeze3A_113, %dot_general3A_114 {dimension_numbers = #tpu.dot_dimension_numbers<[1], [0], [0], [1], [0, 0, 1, 1], [], []>, transpose_lhs_hint = false} : vector<256x256xf32>, vector<256x256xf32>, vector<256x256xf32> -> vector<256x256xf32>
    %add3A = arith.addf %mul3A_5, %dot_general3A_115 : vector<256x256xf32>
    %get3A_116 = arith.constant 0 : index
    %get3A_117 = arith.constant 0 : index
    %get3A_118 = arith.constant 0 : index
    %get3A_119 = vector.load %arg1[%get3A_116, %get3A_117, %get3A_118] : memref<5x256x256xf32, #tpu.memory_space<vmem>>, vector<1x256x256xf32>
    %get3A_120 = vector.shape_cast %get3A_119 : vector<1x256x256xf32> to vector<256x256xf32>
    %slice3A_121 = vector.extract_strided_slice %reshape3A_106 {offsets = [1, 0, 0], sizes = [1, 256, 256], strides = [1, 1, 1]} : vector<16x256x256xf32> to vector<1x256x256xf32>
    %squeeze3A_122 = vector.shape_cast %slice3A_121 : vector<1x256x256xf32> to vector<256x256xf32>
    %dot_general3A_123 = arith.constant dense<0.000000e+00> : vector<256x256xf32>
    %dot_general3A_124 = tpu.matmul %get3A_120, %squeeze3A_122, %dot_general3A_123 {dimension_numbers = #tpu.dot_dimension_numbers<[1], [0], [0], [1], [0, 0, 1, 1], [], []>, transpose_lhs_hint = false} : vector<256x256xf32>, vector<256x256xf32>, vector<256x256xf32> -> vector<256x256xf32>
    %add3A_125 = arith.addf %mul3A_11, %dot_general3A_124 : vector<256x256xf32>
    %get3A_126 = arith.constant 0 : index
    %get3A_127 = arith.constant 0 : index
    %get3A_128 = arith.constant 0 : index
    %get3A_129 = vector.load %arg1[%get3A_126, %get3A_127, %get3A_128] : memref<5x256x256xf32, #tpu.memory_space<vmem>>, vector<1x256x256xf32>
    %get3A_130 = vector.shape_cast %get3A_129 : vector<1x256x256xf32> to vector<256x256xf32>
    %slice3A_131 = vector.extract_strided_slice %reshape3A_106 {offsets = [2, 0, 0], sizes = [1, 256, 256], strides = [1, 1, 1]} : vector<16x256x256xf32> to vector<1x256x256xf32>
    %squeeze3A_132 = vector.shape_cast %slice3A_131 : vector<1x256x256xf32> to vector<256x256xf32>
    %dot_general3A_133 = arith.constant dense<0.000000e+00> : vector<256x256xf32>
    %dot_general3A_134 = tpu.matmul %get3A_130, %squeeze3A_132, %dot_general3A_133 {dimension_numbers = #tpu.dot_dimension_numbers<[1], [0], [0], [1], [0, 0, 1, 1], [], []>, transpose_lhs_hint = false} : vector<256x256xf32>, vector<256x256xf32>, vector<256x256xf32> -> vector<256x256xf32>
    %add3A_135 = arith.addf %mul3A_17, %dot_general3A_134 : vector<256x256xf32>
    %get3A_136 = arith.constant 0 : index
    %get3A_137 = arith.constant 0 : index
    %get3A_138 = arith.constant 0 : index
    %get3A_139 = vector.load %arg1[%get3A_136, %get3A_137, %get3A_138] : memref<5x256x256xf32, #tpu.memory_space<vmem>>, vector<1x256x256xf32>
    %get3A_140 = vector.shape_cast %get3A_139 : vector<1x256x256xf32> to vector<256x256xf32>
    %slice3A_141 = vector.extract_strided_slice %reshape3A_106 {offsets = [3, 0, 0], sizes = [1, 256, 256], strides = [1, 1, 1]} : vector<16x256x256xf32> to vector<1x256x256xf32>
    %squeeze3A_142 = vector.shape_cast %slice3A_141 : vector<1x256x256xf32> to vector<256x256xf32>
    %dot_general3A_143 = arith.constant dense<0.000000e+00> : vector<256x256xf32>
    %dot_general3A_144 = tpu.matmul %get3A_140, %squeeze3A_142, %dot_general3A_143 {dimension_numbers = #tpu.dot_dimension_numbers<[1], [0], [0], [1], [0, 0, 1, 1], [], []>, transpose_lhs_hint = false} : vector<256x256xf32>, vector<256x256xf32>, vector<256x256xf32> -> vector<256x256xf32>
    %add3A_145 = arith.addf %mul3A_23, %dot_general3A_144 : vector<256x256xf32>
    %get3A_146 = arith.constant 0 : index
    %get3A_147 = arith.constant 0 : index
    %get3A_148 = arith.constant 0 : index
    %get3A_149 = vector.load %arg1[%get3A_146, %get3A_147, %get3A_148] : memref<5x256x256xf32, #tpu.memory_space<vmem>>, vector<1x256x256xf32>
    %get3A_150 = vector.shape_cast %get3A_149 : vector<1x256x256xf32> to vector<256x256xf32>
    %slice3A_151 = vector.extract_strided_slice %reshape3A_106 {offsets = [4, 0, 0], sizes = [1, 256, 256], strides = [1, 1, 1]} : vector<16x256x256xf32> to vector<1x256x256xf32>
    %squeeze3A_152 = vector.shape_cast %slice3A_151 : vector<1x256x256xf32> to vector<256x256xf32>
    %dot_general3A_153 = arith.constant dense<0.000000e+00> : vector<256x256xf32>
    %dot_general3A_154 = tpu.matmul %get3A_150, %squeeze3A_152, %dot_general3A_153 {dimension_numbers = #tpu.dot_dimension_numbers<[1], [0], [0], [1], [0, 0, 1, 1], [], []>, transpose_lhs_hint = false} : vector<256x256xf32>, vector<256x256xf32>, vector<256x256xf32> -> vector<256x256xf32>
    %add3A_155 = arith.addf %mul3A_29, %dot_general3A_154 : vector<256x256xf32>
    %get3A_156 = arith.constant 0 : index
    %get3A_157 = arith.constant 0 : index
    %get3A_158 = arith.constant 0 : index
    %get3A_159 = vector.load %arg1[%get3A_156, %get3A_157, %get3A_158] : memref<5x256x256xf32, #tpu.memory_space<vmem>>, vector<1x256x256xf32>
    %get3A_160 = vector.shape_cast %get3A_159 : vector<1x256x256xf32> to vector<256x256xf32>
    %slice3A_161 = vector.extract_strided_slice %reshape3A_106 {offsets = [5, 0, 0], sizes = [1, 256, 256], strides = [1, 1, 1]} : vector<16x256x256xf32> to vector<1x256x256xf32>
    %squeeze3A_162 = vector.shape_cast %slice3A_161 : vector<1x256x256xf32> to vector<256x256xf32>
    %dot_general3A_163 = arith.constant dense<0.000000e+00> : vector<256x256xf32>
    %dot_general3A_164 = tpu.matmul %get3A_160, %squeeze3A_162, %dot_general3A_163 {dimension_numbers = #tpu.dot_dimension_numbers<[1], [0], [0], [1], [0, 0, 1, 1], [], []>, transpose_lhs_hint = false} : vector<256x256xf32>, vector<256x256xf32>, vector<256x256xf32> -> vector<256x256xf32>
    %add3A_165 = arith.addf %mul3A_35, %dot_general3A_164 : vector<256x256xf32>
    %get3A_166 = arith.constant 0 : index
    %get3A_167 = arith.constant 0 : index
    %get3A_168 = arith.constant 0 : index
    %get3A_169 = vector.load %arg1[%get3A_166, %get3A_167, %get3A_168] : memref<5x256x256xf32, #tpu.memory_space<vmem>>, vector<1x256x256xf32>
    %get3A_170 = vector.shape_cast %get3A_169 : vector<1x256x256xf32> to vector<256x256xf32>
    %slice3A_171 = vector.extract_strided_slice %reshape3A_106 {offsets = [6, 0, 0], sizes = [1, 256, 256], strides = [1, 1, 1]} : vector<16x256x256xf32> to vector<1x256x256xf32>
    %squeeze3A_172 = vector.shape_cast %slice3A_171 : vector<1x256x256xf32> to vector<256x256xf32>
    %dot_general3A_173 = arith.constant dense<0.000000e+00> : vector<256x256xf32>
    %dot_general3A_174 = tpu.matmul %get3A_170, %squeeze3A_172, %dot_general3A_173 {dimension_numbers = #tpu.dot_dimension_numbers<[1], [0], [0], [1], [0, 0, 1, 1], [], []>, transpose_lhs_hint = false} : vector<256x256xf32>, vector<256x256xf32>, vector<256x256xf32> -> vector<256x256xf32>
    %add3A_175 = arith.addf %mul3A_41, %dot_general3A_174 : vector<256x256xf32>
    %get3A_176 = arith.constant 0 : index
    %get3A_177 = arith.constant 0 : index
    %get3A_178 = arith.constant 0 : index
    %get3A_179 = vector.load %arg1[%get3A_176, %get3A_177, %get3A_178] : memref<5x256x256xf32, #tpu.memory_space<vmem>>, vector<1x256x256xf32>
    %get3A_180 = vector.shape_cast %get3A_179 : vector<1x256x256xf32> to vector<256x256xf32>
    %slice3A_181 = vector.extract_strided_slice %reshape3A_106 {offsets = [7, 0, 0], sizes = [1, 256, 256], strides = [1, 1, 1]} : vector<16x256x256xf32> to vector<1x256x256xf32>
    %squeeze3A_182 = vector.shape_cast %slice3A_181 : vector<1x256x256xf32> to vector<256x256xf32>
    %dot_general3A_183 = arith.constant dense<0.000000e+00> : vector<256x256xf32>
    %dot_general3A_184 = tpu.matmul %get3A_180, %squeeze3A_182, %dot_general3A_183 {dimension_numbers = #tpu.dot_dimension_numbers<[1], [0], [0], [1], [0, 0, 1, 1], [], []>, transpose_lhs_hint = false} : vector<256x256xf32>, vector<256x256xf32>, vector<256x256xf32> -> vector<256x256xf32>
    %add3A_185 = arith.addf %mul3A_47, %dot_general3A_184 : vector<256x256xf32>
    %get3A_186 = arith.constant 0 : index
    %get3A_187 = arith.constant 0 : index
    %get3A_188 = arith.constant 0 : index
    %get3A_189 = vector.load %arg1[%get3A_186, %get3A_187, %get3A_188] : memref<5x256x256xf32, #tpu.memory_space<vmem>>, vector<1x256x256xf32>
    %get3A_190 = vector.shape_cast %get3A_189 : vector<1x256x256xf32> to vector<256x256xf32>
    %slice3A_191 = vector.extract_strided_slice %reshape3A_106 {offsets = [8, 0, 0], sizes = [1, 256, 256], strides = [1, 1, 1]} : vector<16x256x256xf32> to vector<1x256x256xf32>
    %squeeze3A_192 = vector.shape_cast %slice3A_191 : vector<1x256x256xf32> to vector<256x256xf32>
    %dot_general3A_193 = arith.constant dense<0.000000e+00> : vector<256x256xf32>
    %dot_general3A_194 = tpu.matmul %get3A_190, %squeeze3A_192, %dot_general3A_193 {dimension_numbers = #tpu.dot_dimension_numbers<[1], [0], [0], [1], [0, 0, 1, 1], [], []>, transpose_lhs_hint = false} : vector<256x256xf32>, vector<256x256xf32>, vector<256x256xf32> -> vector<256x256xf32>
    %add3A_195 = arith.addf %mul3A_53, %dot_general3A_194 : vector<256x256xf32>
    %get3A_196 = arith.constant 0 : index
    %get3A_197 = arith.constant 0 : index
    %get3A_198 = arith.constant 0 : index
    %get3A_199 = vector.load %arg1[%get3A_196, %get3A_197, %get3A_198] : memref<5x256x256xf32, #tpu.memory_space<vmem>>, vector<1x256x256xf32>
    %get3A_200 = vector.shape_cast %get3A_199 : vector<1x256x256xf32> to vector<256x256xf32>
    %slice3A_201 = vector.extract_strided_slice %reshape3A_106 {offsets = [9, 0, 0], sizes = [1, 256, 256], strides = [1, 1, 1]} : vector<16x256x256xf32> to vector<1x256x256xf32>
    %squeeze3A_202 = vector.shape_cast %slice3A_201 : vector<1x256x256xf32> to vector<256x256xf32>
    %dot_general3A_203 = arith.constant dense<0.000000e+00> : vector<256x256xf32>
    %dot_general3A_204 = tpu.matmul %get3A_200, %squeeze3A_202, %dot_general3A_203 {dimension_numbers = #tpu.dot_dimension_numbers<[1], [0], [0], [1], [0, 0, 1, 1], [], []>, transpose_lhs_hint = false} : vector<256x256xf32>, vector<256x256xf32>, vector<256x256xf32> -> vector<256x256xf32>
    %add3A_205 = arith.addf %mul3A_59, %dot_general3A_204 : vector<256x256xf32>
    %get3A_206 = arith.constant 0 : index
    %get3A_207 = arith.constant 0 : index
    %get3A_208 = arith.constant 0 : index
    %get3A_209 = vector.load %arg1[%get3A_206, %get3A_207, %get3A_208] : memref<5x256x256xf32, #tpu.memory_space<vmem>>, vector<1x256x256xf32>
    %get3A_210 = vector.shape_cast %get3A_209 : vector<1x256x256xf32> to vector<256x256xf32>
    %slice3A_211 = vector.extract_strided_slice %reshape3A_106 {offsets = [10, 0, 0], sizes = [1, 256, 256], strides = [1, 1, 1]} : vector<16x256x256xf32> to vector<1x256x256xf32>
    %squeeze3A_212 = vector.shape_cast %slice3A_211 : vector<1x256x256xf32> to vector<256x256xf32>
    %dot_general3A_213 = arith.constant dense<0.000000e+00> : vector<256x256xf32>
    %dot_general3A_214 = tpu.matmul %get3A_210, %squeeze3A_212, %dot_general3A_213 {dimension_numbers = #tpu.dot_dimension_numbers<[1], [0], [0], [1], [0, 0, 1, 1], [], []>, transpose_lhs_hint = false} : vector<256x256xf32>, vector<256x256xf32>, vector<256x256xf32> -> vector<256x256xf32>
    %add3A_215 = arith.addf %mul3A_65, %dot_general3A_214 : vector<256x256xf32>
    %get3A_216 = arith.constant 0 : index
    %get3A_217 = arith.constant 0 : index
    %get3A_218 = arith.constant 0 : index
    %get3A_219 = vector.load %arg1[%get3A_216, %get3A_217, %get3A_218] : memref<5x256x256xf32, #tpu.memory_space<vmem>>, vector<1x256x256xf32>
    %get3A_220 = vector.shape_cast %get3A_219 : vector<1x256x256xf32> to vector<256x256xf32>
    %slice3A_221 = vector.extract_strided_slice %reshape3A_106 {offsets = [11, 0, 0], sizes = [1, 256, 256], strides = [1, 1, 1]} : vector<16x256x256xf32> to vector<1x256x256xf32>
    %squeeze3A_222 = vector.shape_cast %slice3A_221 : vector<1x256x256xf32> to vector<256x256xf32>
    %dot_general3A_223 = arith.constant dense<0.000000e+00> : vector<256x256xf32>
    %dot_general3A_224 = tpu.matmul %get3A_220, %squeeze3A_222, %dot_general3A_223 {dimension_numbers = #tpu.dot_dimension_numbers<[1], [0], [0], [1], [0, 0, 1, 1], [], []>, transpose_lhs_hint = false} : vector<256x256xf32>, vector<256x256xf32>, vector<256x256xf32> -> vector<256x256xf32>
    %add3A_225 = arith.addf %mul3A_71, %dot_general3A_224 : vector<256x256xf32>
    %get3A_226 = arith.constant 0 : index
    %get3A_227 = arith.constant 0 : index
    %get3A_228 = arith.constant 0 : index
    %get3A_229 = vector.load %arg1[%get3A_226, %get3A_227, %get3A_228] : memref<5x256x256xf32, #tpu.memory_space<vmem>>, vector<1x256x256xf32>
    %get3A_230 = vector.shape_cast %get3A_229 : vector<1x256x256xf32> to vector<256x256xf32>
    %slice3A_231 = vector.extract_strided_slice %reshape3A_106 {offsets = [12, 0, 0], sizes = [1, 256, 256], strides = [1, 1, 1]} : vector<16x256x256xf32> to vector<1x256x256xf32>
    %squeeze3A_232 = vector.shape_cast %slice3A_231 : vector<1x256x256xf32> to vector<256x256xf32>
    %dot_general3A_233 = arith.constant dense<0.000000e+00> : vector<256x256xf32>
    %dot_general3A_234 = tpu.matmul %get3A_230, %squeeze3A_232, %dot_general3A_233 {dimension_numbers = #tpu.dot_dimension_numbers<[1], [0], [0], [1], [0, 0, 1, 1], [], []>, transpose_lhs_hint = false} : vector<256x256xf32>, vector<256x256xf32>, vector<256x256xf32> -> vector<256x256xf32>
    %add3A_235 = arith.addf %mul3A_77, %dot_general3A_234 : vector<256x256xf32>
    %get3A_236 = arith.constant 0 : index
    %get3A_237 = arith.constant 0 : index
    %get3A_238 = arith.constant 0 : index
    %get3A_239 = vector.load %arg1[%get3A_236, %get3A_237, %get3A_238] : memref<5x256x256xf32, #tpu.memory_space<vmem>>, vector<1x256x256xf32>
    %get3A_240 = vector.shape_cast %get3A_239 : vector<1x256x256xf32> to vector<256x256xf32>
    %slice3A_241 = vector.extract_strided_slice %reshape3A_106 {offsets = [13, 0, 0], sizes = [1, 256, 256], strides = [1, 1, 1]} : vector<16x256x256xf32> to vector<1x256x256xf32>
    %squeeze3A_242 = vector.shape_cast %slice3A_241 : vector<1x256x256xf32> to vector<256x256xf32>
    %dot_general3A_243 = arith.constant dense<0.000000e+00> : vector<256x256xf32>
    %dot_general3A_244 = tpu.matmul %get3A_240, %squeeze3A_242, %dot_general3A_243 {dimension_numbers = #tpu.dot_dimension_numbers<[1], [0], [0], [1], [0, 0, 1, 1], [], []>, transpose_lhs_hint = false} : vector<256x256xf32>, vector<256x256xf32>, vector<256x256xf32> -> vector<256x256xf32>
    %add3A_245 = arith.addf %mul3A_83, %dot_general3A_244 : vector<256x256xf32>
    %get3A_246 = arith.constant 0 : index
    %get3A_247 = arith.constant 0 : index
    %get3A_248 = arith.constant 0 : index
    %get3A_249 = vector.load %arg1[%get3A_246, %get3A_247, %get3A_248] : memref<5x256x256xf32, #tpu.memory_space<vmem>>, vector<1x256x256xf32>
    %get3A_250 = vector.shape_cast %get3A_249 : vector<1x256x256xf32> to vector<256x256xf32>
    %slice3A_251 = vector.extract_strided_slice %reshape3A_106 {offsets = [14, 0, 0], sizes = [1, 256, 256], strides = [1, 1, 1]} : vector<16x256x256xf32> to vector<1x256x256xf32>
    %squeeze3A_252 = vector.shape_cast %slice3A_251 : vector<1x256x256xf32> to vector<256x256xf32>
    %dot_general3A_253 = arith.constant dense<0.000000e+00> : vector<256x256xf32>
    %dot_general3A_254 = tpu.matmul %get3A_250, %squeeze3A_252, %dot_general3A_253 {dimension_numbers = #tpu.dot_dimension_numbers<[1], [0], [0], [1], [0, 0, 1, 1], [], []>, transpose_lhs_hint = false} : vector<256x256xf32>, vector<256x256xf32>, vector<256x256xf32> -> vector<256x256xf32>
    %add3A_255 = arith.addf %mul3A_89, %dot_general3A_254 : vector<256x256xf32>
    %get3A_256 = arith.constant 0 : index
    %get3A_257 = arith.constant 0 : index
    %get3A_258 = arith.constant 0 : index
    %get3A_259 = vector.load %arg1[%get3A_256, %get3A_257, %get3A_258] : memref<5x256x256xf32, #tpu.memory_space<vmem>>, vector<1x256x256xf32>
    %get3A_260 = vector.shape_cast %get3A_259 : vector<1x256x256xf32> to vector<256x256xf32>
    %slice3A_261 = vector.extract_strided_slice %reshape3A_106 {offsets = [15, 0, 0], sizes = [1, 256, 256], strides = [1, 1, 1]} : vector<16x256x256xf32> to vector<1x256x256xf32>
    %squeeze3A_262 = vector.shape_cast %slice3A_261 : vector<1x256x256xf32> to vector<256x256xf32>
    %dot_general3A_263 = arith.constant dense<0.000000e+00> : vector<256x256xf32>
    %dot_general3A_264 = tpu.matmul %get3A_260, %squeeze3A_262, %dot_general3A_263 {dimension_numbers = #tpu.dot_dimension_numbers<[1], [0], [0], [1], [0, 0, 1, 1], [], []>, transpose_lhs_hint = false} : vector<256x256xf32>, vector<256x256xf32>, vector<256x256xf32> -> vector<256x256xf32>
    %add3A_265 = arith.addf %mul3A_95, %dot_general3A_264 : vector<256x256xf32>
    %get3A_266 = arith.constant 1 : index
    %get3A_267 = arith.constant 0 : index
    %get3A_268 = arith.constant 0 : index
    %get3A_269 = vector.load %arg2[%get3A_266, %get3A_267, %get3A_268] : memref<5x256x256xf32, #tpu.memory_space<vmem>>, vector<1x256x256xf32>
    %get3A_270 = vector.shape_cast %get3A_269 : vector<1x256x256xf32> to vector<256x256xf32>
    %dot_general3A_271 = arith.constant dense<0.000000e+00> : vector<4096x256xf32>
    %dot_general3A_272 = tpu.matmul %reshape3A, %get3A_270, %dot_general3A_271 {dimension_numbers = #tpu.dot_dimension_numbers<[1], [0], [0], [1], [0, 0, 1, 1], [], []>, transpose_lhs_hint = false} : vector<4096x256xf32>, vector<256x256xf32>, vector<4096x256xf32> -> vector<4096x256xf32>
    %get3A_273 = arith.constant 2 : index
    %get3A_274 = memref.load %arg0[%get3A_273] : memref<6xf32, #tpu.memory_space<smem>>
    %mul3A_275 = vector.broadcast %get3A_274 : f32 to vector<4096x256xf32>
    %mul3A_276 = arith.mulf %dot_general3A_272, %mul3A_275 : vector<4096x256xf32>
    %reshape3A_277 = vector.shape_cast %mul3A_276 : vector<4096x256xf32> to vector<16x256x256xf32>
    %get3A_278 = arith.constant 1 : index
    %get3A_279 = arith.constant 0 : index
    %get3A_280 = arith.constant 0 : index
    %get3A_281 = vector.load %arg1[%get3A_278, %get3A_279, %get3A_280] : memref<5x256x256xf32, #tpu.memory_space<vmem>>, vector<1x256x256xf32>
    %get3A_282 = vector.shape_cast %get3A_281 : vector<1x256x256xf32> to vector<256x256xf32>
    %slice3A_283 = vector.extract_strided_slice %reshape3A_277 {offsets = [0, 0, 0], sizes = [1, 256, 256], strides = [1, 1, 1]} : vector<16x256x256xf32> to vector<1x256x256xf32>
    %squeeze3A_284 = vector.shape_cast %slice3A_283 : vector<1x256x256xf32> to vector<256x256xf32>
    %dot_general3A_285 = arith.constant dense<0.000000e+00> : vector<256x256xf32>
    %dot_general3A_286 = tpu.matmul %get3A_282, %squeeze3A_284, %dot_general3A_285 {dimension_numbers = #tpu.dot_dimension_numbers<[1], [0], [0], [1], [0, 0, 1, 1], [], []>, transpose_lhs_hint = false} : vector<256x256xf32>, vector<256x256xf32>, vector<256x256xf32> -> vector<256x256xf32>
    %add3A_287 = arith.addf %add3A, %dot_general3A_286 : vector<256x256xf32>
    %get3A_288 = arith.constant 1 : index
    %get3A_289 = arith.constant 0 : index
    %get3A_290 = arith.constant 0 : index
    %get3A_291 = vector.load %arg1[%get3A_288, %get3A_289, %get3A_290] : memref<5x256x256xf32, #tpu.memory_space<vmem>>, vector<1x256x256xf32>
    %get3A_292 = vector.shape_cast %get3A_291 : vector<1x256x256xf32> to vector<256x256xf32>
    %slice3A_293 = vector.extract_strided_slice %reshape3A_277 {offsets = [1, 0, 0], sizes = [1, 256, 256], strides = [1, 1, 1]} : vector<16x256x256xf32> to vector<1x256x256xf32>
    %squeeze3A_294 = vector.shape_cast %slice3A_293 : vector<1x256x256xf32> to vector<256x256xf32>
    %dot_general3A_295 = arith.constant dense<0.000000e+00> : vector<256x256xf32>
    %dot_general3A_296 = tpu.matmul %get3A_292, %squeeze3A_294, %dot_general3A_295 {dimension_numbers = #tpu.dot_dimension_numbers<[1], [0], [0], [1], [0, 0, 1, 1], [], []>, transpose_lhs_hint = false} : vector<256x256xf32>, vector<256x256xf32>, vector<256x256xf32> -> vector<256x256xf32>
    %add3A_297 = arith.addf %add3A_125, %dot_general3A_296 : vector<256x256xf32>
    %get3A_298 = arith.constant 1 : index
    %get3A_299 = arith.constant 0 : index
    %get3A_300 = arith.constant 0 : index
    %get3A_301 = vector.load %arg1[%get3A_298, %get3A_299, %get3A_300] : memref<5x256x256xf32, #tpu.memory_space<vmem>>, vector<1x256x256xf32>
    %get3A_302 = vector.shape_cast %get3A_301 : vector<1x256x256xf32> to vector<256x256xf32>
    %slice3A_303 = vector.extract_strided_slice %reshape3A_277 {offsets = [2, 0, 0], sizes = [1, 256, 256], strides = [1, 1, 1]} : vector<16x256x256xf32> to vector<1x256x256xf32>
    %squeeze3A_304 = vector.shape_cast %slice3A_303 : vector<1x256x256xf32> to vector<256x256xf32>
    %dot_general3A_305 = arith.constant dense<0.000000e+00> : vector<256x256xf32>
    %dot_general3A_306 = tpu.matmul %get3A_302, %squeeze3A_304, %dot_general3A_305 {dimension_numbers = #tpu.dot_dimension_numbers<[1], [0], [0], [1], [0, 0, 1, 1], [], []>, transpose_lhs_hint = false} : vector<256x256xf32>, vector<256x256xf32>, vector<256x256xf32> -> vector<256x256xf32>
    %add3A_307 = arith.addf %add3A_135, %dot_general3A_306 : vector<256x256xf32>
    %get3A_308 = arith.constant 1 : index
    %get3A_309 = arith.constant 0 : index
    %get3A_310 = arith.constant 0 : index
    %get3A_311 = vector.load %arg1[%get3A_308, %get3A_309, %get3A_310] : memref<5x256x256xf32, #tpu.memory_space<vmem>>, vector<1x256x256xf32>
    %get3A_312 = vector.shape_cast %get3A_311 : vector<1x256x256xf32> to vector<256x256xf32>
    %slice3A_313 = vector.extract_strided_slice %reshape3A_277 {offsets = [3, 0, 0], sizes = [1, 256, 256], strides = [1, 1, 1]} : vector<16x256x256xf32> to vector<1x256x256xf32>
    %squeeze3A_314 = vector.shape_cast %slice3A_313 : vector<1x256x256xf32> to vector<256x256xf32>
    %dot_general3A_315 = arith.constant dense<0.000000e+00> : vector<256x256xf32>
    %dot_general3A_316 = tpu.matmul %get3A_312, %squeeze3A_314, %dot_general3A_315 {dimension_numbers = #tpu.dot_dimension_numbers<[1], [0], [0], [1], [0, 0, 1, 1], [], []>, transpose_lhs_hint = false} : vector<256x256xf32>, vector<256x256xf32>, vector<256x256xf32> -> vector<256x256xf32>
    %add3A_317 = arith.addf %add3A_145, %dot_general3A_316 : vector<256x256xf32>
    %get3A_318 = arith.constant 1 : index
    %get3A_319 = arith.constant 0 : index
    %get3A_320 = arith.constant 0 : index
    %get3A_321 = vector.load %arg1[%get3A_318, %get3A_319, %get3A_320] : memref<5x256x256xf32, #tpu.memory_space<vmem>>, vector<1x256x256xf32>
    %get3A_322 = vector.shape_cast %get3A_321 : vector<1x256x256xf32> to vector<256x256xf32>
    %slice3A_323 = vector.extract_strided_slice %reshape3A_277 {offsets = [4, 0, 0], sizes = [1, 256, 256], strides = [1, 1, 1]} : vector<16x256x256xf32> to vector<1x256x256xf32>
    %squeeze3A_324 = vector.shape_cast %slice3A_323 : vector<1x256x256xf32> to vector<256x256xf32>
    %dot_general3A_325 = arith.constant dense<0.000000e+00> : vector<256x256xf32>
    %dot_general3A_326 = tpu.matmul %get3A_322, %squeeze3A_324, %dot_general3A_325 {dimension_numbers = #tpu.dot_dimension_numbers<[1], [0], [0], [1], [0, 0, 1, 1], [], []>, transpose_lhs_hint = false} : vector<256x256xf32>, vector<256x256xf32>, vector<256x256xf32> -> vector<256x256xf32>
    %add3A_327 = arith.addf %add3A_155, %dot_general3A_326 : vector<256x256xf32>
    %get3A_328 = arith.constant 1 : index
    %get3A_329 = arith.constant 0 : index
    %get3A_330 = arith.constant 0 : index
    %get3A_331 = vector.load %arg1[%get3A_328, %get3A_329, %get3A_330] : memref<5x256x256xf32, #tpu.memory_space<vmem>>, vector<1x256x256xf32>
    %get3A_332 = vector.shape_cast %get3A_331 : vector<1x256x256xf32> to vector<256x256xf32>
    %slice3A_333 = vector.extract_strided_slice %reshape3A_277 {offsets = [5, 0, 0], sizes = [1, 256, 256], strides = [1, 1, 1]} : vector<16x256x256xf32> to vector<1x256x256xf32>
    %squeeze3A_334 = vector.shape_cast %slice3A_333 : vector<1x256x256xf32> to vector<256x256xf32>
    %dot_general3A_335 = arith.constant dense<0.000000e+00> : vector<256x256xf32>
    %dot_general3A_336 = tpu.matmul %get3A_332, %squeeze3A_334, %dot_general3A_335 {dimension_numbers = #tpu.dot_dimension_numbers<[1], [0], [0], [1], [0, 0, 1, 1], [], []>, transpose_lhs_hint = false} : vector<256x256xf32>, vector<256x256xf32>, vector<256x256xf32> -> vector<256x256xf32>
    %add3A_337 = arith.addf %add3A_165, %dot_general3A_336 : vector<256x256xf32>
    %get3A_338 = arith.constant 1 : index
    %get3A_339 = arith.constant 0 : index
    %get3A_340 = arith.constant 0 : index
    %get3A_341 = vector.load %arg1[%get3A_338, %get3A_339, %get3A_340] : memref<5x256x256xf32, #tpu.memory_space<vmem>>, vector<1x256x256xf32>
    %get3A_342 = vector.shape_cast %get3A_341 : vector<1x256x256xf32> to vector<256x256xf32>
    %slice3A_343 = vector.extract_strided_slice %reshape3A_277 {offsets = [6, 0, 0], sizes = [1, 256, 256], strides = [1, 1, 1]} : vector<16x256x256xf32> to vector<1x256x256xf32>
    %squeeze3A_344 = vector.shape_cast %slice3A_343 : vector<1x256x256xf32> to vector<256x256xf32>
    %dot_general3A_345 = arith.constant dense<0.000000e+00> : vector<256x256xf32>
    %dot_general3A_346 = tpu.matmul %get3A_342, %squeeze3A_344, %dot_general3A_345 {dimension_numbers = #tpu.dot_dimension_numbers<[1], [0], [0], [1], [0, 0, 1, 1], [], []>, transpose_lhs_hint = false} : vector<256x256xf32>, vector<256x256xf32>, vector<256x256xf32> -> vector<256x256xf32>
    %add3A_347 = arith.addf %add3A_175, %dot_general3A_346 : vector<256x256xf32>
    %get3A_348 = arith.constant 1 : index
    %get3A_349 = arith.constant 0 : index
    %get3A_350 = arith.constant 0 : index
    %get3A_351 = vector.load %arg1[%get3A_348, %get3A_349, %get3A_350] : memref<5x256x256xf32, #tpu.memory_space<vmem>>, vector<1x256x256xf32>
    %get3A_352 = vector.shape_cast %get3A_351 : vector<1x256x256xf32> to vector<256x256xf32>
    %slice3A_353 = vector.extract_strided_slice %reshape3A_277 {offsets = [7, 0, 0], sizes = [1, 256, 256], strides = [1, 1, 1]} : vector<16x256x256xf32> to vector<1x256x256xf32>
    %squeeze3A_354 = vector.shape_cast %slice3A_353 : vector<1x256x256xf32> to vector<256x256xf32>
    %dot_general3A_355 = arith.constant dense<0.000000e+00> : vector<256x256xf32>
    %dot_general3A_356 = tpu.matmul %get3A_352, %squeeze3A_354, %dot_general3A_355 {dimension_numbers = #tpu.dot_dimension_numbers<[1], [0], [0], [1], [0, 0, 1, 1], [], []>, transpose_lhs_hint = false} : vector<256x256xf32>, vector<256x256xf32>, vector<256x256xf32> -> vector<256x256xf32>
    %add3A_357 = arith.addf %add3A_185, %dot_general3A_356 : vector<256x256xf32>
    %get3A_358 = arith.constant 1 : index
    %get3A_359 = arith.constant 0 : index
    %get3A_360 = arith.constant 0 : index
    %get3A_361 = vector.load %arg1[%get3A_358, %get3A_359, %get3A_360] : memref<5x256x256xf32, #tpu.memory_space<vmem>>, vector<1x256x256xf32>
    %get3A_362 = vector.shape_cast %get3A_361 : vector<1x256x256xf32> to vector<256x256xf32>
    %slice3A_363 = vector.extract_strided_slice %reshape3A_277 {offsets = [8, 0, 0], sizes = [1, 256, 256], strides = [1, 1, 1]} : vector<16x256x256xf32> to vector<1x256x256xf32>
    %squeeze3A_364 = vector.shape_cast %slice3A_363 : vector<1x256x256xf32> to vector<256x256xf32>
    %dot_general3A_365 = arith.constant dense<0.000000e+00> : vector<256x256xf32>
    %dot_general3A_366 = tpu.matmul %get3A_362, %squeeze3A_364, %dot_general3A_365 {dimension_numbers = #tpu.dot_dimension_numbers<[1], [0], [0], [1], [0, 0, 1, 1], [], []>, transpose_lhs_hint = false} : vector<256x256xf32>, vector<256x256xf32>, vector<256x256xf32> -> vector<256x256xf32>
    %add3A_367 = arith.addf %add3A_195, %dot_general3A_366 : vector<256x256xf32>
    %get3A_368 = arith.constant 1 : index
    %get3A_369 = arith.constant 0 : index
    %get3A_370 = arith.constant 0 : index
    %get3A_371 = vector.load %arg1[%get3A_368, %get3A_369, %get3A_370] : memref<5x256x256xf32, #tpu.memory_space<vmem>>, vector<1x256x256xf32>
    %get3A_372 = vector.shape_cast %get3A_371 : vector<1x256x256xf32> to vector<256x256xf32>
    %slice3A_373 = vector.extract_strided_slice %reshape3A_277 {offsets = [9, 0, 0], sizes = [1, 256, 256], strides = [1, 1, 1]} : vector<16x256x256xf32> to vector<1x256x256xf32>
    %squeeze3A_374 = vector.shape_cast %slice3A_373 : vector<1x256x256xf32> to vector<256x256xf32>
    %dot_general3A_375 = arith.constant dense<0.000000e+00> : vector<256x256xf32>
    %dot_general3A_376 = tpu.matmul %get3A_372, %squeeze3A_374, %dot_general3A_375 {dimension_numbers = #tpu.dot_dimension_numbers<[1], [0], [0], [1], [0, 0, 1, 1], [], []>, transpose_lhs_hint = false} : vector<256x256xf32>, vector<256x256xf32>, vector<256x256xf32> -> vector<256x256xf32>
    %add3A_377 = arith.addf %add3A_205, %dot_general3A_376 : vector<256x256xf32>
    %get3A_378 = arith.constant 1 : index
    %get3A_379 = arith.constant 0 : index
    %get3A_380 = arith.constant 0 : index
    %get3A_381 = vector.load %arg1[%get3A_378, %get3A_379, %get3A_380] : memref<5x256x256xf32, #tpu.memory_space<vmem>>, vector<1x256x256xf32>
    %get3A_382 = vector.shape_cast %get3A_381 : vector<1x256x256xf32> to vector<256x256xf32>
    %slice3A_383 = vector.extract_strided_slice %reshape3A_277 {offsets = [10, 0, 0], sizes = [1, 256, 256], strides = [1, 1, 1]} : vector<16x256x256xf32> to vector<1x256x256xf32>
    %squeeze3A_384 = vector.shape_cast %slice3A_383 : vector<1x256x256xf32> to vector<256x256xf32>
    %dot_general3A_385 = arith.constant dense<0.000000e+00> : vector<256x256xf32>
    %dot_general3A_386 = tpu.matmul %get3A_382, %squeeze3A_384, %dot_general3A_385 {dimension_numbers = #tpu.dot_dimension_numbers<[1], [0], [0], [1], [0, 0, 1, 1], [], []>, transpose_lhs_hint = false} : vector<256x256xf32>, vector<256x256xf32>, vector<256x256xf32> -> vector<256x256xf32>
    %add3A_387 = arith.addf %add3A_215, %dot_general3A_386 : vector<256x256xf32>
    %get3A_388 = arith.constant 1 : index
    %get3A_389 = arith.constant 0 : index
    %get3A_390 = arith.constant 0 : index
    %get3A_391 = vector.load %arg1[%get3A_388, %get3A_389, %get3A_390] : memref<5x256x256xf32, #tpu.memory_space<vmem>>, vector<1x256x256xf32>
    %get3A_392 = vector.shape_cast %get3A_391 : vector<1x256x256xf32> to vector<256x256xf32>
    %slice3A_393 = vector.extract_strided_slice %reshape3A_277 {offsets = [11, 0, 0], sizes = [1, 256, 256], strides = [1, 1, 1]} : vector<16x256x256xf32> to vector<1x256x256xf32>
    %squeeze3A_394 = vector.shape_cast %slice3A_393 : vector<1x256x256xf32> to vector<256x256xf32>
    %dot_general3A_395 = arith.constant dense<0.000000e+00> : vector<256x256xf32>
    %dot_general3A_396 = tpu.matmul %get3A_392, %squeeze3A_394, %dot_general3A_395 {dimension_numbers = #tpu.dot_dimension_numbers<[1], [0], [0], [1], [0, 0, 1, 1], [], []>, transpose_lhs_hint = false} : vector<256x256xf32>, vector<256x256xf32>, vector<256x256xf32> -> vector<256x256xf32>
    %add3A_397 = arith.addf %add3A_225, %dot_general3A_396 : vector<256x256xf32>
    %get3A_398 = arith.constant 1 : index
    %get3A_399 = arith.constant 0 : index
    %get3A_400 = arith.constant 0 : index
    %get3A_401 = vector.load %arg1[%get3A_398, %get3A_399, %get3A_400] : memref<5x256x256xf32, #tpu.memory_space<vmem>>, vector<1x256x256xf32>
    %get3A_402 = vector.shape_cast %get3A_401 : vector<1x256x256xf32> to vector<256x256xf32>
    %slice3A_403 = vector.extract_strided_slice %reshape3A_277 {offsets = [12, 0, 0], sizes = [1, 256, 256], strides = [1, 1, 1]} : vector<16x256x256xf32> to vector<1x256x256xf32>
    %squeeze3A_404 = vector.shape_cast %slice3A_403 : vector<1x256x256xf32> to vector<256x256xf32>
    %dot_general3A_405 = arith.constant dense<0.000000e+00> : vector<256x256xf32>
    %dot_general3A_406 = tpu.matmul %get3A_402, %squeeze3A_404, %dot_general3A_405 {dimension_numbers = #tpu.dot_dimension_numbers<[1], [0], [0], [1], [0, 0, 1, 1], [], []>, transpose_lhs_hint = false} : vector<256x256xf32>, vector<256x256xf32>, vector<256x256xf32> -> vector<256x256xf32>
    %add3A_407 = arith.addf %add3A_235, %dot_general3A_406 : vector<256x256xf32>
    %get3A_408 = arith.constant 1 : index
    %get3A_409 = arith.constant 0 : index
    %get3A_410 = arith.constant 0 : index
    %get3A_411 = vector.load %arg1[%get3A_408, %get3A_409, %get3A_410] : memref<5x256x256xf32, #tpu.memory_space<vmem>>, vector<1x256x256xf32>
    %get3A_412 = vector.shape_cast %get3A_411 : vector<1x256x256xf32> to vector<256x256xf32>
    %slice3A_413 = vector.extract_strided_slice %reshape3A_277 {offsets = [13, 0, 0], sizes = [1, 256, 256], strides = [1, 1, 1]} : vector<16x256x256xf32> to vector<1x256x256xf32>
    %squeeze3A_414 = vector.shape_cast %slice3A_413 : vector<1x256x256xf32> to vector<256x256xf32>
    %dot_general3A_415 = arith.constant dense<0.000000e+00> : vector<256x256xf32>
    %dot_general3A_416 = tpu.matmul %get3A_412, %squeeze3A_414, %dot_general3A_415 {dimension_numbers = #tpu.dot_dimension_numbers<[1], [0], [0], [1], [0, 0, 1, 1], [], []>, transpose_lhs_hint = false} : vector<256x256xf32>, vector<256x256xf32>, vector<256x256xf32> -> vector<256x256xf32>
    %add3A_417 = arith.addf %add3A_245, %dot_general3A_416 : vector<256x256xf32>
    %get3A_418 = arith.constant 1 : index
    %get3A_419 = arith.constant 0 : index
    %get3A_420 = arith.constant 0 : index
    %get3A_421 = vector.load %arg1[%get3A_418, %get3A_419, %get3A_420] : memref<5x256x256xf32, #tpu.memory_space<vmem>>, vector<1x256x256xf32>
    %get3A_422 = vector.shape_cast %get3A_421 : vector<1x256x256xf32> to vector<256x256xf32>
    %slice3A_423 = vector.extract_strided_slice %reshape3A_277 {offsets = [14, 0, 0], sizes = [1, 256, 256], strides = [1, 1, 1]} : vector<16x256x256xf32> to vector<1x256x256xf32>
    %squeeze3A_424 = vector.shape_cast %slice3A_423 : vector<1x256x256xf32> to vector<256x256xf32>
    %dot_general3A_425 = arith.constant dense<0.000000e+00> : vector<256x256xf32>
    %dot_general3A_426 = tpu.matmul %get3A_422, %squeeze3A_424, %dot_general3A_425 {dimension_numbers = #tpu.dot_dimension_numbers<[1], [0], [0], [1], [0, 0, 1, 1], [], []>, transpose_lhs_hint = false} : vector<256x256xf32>, vector<256x256xf32>, vector<256x256xf32> -> vector<256x256xf32>
    %add3A_427 = arith.addf %add3A_255, %dot_general3A_426 : vector<256x256xf32>
    %get3A_428 = arith.constant 1 : index
    %get3A_429 = arith.constant 0 : index
    %get3A_430 = arith.constant 0 : index
    %get3A_431 = vector.load %arg1[%get3A_428, %get3A_429, %get3A_430] : memref<5x256x256xf32, #tpu.memory_space<vmem>>, vector<1x256x256xf32>
    %get3A_432 = vector.shape_cast %get3A_431 : vector<1x256x256xf32> to vector<256x256xf32>
    %slice3A_433 = vector.extract_strided_slice %reshape3A_277 {offsets = [15, 0, 0], sizes = [1, 256, 256], strides = [1, 1, 1]} : vector<16x256x256xf32> to vector<1x256x256xf32>
    %squeeze3A_434 = vector.shape_cast %slice3A_433 : vector<1x256x256xf32> to vector<256x256xf32>
    %dot_general3A_435 = arith.constant dense<0.000000e+00> : vector<256x256xf32>
    %dot_general3A_436 = tpu.matmul %get3A_432, %squeeze3A_434, %dot_general3A_435 {dimension_numbers = #tpu.dot_dimension_numbers<[1], [0], [0], [1], [0, 0, 1, 1], [], []>, transpose_lhs_hint = false} : vector<256x256xf32>, vector<256x256xf32>, vector<256x256xf32> -> vector<256x256xf32>
    %add3A_437 = arith.addf %add3A_265, %dot_general3A_436 : vector<256x256xf32>
    %get3A_438 = arith.constant 2 : index
    %get3A_439 = arith.constant 0 : index
    %get3A_440 = arith.constant 0 : index
    %get3A_441 = vector.load %arg2[%get3A_438, %get3A_439, %get3A_440] : memref<5x256x256xf32, #tpu.memory_space<vmem>>, vector<1x256x256xf32>
    %get3A_442 = vector.shape_cast %get3A_441 : vector<1x256x256xf32> to vector<256x256xf32>
    %dot_general3A_443 = arith.constant dense<0.000000e+00> : vector<4096x256xf32>
    %dot_general3A_444 = tpu.matmul %reshape3A, %get3A_442, %dot_general3A_443 {dimension_numbers = #tpu.dot_dimension_numbers<[1], [0], [0], [1], [0, 0, 1, 1], [], []>, transpose_lhs_hint = false} : vector<4096x256xf32>, vector<256x256xf32>, vector<4096x256xf32> -> vector<4096x256xf32>
    %get3A_445 = arith.constant 3 : index
    %get3A_446 = memref.load %arg0[%get3A_445] : memref<6xf32, #tpu.memory_space<smem>>
    %mul3A_447 = vector.broadcast %get3A_446 : f32 to vector<4096x256xf32>
    %mul3A_448 = arith.mulf %dot_general3A_444, %mul3A_447 : vector<4096x256xf32>
    %reshape3A_449 = vector.shape_cast %mul3A_448 : vector<4096x256xf32> to vector<16x256x256xf32>
    %get3A_450 = arith.constant 2 : index
    %get3A_451 = arith.constant 0 : index
    %get3A_452 = arith.constant 0 : index
    %get3A_453 = vector.load %arg1[%get3A_450, %get3A_451, %get3A_452] : memref<5x256x256xf32, #tpu.memory_space<vmem>>, vector<1x256x256xf32>
    %get3A_454 = vector.shape_cast %get3A_453 : vector<1x256x256xf32> to vector<256x256xf32>
    %slice3A_455 = vector.extract_strided_slice %reshape3A_449 {offsets = [0, 0, 0], sizes = [1, 256, 256], strides = [1, 1, 1]} : vector<16x256x256xf32> to vector<1x256x256xf32>
    %squeeze3A_456 = vector.shape_cast %slice3A_455 : vector<1x256x256xf32> to vector<256x256xf32>
    %dot_general3A_457 = arith.constant dense<0.000000e+00> : vector<256x256xf32>
    %dot_general3A_458 = tpu.matmul %get3A_454, %squeeze3A_456, %dot_general3A_457 {dimension_numbers = #tpu.dot_dimension_numbers<[1], [0], [0], [1], [0, 0, 1, 1], [], []>, transpose_lhs_hint = false} : vector<256x256xf32>, vector<256x256xf32>, vector<256x256xf32> -> vector<256x256xf32>
    %add3A_459 = arith.addf %add3A_287, %dot_general3A_458 : vector<256x256xf32>
    %get3A_460 = arith.constant 2 : index
    %get3A_461 = arith.constant 0 : index
    %get3A_462 = arith.constant 0 : index
    %get3A_463 = vector.load %arg1[%get3A_460, %get3A_461, %get3A_462] : memref<5x256x256xf32, #tpu.memory_space<vmem>>, vector<1x256x256xf32>
    %get3A_464 = vector.shape_cast %get3A_463 : vector<1x256x256xf32> to vector<256x256xf32>
    %slice3A_465 = vector.extract_strided_slice %reshape3A_449 {offsets = [1, 0, 0], sizes = [1, 256, 256], strides = [1, 1, 1]} : vector<16x256x256xf32> to vector<1x256x256xf32>
    %squeeze3A_466 = vector.shape_cast %slice3A_465 : vector<1x256x256xf32> to vector<256x256xf32>
    %dot_general3A_467 = arith.constant dense<0.000000e+00> : vector<256x256xf32>
    %dot_general3A_468 = tpu.matmul %get3A_464, %squeeze3A_466, %dot_general3A_467 {dimension_numbers = #tpu.dot_dimension_numbers<[1], [0], [0], [1], [0, 0, 1, 1], [], []>, transpose_lhs_hint = false} : vector<256x256xf32>, vector<256x256xf32>, vector<256x256xf32> -> vector<256x256xf32>
    %add3A_469 = arith.addf %add3A_297, %dot_general3A_468 : vector<256x256xf32>
    %get3A_470 = arith.constant 2 : index
    %get3A_471 = arith.constant 0 : index
    %get3A_472 = arith.constant 0 : index
    %get3A_473 = vector.load %arg1[%get3A_470, %get3A_471, %get3A_472] : memref<5x256x256xf32, #tpu.memory_space<vmem>>, vector<1x256x256xf32>
    %get3A_474 = vector.shape_cast %get3A_473 : vector<1x256x256xf32> to vector<256x256xf32>
    %slice3A_475 = vector.extract_strided_slice %reshape3A_449 {offsets = [2, 0, 0], sizes = [1, 256, 256], strides = [1, 1, 1]} : vector<16x256x256xf32> to vector<1x256x256xf32>
    %squeeze3A_476 = vector.shape_cast %slice3A_475 : vector<1x256x256xf32> to vector<256x256xf32>
    %dot_general3A_477 = arith.constant dense<0.000000e+00> : vector<256x256xf32>
    %dot_general3A_478 = tpu.matmul %get3A_474, %squeeze3A_476, %dot_general3A_477 {dimension_numbers = #tpu.dot_dimension_numbers<[1], [0], [0], [1], [0, 0, 1, 1], [], []>, transpose_lhs_hint = false} : vector<256x256xf32>, vector<256x256xf32>, vector<256x256xf32> -> vector<256x256xf32>
    %add3A_479 = arith.addf %add3A_307, %dot_general3A_478 : vector<256x256xf32>
    %get3A_480 = arith.constant 2 : index
    %get3A_481 = arith.constant 0 : index
    %get3A_482 = arith.constant 0 : index
    %get3A_483 = vector.load %arg1[%get3A_480, %get3A_481, %get3A_482] : memref<5x256x256xf32, #tpu.memory_space<vmem>>, vector<1x256x256xf32>
    %get3A_484 = vector.shape_cast %get3A_483 : vector<1x256x256xf32> to vector<256x256xf32>
    %slice3A_485 = vector.extract_strided_slice %reshape3A_449 {offsets = [3, 0, 0], sizes = [1, 256, 256], strides = [1, 1, 1]} : vector<16x256x256xf32> to vector<1x256x256xf32>
    %squeeze3A_486 = vector.shape_cast %slice3A_485 : vector<1x256x256xf32> to vector<256x256xf32>
    %dot_general3A_487 = arith.constant dense<0.000000e+00> : vector<256x256xf32>
    %dot_general3A_488 = tpu.matmul %get3A_484, %squeeze3A_486, %dot_general3A_487 {dimension_numbers = #tpu.dot_dimension_numbers<[1], [0], [0], [1], [0, 0, 1, 1], [], []>, transpose_lhs_hint = false} : vector<256x256xf32>, vector<256x256xf32>, vector<256x256xf32> -> vector<256x256xf32>
    %add3A_489 = arith.addf %add3A_317, %dot_general3A_488 : vector<256x256xf32>
    %get3A_490 = arith.constant 2 : index
    %get3A_491 = arith.constant 0 : index
    %get3A_492 = arith.constant 0 : index
    %get3A_493 = vector.load %arg1[%get3A_490, %get3A_491, %get3A_492] : memref<5x256x256xf32, #tpu.memory_space<vmem>>, vector<1x256x256xf32>
    %get3A_494 = vector.shape_cast %get3A_493 : vector<1x256x256xf32> to vector<256x256xf32>
    %slice3A_495 = vector.extract_strided_slice %reshape3A_449 {offsets = [4, 0, 0], sizes = [1, 256, 256], strides = [1, 1, 1]} : vector<16x256x256xf32> to vector<1x256x256xf32>
    %squeeze3A_496 = vector.shape_cast %slice3A_495 : vector<1x256x256xf32> to vector<256x256xf32>
    %dot_general3A_497 = arith.constant dense<0.000000e+00> : vector<256x256xf32>
    %dot_general3A_498 = tpu.matmul %get3A_494, %squeeze3A_496, %dot_general3A_497 {dimension_numbers = #tpu.dot_dimension_numbers<[1], [0], [0], [1], [0, 0, 1, 1], [], []>, transpose_lhs_hint = false} : vector<256x256xf32>, vector<256x256xf32>, vector<256x256xf32> -> vector<256x256xf32>
    %add3A_499 = arith.addf %add3A_327, %dot_general3A_498 : vector<256x256xf32>
    %get3A_500 = arith.constant 2 : index
    %get3A_501 = arith.constant 0 : index
    %get3A_502 = arith.constant 0 : index
    %get3A_503 = vector.load %arg1[%get3A_500, %get3A_501, %get3A_502] : memref<5x256x256xf32, #tpu.memory_space<vmem>>, vector<1x256x256xf32>
    %get3A_504 = vector.shape_cast %get3A_503 : vector<1x256x256xf32> to vector<256x256xf32>
    %slice3A_505 = vector.extract_strided_slice %reshape3A_449 {offsets = [5, 0, 0], sizes = [1, 256, 256], strides = [1, 1, 1]} : vector<16x256x256xf32> to vector<1x256x256xf32>
    %squeeze3A_506 = vector.shape_cast %slice3A_505 : vector<1x256x256xf32> to vector<256x256xf32>
    %dot_general3A_507 = arith.constant dense<0.000000e+00> : vector<256x256xf32>
    %dot_general3A_508 = tpu.matmul %get3A_504, %squeeze3A_506, %dot_general3A_507 {dimension_numbers = #tpu.dot_dimension_numbers<[1], [0], [0], [1], [0, 0, 1, 1], [], []>, transpose_lhs_hint = false} : vector<256x256xf32>, vector<256x256xf32>, vector<256x256xf32> -> vector<256x256xf32>
    %add3A_509 = arith.addf %add3A_337, %dot_general3A_508 : vector<256x256xf32>
    %get3A_510 = arith.constant 2 : index
    %get3A_511 = arith.constant 0 : index
    %get3A_512 = arith.constant 0 : index
    %get3A_513 = vector.load %arg1[%get3A_510, %get3A_511, %get3A_512] : memref<5x256x256xf32, #tpu.memory_space<vmem>>, vector<1x256x256xf32>
    %get3A_514 = vector.shape_cast %get3A_513 : vector<1x256x256xf32> to vector<256x256xf32>
    %slice3A_515 = vector.extract_strided_slice %reshape3A_449 {offsets = [6, 0, 0], sizes = [1, 256, 256], strides = [1, 1, 1]} : vector<16x256x256xf32> to vector<1x256x256xf32>
    %squeeze3A_516 = vector.shape_cast %slice3A_515 : vector<1x256x256xf32> to vector<256x256xf32>
    %dot_general3A_517 = arith.constant dense<0.000000e+00> : vector<256x256xf32>
    %dot_general3A_518 = tpu.matmul %get3A_514, %squeeze3A_516, %dot_general3A_517 {dimension_numbers = #tpu.dot_dimension_numbers<[1], [0], [0], [1], [0, 0, 1, 1], [], []>, transpose_lhs_hint = false} : vector<256x256xf32>, vector<256x256xf32>, vector<256x256xf32> -> vector<256x256xf32>
    %add3A_519 = arith.addf %add3A_347, %dot_general3A_518 : vector<256x256xf32>
    %get3A_520 = arith.constant 2 : index
    %get3A_521 = arith.constant 0 : index
    %get3A_522 = arith.constant 0 : index
    %get3A_523 = vector.load %arg1[%get3A_520, %get3A_521, %get3A_522] : memref<5x256x256xf32, #tpu.memory_space<vmem>>, vector<1x256x256xf32>
    %get3A_524 = vector.shape_cast %get3A_523 : vector<1x256x256xf32> to vector<256x256xf32>
    %slice3A_525 = vector.extract_strided_slice %reshape3A_449 {offsets = [7, 0, 0], sizes = [1, 256, 256], strides = [1, 1, 1]} : vector<16x256x256xf32> to vector<1x256x256xf32>
    %squeeze3A_526 = vector.shape_cast %slice3A_525 : vector<1x256x256xf32> to vector<256x256xf32>
    %dot_general3A_527 = arith.constant dense<0.000000e+00> : vector<256x256xf32>
    %dot_general3A_528 = tpu.matmul %get3A_524, %squeeze3A_526, %dot_general3A_527 {dimension_numbers = #tpu.dot_dimension_numbers<[1], [0], [0], [1], [0, 0, 1, 1], [], []>, transpose_lhs_hint = false} : vector<256x256xf32>, vector<256x256xf32>, vector<256x256xf32> -> vector<256x256xf32>
    %add3A_529 = arith.addf %add3A_357, %dot_general3A_528 : vector<256x256xf32>
    %get3A_530 = arith.constant 2 : index
    %get3A_531 = arith.constant 0 : index
    %get3A_532 = arith.constant 0 : index
    %get3A_533 = vector.load %arg1[%get3A_530, %get3A_531, %get3A_532] : memref<5x256x256xf32, #tpu.memory_space<vmem>>, vector<1x256x256xf32>
    %get3A_534 = vector.shape_cast %get3A_533 : vector<1x256x256xf32> to vector<256x256xf32>
    %slice3A_535 = vector.extract_strided_slice %reshape3A_449 {offsets = [8, 0, 0], sizes = [1, 256, 256], strides = [1, 1, 1]} : vector<16x256x256xf32> to vector<1x256x256xf32>
    %squeeze3A_536 = vector.shape_cast %slice3A_535 : vector<1x256x256xf32> to vector<256x256xf32>
    %dot_general3A_537 = arith.constant dense<0.000000e+00> : vector<256x256xf32>
    %dot_general3A_538 = tpu.matmul %get3A_534, %squeeze3A_536, %dot_general3A_537 {dimension_numbers = #tpu.dot_dimension_numbers<[1], [0], [0], [1], [0, 0, 1, 1], [], []>, transpose_lhs_hint = false} : vector<256x256xf32>, vector<256x256xf32>, vector<256x256xf32> -> vector<256x256xf32>
    %add3A_539 = arith.addf %add3A_367, %dot_general3A_538 : vector<256x256xf32>
    %get3A_540 = arith.constant 2 : index
    %get3A_541 = arith.constant 0 : index
    %get3A_542 = arith.constant 0 : index
    %get3A_543 = vector.load %arg1[%get3A_540, %get3A_541, %get3A_542] : memref<5x256x256xf32, #tpu.memory_space<vmem>>, vector<1x256x256xf32>
    %get3A_544 = vector.shape_cast %get3A_543 : vector<1x256x256xf32> to vector<256x256xf32>
    %slice3A_545 = vector.extract_strided_slice %reshape3A_449 {offsets = [9, 0, 0], sizes = [1, 256, 256], strides = [1, 1, 1]} : vector<16x256x256xf32> to vector<1x256x256xf32>
    %squeeze3A_546 = vector.shape_cast %slice3A_545 : vector<1x256x256xf32> to vector<256x256xf32>
    %dot_general3A_547 = arith.constant dense<0.000000e+00> : vector<256x256xf32>
    %dot_general3A_548 = tpu.matmul %get3A_544, %squeeze3A_546, %dot_general3A_547 {dimension_numbers = #tpu.dot_dimension_numbers<[1], [0], [0], [1], [0, 0, 1, 1], [], []>, transpose_lhs_hint = false} : vector<256x256xf32>, vector<256x256xf32>, vector<256x256xf32> -> vector<256x256xf32>
    %add3A_549 = arith.addf %add3A_377, %dot_general3A_548 : vector<256x256xf32>
    %get3A_550 = arith.constant 2 : index
    %get3A_551 = arith.constant 0 : index
    %get3A_552 = arith.constant 0 : index
    %get3A_553 = vector.load %arg1[%get3A_550, %get3A_551, %get3A_552] : memref<5x256x256xf32, #tpu.memory_space<vmem>>, vector<1x256x256xf32>
    %get3A_554 = vector.shape_cast %get3A_553 : vector<1x256x256xf32> to vector<256x256xf32>
    %slice3A_555 = vector.extract_strided_slice %reshape3A_449 {offsets = [10, 0, 0], sizes = [1, 256, 256], strides = [1, 1, 1]} : vector<16x256x256xf32> to vector<1x256x256xf32>
    %squeeze3A_556 = vector.shape_cast %slice3A_555 : vector<1x256x256xf32> to vector<256x256xf32>
    %dot_general3A_557 = arith.constant dense<0.000000e+00> : vector<256x256xf32>
    %dot_general3A_558 = tpu.matmul %get3A_554, %squeeze3A_556, %dot_general3A_557 {dimension_numbers = #tpu.dot_dimension_numbers<[1], [0], [0], [1], [0, 0, 1, 1], [], []>, transpose_lhs_hint = false} : vector<256x256xf32>, vector<256x256xf32>, vector<256x256xf32> -> vector<256x256xf32>
    %add3A_559 = arith.addf %add3A_387, %dot_general3A_558 : vector<256x256xf32>
    %get3A_560 = arith.constant 2 : index
    %get3A_561 = arith.constant 0 : index
    %get3A_562 = arith.constant 0 : index
    %get3A_563 = vector.load %arg1[%get3A_560, %get3A_561, %get3A_562] : memref<5x256x256xf32, #tpu.memory_space<vmem>>, vector<1x256x256xf32>
    %get3A_564 = vector.shape_cast %get3A_563 : vector<1x256x256xf32> to vector<256x256xf32>
    %slice3A_565 = vector.extract_strided_slice %reshape3A_449 {offsets = [11, 0, 0], sizes = [1, 256, 256], strides = [1, 1, 1]} : vector<16x256x256xf32> to vector<1x256x256xf32>
    %squeeze3A_566 = vector.shape_cast %slice3A_565 : vector<1x256x256xf32> to vector<256x256xf32>
    %dot_general3A_567 = arith.constant dense<0.000000e+00> : vector<256x256xf32>
    %dot_general3A_568 = tpu.matmul %get3A_564, %squeeze3A_566, %dot_general3A_567 {dimension_numbers = #tpu.dot_dimension_numbers<[1], [0], [0], [1], [0, 0, 1, 1], [], []>, transpose_lhs_hint = false} : vector<256x256xf32>, vector<256x256xf32>, vector<256x256xf32> -> vector<256x256xf32>
    %add3A_569 = arith.addf %add3A_397, %dot_general3A_568 : vector<256x256xf32>
    %get3A_570 = arith.constant 2 : index
    %get3A_571 = arith.constant 0 : index
    %get3A_572 = arith.constant 0 : index
    %get3A_573 = vector.load %arg1[%get3A_570, %get3A_571, %get3A_572] : memref<5x256x256xf32, #tpu.memory_space<vmem>>, vector<1x256x256xf32>
    %get3A_574 = vector.shape_cast %get3A_573 : vector<1x256x256xf32> to vector<256x256xf32>
    %slice3A_575 = vector.extract_strided_slice %reshape3A_449 {offsets = [12, 0, 0], sizes = [1, 256, 256], strides = [1, 1, 1]} : vector<16x256x256xf32> to vector<1x256x256xf32>
    %squeeze3A_576 = vector.shape_cast %slice3A_575 : vector<1x256x256xf32> to vector<256x256xf32>
    %dot_general3A_577 = arith.constant dense<0.000000e+00> : vector<256x256xf32>
    %dot_general3A_578 = tpu.matmul %get3A_574, %squeeze3A_576, %dot_general3A_577 {dimension_numbers = #tpu.dot_dimension_numbers<[1], [0], [0], [1], [0, 0, 1, 1], [], []>, transpose_lhs_hint = false} : vector<256x256xf32>, vector<256x256xf32>, vector<256x256xf32> -> vector<256x256xf32>
    %add3A_579 = arith.addf %add3A_407, %dot_general3A_578 : vector<256x256xf32>
    %get3A_580 = arith.constant 2 : index
    %get3A_581 = arith.constant 0 : index
    %get3A_582 = arith.constant 0 : index
    %get3A_583 = vector.load %arg1[%get3A_580, %get3A_581, %get3A_582] : memref<5x256x256xf32, #tpu.memory_space<vmem>>, vector<1x256x256xf32>
    %get3A_584 = vector.shape_cast %get3A_583 : vector<1x256x256xf32> to vector<256x256xf32>
    %slice3A_585 = vector.extract_strided_slice %reshape3A_449 {offsets = [13, 0, 0], sizes = [1, 256, 256], strides = [1, 1, 1]} : vector<16x256x256xf32> to vector<1x256x256xf32>
    %squeeze3A_586 = vector.shape_cast %slice3A_585 : vector<1x256x256xf32> to vector<256x256xf32>
    %dot_general3A_587 = arith.constant dense<0.000000e+00> : vector<256x256xf32>
    %dot_general3A_588 = tpu.matmul %get3A_584, %squeeze3A_586, %dot_general3A_587 {dimension_numbers = #tpu.dot_dimension_numbers<[1], [0], [0], [1], [0, 0, 1, 1], [], []>, transpose_lhs_hint = false} : vector<256x256xf32>, vector<256x256xf32>, vector<256x256xf32> -> vector<256x256xf32>
    %add3A_589 = arith.addf %add3A_417, %dot_general3A_588 : vector<256x256xf32>
    %get3A_590 = arith.constant 2 : index
    %get3A_591 = arith.constant 0 : index
    %get3A_592 = arith.constant 0 : index
    %get3A_593 = vector.load %arg1[%get3A_590, %get3A_591, %get3A_592] : memref<5x256x256xf32, #tpu.memory_space<vmem>>, vector<1x256x256xf32>
    %get3A_594 = vector.shape_cast %get3A_593 : vector<1x256x256xf32> to vector<256x256xf32>
    %slice3A_595 = vector.extract_strided_slice %reshape3A_449 {offsets = [14, 0, 0], sizes = [1, 256, 256], strides = [1, 1, 1]} : vector<16x256x256xf32> to vector<1x256x256xf32>
    %squeeze3A_596 = vector.shape_cast %slice3A_595 : vector<1x256x256xf32> to vector<256x256xf32>
    %dot_general3A_597 = arith.constant dense<0.000000e+00> : vector<256x256xf32>
    %dot_general3A_598 = tpu.matmul %get3A_594, %squeeze3A_596, %dot_general3A_597 {dimension_numbers = #tpu.dot_dimension_numbers<[1], [0], [0], [1], [0, 0, 1, 1], [], []>, transpose_lhs_hint = false} : vector<256x256xf32>, vector<256x256xf32>, vector<256x256xf32> -> vector<256x256xf32>
    %add3A_599 = arith.addf %add3A_427, %dot_general3A_598 : vector<256x256xf32>
    %get3A_600 = arith.constant 2 : index
    %get3A_601 = arith.constant 0 : index
    %get3A_602 = arith.constant 0 : index
    %get3A_603 = vector.load %arg1[%get3A_600, %get3A_601, %get3A_602] : memref<5x256x256xf32, #tpu.memory_space<vmem>>, vector<1x256x256xf32>
    %get3A_604 = vector.shape_cast %get3A_603 : vector<1x256x256xf32> to vector<256x256xf32>
    %slice3A_605 = vector.extract_strided_slice %reshape3A_449 {offsets = [15, 0, 0], sizes = [1, 256, 256], strides = [1, 1, 1]} : vector<16x256x256xf32> to vector<1x256x256xf32>
    %squeeze3A_606 = vector.shape_cast %slice3A_605 : vector<1x256x256xf32> to vector<256x256xf32>
    %dot_general3A_607 = arith.constant dense<0.000000e+00> : vector<256x256xf32>
    %dot_general3A_608 = tpu.matmul %get3A_604, %squeeze3A_606, %dot_general3A_607 {dimension_numbers = #tpu.dot_dimension_numbers<[1], [0], [0], [1], [0, 0, 1, 1], [], []>, transpose_lhs_hint = false} : vector<256x256xf32>, vector<256x256xf32>, vector<256x256xf32> -> vector<256x256xf32>
    %add3A_609 = arith.addf %add3A_437, %dot_general3A_608 : vector<256x256xf32>
    %get3A_610 = arith.constant 3 : index
    %get3A_611 = arith.constant 0 : index
    %get3A_612 = arith.constant 0 : index
    %get3A_613 = vector.load %arg2[%get3A_610, %get3A_611, %get3A_612] : memref<5x256x256xf32, #tpu.memory_space<vmem>>, vector<1x256x256xf32>
    %get3A_614 = vector.shape_cast %get3A_613 : vector<1x256x256xf32> to vector<256x256xf32>
    %dot_general3A_615 = arith.constant dense<0.000000e+00> : vector<4096x256xf32>
    %dot_general3A_616 = tpu.matmul %reshape3A, %get3A_614, %dot_general3A_615 {dimension_numbers = #tpu.dot_dimension_numbers<[1], [0], [0], [1], [0, 0, 1, 1], [], []>, transpose_lhs_hint = false} : vector<4096x256xf32>, vector<256x256xf32>, vector<4096x256xf32> -> vector<4096x256xf32>
    %get3A_617 = arith.constant 4 : index
    %get3A_618 = memref.load %arg0[%get3A_617] : memref<6xf32, #tpu.memory_space<smem>>
    %mul3A_619 = vector.broadcast %get3A_618 : f32 to vector<4096x256xf32>
    %mul3A_620 = arith.mulf %dot_general3A_616, %mul3A_619 : vector<4096x256xf32>
    %reshape3A_621 = vector.shape_cast %mul3A_620 : vector<4096x256xf32> to vector<16x256x256xf32>
    %get3A_622 = arith.constant 3 : index
    %get3A_623 = arith.constant 0 : index
    %get3A_624 = arith.constant 0 : index
    %get3A_625 = vector.load %arg1[%get3A_622, %get3A_623, %get3A_624] : memref<5x256x256xf32, #tpu.memory_space<vmem>>, vector<1x256x256xf32>
    %get3A_626 = vector.shape_cast %get3A_625 : vector<1x256x256xf32> to vector<256x256xf32>
    %slice3A_627 = vector.extract_strided_slice %reshape3A_621 {offsets = [0, 0, 0], sizes = [1, 256, 256], strides = [1, 1, 1]} : vector<16x256x256xf32> to vector<1x256x256xf32>
    %squeeze3A_628 = vector.shape_cast %slice3A_627 : vector<1x256x256xf32> to vector<256x256xf32>
    %dot_general3A_629 = arith.constant dense<0.000000e+00> : vector<256x256xf32>
    %dot_general3A_630 = tpu.matmul %get3A_626, %squeeze3A_628, %dot_general3A_629 {dimension_numbers = #tpu.dot_dimension_numbers<[1], [0], [0], [1], [0, 0, 1, 1], [], []>, transpose_lhs_hint = false} : vector<256x256xf32>, vector<256x256xf32>, vector<256x256xf32> -> vector<256x256xf32>
    %add3A_631 = arith.addf %add3A_459, %dot_general3A_630 : vector<256x256xf32>
    %get3A_632 = arith.constant 3 : index
    %get3A_633 = arith.constant 0 : index
    %get3A_634 = arith.constant 0 : index
    %get3A_635 = vector.load %arg1[%get3A_632, %get3A_633, %get3A_634] : memref<5x256x256xf32, #tpu.memory_space<vmem>>, vector<1x256x256xf32>
    %get3A_636 = vector.shape_cast %get3A_635 : vector<1x256x256xf32> to vector<256x256xf32>
    %slice3A_637 = vector.extract_strided_slice %reshape3A_621 {offsets = [1, 0, 0], sizes = [1, 256, 256], strides = [1, 1, 1]} : vector<16x256x256xf32> to vector<1x256x256xf32>
    %squeeze3A_638 = vector.shape_cast %slice3A_637 : vector<1x256x256xf32> to vector<256x256xf32>
    %dot_general3A_639 = arith.constant dense<0.000000e+00> : vector<256x256xf32>
    %dot_general3A_640 = tpu.matmul %get3A_636, %squeeze3A_638, %dot_general3A_639 {dimension_numbers = #tpu.dot_dimension_numbers<[1], [0], [0], [1], [0, 0, 1, 1], [], []>, transpose_lhs_hint = false} : vector<256x256xf32>, vector<256x256xf32>, vector<256x256xf32> -> vector<256x256xf32>
    %add3A_641 = arith.addf %add3A_469, %dot_general3A_640 : vector<256x256xf32>
    %get3A_642 = arith.constant 3 : index
    %get3A_643 = arith.constant 0 : index
    %get3A_644 = arith.constant 0 : index
    %get3A_645 = vector.load %arg1[%get3A_642, %get3A_643, %get3A_644] : memref<5x256x256xf32, #tpu.memory_space<vmem>>, vector<1x256x256xf32>
    %get3A_646 = vector.shape_cast %get3A_645 : vector<1x256x256xf32> to vector<256x256xf32>
    %slice3A_647 = vector.extract_strided_slice %reshape3A_621 {offsets = [2, 0, 0], sizes = [1, 256, 256], strides = [1, 1, 1]} : vector<16x256x256xf32> to vector<1x256x256xf32>
    %squeeze3A_648 = vector.shape_cast %slice3A_647 : vector<1x256x256xf32> to vector<256x256xf32>
    %dot_general3A_649 = arith.constant dense<0.000000e+00> : vector<256x256xf32>
    %dot_general3A_650 = tpu.matmul %get3A_646, %squeeze3A_648, %dot_general3A_649 {dimension_numbers = #tpu.dot_dimension_numbers<[1], [0], [0], [1], [0, 0, 1, 1], [], []>, transpose_lhs_hint = false} : vector<256x256xf32>, vector<256x256xf32>, vector<256x256xf32> -> vector<256x256xf32>
    %add3A_651 = arith.addf %add3A_479, %dot_general3A_650 : vector<256x256xf32>
    %get3A_652 = arith.constant 3 : index
    %get3A_653 = arith.constant 0 : index
    %get3A_654 = arith.constant 0 : index
    %get3A_655 = vector.load %arg1[%get3A_652, %get3A_653, %get3A_654] : memref<5x256x256xf32, #tpu.memory_space<vmem>>, vector<1x256x256xf32>
    %get3A_656 = vector.shape_cast %get3A_655 : vector<1x256x256xf32> to vector<256x256xf32>
    %slice3A_657 = vector.extract_strided_slice %reshape3A_621 {offsets = [3, 0, 0], sizes = [1, 256, 256], strides = [1, 1, 1]} : vector<16x256x256xf32> to vector<1x256x256xf32>
    %squeeze3A_658 = vector.shape_cast %slice3A_657 : vector<1x256x256xf32> to vector<256x256xf32>
    %dot_general3A_659 = arith.constant dense<0.000000e+00> : vector<256x256xf32>
    %dot_general3A_660 = tpu.matmul %get3A_656, %squeeze3A_658, %dot_general3A_659 {dimension_numbers = #tpu.dot_dimension_numbers<[1], [0], [0], [1], [0, 0, 1, 1], [], []>, transpose_lhs_hint = false} : vector<256x256xf32>, vector<256x256xf32>, vector<256x256xf32> -> vector<256x256xf32>
    %add3A_661 = arith.addf %add3A_489, %dot_general3A_660 : vector<256x256xf32>
    %get3A_662 = arith.constant 3 : index
    %get3A_663 = arith.constant 0 : index
    %get3A_664 = arith.constant 0 : index
    %get3A_665 = vector.load %arg1[%get3A_662, %get3A_663, %get3A_664] : memref<5x256x256xf32, #tpu.memory_space<vmem>>, vector<1x256x256xf32>
    %get3A_666 = vector.shape_cast %get3A_665 : vector<1x256x256xf32> to vector<256x256xf32>
    %slice3A_667 = vector.extract_strided_slice %reshape3A_621 {offsets = [4, 0, 0], sizes = [1, 256, 256], strides = [1, 1, 1]} : vector<16x256x256xf32> to vector<1x256x256xf32>
    %squeeze3A_668 = vector.shape_cast %slice3A_667 : vector<1x256x256xf32> to vector<256x256xf32>
    %dot_general3A_669 = arith.constant dense<0.000000e+00> : vector<256x256xf32>
    %dot_general3A_670 = tpu.matmul %get3A_666, %squeeze3A_668, %dot_general3A_669 {dimension_numbers = #tpu.dot_dimension_numbers<[1], [0], [0], [1], [0, 0, 1, 1], [], []>, transpose_lhs_hint = false} : vector<256x256xf32>, vector<256x256xf32>, vector<256x256xf32> -> vector<256x256xf32>
    %add3A_671 = arith.addf %add3A_499, %dot_general3A_670 : vector<256x256xf32>
    %get3A_672 = arith.constant 3 : index
    %get3A_673 = arith.constant 0 : index
    %get3A_674 = arith.constant 0 : index
    %get3A_675 = vector.load %arg1[%get3A_672, %get3A_673, %get3A_674] : memref<5x256x256xf32, #tpu.memory_space<vmem>>, vector<1x256x256xf32>
    %get3A_676 = vector.shape_cast %get3A_675 : vector<1x256x256xf32> to vector<256x256xf32>
    %slice3A_677 = vector.extract_strided_slice %reshape3A_621 {offsets = [5, 0, 0], sizes = [1, 256, 256], strides = [1, 1, 1]} : vector<16x256x256xf32> to vector<1x256x256xf32>
    %squeeze3A_678 = vector.shape_cast %slice3A_677 : vector<1x256x256xf32> to vector<256x256xf32>
    %dot_general3A_679 = arith.constant dense<0.000000e+00> : vector<256x256xf32>
    %dot_general3A_680 = tpu.matmul %get3A_676, %squeeze3A_678, %dot_general3A_679 {dimension_numbers = #tpu.dot_dimension_numbers<[1], [0], [0], [1], [0, 0, 1, 1], [], []>, transpose_lhs_hint = false} : vector<256x256xf32>, vector<256x256xf32>, vector<256x256xf32> -> vector<256x256xf32>
    %add3A_681 = arith.addf %add3A_509, %dot_general3A_680 : vector<256x256xf32>
    %get3A_682 = arith.constant 3 : index
    %get3A_683 = arith.constant 0 : index
    %get3A_684 = arith.constant 0 : index
    %get3A_685 = vector.load %arg1[%get3A_682, %get3A_683, %get3A_684] : memref<5x256x256xf32, #tpu.memory_space<vmem>>, vector<1x256x256xf32>
    %get3A_686 = vector.shape_cast %get3A_685 : vector<1x256x256xf32> to vector<256x256xf32>
    %slice3A_687 = vector.extract_strided_slice %reshape3A_621 {offsets = [6, 0, 0], sizes = [1, 256, 256], strides = [1, 1, 1]} : vector<16x256x256xf32> to vector<1x256x256xf32>
    %squeeze3A_688 = vector.shape_cast %slice3A_687 : vector<1x256x256xf32> to vector<256x256xf32>
    %dot_general3A_689 = arith.constant dense<0.000000e+00> : vector<256x256xf32>
    %dot_general3A_690 = tpu.matmul %get3A_686, %squeeze3A_688, %dot_general3A_689 {dimension_numbers = #tpu.dot_dimension_numbers<[1], [0], [0], [1], [0, 0, 1, 1], [], []>, transpose_lhs_hint = false} : vector<256x256xf32>, vector<256x256xf32>, vector<256x256xf32> -> vector<256x256xf32>
    %add3A_691 = arith.addf %add3A_519, %dot_general3A_690 : vector<256x256xf32>
    %get3A_692 = arith.constant 3 : index
    %get3A_693 = arith.constant 0 : index
    %get3A_694 = arith.constant 0 : index
    %get3A_695 = vector.load %arg1[%get3A_692, %get3A_693, %get3A_694] : memref<5x256x256xf32, #tpu.memory_space<vmem>>, vector<1x256x256xf32>
    %get3A_696 = vector.shape_cast %get3A_695 : vector<1x256x256xf32> to vector<256x256xf32>
    %slice3A_697 = vector.extract_strided_slice %reshape3A_621 {offsets = [7, 0, 0], sizes = [1, 256, 256], strides = [1, 1, 1]} : vector<16x256x256xf32> to vector<1x256x256xf32>
    %squeeze3A_698 = vector.shape_cast %slice3A_697 : vector<1x256x256xf32> to vector<256x256xf32>
    %dot_general3A_699 = arith.constant dense<0.000000e+00> : vector<256x256xf32>
    %dot_general3A_700 = tpu.matmul %get3A_696, %squeeze3A_698, %dot_general3A_699 {dimension_numbers = #tpu.dot_dimension_numbers<[1], [0], [0], [1], [0, 0, 1, 1], [], []>, transpose_lhs_hint = false} : vector<256x256xf32>, vector<256x256xf32>, vector<256x256xf32> -> vector<256x256xf32>
    %add3A_701 = arith.addf %add3A_529, %dot_general3A_700 : vector<256x256xf32>
    %get3A_702 = arith.constant 3 : index
    %get3A_703 = arith.constant 0 : index
    %get3A_704 = arith.constant 0 : index
    %get3A_705 = vector.load %arg1[%get3A_702, %get3A_703, %get3A_704] : memref<5x256x256xf32, #tpu.memory_space<vmem>>, vector<1x256x256xf32>
    %get3A_706 = vector.shape_cast %get3A_705 : vector<1x256x256xf32> to vector<256x256xf32>
    %slice3A_707 = vector.extract_strided_slice %reshape3A_621 {offsets = [8, 0, 0], sizes = [1, 256, 256], strides = [1, 1, 1]} : vector<16x256x256xf32> to vector<1x256x256xf32>
    %squeeze3A_708 = vector.shape_cast %slice3A_707 : vector<1x256x256xf32> to vector<256x256xf32>
    %dot_general3A_709 = arith.constant dense<0.000000e+00> : vector<256x256xf32>
    %dot_general3A_710 = tpu.matmul %get3A_706, %squeeze3A_708, %dot_general3A_709 {dimension_numbers = #tpu.dot_dimension_numbers<[1], [0], [0], [1], [0, 0, 1, 1], [], []>, transpose_lhs_hint = false} : vector<256x256xf32>, vector<256x256xf32>, vector<256x256xf32> -> vector<256x256xf32>
    %add3A_711 = arith.addf %add3A_539, %dot_general3A_710 : vector<256x256xf32>
    %get3A_712 = arith.constant 3 : index
    %get3A_713 = arith.constant 0 : index
    %get3A_714 = arith.constant 0 : index
    %get3A_715 = vector.load %arg1[%get3A_712, %get3A_713, %get3A_714] : memref<5x256x256xf32, #tpu.memory_space<vmem>>, vector<1x256x256xf32>
    %get3A_716 = vector.shape_cast %get3A_715 : vector<1x256x256xf32> to vector<256x256xf32>
    %slice3A_717 = vector.extract_strided_slice %reshape3A_621 {offsets = [9, 0, 0], sizes = [1, 256, 256], strides = [1, 1, 1]} : vector<16x256x256xf32> to vector<1x256x256xf32>
    %squeeze3A_718 = vector.shape_cast %slice3A_717 : vector<1x256x256xf32> to vector<256x256xf32>
    %dot_general3A_719 = arith.constant dense<0.000000e+00> : vector<256x256xf32>
    %dot_general3A_720 = tpu.matmul %get3A_716, %squeeze3A_718, %dot_general3A_719 {dimension_numbers = #tpu.dot_dimension_numbers<[1], [0], [0], [1], [0, 0, 1, 1], [], []>, transpose_lhs_hint = false} : vector<256x256xf32>, vector<256x256xf32>, vector<256x256xf32> -> vector<256x256xf32>
    %add3A_721 = arith.addf %add3A_549, %dot_general3A_720 : vector<256x256xf32>
    %get3A_722 = arith.constant 3 : index
    %get3A_723 = arith.constant 0 : index
    %get3A_724 = arith.constant 0 : index
    %get3A_725 = vector.load %arg1[%get3A_722, %get3A_723, %get3A_724] : memref<5x256x256xf32, #tpu.memory_space<vmem>>, vector<1x256x256xf32>
    %get3A_726 = vector.shape_cast %get3A_725 : vector<1x256x256xf32> to vector<256x256xf32>
    %slice3A_727 = vector.extract_strided_slice %reshape3A_621 {offsets = [10, 0, 0], sizes = [1, 256, 256], strides = [1, 1, 1]} : vector<16x256x256xf32> to vector<1x256x256xf32>
    %squeeze3A_728 = vector.shape_cast %slice3A_727 : vector<1x256x256xf32> to vector<256x256xf32>
    %dot_general3A_729 = arith.constant dense<0.000000e+00> : vector<256x256xf32>
    %dot_general3A_730 = tpu.matmul %get3A_726, %squeeze3A_728, %dot_general3A_729 {dimension_numbers = #tpu.dot_dimension_numbers<[1], [0], [0], [1], [0, 0, 1, 1], [], []>, transpose_lhs_hint = false} : vector<256x256xf32>, vector<256x256xf32>, vector<256x256xf32> -> vector<256x256xf32>
    %add3A_731 = arith.addf %add3A_559, %dot_general3A_730 : vector<256x256xf32>
    %get3A_732 = arith.constant 3 : index
    %get3A_733 = arith.constant 0 : index
    %get3A_734 = arith.constant 0 : index
    %get3A_735 = vector.load %arg1[%get3A_732, %get3A_733, %get3A_734] : memref<5x256x256xf32, #tpu.memory_space<vmem>>, vector<1x256x256xf32>
    %get3A_736 = vector.shape_cast %get3A_735 : vector<1x256x256xf32> to vector<256x256xf32>
    %slice3A_737 = vector.extract_strided_slice %reshape3A_621 {offsets = [11, 0, 0], sizes = [1, 256, 256], strides = [1, 1, 1]} : vector<16x256x256xf32> to vector<1x256x256xf32>
    %squeeze3A_738 = vector.shape_cast %slice3A_737 : vector<1x256x256xf32> to vector<256x256xf32>
    %dot_general3A_739 = arith.constant dense<0.000000e+00> : vector<256x256xf32>
    %dot_general3A_740 = tpu.matmul %get3A_736, %squeeze3A_738, %dot_general3A_739 {dimension_numbers = #tpu.dot_dimension_numbers<[1], [0], [0], [1], [0, 0, 1, 1], [], []>, transpose_lhs_hint = false} : vector<256x256xf32>, vector<256x256xf32>, vector<256x256xf32> -> vector<256x256xf32>
    %add3A_741 = arith.addf %add3A_569, %dot_general3A_740 : vector<256x256xf32>
    %get3A_742 = arith.constant 3 : index
    %get3A_743 = arith.constant 0 : index
    %get3A_744 = arith.constant 0 : index
    %get3A_745 = vector.load %arg1[%get3A_742, %get3A_743, %get3A_744] : memref<5x256x256xf32, #tpu.memory_space<vmem>>, vector<1x256x256xf32>
    %get3A_746 = vector.shape_cast %get3A_745 : vector<1x256x256xf32> to vector<256x256xf32>
    %slice3A_747 = vector.extract_strided_slice %reshape3A_621 {offsets = [12, 0, 0], sizes = [1, 256, 256], strides = [1, 1, 1]} : vector<16x256x256xf32> to vector<1x256x256xf32>
    %squeeze3A_748 = vector.shape_cast %slice3A_747 : vector<1x256x256xf32> to vector<256x256xf32>
    %dot_general3A_749 = arith.constant dense<0.000000e+00> : vector<256x256xf32>
    %dot_general3A_750 = tpu.matmul %get3A_746, %squeeze3A_748, %dot_general3A_749 {dimension_numbers = #tpu.dot_dimension_numbers<[1], [0], [0], [1], [0, 0, 1, 1], [], []>, transpose_lhs_hint = false} : vector<256x256xf32>, vector<256x256xf32>, vector<256x256xf32> -> vector<256x256xf32>
    %add3A_751 = arith.addf %add3A_579, %dot_general3A_750 : vector<256x256xf32>
    %get3A_752 = arith.constant 3 : index
    %get3A_753 = arith.constant 0 : index
    %get3A_754 = arith.constant 0 : index
    %get3A_755 = vector.load %arg1[%get3A_752, %get3A_753, %get3A_754] : memref<5x256x256xf32, #tpu.memory_space<vmem>>, vector<1x256x256xf32>
    %get3A_756 = vector.shape_cast %get3A_755 : vector<1x256x256xf32> to vector<256x256xf32>
    %slice3A_757 = vector.extract_strided_slice %reshape3A_621 {offsets = [13, 0, 0], sizes = [1, 256, 256], strides = [1, 1, 1]} : vector<16x256x256xf32> to vector<1x256x256xf32>
    %squeeze3A_758 = vector.shape_cast %slice3A_757 : vector<1x256x256xf32> to vector<256x256xf32>
    %dot_general3A_759 = arith.constant dense<0.000000e+00> : vector<256x256xf32>
    %dot_general3A_760 = tpu.matmul %get3A_756, %squeeze3A_758, %dot_general3A_759 {dimension_numbers = #tpu.dot_dimension_numbers<[1], [0], [0], [1], [0, 0, 1, 1], [], []>, transpose_lhs_hint = false} : vector<256x256xf32>, vector<256x256xf32>, vector<256x256xf32> -> vector<256x256xf32>
    %add3A_761 = arith.addf %add3A_589, %dot_general3A_760 : vector<256x256xf32>
    %get3A_762 = arith.constant 3 : index
    %get3A_763 = arith.constant 0 : index
    %get3A_764 = arith.constant 0 : index
    %get3A_765 = vector.load %arg1[%get3A_762, %get3A_763, %get3A_764] : memref<5x256x256xf32, #tpu.memory_space<vmem>>, vector<1x256x256xf32>
    %get3A_766 = vector.shape_cast %get3A_765 : vector<1x256x256xf32> to vector<256x256xf32>
    %slice3A_767 = vector.extract_strided_slice %reshape3A_621 {offsets = [14, 0, 0], sizes = [1, 256, 256], strides = [1, 1, 1]} : vector<16x256x256xf32> to vector<1x256x256xf32>
    %squeeze3A_768 = vector.shape_cast %slice3A_767 : vector<1x256x256xf32> to vector<256x256xf32>
    %dot_general3A_769 = arith.constant dense<0.000000e+00> : vector<256x256xf32>
    %dot_general3A_770 = tpu.matmul %get3A_766, %squeeze3A_768, %dot_general3A_769 {dimension_numbers = #tpu.dot_dimension_numbers<[1], [0], [0], [1], [0, 0, 1, 1], [], []>, transpose_lhs_hint = false} : vector<256x256xf32>, vector<256x256xf32>, vector<256x256xf32> -> vector<256x256xf32>
    %add3A_771 = arith.addf %add3A_599, %dot_general3A_770 : vector<256x256xf32>
    %get3A_772 = arith.constant 3 : index
    %get3A_773 = arith.constant 0 : index
    %get3A_774 = arith.constant 0 : index
    %get3A_775 = vector.load %arg1[%get3A_772, %get3A_773, %get3A_774] : memref<5x256x256xf32, #tpu.memory_space<vmem>>, vector<1x256x256xf32>
    %get3A_776 = vector.shape_cast %get3A_775 : vector<1x256x256xf32> to vector<256x256xf32>
    %slice3A_777 = vector.extract_strided_slice %reshape3A_621 {offsets = [15, 0, 0], sizes = [1, 256, 256], strides = [1, 1, 1]} : vector<16x256x256xf32> to vector<1x256x256xf32>
    %squeeze3A_778 = vector.shape_cast %slice3A_777 : vector<1x256x256xf32> to vector<256x256xf32>
    %dot_general3A_779 = arith.constant dense<0.000000e+00> : vector<256x256xf32>
    %dot_general3A_780 = tpu.matmul %get3A_776, %squeeze3A_778, %dot_general3A_779 {dimension_numbers = #tpu.dot_dimension_numbers<[1], [0], [0], [1], [0, 0, 1, 1], [], []>, transpose_lhs_hint = false} : vector<256x256xf32>, vector<256x256xf32>, vector<256x256xf32> -> vector<256x256xf32>
    %add3A_781 = arith.addf %add3A_609, %dot_general3A_780 : vector<256x256xf32>
    %get3A_782 = arith.constant 4 : index
    %get3A_783 = arith.constant 0 : index
    %get3A_784 = arith.constant 0 : index
    %get3A_785 = vector.load %arg2[%get3A_782, %get3A_783, %get3A_784] : memref<5x256x256xf32, #tpu.memory_space<vmem>>, vector<1x256x256xf32>
    %get3A_786 = vector.shape_cast %get3A_785 : vector<1x256x256xf32> to vector<256x256xf32>
    %dot_general3A_787 = arith.constant dense<0.000000e+00> : vector<4096x256xf32>
    %dot_general3A_788 = tpu.matmul %reshape3A, %get3A_786, %dot_general3A_787 {dimension_numbers = #tpu.dot_dimension_numbers<[1], [0], [0], [1], [0, 0, 1, 1], [], []>, transpose_lhs_hint = false} : vector<4096x256xf32>, vector<256x256xf32>, vector<4096x256xf32> -> vector<4096x256xf32>
    %get3A_789 = arith.constant 5 : index
    %get3A_790 = memref.load %arg0[%get3A_789] : memref<6xf32, #tpu.memory_space<smem>>
    %mul3A_791 = vector.broadcast %get3A_790 : f32 to vector<4096x256xf32>
    %mul3A_792 = arith.mulf %dot_general3A_788, %mul3A_791 : vector<4096x256xf32>
    %reshape3A_793 = vector.shape_cast %mul3A_792 : vector<4096x256xf32> to vector<16x256x256xf32>
    %get3A_794 = arith.constant 4 : index
    %get3A_795 = arith.constant 0 : index
    %get3A_796 = arith.constant 0 : index
    %get3A_797 = vector.load %arg1[%get3A_794, %get3A_795, %get3A_796] : memref<5x256x256xf32, #tpu.memory_space<vmem>>, vector<1x256x256xf32>
    %get3A_798 = vector.shape_cast %get3A_797 : vector<1x256x256xf32> to vector<256x256xf32>
    %slice3A_799 = vector.extract_strided_slice %reshape3A_793 {offsets = [0, 0, 0], sizes = [1, 256, 256], strides = [1, 1, 1]} : vector<16x256x256xf32> to vector<1x256x256xf32>
    %squeeze3A_800 = vector.shape_cast %slice3A_799 : vector<1x256x256xf32> to vector<256x256xf32>
    %dot_general3A_801 = arith.constant dense<0.000000e+00> : vector<256x256xf32>
    %dot_general3A_802 = tpu.matmul %get3A_798, %squeeze3A_800, %dot_general3A_801 {dimension_numbers = #tpu.dot_dimension_numbers<[1], [0], [0], [1], [0, 0, 1, 1], [], []>, transpose_lhs_hint = false} : vector<256x256xf32>, vector<256x256xf32>, vector<256x256xf32> -> vector<256x256xf32>
    %add3A_803 = arith.addf %add3A_631, %dot_general3A_802 : vector<256x256xf32>
    %get3A_804 = arith.constant 4 : index
    %get3A_805 = arith.constant 0 : index
    %get3A_806 = arith.constant 0 : index
    %get3A_807 = vector.load %arg1[%get3A_804, %get3A_805, %get3A_806] : memref<5x256x256xf32, #tpu.memory_space<vmem>>, vector<1x256x256xf32>
    %get3A_808 = vector.shape_cast %get3A_807 : vector<1x256x256xf32> to vector<256x256xf32>
    %slice3A_809 = vector.extract_strided_slice %reshape3A_793 {offsets = [1, 0, 0], sizes = [1, 256, 256], strides = [1, 1, 1]} : vector<16x256x256xf32> to vector<1x256x256xf32>
    %squeeze3A_810 = vector.shape_cast %slice3A_809 : vector<1x256x256xf32> to vector<256x256xf32>
    %dot_general3A_811 = arith.constant dense<0.000000e+00> : vector<256x256xf32>
    %dot_general3A_812 = tpu.matmul %get3A_808, %squeeze3A_810, %dot_general3A_811 {dimension_numbers = #tpu.dot_dimension_numbers<[1], [0], [0], [1], [0, 0, 1, 1], [], []>, transpose_lhs_hint = false} : vector<256x256xf32>, vector<256x256xf32>, vector<256x256xf32> -> vector<256x256xf32>
    %add3A_813 = arith.addf %add3A_641, %dot_general3A_812 : vector<256x256xf32>
    %get3A_814 = arith.constant 4 : index
    %get3A_815 = arith.constant 0 : index
    %get3A_816 = arith.constant 0 : index
    %get3A_817 = vector.load %arg1[%get3A_814, %get3A_815, %get3A_816] : memref<5x256x256xf32, #tpu.memory_space<vmem>>, vector<1x256x256xf32>
    %get3A_818 = vector.shape_cast %get3A_817 : vector<1x256x256xf32> to vector<256x256xf32>
    %slice3A_819 = vector.extract_strided_slice %reshape3A_793 {offsets = [2, 0, 0], sizes = [1, 256, 256], strides = [1, 1, 1]} : vector<16x256x256xf32> to vector<1x256x256xf32>
    %squeeze3A_820 = vector.shape_cast %slice3A_819 : vector<1x256x256xf32> to vector<256x256xf32>
    %dot_general3A_821 = arith.constant dense<0.000000e+00> : vector<256x256xf32>
    %dot_general3A_822 = tpu.matmul %get3A_818, %squeeze3A_820, %dot_general3A_821 {dimension_numbers = #tpu.dot_dimension_numbers<[1], [0], [0], [1], [0, 0, 1, 1], [], []>, transpose_lhs_hint = false} : vector<256x256xf32>, vector<256x256xf32>, vector<256x256xf32> -> vector<256x256xf32>
    %add3A_823 = arith.addf %add3A_651, %dot_general3A_822 : vector<256x256xf32>
    %get3A_824 = arith.constant 4 : index
    %get3A_825 = arith.constant 0 : index
    %get3A_826 = arith.constant 0 : index
    %get3A_827 = vector.load %arg1[%get3A_824, %get3A_825, %get3A_826] : memref<5x256x256xf32, #tpu.memory_space<vmem>>, vector<1x256x256xf32>
    %get3A_828 = vector.shape_cast %get3A_827 : vector<1x256x256xf32> to vector<256x256xf32>
    %slice3A_829 = vector.extract_strided_slice %reshape3A_793 {offsets = [3, 0, 0], sizes = [1, 256, 256], strides = [1, 1, 1]} : vector<16x256x256xf32> to vector<1x256x256xf32>
    %squeeze3A_830 = vector.shape_cast %slice3A_829 : vector<1x256x256xf32> to vector<256x256xf32>
    %dot_general3A_831 = arith.constant dense<0.000000e+00> : vector<256x256xf32>
    %dot_general3A_832 = tpu.matmul %get3A_828, %squeeze3A_830, %dot_general3A_831 {dimension_numbers = #tpu.dot_dimension_numbers<[1], [0], [0], [1], [0, 0, 1, 1], [], []>, transpose_lhs_hint = false} : vector<256x256xf32>, vector<256x256xf32>, vector<256x256xf32> -> vector<256x256xf32>
    %add3A_833 = arith.addf %add3A_661, %dot_general3A_832 : vector<256x256xf32>
    %get3A_834 = arith.constant 4 : index
    %get3A_835 = arith.constant 0 : index
    %get3A_836 = arith.constant 0 : index
    %get3A_837 = vector.load %arg1[%get3A_834, %get3A_835, %get3A_836] : memref<5x256x256xf32, #tpu.memory_space<vmem>>, vector<1x256x256xf32>
    %get3A_838 = vector.shape_cast %get3A_837 : vector<1x256x256xf32> to vector<256x256xf32>
    %slice3A_839 = vector.extract_strided_slice %reshape3A_793 {offsets = [4, 0, 0], sizes = [1, 256, 256], strides = [1, 1, 1]} : vector<16x256x256xf32> to vector<1x256x256xf32>
    %squeeze3A_840 = vector.shape_cast %slice3A_839 : vector<1x256x256xf32> to vector<256x256xf32>
    %dot_general3A_841 = arith.constant dense<0.000000e+00> : vector<256x256xf32>
    %dot_general3A_842 = tpu.matmul %get3A_838, %squeeze3A_840, %dot_general3A_841 {dimension_numbers = #tpu.dot_dimension_numbers<[1], [0], [0], [1], [0, 0, 1, 1], [], []>, transpose_lhs_hint = false} : vector<256x256xf32>, vector<256x256xf32>, vector<256x256xf32> -> vector<256x256xf32>
    %add3A_843 = arith.addf %add3A_671, %dot_general3A_842 : vector<256x256xf32>
    %get3A_844 = arith.constant 4 : index
    %get3A_845 = arith.constant 0 : index
    %get3A_846 = arith.constant 0 : index
    %get3A_847 = vector.load %arg1[%get3A_844, %get3A_845, %get3A_846] : memref<5x256x256xf32, #tpu.memory_space<vmem>>, vector<1x256x256xf32>
    %get3A_848 = vector.shape_cast %get3A_847 : vector<1x256x256xf32> to vector<256x256xf32>
    %slice3A_849 = vector.extract_strided_slice %reshape3A_793 {offsets = [5, 0, 0], sizes = [1, 256, 256], strides = [1, 1, 1]} : vector<16x256x256xf32> to vector<1x256x256xf32>
    %squeeze3A_850 = vector.shape_cast %slice3A_849 : vector<1x256x256xf32> to vector<256x256xf32>
    %dot_general3A_851 = arith.constant dense<0.000000e+00> : vector<256x256xf32>
    %dot_general3A_852 = tpu.matmul %get3A_848, %squeeze3A_850, %dot_general3A_851 {dimension_numbers = #tpu.dot_dimension_numbers<[1], [0], [0], [1], [0, 0, 1, 1], [], []>, transpose_lhs_hint = false} : vector<256x256xf32>, vector<256x256xf32>, vector<256x256xf32> -> vector<256x256xf32>
    %add3A_853 = arith.addf %add3A_681, %dot_general3A_852 : vector<256x256xf32>
    %get3A_854 = arith.constant 4 : index
    %get3A_855 = arith.constant 0 : index
    %get3A_856 = arith.constant 0 : index
    %get3A_857 = vector.load %arg1[%get3A_854, %get3A_855, %get3A_856] : memref<5x256x256xf32, #tpu.memory_space<vmem>>, vector<1x256x256xf32>
    %get3A_858 = vector.shape_cast %get3A_857 : vector<1x256x256xf32> to vector<256x256xf32>
    %slice3A_859 = vector.extract_strided_slice %reshape3A_793 {offsets = [6, 0, 0], sizes = [1, 256, 256], strides = [1, 1, 1]} : vector<16x256x256xf32> to vector<1x256x256xf32>
    %squeeze3A_860 = vector.shape_cast %slice3A_859 : vector<1x256x256xf32> to vector<256x256xf32>
    %dot_general3A_861 = arith.constant dense<0.000000e+00> : vector<256x256xf32>
    %dot_general3A_862 = tpu.matmul %get3A_858, %squeeze3A_860, %dot_general3A_861 {dimension_numbers = #tpu.dot_dimension_numbers<[1], [0], [0], [1], [0, 0, 1, 1], [], []>, transpose_lhs_hint = false} : vector<256x256xf32>, vector<256x256xf32>, vector<256x256xf32> -> vector<256x256xf32>
    %add3A_863 = arith.addf %add3A_691, %dot_general3A_862 : vector<256x256xf32>
    %get3A_864 = arith.constant 4 : index
    %get3A_865 = arith.constant 0 : index
    %get3A_866 = arith.constant 0 : index
    %get3A_867 = vector.load %arg1[%get3A_864, %get3A_865, %get3A_866] : memref<5x256x256xf32, #tpu.memory_space<vmem>>, vector<1x256x256xf32>
    %get3A_868 = vector.shape_cast %get3A_867 : vector<1x256x256xf32> to vector<256x256xf32>
    %slice3A_869 = vector.extract_strided_slice %reshape3A_793 {offsets = [7, 0, 0], sizes = [1, 256, 256], strides = [1, 1, 1]} : vector<16x256x256xf32> to vector<1x256x256xf32>
    %squeeze3A_870 = vector.shape_cast %slice3A_869 : vector<1x256x256xf32> to vector<256x256xf32>
    %dot_general3A_871 = arith.constant dense<0.000000e+00> : vector<256x256xf32>
    %dot_general3A_872 = tpu.matmul %get3A_868, %squeeze3A_870, %dot_general3A_871 {dimension_numbers = #tpu.dot_dimension_numbers<[1], [0], [0], [1], [0, 0, 1, 1], [], []>, transpose_lhs_hint = false} : vector<256x256xf32>, vector<256x256xf32>, vector<256x256xf32> -> vector<256x256xf32>
    %add3A_873 = arith.addf %add3A_701, %dot_general3A_872 : vector<256x256xf32>
    %get3A_874 = arith.constant 4 : index
    %get3A_875 = arith.constant 0 : index
    %get3A_876 = arith.constant 0 : index
    %get3A_877 = vector.load %arg1[%get3A_874, %get3A_875, %get3A_876] : memref<5x256x256xf32, #tpu.memory_space<vmem>>, vector<1x256x256xf32>
    %get3A_878 = vector.shape_cast %get3A_877 : vector<1x256x256xf32> to vector<256x256xf32>
    %slice3A_879 = vector.extract_strided_slice %reshape3A_793 {offsets = [8, 0, 0], sizes = [1, 256, 256], strides = [1, 1, 1]} : vector<16x256x256xf32> to vector<1x256x256xf32>
    %squeeze3A_880 = vector.shape_cast %slice3A_879 : vector<1x256x256xf32> to vector<256x256xf32>
    %dot_general3A_881 = arith.constant dense<0.000000e+00> : vector<256x256xf32>
    %dot_general3A_882 = tpu.matmul %get3A_878, %squeeze3A_880, %dot_general3A_881 {dimension_numbers = #tpu.dot_dimension_numbers<[1], [0], [0], [1], [0, 0, 1, 1], [], []>, transpose_lhs_hint = false} : vector<256x256xf32>, vector<256x256xf32>, vector<256x256xf32> -> vector<256x256xf32>
    %add3A_883 = arith.addf %add3A_711, %dot_general3A_882 : vector<256x256xf32>
    %get3A_884 = arith.constant 4 : index
    %get3A_885 = arith.constant 0 : index
    %get3A_886 = arith.constant 0 : index
    %get3A_887 = vector.load %arg1[%get3A_884, %get3A_885, %get3A_886] : memref<5x256x256xf32, #tpu.memory_space<vmem>>, vector<1x256x256xf32>
    %get3A_888 = vector.shape_cast %get3A_887 : vector<1x256x256xf32> to vector<256x256xf32>
    %slice3A_889 = vector.extract_strided_slice %reshape3A_793 {offsets = [9, 0, 0], sizes = [1, 256, 256], strides = [1, 1, 1]} : vector<16x256x256xf32> to vector<1x256x256xf32>
    %squeeze3A_890 = vector.shape_cast %slice3A_889 : vector<1x256x256xf32> to vector<256x256xf32>
    %dot_general3A_891 = arith.constant dense<0.000000e+00> : vector<256x256xf32>
    %dot_general3A_892 = tpu.matmul %get3A_888, %squeeze3A_890, %dot_general3A_891 {dimension_numbers = #tpu.dot_dimension_numbers<[1], [0], [0], [1], [0, 0, 1, 1], [], []>, transpose_lhs_hint = false} : vector<256x256xf32>, vector<256x256xf32>, vector<256x256xf32> -> vector<256x256xf32>
    %add3A_893 = arith.addf %add3A_721, %dot_general3A_892 : vector<256x256xf32>
    %get3A_894 = arith.constant 4 : index
    %get3A_895 = arith.constant 0 : index
    %get3A_896 = arith.constant 0 : index
    %get3A_897 = vector.load %arg1[%get3A_894, %get3A_895, %get3A_896] : memref<5x256x256xf32, #tpu.memory_space<vmem>>, vector<1x256x256xf32>
    %get3A_898 = vector.shape_cast %get3A_897 : vector<1x256x256xf32> to vector<256x256xf32>
    %slice3A_899 = vector.extract_strided_slice %reshape3A_793 {offsets = [10, 0, 0], sizes = [1, 256, 256], strides = [1, 1, 1]} : vector<16x256x256xf32> to vector<1x256x256xf32>
    %squeeze3A_900 = vector.shape_cast %slice3A_899 : vector<1x256x256xf32> to vector<256x256xf32>
    %dot_general3A_901 = arith.constant dense<0.000000e+00> : vector<256x256xf32>
    %dot_general3A_902 = tpu.matmul %get3A_898, %squeeze3A_900, %dot_general3A_901 {dimension_numbers = #tpu.dot_dimension_numbers<[1], [0], [0], [1], [0, 0, 1, 1], [], []>, transpose_lhs_hint = false} : vector<256x256xf32>, vector<256x256xf32>, vector<256x256xf32> -> vector<256x256xf32>
    %add3A_903 = arith.addf %add3A_731, %dot_general3A_902 : vector<256x256xf32>
    %get3A_904 = arith.constant 4 : index
    %get3A_905 = arith.constant 0 : index
    %get3A_906 = arith.constant 0 : index
    %get3A_907 = vector.load %arg1[%get3A_904, %get3A_905, %get3A_906] : memref<5x256x256xf32, #tpu.memory_space<vmem>>, vector<1x256x256xf32>
    %get3A_908 = vector.shape_cast %get3A_907 : vector<1x256x256xf32> to vector<256x256xf32>
    %slice3A_909 = vector.extract_strided_slice %reshape3A_793 {offsets = [11, 0, 0], sizes = [1, 256, 256], strides = [1, 1, 1]} : vector<16x256x256xf32> to vector<1x256x256xf32>
    %squeeze3A_910 = vector.shape_cast %slice3A_909 : vector<1x256x256xf32> to vector<256x256xf32>
    %dot_general3A_911 = arith.constant dense<0.000000e+00> : vector<256x256xf32>
    %dot_general3A_912 = tpu.matmul %get3A_908, %squeeze3A_910, %dot_general3A_911 {dimension_numbers = #tpu.dot_dimension_numbers<[1], [0], [0], [1], [0, 0, 1, 1], [], []>, transpose_lhs_hint = false} : vector<256x256xf32>, vector<256x256xf32>, vector<256x256xf32> -> vector<256x256xf32>
    %add3A_913 = arith.addf %add3A_741, %dot_general3A_912 : vector<256x256xf32>
    %get3A_914 = arith.constant 4 : index
    %get3A_915 = arith.constant 0 : index
    %get3A_916 = arith.constant 0 : index
    %get3A_917 = vector.load %arg1[%get3A_914, %get3A_915, %get3A_916] : memref<5x256x256xf32, #tpu.memory_space<vmem>>, vector<1x256x256xf32>
    %get3A_918 = vector.shape_cast %get3A_917 : vector<1x256x256xf32> to vector<256x256xf32>
    %slice3A_919 = vector.extract_strided_slice %reshape3A_793 {offsets = [12, 0, 0], sizes = [1, 256, 256], strides = [1, 1, 1]} : vector<16x256x256xf32> to vector<1x256x256xf32>
    %squeeze3A_920 = vector.shape_cast %slice3A_919 : vector<1x256x256xf32> to vector<256x256xf32>
    %dot_general3A_921 = arith.constant dense<0.000000e+00> : vector<256x256xf32>
    %dot_general3A_922 = tpu.matmul %get3A_918, %squeeze3A_920, %dot_general3A_921 {dimension_numbers = #tpu.dot_dimension_numbers<[1], [0], [0], [1], [0, 0, 1, 1], [], []>, transpose_lhs_hint = false} : vector<256x256xf32>, vector<256x256xf32>, vector<256x256xf32> -> vector<256x256xf32>
    %add3A_923 = arith.addf %add3A_751, %dot_general3A_922 : vector<256x256xf32>
    %get3A_924 = arith.constant 4 : index
    %get3A_925 = arith.constant 0 : index
    %get3A_926 = arith.constant 0 : index
    %get3A_927 = vector.load %arg1[%get3A_924, %get3A_925, %get3A_926] : memref<5x256x256xf32, #tpu.memory_space<vmem>>, vector<1x256x256xf32>
    %get3A_928 = vector.shape_cast %get3A_927 : vector<1x256x256xf32> to vector<256x256xf32>
    %slice3A_929 = vector.extract_strided_slice %reshape3A_793 {offsets = [13, 0, 0], sizes = [1, 256, 256], strides = [1, 1, 1]} : vector<16x256x256xf32> to vector<1x256x256xf32>
    %squeeze3A_930 = vector.shape_cast %slice3A_929 : vector<1x256x256xf32> to vector<256x256xf32>
    %dot_general3A_931 = arith.constant dense<0.000000e+00> : vector<256x256xf32>
    %dot_general3A_932 = tpu.matmul %get3A_928, %squeeze3A_930, %dot_general3A_931 {dimension_numbers = #tpu.dot_dimension_numbers<[1], [0], [0], [1], [0, 0, 1, 1], [], []>, transpose_lhs_hint = false} : vector<256x256xf32>, vector<256x256xf32>, vector<256x256xf32> -> vector<256x256xf32>
    %add3A_933 = arith.addf %add3A_761, %dot_general3A_932 : vector<256x256xf32>
    %get3A_934 = arith.constant 4 : index
    %get3A_935 = arith.constant 0 : index
    %get3A_936 = arith.constant 0 : index
    %get3A_937 = vector.load %arg1[%get3A_934, %get3A_935, %get3A_936] : memref<5x256x256xf32, #tpu.memory_space<vmem>>, vector<1x256x256xf32>
    %get3A_938 = vector.shape_cast %get3A_937 : vector<1x256x256xf32> to vector<256x256xf32>
    %slice3A_939 = vector.extract_strided_slice %reshape3A_793 {offsets = [14, 0, 0], sizes = [1, 256, 256], strides = [1, 1, 1]} : vector<16x256x256xf32> to vector<1x256x256xf32>
    %squeeze3A_940 = vector.shape_cast %slice3A_939 : vector<1x256x256xf32> to vector<256x256xf32>
    %dot_general3A_941 = arith.constant dense<0.000000e+00> : vector<256x256xf32>
    %dot_general3A_942 = tpu.matmul %get3A_938, %squeeze3A_940, %dot_general3A_941 {dimension_numbers = #tpu.dot_dimension_numbers<[1], [0], [0], [1], [0, 0, 1, 1], [], []>, transpose_lhs_hint = false} : vector<256x256xf32>, vector<256x256xf32>, vector<256x256xf32> -> vector<256x256xf32>
    %add3A_943 = arith.addf %add3A_771, %dot_general3A_942 : vector<256x256xf32>
    %get3A_944 = arith.constant 4 : index
    %get3A_945 = arith.constant 0 : index
    %get3A_946 = arith.constant 0 : index
    %get3A_947 = vector.load %arg1[%get3A_944, %get3A_945, %get3A_946] : memref<5x256x256xf32, #tpu.memory_space<vmem>>, vector<1x256x256xf32>
    %get3A_948 = vector.shape_cast %get3A_947 : vector<1x256x256xf32> to vector<256x256xf32>
    %slice3A_949 = vector.extract_strided_slice %reshape3A_793 {offsets = [15, 0, 0], sizes = [1, 256, 256], strides = [1, 1, 1]} : vector<16x256x256xf32> to vector<1x256x256xf32>
    %squeeze3A_950 = vector.shape_cast %slice3A_949 : vector<1x256x256xf32> to vector<256x256xf32>
    %dot_general3A_951 = arith.constant dense<0.000000e+00> : vector<256x256xf32>
    %dot_general3A_952 = tpu.matmul %get3A_948, %squeeze3A_950, %dot_general3A_951 {dimension_numbers = #tpu.dot_dimension_numbers<[1], [0], [0], [1], [0, 0, 1, 1], [], []>, transpose_lhs_hint = false} : vector<256x256xf32>, vector<256x256xf32>, vector<256x256xf32> -> vector<256x256xf32>
    %add3A_953 = arith.addf %add3A_781, %dot_general3A_952 : vector<256x256xf32>
    %stack3A = vector.shape_cast %add3A_803 : vector<256x256xf32> to vector<256x1x256xf32>
    %stack3A_954 = vector.shape_cast %add3A_813 : vector<256x256xf32> to vector<256x1x256xf32>
    %stack3A_955 = vector.shape_cast %add3A_823 : vector<256x256xf32> to vector<256x1x256xf32>
    %stack3A_956 = vector.shape_cast %add3A_833 : vector<256x256xf32> to vector<256x1x256xf32>
    %stack3A_957 = vector.shape_cast %add3A_843 : vector<256x256xf32> to vector<256x1x256xf32>
    %stack3A_958 = vector.shape_cast %add3A_853 : vector<256x256xf32> to vector<256x1x256xf32>
    %stack3A_959 = vector.shape_cast %add3A_863 : vector<256x256xf32> to vector<256x1x256xf32>
    %stack3A_960 = vector.shape_cast %add3A_873 : vector<256x256xf32> to vector<256x1x256xf32>
    %stack3A_961 = vector.shape_cast %add3A_883 : vector<256x256xf32> to vector<256x1x256xf32>
    %stack3A_962 = vector.shape_cast %add3A_893 : vector<256x256xf32> to vector<256x1x256xf32>
    %stack3A_963 = vector.shape_cast %add3A_903 : vector<256x256xf32> to vector<256x1x256xf32>
    %stack3A_964 = vector.shape_cast %add3A_913 : vector<256x256xf32> to vector<256x1x256xf32>
    %stack3A_965 = vector.shape_cast %add3A_923 : vector<256x256xf32> to vector<256x1x256xf32>
    %stack3A_966 = vector.shape_cast %add3A_933 : vector<256x256xf32> to vector<256x1x256xf32>
    %stack3A_967 = vector.shape_cast %add3A_943 : vector<256x256xf32> to vector<256x1x256xf32>
    %stack3A_968 = vector.shape_cast %add3A_953 : vector<256x256xf32> to vector<256x1x256xf32>
    %stack3A_969 = tpu.concatenate %stack3A, %stack3A_954, %stack3A_955, %stack3A_956, %stack3A_957, %stack3A_958, %stack3A_959, %stack3A_960, %stack3A_961, %stack3A_962, %stack3A_963, %stack3A_964, %stack3A_965, %stack3A_966, %stack3A_967, %stack3A_968 in 1 : vector<256x1x256xf32>, vector<256x1x256xf32>, vector<256x1x256xf32>, vector<256x1x256xf32>, vector<256x1x256xf32>, vector<256x1x256xf32>, vector<256x1x256xf32>, vector<256x1x256xf32>, vector<256x1x256xf32>, vector<256x1x256xf32>, vector<256x1x256xf32>, vector<256x1x256xf32>, vector<256x1x256xf32>, vector<256x1x256xf32>, vector<256x1x256xf32>, vector<256x1x256xf32> -> vector<256x16x256xf32>
    %transpose3A = tpu.transpose %stack3A_969, [0, 2, 1] : vector<256x16x256xf32> -> vector<256x256x16xf32>
    %reshape3A_970 = vector.shape_cast %transpose3A : vector<256x256x16xf32> to vector<256x32x8x16xf32>
    %slice3A_971 = vector.extract_strided_slice %reshape3A_970 {offsets = [0, 0, 0, 0], sizes = [256, 32, 1, 16], strides = [1, 1, 1, 1]} : vector<256x32x8x16xf32> to vector<256x32x1x16xf32>
    %squeeze3A_972 = vector.shape_cast %slice3A_971 : vector<256x32x1x16xf32> to vector<256x32x16xf32>
    %reshape3A_973 = vector.shape_cast %squeeze3A_972 : vector<256x32x16xf32> to vector<8192x16xf32>
    %get3A_974 = arith.constant 0 : index
    %get3A_975 = arith.constant 0 : index
    %get3A_976 = arith.constant 0 : index
    %get3A_977 = vector.load %arg3[%get3A_974, %get3A_975, %get3A_976] : memref<8x16x128xf32, #tpu.memory_space<vmem>>, vector<1x16x128xf32>
    %get3A_978 = vector.shape_cast %get3A_977 : vector<1x16x128xf32> to vector<16x128xf32>
    %dot_general3A_979 = arith.constant dense<0.000000e+00> : vector<8192x128xf32>
    %dot_general3A_980 = tpu.matmul %reshape3A_973, %get3A_978, %dot_general3A_979 {dimension_numbers = #tpu.dot_dimension_numbers<[1], [0], [0], [1], [0, 0, 1, 1], [], []>, transpose_lhs_hint = false} : vector<8192x16xf32>, vector<16x128xf32>, vector<8192x128xf32> -> vector<8192x128xf32>
    %slice3A_981 = vector.extract_strided_slice %reshape3A_970 {offsets = [0, 0, 1, 0], sizes = [256, 32, 1, 16], strides = [1, 1, 1, 1]} : vector<256x32x8x16xf32> to vector<256x32x1x16xf32>
    %squeeze3A_982 = vector.shape_cast %slice3A_981 : vector<256x32x1x16xf32> to vector<256x32x16xf32>
    %reshape3A_983 = vector.shape_cast %squeeze3A_982 : vector<256x32x16xf32> to vector<8192x16xf32>
    %get3A_984 = arith.constant 1 : index
    %get3A_985 = arith.constant 0 : index
    %get3A_986 = arith.constant 0 : index
    %get3A_987 = vector.load %arg3[%get3A_984, %get3A_985, %get3A_986] : memref<8x16x128xf32, #tpu.memory_space<vmem>>, vector<1x16x128xf32>
    %get3A_988 = vector.shape_cast %get3A_987 : vector<1x16x128xf32> to vector<16x128xf32>
    %dot_general3A_989 = arith.constant dense<0.000000e+00> : vector<8192x128xf32>
    %dot_general3A_990 = tpu.matmul %reshape3A_983, %get3A_988, %dot_general3A_989 {dimension_numbers = #tpu.dot_dimension_numbers<[1], [0], [0], [1], [0, 0, 1, 1], [], []>, transpose_lhs_hint = false} : vector<8192x16xf32>, vector<16x128xf32>, vector<8192x128xf32> -> vector<8192x128xf32>
    %add3A_991 = arith.addf %dot_general3A_980, %dot_general3A_990 : vector<8192x128xf32>
    %slice3A_992 = vector.extract_strided_slice %reshape3A_970 {offsets = [0, 0, 2, 0], sizes = [256, 32, 1, 16], strides = [1, 1, 1, 1]} : vector<256x32x8x16xf32> to vector<256x32x1x16xf32>
    %squeeze3A_993 = vector.shape_cast %slice3A_992 : vector<256x32x1x16xf32> to vector<256x32x16xf32>
    %reshape3A_994 = vector.shape_cast %squeeze3A_993 : vector<256x32x16xf32> to vector<8192x16xf32>
    %get3A_995 = arith.constant 2 : index
    %get3A_996 = arith.constant 0 : index
    %get3A_997 = arith.constant 0 : index
    %get3A_998 = vector.load %arg3[%get3A_995, %get3A_996, %get3A_997] : memref<8x16x128xf32, #tpu.memory_space<vmem>>, vector<1x16x128xf32>
    %get3A_999 = vector.shape_cast %get3A_998 : vector<1x16x128xf32> to vector<16x128xf32>
    %dot_general3A_1000 = arith.constant dense<0.000000e+00> : vector<8192x128xf32>
    %dot_general3A_1001 = tpu.matmul %reshape3A_994, %get3A_999, %dot_general3A_1000 {dimension_numbers = #tpu.dot_dimension_numbers<[1], [0], [0], [1], [0, 0, 1, 1], [], []>, transpose_lhs_hint = false} : vector<8192x16xf32>, vector<16x128xf32>, vector<8192x128xf32> -> vector<8192x128xf32>
    %add3A_1002 = arith.addf %add3A_991, %dot_general3A_1001 : vector<8192x128xf32>
    %slice3A_1003 = vector.extract_strided_slice %reshape3A_970 {offsets = [0, 0, 3, 0], sizes = [256, 32, 1, 16], strides = [1, 1, 1, 1]} : vector<256x32x8x16xf32> to vector<256x32x1x16xf32>
    %squeeze3A_1004 = vector.shape_cast %slice3A_1003 : vector<256x32x1x16xf32> to vector<256x32x16xf32>
    %reshape3A_1005 = vector.shape_cast %squeeze3A_1004 : vector<256x32x16xf32> to vector<8192x16xf32>
    %get3A_1006 = arith.constant 3 : index
    %get3A_1007 = arith.constant 0 : index
    %get3A_1008 = arith.constant 0 : index
    %get3A_1009 = vector.load %arg3[%get3A_1006, %get3A_1007, %get3A_1008] : memref<8x16x128xf32, #tpu.memory_space<vmem>>, vector<1x16x128xf32>
    %get3A_1010 = vector.shape_cast %get3A_1009 : vector<1x16x128xf32> to vector<16x128xf32>
    %dot_general3A_1011 = arith.constant dense<0.000000e+00> : vector<8192x128xf32>
    %dot_general3A_1012 = tpu.matmul %reshape3A_1005, %get3A_1010, %dot_general3A_1011 {dimension_numbers = #tpu.dot_dimension_numbers<[1], [0], [0], [1], [0, 0, 1, 1], [], []>, transpose_lhs_hint = false} : vector<8192x16xf32>, vector<16x128xf32>, vector<8192x128xf32> -> vector<8192x128xf32>
    %add3A_1013 = arith.addf %add3A_1002, %dot_general3A_1012 : vector<8192x128xf32>
    %slice3A_1014 = vector.extract_strided_slice %reshape3A_970 {offsets = [0, 0, 4, 0], sizes = [256, 32, 1, 16], strides = [1, 1, 1, 1]} : vector<256x32x8x16xf32> to vector<256x32x1x16xf32>
    %squeeze3A_1015 = vector.shape_cast %slice3A_1014 : vector<256x32x1x16xf32> to vector<256x32x16xf32>
    %reshape3A_1016 = vector.shape_cast %squeeze3A_1015 : vector<256x32x16xf32> to vector<8192x16xf32>
    %get3A_1017 = arith.constant 4 : index
    %get3A_1018 = arith.constant 0 : index
    %get3A_1019 = arith.constant 0 : index
    %get3A_1020 = vector.load %arg3[%get3A_1017, %get3A_1018, %get3A_1019] : memref<8x16x128xf32, #tpu.memory_space<vmem>>, vector<1x16x128xf32>
    %get3A_1021 = vector.shape_cast %get3A_1020 : vector<1x16x128xf32> to vector<16x128xf32>
    %dot_general3A_1022 = arith.constant dense<0.000000e+00> : vector<8192x128xf32>
    %dot_general3A_1023 = tpu.matmul %reshape3A_1016, %get3A_1021, %dot_general3A_1022 {dimension_numbers = #tpu.dot_dimension_numbers<[1], [0], [0], [1], [0, 0, 1, 1], [], []>, transpose_lhs_hint = false} : vector<8192x16xf32>, vector<16x128xf32>, vector<8192x128xf32> -> vector<8192x128xf32>
    %add3A_1024 = arith.addf %add3A_1013, %dot_general3A_1023 : vector<8192x128xf32>
    %slice3A_1025 = vector.extract_strided_slice %reshape3A_970 {offsets = [0, 0, 5, 0], sizes = [256, 32, 1, 16], strides = [1, 1, 1, 1]} : vector<256x32x8x16xf32> to vector<256x32x1x16xf32>
    %squeeze3A_1026 = vector.shape_cast %slice3A_1025 : vector<256x32x1x16xf32> to vector<256x32x16xf32>
    %reshape3A_1027 = vector.shape_cast %squeeze3A_1026 : vector<256x32x16xf32> to vector<8192x16xf32>
    %get3A_1028 = arith.constant 5 : index
    %get3A_1029 = arith.constant 0 : index
    %get3A_1030 = arith.constant 0 : index
    %get3A_1031 = vector.load %arg3[%get3A_1028, %get3A_1029, %get3A_1030] : memref<8x16x128xf32, #tpu.memory_space<vmem>>, vector<1x16x128xf32>
    %get3A_1032 = vector.shape_cast %get3A_1031 : vector<1x16x128xf32> to vector<16x128xf32>
    %dot_general3A_1033 = arith.constant dense<0.000000e+00> : vector<8192x128xf32>
    %dot_general3A_1034 = tpu.matmul %reshape3A_1027, %get3A_1032, %dot_general3A_1033 {dimension_numbers = #tpu.dot_dimension_numbers<[1], [0], [0], [1], [0, 0, 1, 1], [], []>, transpose_lhs_hint = false} : vector<8192x16xf32>, vector<16x128xf32>, vector<8192x128xf32> -> vector<8192x128xf32>
    %add3A_1035 = arith.addf %add3A_1024, %dot_general3A_1034 : vector<8192x128xf32>
    %slice3A_1036 = vector.extract_strided_slice %reshape3A_970 {offsets = [0, 0, 6, 0], sizes = [256, 32, 1, 16], strides = [1, 1, 1, 1]} : vector<256x32x8x16xf32> to vector<256x32x1x16xf32>
    %squeeze3A_1037 = vector.shape_cast %slice3A_1036 : vector<256x32x1x16xf32> to vector<256x32x16xf32>
    %reshape3A_1038 = vector.shape_cast %squeeze3A_1037 : vector<256x32x16xf32> to vector<8192x16xf32>
    %get3A_1039 = arith.constant 6 : index
    %get3A_1040 = arith.constant 0 : index
    %get3A_1041 = arith.constant 0 : index
    %get3A_1042 = vector.load %arg3[%get3A_1039, %get3A_1040, %get3A_1041] : memref<8x16x128xf32, #tpu.memory_space<vmem>>, vector<1x16x128xf32>
    %get3A_1043 = vector.shape_cast %get3A_1042 : vector<1x16x128xf32> to vector<16x128xf32>
    %dot_general3A_1044 = arith.constant dense<0.000000e+00> : vector<8192x128xf32>
    %dot_general3A_1045 = tpu.matmul %reshape3A_1038, %get3A_1043, %dot_general3A_1044 {dimension_numbers = #tpu.dot_dimension_numbers<[1], [0], [0], [1], [0, 0, 1, 1], [], []>, transpose_lhs_hint = false} : vector<8192x16xf32>, vector<16x128xf32>, vector<8192x128xf32> -> vector<8192x128xf32>
    %add3A_1046 = arith.addf %add3A_1035, %dot_general3A_1045 : vector<8192x128xf32>
    %slice3A_1047 = vector.extract_strided_slice %reshape3A_970 {offsets = [0, 0, 7, 0], sizes = [256, 32, 1, 16], strides = [1, 1, 1, 1]} : vector<256x32x8x16xf32> to vector<256x32x1x16xf32>
    %squeeze3A_1048 = vector.shape_cast %slice3A_1047 : vector<256x32x1x16xf32> to vector<256x32x16xf32>
    %reshape3A_1049 = vector.shape_cast %squeeze3A_1048 : vector<256x32x16xf32> to vector<8192x16xf32>
    %get3A_1050 = arith.constant 7 : index
    %get3A_1051 = arith.constant 0 : index
    %get3A_1052 = arith.constant 0 : index
    %get3A_1053 = vector.load %arg3[%get3A_1050, %get3A_1051, %get3A_1052] : memref<8x16x128xf32, #tpu.memory_space<vmem>>, vector<1x16x128xf32>
    %get3A_1054 = vector.shape_cast %get3A_1053 : vector<1x16x128xf32> to vector<16x128xf32>
    %dot_general3A_1055 = arith.constant dense<0.000000e+00> : vector<8192x128xf32>
    %dot_general3A_1056 = tpu.matmul %reshape3A_1049, %get3A_1054, %dot_general3A_1055 {dimension_numbers = #tpu.dot_dimension_numbers<[1], [0], [0], [1], [0, 0, 1, 1], [], []>, transpose_lhs_hint = false} : vector<8192x16xf32>, vector<16x128xf32>, vector<8192x128xf32> -> vector<8192x128xf32>
    %add3A_1057 = arith.addf %add3A_1046, %dot_general3A_1056 : vector<8192x128xf32>
    %swap3A = arith.constant 0 : index
    %swap3A_1058 = arith.constant 0 : index
    %swap3A_1059 = vector.load %arg5[%swap3A, %swap3A_1058] : memref<8192x128xf32, #tpu.memory_space<vmem>>, vector<8192x128xf32>
    tpu.vector_store %arg5[%swap3A, %swap3A_1058], %add3A_1057 {strides = array<i32>} : memref<8192x128xf32, #tpu.memory_space<vmem>>, vector<8192x128xf32>,
    return
  }
}

</mosaic_0001>

<sc_bundles>
// kernel: kernel.4.cloned.1.call-start
scs
__scs_entry_jumppad:
0x0: {  	(pc) =	sbr.rel $0x88, $3  }
0x1: {  	(tag) =	ssettag $0x0;
	lr =	simm.s32 $0x1  }
0x2: {  	[smem:$0x3F9E] =	sst lr;
	_ =	strace $0xD0000000  }
0x3: {  	_ = 	snop  }
0x4: {  	_ = 	snop  }
0x5: {  	_ = 	snop  }
0x6: {  	_ = 	snop  }
0x7: {  	_ = 	snop  }
__scs_overlays_trampoline_lowered:
0x8: {  	[smem:$0x3FAD] =	sst s0  }
0x9: {  	[smem:$0x3FAE] =	sst s1  }
0xa: {  	[smem:$0x3FAF] =	sst s2  }
0xb: {  	[smem:$0x3FB0] =	sst s3  }
0xc: {  	[smem:$0x3FB1] =	sst s4  }
0xd: {  	[smem:$0x3FB2] =	sst s5  }
0xe: {  	[smem:$0x3FB3] =	sst s6  }
0xf: {  	[smem:$0x3FB4] =	sst s7  }
0x10: {  	[smem:$0x3FB5] =	sst s8  }
0x11: {  	[smem:$0x3FB6] =	sst s9;
	s0 =	simm.s32 @!p0 $0x0  }
0x12: {  	s1 =	sld [smem:$0x3F9C];
	s0 =	simm.s32 @p0 $0x1  }
0x13: {  	[smem:$0x3FB7] =	sst s0;
	s0 =	simm.s32 @!p1 $0x0  }
0x14: {  	s2 =	sld [smem:$0x3F9B];
	s0 =	simm.s32 @p1 $0x1  }
0x15: {  	[smem:$0x3FB8] =	sst s0;
	s0 =	simm.s32 @!p2 $0x0  }
0x16: {  	s3 =	sld [smem:$0x3FDB];
	s0 =	simm.s32 @p2 $0x1  }
0x17: {  	s4 =	simm.s32 $0x1BF5;
	[smem:$0x3FBA] =	sst s0  }
0x18: {  	s0 =	sld [smem:$0x3F9D];
	_ =	swait.ge [sflag:s4], $0x0  }
0x19: {  	s7 =	sld [smem:$0x3F9E]  }
0x1a: {  	s8 =	sadd.s32 $0xFFFFE003, lr  }
0x1b: {  	s9 =	sadd.s32 $0xFFFFFEF7, lr;
	s5 =	simm.s32 $0xFFFFFFFF;
	p2 =	slt.u32 s8, $0xFFFFF086  }
0x1c: {  	p1 =	slt.u32 s9, $0xF7A;
	s5 =	simm.s32 @!p2 $0x0  }
0x1d: {  	s5 =	simm.s32 @p1 $0x1;
	p0 =	seq.s32 s7, s2  }
0x1e: {  	s7 =	smul.u32 @!p0 $0xF7A, s2;
	p2 =	seq.s32 @!p0 s5, $0x0  }
0x1f: {  	s9 =	smul.u32 $0xF7A, s1;
	s8 =	simm.s32 @!p0 $0x1BF5;
	p2 =	por !p2, p0  }
0x20: {  	[sflag:s8] =	ssyncset.s32 @!p0 $0xFFFFF086;
	s6 =	sadd.s32 @!p0 s3, s7;
	s7 =	simm.s32 @!p0 $0x108  }
0x21: {  	s3 =	sadd.s32 s3, s9;
	s6 =	sadd.s32 @!p0 $0x88, s6;
	s7 =	simm.s32 @p2 $0x1082  }
0x22: {  	[simem:s7], [sflag:s8] =	dma.local @!p0 [hbm:s6], $0xF7A  }
0x23: {  	s9 =	sor.u32 $0xD0000000, s2;
	s6 =	simm.s32 $0x108;
	_ =	swait.ge @!p0 [sflag:s8], $0x0  }
0x24: {  	s3 =	sadd.s32 $0x88, s3;
	s6 =	simm.s32 @!p1 $0x1082;
	[sflag:s4] =	ssyncset.s32 $0xFFFFF086  }
0x25: {  	[simem:s6], [sflag:s4] =	dma.local [hbm:s3], $0xF7A  }
0x26: {  	[smem:$0x3F9E] =	sst s1;
	(tag) =	ssettag s2;
	_ =	strace s9  }
0x27: {  	s1 =	sld [smem:$0x3FAE]  }
0x28: {  	s2 =	sld [smem:$0x3FAF]  }
0x29: {  	s4 =	sld [smem:$0x3FB1]  }
0x2a: {  	p0 =	seq.s32 s5, $0x0;
	s5 =	sld [smem:$0x3FB2]  }
0x2b: {  	s6 =	sld [smem:$0x3FB3]  }
0x2c: {  	s7 =	sld [smem:$0x3FB4]  }
0x2d: {  	s3 =	simm.s32 $0x108;
	s8 =	sld [smem:$0x3FB5]  }
0x2e: {  	s3 =	simm.s32 @!p0 $0x1082;
	s9 =	sld [smem:$0x3FB6]  }
0x2f: {  	lr =	sadd.s32 s0, s3;
	s0 =	sld [smem:$0x3FAD]  }
0x30: {  	s3 =	sld [smem:$0x3FB0]  }
0x31: {  	[smem:$0x3FB9] =	sst s10  }
0x32: {  	s10 =	sld [smem:$0x3FB7];
	_ =	sdelay $0x3  }
0x33: {  	p0 =	seq.s32 s10, $0x1;
	s10 =	sld [smem:$0x3FB9];
	_ =	sdelay $0x3  }
0x34: {  	[smem:$0x3FB9] =	sst s10  }
0x35: {  	s10 =	sld [smem:$0x3FB8];
	_ =	sdelay $0x3  }
0x36: {  	p1 =	seq.s32 s10, $0x1;
	s10 =	sld [smem:$0x3FB9];
	_ =	sdelay $0x3  }
0x37: {  	[smem:$0x3FB9] =	sst s10  }
0x38: {  	s10 =	sld [smem:$0x3FBA]  }
0x39: {  	_ = 	snop;
	(pc) =	sbr.ind lr, $3  }
0x3a: {  	_ = 	snop  }
0x3b: {  	_ = 	snop  }
0x3c: {  	p2 =	seq.s32 s10, $0x1;
	s10 =	sld [smem:$0x3FB9]  }
0x3d: {  	_ =	shalt  }
0x3e: {  	_ =	shalt  }
0x3f: {  	_ =	shalt  }
0x40: {  	_ =	shalt  }
0x41: {  	_ =	shalt  }
0x42: {  	_ =	shalt  }
0x43: {  	_ =	shalt  }
0x44: {  	_ =	shalt  }
0x45: {  	_ =	shalt  }
0x46: {  	_ =	shalt  }
0x47: {  	_ =	shalt  }
0x48: {  	_ =	shalt  }
0x49: {  	_ =	shalt  }
0x4a: {  	_ =	shalt  }
0x4b: {  	_ =	shalt  }
0x4c: {  	_ =	shalt  }
0x4d: {  	_ =	shalt  }
0x4e: {  	_ =	shalt  }
0x4f: {  	_ =	shalt  }
0x50: {  	_ =	shalt  }
0x51: {  	_ =	shalt  }
0x52: {  	_ =	shalt  }
0x53: {  	_ =	shalt  }
0x54: {  	_ =	shalt  }
0x55: {  	_ =	shalt  }
0x56: {  	_ =	shalt  }
0x57: {  	_ =	shalt  }
0x58: {  	_ =	shalt  }
0x59: {  	_ =	shalt  }
0x5a: {  	_ =	shalt  }
0x5b: {  	_ =	shalt  }
0x5c: {  	_ =	shalt  }
0x5d: {  	_ =	shalt  }
0x5e: {  	_ =	shalt  }
0x5f: {  	_ =	shalt  }
0x60: {  	_ =	shalt  }
0x61: {  	_ =	shalt  }
0x62: {  	_ =	shalt  }
0x63: {  	_ =	shalt  }
0x64: {  	_ =	shalt  }
0x65: {  	_ =	shalt  }
0x66: {  	_ =	shalt  }
0x67: {  	_ =	shalt  }
0x68: {  	_ =	shalt  }
0x69: {  	_ =	shalt  }
0x6a: {  	_ =	shalt  }
0x6b: {  	_ =	shalt  }
0x6c: {  	_ =	shalt  }
0x6d: {  	_ =	shalt  }
0x6e: {  	_ =	shalt  }
0x6f: {  	_ =	shalt  }
0x70: {  	_ =	shalt  }
0x71: {  	_ =	shalt  }
0x72: {  	_ =	shalt  }
0x73: {  	_ =	shalt  }
0x74: {  	_ =	shalt  }
0x75: {  	_ =	shalt  }
0x76: {  	_ =	shalt  }
0x77: {  	_ =	shalt  }
0x78: {  	_ =	shalt  }
0x79: {  	_ =	shalt  }
0x7a: {  	_ =	shalt  }
0x7b: {  	_ =	shalt  }
0x7c: {  	_ =	shalt  }
0x7d: {  	_ =	shalt  }
0x7e: {  	_ =	shalt  }
0x7f: {  	_ =	shalt  }
0x80: {  	_ =	shalt  }
0x81: {  	_ =	shalt  }
0x82: {  	_ =	shalt  }
0x83: {  	_ =	shalt  }
0x84: {  	_ =	shalt  }
0x85: {  	_ =	shalt  }
0x86: {  	_ =	shalt  }
0x87: {  	_ =	shalt  }
.Lfunc_end0:
.L_simem_size_0:
called_computation_lowered:
.L_overlay_start_0:
0x88: {  	s2 =	sld [smem:$0x3FD9]  }
0x89: {  	s3 =	sld [smem:$0x3FFE];
	_ =	sdelay $0x1  }
0x8a: {  	s1 =	srdreg.scid  }
0x8b: {  	s0 =	sand.u32 $0x1, s1  }
0x8c: {  	s16 =	sshll.u32 s0, $0xA;
	s2 =	sadd.s32 s3, s2  }
0x8d: {  	s2 =	sadd.s32 s2, s16  }
0x8e: {  	[smem:$0x3FC5] =	sst s2  }
0x8f: {  	_ = 	snop  }
0x90: {  	(tm) =	ssettm $0x1  }
0x91: {  	s17 =	sld [smem:$0x3FFB];
	_ =	sdelay $0x3  }
0x92: {  	_ =	strace s17  }
0x93: {  	s2 =	sld [smem:$0x3FFC];
	_ =	sdelay $0x3  }
0x94: {  	_ =	strace s2  }
0x95: {  	s2 =	sld [smem:$0x3FFD];
	_ =	sdelay $0x3  }
0x96: {  	_ =	strace s2  }
0x97: {  	_ =	strace $0x8FFFFFFF  }
0x98: {  	s18 =	sld [smem:$0x3FDB];
	_ =	sdelay $0x1  }
0x99: {  	s19 =	simm.s32 $_scs_section_size  }
0x9a: {  	s4 =	simm.s32 $_size__tile_overlayer_lowered;
	s5 =	simm.s32 $_tile_overlayer_lowered  }
0x9b: {  	s22 =	simm.s32 $0x1BFF;
	s21 =	sshll.u32 s5, $0x1;
	s2 =	sadd.s32 s19, s18  }
0x9c: {  	s6 =	simm.s32 $0x0;
	s20 =	sshll.u32 s4, $0x1;
	s4 =	sadd.s32 s21, s2  }
0x9d: {  	[timem:s6], [sflag:s22] =	dma.local [hbm:s4], s20  }
0x9e: {  	_ =	swait.ge [sflag:s22], s20  }
0x9f: {  	s3 =	ssub.s32 $0x0, s20;
	[sflag:s22] =	ssyncset.done $0x0  }
0xa0: {  	[sflag:s22] =	ssyncadd.s32 s3;
	_ =	sdelay $0x1  }
0xa1: {  	s23 =	simm.s32 $0x1B8B  }
0xa2: {  	_ =	swait.ge [sflag:s23], $0x1  }
0xa3: {  	[sflag:s23] =	ssyncset.done $0x0  }
0xa4: {  	s25 =	simm.s32 $0x1B8E;
	s24 =	sld [smem:$0x3FFE];
	[sflag:s23] =	ssyncadd.s32 $0xFFFFFFFF  }
0xa5: {  	s26 =	simm.s32 $execute0_lowered;
	[smem:$0x3FD2] =	sst s25  }
0xa6: {  	s4 =	sshll.u32 s26, $0x1;
	_ =	strace $0x80000046;
	[dreg:$0x1] =	wrdreg $0xFFFFFFFF  }
0xa7: {  	s28 =	simm.s32 $_size_execute0_lowered;
	s2 =	sadd.s32 s2, s4;
	[dreg:$0x0] =	wrdreg $0x0  }
0xa8: {  	s4 =	sshll.u32 s28, $0x1;
	[dreg:$0x2] =	wrdreg s2  }
0xa9: {  	[dreg:$0x3] =	wrdreg s4  }
0xaa: {  	[dreg:$0x4] =	wrdreg $0xC0  }
0xab: {  	_ =	task [dreg:s6], $0x5FFFF  }
0xac: {  	[dreg:$0x1] =	wrdreg $0xFFFFFFFF  }
0xad: {  	[dreg:$0x0] =	wrdreg $0x60  }
0xae: {  	[dreg:$0x2] =	wrdreg s24  }
0xaf: {  	[dreg:$0x3] =	wrdreg $0x9  }
0xb0: {  	_ =	task.clear_ibuf [dreg:s6], $0x4FFFF;
	_ =	strace $0x90000046  }
0xb1: {  	s29 =	simm.s32 $0x9;
	_ =	strace $0x80000048  }
0xb2: {  	_ =	swait.ge [sflag:s29], $0x1  }
0xb3: {  	[sflag:s29] =	ssyncadd.s32 $0xFFFFFFFF  }
0xb4: {  	_ =	strace $0x90000048  }
0xb5: {  	_ =	sfence  }
0xb6: {  	s30 =	sld [smem:$0x0];
	_ =	sdelay $0x2  }
0xb7: {  	s31 =	sshll.u32 s1, $0xD;
	s1 =	sshrl.u32 s1, $0x2  }
0xb8: {  	s3 =	sand.u32 $0x4000, s31;
	s1 =	sadd.s32 s1, s30  }
0xb9: {  	s0 =	sor.u32 s3, s0;
	s1 =	sshll.u32 s1, $0x11  }
0xba: {  	s0 =	sor.u32 s1, s0  }
0xbb: {  	s0 =	sadd.s32 $0x8F2B, s0  }
0xbc: {  	[sflag:s0] =	ssyncadd.remote.s32 $0x1  }
0xbd: {  	_ =	sfence.sel $0xFFFF  }
0xbe: {  	[dreg:$0x0] =	wrdreg $0xFFFFFFFF;
	(pc) =	sbr.abs _section_cstart, $3  }
0xbf: {  	[dreg:$0x1] =	wrdreg $0xFFFFFFFF  }
0xc0: {  	_ =	task.clear_ibuf [dreg:s6], $0x2FFFF;
	_ =	strace $0x9FFFFFFF  }
0xc1: {  	(tm) =	ssettm $0x7FFFFFFF  }
tec
execute0_lowered:
.L_overlay_start_1:
0x0: {  	(tag) =	ssettag $0x1  }
0x1: {  	s1 =	srdreg.scid  }
0x2: {  	s3 =	stileid.u32;
	s1 =	sand.u32 $0x1, s1  }
0x3: {  	s3 =	sshll.u32 s3, $0x9;
	s4 =	sshll.u32 s1, $0x8  }
0x4: {  	s0 =	rddreg [dreg:$0x0];
	s4 =	sor.u32 s4, s3  }
0x5: {  	s2 =	simm.s32 $0x0;
	s3 =	sadd.s32 $0x4E00, s0;
	s0 =	sadd.s32 s4, s0  }
0x6: {  	[smem:$0x7FF] =	sst s2;
	s30 =	sadd.s32 $0x2E00, s0  }
0x7: {  	_ =	strace $0x80000047;
	s31 =	sadd.s32 $0xE00, s0;
	[dreg:$0x2] =	wrdreg s30  }
0x8: {  	s4 =	sadd.s32 $0x24E00, s0;
	[dreg:$0x3] =	wrdreg s31  }
0x9: {  	s5 =	sadd.s32 $0x26E00, s0;
	[dreg:$0x4] =	wrdreg s4  }
0xa: {  	s6 =	sadd.s32 $0x28E00, s0;
	[dreg:$0x5] =	wrdreg s5  }
0xb: {  	s7 =	sadd.s32 $0x2AE00, s0;
	[dreg:$0x6] =	wrdreg s6  }
0xc: {  	s8 =	sadd.s32 $0x2CE00, s0;
	[dreg:$0x7] =	wrdreg s7  }
0xd: {  	s10 =	sadd.s32 $0x2EE00, s0;
	[dreg:$0x8] =	wrdreg s8  }
0xe: {  	s11 =	sadd.s32 $0x30E00, s0;
	[dreg:$0x9] =	wrdreg s10  }
0xf: {  	s12 =	sadd.s32 $0x32E00, s0;
	[dreg:$0xa] =	wrdreg s11  }
0x10: {  	s13 =	sadd.s32 $0x34E00, s0;
	[dreg:$0xb] =	wrdreg s12  }
0x11: {  	s14 =	sadd.s32 $0x36E00, s0;
	[dreg:$0xc] =	wrdreg s13  }
0x12: {  	s15 =	sadd.s32 $0x38E00, s0;
	[dreg:$0xd] =	wrdreg s14  }
0x13: {  	s16 =	sadd.s32 $0x3AE00, s0;
	[dreg:$0xe] =	wrdreg s15  }
0x14: {  	s17 =	sadd.s32 $0x3CE00, s0;
	[dreg:$0xf] =	wrdreg s16  }
0x15: {  	s18 =	sadd.s32 $0x3EE00, s0;
	[dreg:$0x10] =	wrdreg s17  }
0x16: {  	s19 =	sadd.s32 $0x40E00, s0;
	[dreg:$0x11] =	wrdreg s18  }
0x17: {  	s20 =	sadd.s32 $0x42E00, s0;
	[dreg:$0x12] =	wrdreg s19  }
0x18: {  	s21 =	sadd.s32 $0x24E80, s0;
	[dreg:$0x13] =	wrdreg s20  }
0x19: {  	s22 =	sadd.s32 $0x26E80, s0;
	[dreg:$0x14] =	wrdreg s21  }
0x1a: {  	s23 =	sadd.s32 $0x28E80, s0;
	[dreg:$0x15] =	wrdreg s22  }
0x1b: {  	s24 =	sadd.s32 $0x2AE80, s0;
	[dreg:$0x16] =	wrdreg s23  }
0x1c: {  	s25 =	sadd.s32 $0x2CE80, s0;
	[dreg:$0x17] =	wrdreg s24  }
0x1d: {  	s1 =	ssub.s32 $0x2, s1;
	s26 =	sadd.s32 $0x2EE80, s0;
	[dreg:$0x18] =	wrdreg s25  }
0x1e: {  	s29 =	sshrl.u32 s1, $0x1;
	s28 =	sadd.s32 $0x30E80, s0;
	[dreg:$0x19] =	wrdreg s26  }
0x1f: {  	s9 =	ssub.s32 s1, s29;
	s29 =	sadd.s32 $0x32E80, s0;
	[dreg:$0x1a] =	wrdreg s28  }
0x20: {  	s1 =	sadd.s32 $0x38E80, s0;
	s9 =	smax.u32 s9, $0x1;
	[dreg:$0x1b] =	wrdreg s29  }
0x21: {  	s30 =	sadd.s32 $0x34E80, s0;
	s31 =	sadd.s32 $0x36E80, s0;
	s4 =	sadd.s32 $0x3AE80, s0  }
0x22: {  	s5 =	sadd.s32 $0x3CE80, s0;
	s6 =	sadd.s32 $0x3EE80, s0;
	s7 =	sadd.s32 $0x40E80, s0  }
0x23: {  	s8 =	sadd.s32 $0x42E80, s0;
	s10 =	simm.s32 $0x3;
	s11 =	simm.s32 $0x400  }
0x24: {  	v0 =	vlaneseq.u32;
	s12 =	simm.s32 $0x1;
	s13 =	simm.s32 $0x13000;
	[dreg:$0x1c] =	wrdreg s30  }
0x25: {  	v0 =	vmul.u32 $0x408, v0;
	s22 =	simm.s32 $0x2;
	s18 =	simm.s32 $0x0;
	[dreg:$0x1d] =	wrdreg s31  }
.LBB2_1:
0x26: {  	s0 =	rddreg [dreg:$0x2]  }
0x27: {  	[tilespmem:s2], [sflag:$0x3] =	stream.linear.gather [hbm4b:s0+s2], $0x800, $0x38;
	[tilespmem:$0x17080] =	vst v63  }
0x28: {  	_ =	swait.ge [sflag:s10], $0x800  }
0x29: {  	[sflag:s10] =	ssyncset.done $0x0  }
0x2a: {  	s14 =	simm.s32 $0x800;
	s31 =	rddreg [dreg:$0x3];
	[sflag:s10] =	ssyncadd.s32 $0xFFFFF800  }
0x2b: {  	[tilespmem:s14], [sflag:$0x3] =	stream.linear.gather [hbm4b:s31+s2], $0x800, $0x38;
	[tilespmem:$0x17080] =	vst v63  }
0x2c: {  	_ =	swait.ge [sflag:s10], $0x800  }
0x2d: {  	[sflag:s10] =	ssyncset.done $0x0  }
0x2e: {  	s16 =	simm.s32 $0x0;
	[sflag:s10] =	ssyncadd.s32 $0xFFFFF800  }
0x2f: {  	v1 =	vld [tilespmem:s16+$0x800]  }
0x30: {  	v2 =	vld [tilespmem:s16+$0x0];
	_ =	sdelay $0x3  }
0x31: {  	s15 =	simm.s32 $0x10;
	v1 =	vadd.f32 $1.000000000e+00, v1  }
0x32: {  	v5 =	vld [tilespmem:s15+$0x800];
	v2 =	vadd.f32 $1.000000000e+00, v2  }
0x33: {  	v1 =	vmul.f32 $5.000000000e-01, v1  }
0x34: {  	v8 =	vld [tilespmem:s15+$0x0];
	v2 =	vmul.f32 $5.000000000e-01, v2  }
0x35: {  	v1 =	vmul.f32 $2.550000000e+02, v1  }
0x36: {  	v2 =	vmul.f32 $2.550000000e+02, v2  }
0x37: {  	v5 =	vadd.f32 $1.000000000e+00, v5;
	v3 =	vtrunc.f32 v1  }
0x38: {  	v4 =	vtrunc.f32 v2;
	v3 =	vcvt.f32.s32 v3  }
0x39: {  	v8 =	vadd.f32 $1.000000000e+00, v8;
	v5 =	vmul.f32 $5.000000000e-01, v5;
	v4 =	vcvt.f32.s32 v4  }
0x3a: {  	v6 =	vcvt.s32.f32 v3;
	v7 =	vadd.s32 $0x1, v3;
	vm0 =	vgt.s32 v3, $0x0  }
0x3b: {  	v9 =	vcvt.s32.f32 v4;
	v10 =	vadd.s32 $0x1, v4;
	vm1 =	vgt.s32 v7, $0x0  }
0x3c: {  	vm3 =	vgt.s32 v10, $0x0;
	v12 =	vnsel vm0, $0x0, v3;
	v1 =	vsub.f32 v1, v6  }
0x3d: {  	v6 =	vnsel vm1, $0x0, v7;
	v7 =	vsub.f32 v2, v9;
	v2 =	vnsel vm3, $0x0, v10  }
0x3e: {  	v3 =	vmul.f32 $2.550000000e+02, v5;
	v2 =	vmin.u32 v2, $0xFF;
	v59 =	vsub.f32 $1.000000000e+00, v1  }
0x3f: {  	v13 =	vshll.u32 v2, $0x8;
	v2 =	vmul.f32 $5.000000000e-01, v8;
	v8 =	vmin.u32 v12, $0xFF  }
0x40: {  	v61 =	vmin.u32 v6, $0xFF;
	v60 =	vsub.f32 $1.000000000e+00, v7;
	v62 =	vor.u32 v8, v13  }
0x41: {  	vm2 =	vgt.s32 v4, $0x0;
	v63 =	vor.u32 v61, v13;
	v11 =	vmul.f32 v59, v7;
	[tilespmem:s16+$0x1800] =	vst v62  }
0x42: {  	v4 =	vnsel vm2, $0x0, v4;
	v6 =	vtrunc.f32 v3;
	v9 =	vmul.f32 v59, v60;
	[tilespmem:s16+$0x1C00] =	vst v63  }
0x43: {  	v4 =	vmin.u32 v4, $0xFF;
	v10 =	vmul.f32 v1, v60;
	v2 =	vmul.f32 $2.550000000e+02, v2;
	[tilespmem:s16+$0x2800] =	vst v11  }
0x44: {  	v4 =	vshll.u32 v4, $0x8;
	v5 =	vmul.f32 v1, v7;
	v1 =	vcvt.f32.s32 v6;
	[tilespmem:s16+$0x2000] =	vst v9  }
0x45: {  	s17 =	simm.s32 $0x20;
	s0 =	simm.s32 $0xC0;
	v6 =	vor.u32 v8, v4;
	v4 =	vor.u32 v4, v61;
	[tilespmem:s16+$0x2400] =	vst v10;
	v7 =	vtrunc.f32 v2  }
.LBB2_2:
0x46: {  	p0 =	sne.s32 s0, $0xFC0;
	v8 =	vld [tilespmem:s17+$0x800];
	v7 =	vcvt.f32.s32 v7;
	v9 =	vcvt.s32.f32 v1;
	v10 =	vadd.s32 $0x1, v1;
	[tilespmem:s16+$0x2C00] =	vst v5  }
0x47: {  	vm0 =	vgt.s32 v1, $0x0;
	vm1 =	vgt.s32 v10, $0x0;
	[tilespmem:s16+$0x1000] =	vst v6  }
0x48: {  	v5 =	vld [tilespmem:s17+$0x0];
	v6 =	vcvt.s32.f32 v7;
	v9 =	vsub.f32 v3, v9;
	v3 =	vadd.s32 $0x1, v7;
	[tilespmem:s16+$0x1400] =	vst v4;
	s16 =	smov.u32 s15;
	s15 =	smov.u32 s17  }
0x49: {  	vm2 =	vgt.s32 v7, $0x0;
	v4 =	vnsel vm1, $0x0, v10;
	vm3 =	vgt.s32 v3, $0x0  }
0x4a: {  	v2 =	vsub.f32 v2, v6;
	v3 =	vnsel vm3, $0x0, v3;
	v6 =	vsub.f32 $1.000000000e+00, v9  }
0x4b: {  	v7 =	vnsel vm2, $0x0, v7;
	v8 =	vadd.f32 $1.000000000e+00, v8;
	v3 =	vmin.u32 v3, $0xFF  }
0x4c: {  	v7 =	vmin.u32 v7, $0xFF;
	v10 =	vsub.f32 $1.000000000e+00, v2;
	v11 =	vmul.f32 v6, v2  }
0x4d: {  	v1 =	vnsel vm0, $0x0, v1;
	v5 =	vadd.f32 $1.000000000e+00, v5;
	v8 =	vmul.f32 $5.000000000e-01, v8  }
0x4e: {  	v12 =	vshll.u32 v3, $0x8;
	v6 =	vmul.f32 v6, v10;
	v10 =	vmul.f32 v9, v10;
	[tilespmem:s16+$0x2800] =	vst v11  }
.Ltmp0:
0x4f: {  	v11 =	vmul.f32 $5.000000000e-01, v5;
	v3 =	vmul.f32 $2.550000000e+02, v8;
	v8 =	vshll.u32 v7, $0x8;
	(pc) =	sbr.rel @p0 .LBB2_2-.Ltmp0, $4  }
0x50: {  	v4 =	vmin.u32 v4, $0xFF;
	v7 =	vmin.u32 v1, $0xFF;
	v5 =	vmul.f32 v9, v2;
	[tilespmem:s16+$0x2000] =	vst v6  }
0x51: {  	v9 =	vor.u32 v7, v12;
	v2 =	vmul.f32 $2.550000000e+02, v11;
	v1 =	vtrunc.f32 v3;
	[tilespmem:s16+$0x2400] =	vst v10  }
0x52: {  	v6 =	vor.u32 v7, v8;
	v1 =	vcvt.f32.s32 v1;
	[tilespmem:s16+$0x1800] =	vst v9;
	v9 =	vor.u32 v4, v12  }
0x53: {  	s17 =	sshra.s32 s0, $0x2;
	s0 =	sadd.s32 $0x40, s0;
	v4 =	vor.u32 v8, v4;
	v7 =	vtrunc.f32 v2;
	[tilespmem:s16+$0x1C00] =	vst v9  }
0x54: {  	v8 =	vld [tilespmem:s17+$0x800];
	[tilespmem:s16+$0x2C00] =	vst v5  }
0x55: {  	[tilespmem:s16+$0x1000] =	vst v6  }
0x56: {  	v5 =	vld [tilespmem:s17+$0x0]  }
0x57: {  	v6 =	vcvt.f32.s32 v7;
	v7 =	vcvt.s32.f32 v1  }
0x58: {  	v9 =	vadd.s32 $0x1, v1;
	vm0 =	vgt.s32 v1, $0x0  }
0x59: {  	vm1 =	vgt.s32 v9, $0x0;
	v3 =	vsub.f32 v3, v7;
	v7 =	vadd.f32 $1.000000000e+00, v8  }
0x5a: {  	v1 =	vnsel vm0, $0x0, v1;
	v10 =	vcvt.s32.f32 v6;
	vm2 =	vgt.s32 v6, $0x0  }
0x5b: {  	v9 =	vnsel vm1, $0x0, v9;
	v5 =	vadd.f32 $1.000000000e+00, v5;
	v7 =	vmul.f32 $5.000000000e-01, v7  }
0x5c: {  	v2 =	vsub.f32 v2, v10;
	v44 =	vsub.f32 $1.000000000e+00, v3;
	v8 =	vadd.s32 $0x1, v6  }
0x5d: {  	v6 =	vnsel vm2, $0x0, v6;
	v5 =	vmul.f32 $5.000000000e-01, v5;
	v7 =	vmul.f32 $2.550000000e+02, v7  }
0x5e: {  	vm3 =	vgt.s32 v8, $0x0;
	v11 =	vsub.f32 $1.000000000e+00, v2;
	v12 =	vmul.f32 v44, v2  }
0x5f: {  	v8 =	vnsel vm3, $0x0, v8;
	v5 =	vmul.f32 $2.550000000e+02, v5;
	v13 =	vtrunc.f32 v7  }
0x60: {  	v2 =	vmul.f32 v3, v2;
	v8 =	vmin.u32 v8, $0xFF;
	v13 =	vcvt.f32.s32 v13  }
0x61: {  	[tilespmem:s16+$0x1400] =	vst v4;
	v4 =	vshll.u32 v8, $0x8;
	v8 =	vmul.f32 v44, v11;
	v14 =	vtrunc.f32 v5  }
0x62: {  	v6 =	vmin.u32 v6, $0xFF;
	[tilespmem:s15+$0x2800] =	vst v12;
	v45 =	vcvt.f32.s32 v14;
	v46 =	vcvt.s32.f32 v13  }
0x63: {  	v1 =	vmin.u32 v1, $0xFF;
	v6 =	vshll.u32 v6, $0x8;
	[tilespmem:s15+$0x2C00] =	vst v2;
	v11 =	vmul.f32 v3, v11  }
0x64: {  	[tilespmem:s15+$0x2000] =	vst v8;
	v8 =	vmin.u32 v9, $0xFF;
	v3 =	vcvt.s32.f32 v45;
	v7 =	vsub.f32 v7, v46  }
0x65: {  	v47 =	vor.u32 v1, v4;
	v1 =	vor.u32 v1, v6;
	[tilespmem:s15+$0x2400] =	vst v11;
	v4 =	vor.u32 v8, v4  }
0x66: {  	[tilespmem:s15+$0x1800] =	vst v47;
	v3 =	vsub.f32 v5, v3;
	v5 =	vor.u32 v6, v8;
	v6 =	vsub.f32 $1.000000000e+00, v7  }
0x67: {  	[tilespmem:s15+$0x1C00] =	vst v4;
	v4 =	vadd.s32 $0x1, v13;
	vm12 =	vgt.s32 v13, $0x0;
	v2 =	vadd.s32 $0x1, v45  }
0x68: {  	[tilespmem:s15+$0x1000] =	vst v1;
	vm14 =	vgt.s32 v2, $0x0;
	v8 =	vsub.f32 $1.000000000e+00, v3;
	v1 =	vmul.f32 v6, v3  }
0x69: {  	vm13 =	vgt.s32 v4, $0x0;
	v2 =	vnsel vm14, $0x0, v2;
	[tilespmem:s15+$0x1400] =	vst v5;
	v3 =	vmul.f32 v7, v3  }
0x6a: {  	vm15 =	vgt.s32 v45, $0x0;
	v2 =	vmin.u32 v2, $0xFF;
	v5 =	vmul.f32 v6, v8;
	[tilespmem:s17+$0x2800] =	vst v1  }
0x6b: {  	v2 =	vshll.u32 v2, $0x8;
	v6 =	vnsel vm12, $0x0, v13;
	v8 =	vmul.f32 v7, v8;
	[tilespmem:s17+$0x2C00] =	vst v3  }
0x6c: {  	v1 =	vnsel vm13, $0x0, v4;
	v4 =	vmin.u32 v6, $0xFF;
	[tilespmem:s17+$0x2000] =	vst v5;
	v5 =	vnsel vm15, $0x0, v45  }
0x6d: {  	v1 =	vmin.u32 v1, $0xFF;
	v6 =	vor.u32 v4, v2;
	[tilespmem:s17+$0x2400] =	vst v8;
	v5 =	vmin.u32 v5, $0xFF  }
0x6e: {  	[tilespmem:s17+$0x1800] =	vst v6;
	v2 =	vor.u32 v1, v2;
	v5 =	vshll.u32 v5, $0x8  }
0x6f: {  	[tilespmem:s17+$0x1C00] =	vst v2;
	v2 =	vor.u32 v4, v5  }
0x70: {  	v1 =	vor.u32 v5, v1;
	[tilespmem:s17+$0x1000] =	vst v2  }
0x71: {  	s0 =	simm.s32 $0x1000;
	s14 =	simm.s32 $0x3000;
	[tilespmem:s17+$0x1400] =	vst v1  }
0x72: {  	[tilespmem:s14], [sflag:$0x1] =	stream.indirect.gather [hbm4b:s3+s11], $0x10, s0, s11, $0xb8;
	[tilespmem:$0x17080] =	vst v63  }
0x73: {  	s25 =	simm.s32 $0x1400;
	s26 =	simm.s32 $0x7000  }
0x74: {  	[tilespmem:s26], [sflag:$0x1] =	stream.indirect.gather [hbm4b:s3+s11], $0x10, s25, s11, $0xb8;
	[tilespmem:$0x17080] =	vst v63  }
0x75: {  	s16 =	simm.s32 $0xB000;
	s15 =	simm.s32 $0x1800  }
0x76: {  	[tilespmem:s16], [sflag:$0x1] =	stream.indirect.gather [hbm4b:s3+s11], $0x10, s15, s11, $0xb8;
	[tilespmem:$0x17080] =	vst v63  }
0x77: {  	s19 =	simm.s32 $0xF000;
	s17 =	simm.s32 $0x1C00  }
0x78: {  	[tilespmem:s19], [sflag:$0x1] =	stream.indirect.gather [hbm4b:s3+s11], $0x10, s17, s11, $0xb8;
	[tilespmem:$0x17080] =	vst v63  }
0x79: {  	_ =	swait.ge [sflag:s12], $0x4000  }
0x7a: {  	[sflag:s12] =	ssyncset.done $0x0  }
0x7b: {  	[sflag:s12] =	ssyncadd.s32 $0xFFFFC000  }
0x7c: {  	_ =	swait.ge [sflag:s12], $0x4000  }
0x7d: {  	[sflag:s12] =	ssyncset.done $0x0  }
0x7e: {  	[sflag:s12] =	ssyncadd.s32 $0xFFFFC000  }
0x7f: {  	_ =	swait.ge [sflag:s12], $0x4000  }
0x80: {  	[sflag:s12] =	ssyncset.done $0x0  }
0x81: {  	[sflag:s12] =	ssyncadd.s32 $0xFFFFC000  }
0x82: {  	_ =	swait.ge [sflag:s12], $0x4000  }
0x83: {  	[sflag:s12] =	ssyncset.done $0x0  }
0x84: {  	s23 =	simm.s32 $0xF080;
	[sflag:s12] =	ssyncadd.s32 $0xFFFFC000  }
0x85: {  	s16 =	simm.s32 $0xB080;
	v5 =	vld [tilespmem:s23+$0xFFFFFF80]  }
0x86: {  	s25 =	simm.s32 $0x2C00;
	v6 =	vld [tilespmem:s16+$0xFFFFFF80]  }
0x87: {  	s15 =	simm.s32 $0x2800;
	v1 =	vld [tilespmem:s25+$0x0]  }
0x88: {  	s26 =	simm.s32 $0x2400;
	v2 =	vld [tilespmem:s15+$0x0]  }
0x89: {  	s20 =	simm.s32 $0x2000;
	v3 =	vld [tilespmem:s26+$0x0]  }
0x8a: {  	s24 =	simm.s32 $0x7080;
	v4 =	vld [tilespmem:s20+$0x0]  }
0x8b: {  	s19 =	simm.s32 $0x3080;
	v7 =	vld [tilespmem:s24+$0xFFFFFF80]  }
0x8c: {  	v8 =	vld [tilespmem:s19+$0xFFFFFF80];
	_ =	sdelay $0x1  }
0x8d: {  	v48 =	vbroadcast v1, $0x0;
	v49 =	vbroadcast v2, $0x0  }
0x8e: {  	v50 =	vbroadcast v3, $0x0;
	v51 =	vbroadcast v4, $0x0  }
0x8f: {  	v5 =	vmul.f32 v5, v48;
	v6 =	vmul.f32 v6, v49  }
0x90: {  	s21 =	simm.s32 $0x0;
	v8 =	vmul.f32 v8, v51;
	v7 =	vmul.f32 v7, v50  }
0x91: {  	v52 =	vadd.s32 s21, v0  }
0x92: {  	v5 =	vadd.f32 v5, v6;
	v6 =	vadd.f32 v7, v8;
	_ =	sdelay $0x1  }
0x93: {  	v5 =	vadd.f32 v5, v6;
	_ =	sdelay $0x1  }
0x94: {  	[tilespmem:v52+s13+$0x0] =	vst.idx.msk $0xffff, v5  }
0x95: {  	v5 =	vld [tilespmem:s23+$0xFFFFFF90]  }
0x96: {  	v6 =	vld [tilespmem:s16+$0xFFFFFF90]  }
0x97: {  	v7 =	vld [tilespmem:s24+$0xFFFFFF90]  }
0x98: {  	v8 =	vld [tilespmem:s19+$0xFFFFFF90];
	_ =	sdelay $0x1  }
0x99: {  	v53 =	vbroadcast v1, $0x1;
	v54 =	vbroadcast v2, $0x1  }
0x9a: {  	v55 =	vbroadcast v3, $0x1;
	v56 =	vbroadcast v4, $0x1  }
0x9b: {  	v5 =	vmul.f32 v5, v53;
	v6 =	vmul.f32 v6, v54  }
0x9c: {  	s14 =	simm.s32 $0x1;
	v7 =	vmul.f32 v7, v55;
	v8 =	vmul.f32 v8, v56  }
0x9d: {  	v57 =	vadd.s32 s14, v0  }
0x9e: {  	v5 =	vadd.f32 v5, v6;
	v6 =	vadd.f32 v7, v8;
	_ =	sdelay $0x1  }
0x9f: {  	v5 =	vadd.f32 v5, v6;
	_ =	sdelay $0x1  }
0xa0: {  	[tilespmem:v57+s13+$0x0] =	vst.idx.msk $0xffff, v5  }
0xa1: {  	v5 =	vld [tilespmem:s19+$0xFFFFFFA0]  }
0xa2: {  	v6 =	vld [tilespmem:s24+$0xFFFFFFA0]  }
0xa3: {  	v7 =	vld [tilespmem:s16+$0xFFFFFFA0]  }
0xa4: {  	v8 =	vld [tilespmem:s23+$0xFFFFFFA0];
	_ =	sdelay $0x1  }
0xa5: {  	v58 =	vbroadcast v4, $0x2;
	v59 =	vbroadcast v3, $0x2  }
0xa6: {  	v60 =	vbroadcast v1, $0x2;
	v61 =	vbroadcast v2, $0x2  }
0xa7: {  	v5 =	vmul.f32 v5, v58;
	v6 =	vmul.f32 v6, v59  }
0xa8: {  	s17 =	simm.s32 $0x2;
	v7 =	vmul.f32 v7, v61;
	v8 =	vmul.f32 v8, v60  }
0xa9: {  	v62 =	vadd.s32 s17, v0  }
0xaa: {  	v5 =	vadd.f32 v6, v5;
	v6 =	vadd.f32 v8, v7;
	_ =	sdelay $0x1  }
0xab: {  	v5 =	vadd.f32 v6, v5;
	_ =	sdelay $0x1  }
0xac: {  	[tilespmem:v62+s13+$0x0] =	vst.idx.msk $0xffff, v5  }
0xad: {  	v5 =	vld [tilespmem:s23+$0xFFFFFFB0]  }
0xae: {  	v6 =	vld [tilespmem:s24+$0xFFFFFFB0]  }
0xaf: {  	v7 =	vld [tilespmem:s19+$0xFFFFFFB0]  }
0xb0: {  	v8 =	vld [tilespmem:s16+$0xFFFFFFB0];
	_ =	sdelay $0x1  }
0xb1: {  	v63 =	vbroadcast v3, $0x3;
	v16 =	vbroadcast v4, $0x3  }
0xb2: {  	v17 =	vbroadcast v1, $0x3;
	v18 =	vbroadcast v2, $0x3  }
0xb3: {  	v6 =	vmul.f32 v6, v63;
	v7 =	vmul.f32 v7, v16  }
0xb4: {  	s20 =	simm.s32 $0x3;
	v8 =	vmul.f32 v8, v18;
	v5 =	vmul.f32 v5, v17  }
0xb5: {  	v19 =	vadd.s32 s20, v0  }
0xb6: {  	v6 =	vadd.f32 v6, v7;
	v5 =	vadd.f32 v5, v8;
	_ =	sdelay $0x1  }
0xb7: {  	v5 =	vadd.f32 v5, v6;
	_ =	sdelay $0x1  }
0xb8: {  	[tilespmem:v19+s13+$0x0] =	vst.idx.msk $0xffff, v5  }
0xb9: {  	v5 =	vld [tilespmem:s19+$0xFFFFFFC0]  }
0xba: {  	v6 =	vld [tilespmem:s24+$0xFFFFFFC0]  }
0xbb: {  	v7 =	vld [tilespmem:s16+$0xFFFFFFC0]  }
0xbc: {  	v8 =	vld [tilespmem:s23+$0xFFFFFFC0];
	_ =	sdelay $0x1  }
0xbd: {  	v20 =	vbroadcast v4, $0x4;
	v21 =	vbroadcast v3, $0x4  }
0xbe: {  	v22 =	vbroadcast v1, $0x4;
	v23 =	vbroadcast v2, $0x4  }
0xbf: {  	v5 =	vmul.f32 v5, v20;
	v6 =	vmul.f32 v6, v21  }
0xc0: {  	s21 =	simm.s32 $0x4;
	v7 =	vmul.f32 v7, v23;
	v8 =	vmul.f32 v8, v22  }
0xc1: {  	v24 =	vadd.s32 s21, v0  }
0xc2: {  	v5 =	vadd.f32 v6, v5;
	v6 =	vadd.f32 v8, v7;
	_ =	sdelay $0x1  }
0xc3: {  	v5 =	vadd.f32 v6, v5;
	_ =	sdelay $0x1  }
0xc4: {  	[tilespmem:v24+s13+$0x0] =	vst.idx.msk $0xffff, v5  }
0xc5: {  	v5 =	vld [tilespmem:s16+$0xFFFFFFD0]  }
0xc6: {  	v6 =	vld [tilespmem:s24+$0xFFFFFFD0]  }
0xc7: {  	v7 =	vld [tilespmem:s19+$0xFFFFFFD0]  }
0xc8: {  	v8 =	vld [tilespmem:s23+$0xFFFFFFD0];
	_ =	sdelay $0x1  }
0xc9: {  	v25 =	vbroadcast v3, $0x5;
	v26 =	vbroadcast v4, $0x5  }
0xca: {  	v27 =	vbroadcast v2, $0x5;
	v28 =	vbroadcast v1, $0x5  }
0xcb: {  	v6 =	vmul.f32 v6, v25;
	v7 =	vmul.f32 v7, v26  }
0xcc: {  	s14 =	simm.s32 $0x5;
	v5 =	vmul.f32 v5, v27;
	v8 =	vmul.f32 v8, v28  }
0xcd: {  	v29 =	vadd.s32 s14, v0  }
0xce: {  	v6 =	vadd.f32 v6, v7;
	v5 =	vadd.f32 v8, v5;
	_ =	sdelay $0x1  }
0xcf: {  	v5 =	vadd.f32 v5, v6;
	_ =	sdelay $0x1  }
0xd0: {  	[tilespmem:v29+s13+$0x0] =	vst.idx.msk $0xffff, v5  }
0xd1: {  	v5 =	vld [tilespmem:s19+$0xFFFFFFE0]  }
0xd2: {  	v6 =	vld [tilespmem:s24+$0xFFFFFFE0]  }
0xd3: {  	v7 =	vld [tilespmem:s16+$0xFFFFFFE0]  }
0xd4: {  	v8 =	vld [tilespmem:s23+$0xFFFFFFE0];
	_ =	sdelay $0x1  }
0xd5: {  	v30 =	vbroadcast v3, $0x6;
	v31 =	vbroadcast v4, $0x6  }
0xd6: {  	v32 =	vbroadcast v1, $0x6;
	v33 =	vbroadcast v2, $0x6  }
0xd7: {  	v6 =	vmul.f32 v6, v30;
	v5 =	vmul.f32 v5, v31  }
0xd8: {  	s17 =	simm.s32 $0x6;
	v7 =	vmul.f32 v7, v33;
	v8 =	vmul.f32 v8, v32  }
0xd9: {  	v34 =	vadd.s32 s17, v0  }
0xda: {  	v5 =	vadd.f32 v6, v5;
	v6 =	vadd.f32 v8, v7;
	_ =	sdelay $0x1  }
0xdb: {  	v5 =	vadd.f32 v6, v5;
	_ =	sdelay $0x1  }
0xdc: {  	[tilespmem:v34+s13+$0x0] =	vst.idx.msk $0xffff, v5  }
0xdd: {  	v5 =	vld [tilespmem:s23+$0xFFFFFFF0]  }
0xde: {  	v6 =	vld [tilespmem:s24+$0xFFFFFFF0]  }
0xdf: {  	v7 =	vld [tilespmem:s19+$0xFFFFFFF0]  }
0xe0: {  	v8 =	vld [tilespmem:s16+$0xFFFFFFF0];
	_ =	sdelay $0x1  }
0xe1: {  	v35 =	vbroadcast v3, $0x7;
	v36 =	vbroadcast v4, $0x7  }
0xe2: {  	v37 =	vbroadcast v1, $0x7;
	v38 =	vbroadcast v2, $0x7  }
0xe3: {  	v6 =	vmul.f32 v6, v35;
	v7 =	vmul.f32 v7, v36  }
0xe4: {  	s20 =	simm.s32 $0x7;
	v8 =	vmul.f32 v8, v38;
	v5 =	vmul.f32 v5, v37  }
0xe5: {  	v39 =	vadd.s32 s20, v0  }
0xe6: {  	v6 =	vadd.f32 v6, v7;
	v5 =	vadd.f32 v5, v8;
	_ =	sdelay $0x1  }
0xe7: {  	v5 =	vadd.f32 v5, v6;
	_ =	sdelay $0x1  }
0xe8: {  	[tilespmem:v39+s13+$0x0] =	vst.idx.msk $0xffff, v5  }
0xe9: {  	v5 =	vld [tilespmem:s24+$0x0]  }
0xea: {  	v6 =	vld [tilespmem:s23+$0x0]  }
0xeb: {  	v7 =	vld [tilespmem:s19+$0x0]  }
0xec: {  	v8 =	vld [tilespmem:s16+$0x0];
	_ =	sdelay $0x1  }
0xed: {  	v40 =	vbroadcast v3, $0x8;
	v41 =	vbroadcast v1, $0x8  }
0xee: {  	v42 =	vbroadcast v4, $0x8;
	v43 =	vbroadcast v2, $0x8  }
0xef: {  	v5 =	vmul.f32 v5, v40;
	v6 =	vmul.f32 v6, v41  }
0xf0: {  	s21 =	simm.s32 $0x8;
	v7 =	vmul.f32 v7, v42;
	v8 =	vmul.f32 v8, v43  }
0xf1: {  	v44 =	vadd.s32 s21, v0  }
0xf2: {  	v5 =	vadd.f32 v5, v7;
	v6 =	vadd.f32 v6, v8;
	_ =	sdelay $0x1  }
0xf3: {  	v5 =	vadd.f32 v6, v5;
	_ =	sdelay $0x1  }
0xf4: {  	[tilespmem:v44+s13+$0x0] =	vst.idx.msk $0xffff, v5  }
0xf5: {  	v5 =	vld [tilespmem:s24+$0x10]  }
0xf6: {  	v6 =	vld [tilespmem:s19+$0x10]  }
0xf7: {  	v7 =	vld [tilespmem:s23+$0x10]  }
0xf8: {  	v8 =	vld [tilespmem:s16+$0x10];
	_ =	sdelay $0x1  }
0xf9: {  	v45 =	vbroadcast v4, $0x9;
	v46 =	vbroadcast v3, $0x9  }
0xfa: {  	v47 =	vbroadcast v2, $0x9;
	v48 =	vbroadcast v1, $0x9  }
0xfb: {  	v6 =	vmul.f32 v6, v45;
	v5 =	vmul.f32 v5, v46  }
0xfc: {  	s14 =	simm.s32 $0x9;
	v7 =	vmul.f32 v7, v48;
	v8 =	vmul.f32 v8, v47  }
0xfd: {  	v49 =	vadd.s32 s14, v0  }
0xfe: {  	v5 =	vadd.f32 v5, v6;
	v6 =	vadd.f32 v7, v8;
	_ =	sdelay $0x1  }
0xff: {  	v5 =	vadd.f32 v6, v5;
	_ =	sdelay $0x1  }
0x100: {  	[tilespmem:v49+s13+$0x0] =	vst.idx.msk $0xffff, v5  }
0x101: {  	v5 =	vld [tilespmem:s24+$0x20]  }
0x102: {  	v6 =	vld [tilespmem:s23+$0x20]  }
0x103: {  	v7 =	vld [tilespmem:s19+$0x20]  }
0x104: {  	v8 =	vld [tilespmem:s16+$0x20];
	_ =	sdelay $0x1  }
0x105: {  	v50 =	vbroadcast v3, $0xA;
	v51 =	vbroadcast v1, $0xA  }
0x106: {  	v52 =	vbroadcast v4, $0xA;
	v53 =	vbroadcast v2, $0xA  }
0x107: {  	v5 =	vmul.f32 v5, v50;
	v6 =	vmul.f32 v6, v51  }
0x108: {  	s17 =	simm.s32 $0xA;
	v7 =	vmul.f32 v7, v52;
	v8 =	vmul.f32 v8, v53  }
0x109: {  	v54 =	vadd.s32 s17, v0  }
0x10a: {  	v5 =	vadd.f32 v5, v7;
	v6 =	vadd.f32 v6, v8;
	_ =	sdelay $0x1  }
0x10b: {  	v5 =	vadd.f32 v6, v5;
	_ =	sdelay $0x1  }
0x10c: {  	[tilespmem:v54+s13+$0x0] =	vst.idx.msk $0xffff, v5  }
0x10d: {  	v5 =	vld [tilespmem:s23+$0x30]  }
0x10e: {  	v6 =	vld [tilespmem:s19+$0x30]  }
0x10f: {  	v7 =	vld [tilespmem:s24+$0x30]  }
0x110: {  	v8 =	vld [tilespmem:s16+$0x30];
	_ =	sdelay $0x1  }
0x111: {  	v55 =	vbroadcast v4, $0xB;
	v56 =	vbroadcast v3, $0xB  }
0x112: {  	v57 =	vbroadcast v1, $0xB;
	v58 =	vbroadcast v2, $0xB  }
0x113: {  	v6 =	vmul.f32 v6, v55;
	v7 =	vmul.f32 v7, v56  }
0x114: {  	s20 =	simm.s32 $0xB;
	v8 =	vmul.f32 v8, v58;
	v5 =	vmul.f32 v5, v57  }
0x115: {  	v59 =	vadd.s32 s20, v0  }
0x116: {  	v6 =	vadd.f32 v7, v6;
	v5 =	vadd.f32 v5, v8;
	_ =	sdelay $0x1  }
0x117: {  	v5 =	vadd.f32 v5, v6;
	_ =	sdelay $0x1  }
0x118: {  	[tilespmem:v59+s13+$0x0] =	vst.idx.msk $0xffff, v5  }
0x119: {  	v5 =	vld [tilespmem:s19+$0x40]  }
0x11a: {  	v6 =	vld [tilespmem:s24+$0x40]  }
0x11b: {  	v7 =	vld [tilespmem:s16+$0x40]  }
0x11c: {  	v8 =	vld [tilespmem:s23+$0x40];
	_ =	sdelay $0x1  }
0x11d: {  	v60 =	vbroadcast v3, $0xC;
	v61 =	vbroadcast v4, $0xC  }
0x11e: {  	v62 =	vbroadcast v1, $0xC;
	v63 =	vbroadcast v2, $0xC  }
0x11f: {  	v6 =	vmul.f32 v6, v60;
	v5 =	vmul.f32 v5, v61  }
0x120: {  	s21 =	simm.s32 $0xC;
	v7 =	vmul.f32 v7, v63;
	v8 =	vmul.f32 v8, v62  }
0x121: {  	v6 =	vadd.f32 v6, v5;
	v5 =	vadd.s32 s21, v0  }
0x122: {  	s28 =	simm.s32 $0xF;
	v7 =	vadd.f32 v8, v7  }
0x123: {  	s29 =	simm.s32 $0x7180;
	s30 =	simm.s32 $0x2010;
	s31 =	simm.s32 $0xB180  }
0x124: {  	s17 =	simm.s32 $0x3180;
	s20 =	simm.s32 $0x1F;
	s21 =	simm.s32 $0xF180;
	v6 =	vadd.f32 v7, v6  }
.LBB2_4:
0x125: {  	s25 =	sadd.s32 $0x10, s25;
	s15 =	sadd.s32 $0x10, s15;
	s26 =	sadd.s32 $0x10, s26  }
0x126: {  	p0 =	sne.s32 s20, $0x3FF;
	s0 =	smov.u32 s20;
	s20 =	sadd.s32 $0x10, s20;
	[tilespmem:v5+s13+$0x0] =	vst.idx.msk $0xffff, v6  }
0x127: {  	v5 =	vld [tilespmem:s24+$0x50]  }
0x128: {  	v6 =	vld [tilespmem:s16+$0x50]  }
0x129: {  	v7 =	vld [tilespmem:s23+$0x50]  }
0x12a: {  	v8 =	vld [tilespmem:s19+$0x50]  }
0x12b: {  	v9 =	vbroadcast v2, $0xD  }
0x12c: {  	v10 =	vbroadcast v3, $0xD;
	v11 =	vbroadcast v1, $0xD  }
0x12d: {  	v12 =	vbroadcast v4, $0xD;
	v6 =	vmul.f32 v6, v9  }
0x12e: {  	v5 =	vmul.f32 v5, v10;
	v7 =	vmul.f32 v7, v11  }
0x12f: {  	s14 =	sadd.s32 $0xFFFFFFFE, s28;
	v8 =	vmul.f32 v8, v12  }
0x130: {  	v6 =	vadd.f32 v7, v6;
	v7 =	vadd.s32 s14, v0  }
0x131: {  	v5 =	vadd.f32 v5, v8;
	_ =	sdelay $0x1  }
0x132: {  	v5 =	vadd.f32 v6, v5;
	_ =	sdelay $0x1  }
0x133: {  	[tilespmem:v7+s13+$0x0] =	vst.idx.msk $0xffff, v5  }
0x134: {  	v5 =	vld [tilespmem:s23+$0x60]  }
0x135: {  	v6 =	vld [tilespmem:s24+$0x60]  }
0x136: {  	v7 =	vld [tilespmem:s19+$0x60]  }
0x137: {  	v8 =	vld [tilespmem:s16+$0x60]  }
0x138: {  	v9 =	vbroadcast v3, $0xE  }
0x139: {  	v10 =	vbroadcast v4, $0xE;
	v11 =	vbroadcast v1, $0xE  }
0x13a: {  	v6 =	vmul.f32 v6, v9;
	v9 =	vbroadcast v2, $0xE  }
0x13b: {  	v7 =	vmul.f32 v7, v10  }
0x13c: {  	s14 =	sadd.s32 $0xFFFFFFFF, s28;
	v5 =	vmul.f32 v5, v11;
	v8 =	vmul.f32 v8, v9  }
0x13d: {  	v6 =	vadd.f32 v6, v7;
	v7 =	vadd.s32 s14, v0  }
0x13e: {  	v5 =	vadd.f32 v5, v8;
	_ =	sdelay $0x1  }
0x13f: {  	v5 =	vadd.f32 v5, v6;
	_ =	sdelay $0x1  }
0x140: {  	[tilespmem:v7+s13+$0x0] =	vst.idx.msk $0xffff, v5  }
0x141: {  	v5 =	vld [tilespmem:s19+$0x70];
	s19 =	smov.u32 s17  }
0x142: {  	v6 =	vld [tilespmem:s16+$0x70];
	s16 =	smov.u32 s31  }
0x143: {  	v7 =	vld [tilespmem:s23+$0x70];
	s23 =	smov.u32 s21  }
0x144: {  	v8 =	vld [tilespmem:s24+$0x70];
	s24 =	smov.u32 s29  }
0x145: {  	v4 =	vbroadcast v4, $0xF;
	v2 =	vbroadcast v2, $0xF  }
0x146: {  	v3 =	vbroadcast v3, $0xF;
	v1 =	vbroadcast v1, $0xF  }
0x147: {  	v4 =	vmul.f32 v5, v4;
	v2 =	vmul.f32 v6, v2  }
0x148: {  	v1 =	vmul.f32 v7, v1  }
0x149: {  	v5 =	vadd.s32 s28, v0;
	s28 =	smov.u32 s0;
	v3 =	vmul.f32 v8, v3  }
0x14a: {  	v1 =	vadd.f32 v1, v2  }
0x14b: {  	v2 =	vadd.f32 v3, v4;
	_ =	sdelay $0x1  }
0x14c: {  	v1 =	vadd.f32 v1, v2;
	_ =	sdelay $0x1  }
0x14d: {  	[tilespmem:v5+s13+$0x0] =	vst.idx.msk $0xffff, v1  }
0x14e: {  	v5 =	vld [tilespmem:s21+$0xFFFFFF80]  }
0x14f: {  	v6 =	vld [tilespmem:s31+$0xFFFFFF80]  }
0x150: {  	v1 =	vld [tilespmem:s25+$0x0]  }
0x151: {  	v2 =	vld [tilespmem:s15+$0x0]  }
0x152: {  	v3 =	vld [tilespmem:s26+$0x0]  }
0x153: {  	v4 =	vld [tilespmem:s30+$0x0]  }
0x154: {  	v7 =	vld [tilespmem:s29+$0xFFFFFF80]  }
0x155: {  	v8 =	vld [tilespmem:s17+$0xFFFFFF80];
	v9 =	vbroadcast v1, $0x0  }
0x156: {  	v10 =	vbroadcast v2, $0x0  }
0x157: {  	v11 =	vbroadcast v3, $0x0;
	v5 =	vmul.f32 v5, v9  }
0x158: {  	v9 =	vbroadcast v4, $0x0;
	v6 =	vmul.f32 v6, v10;
	_ =	sdelay $0x1  }
0x159: {  	s0 =	sadd.s32 $0xFFFFFFF1, s28;
	v7 =	vmul.f32 v7, v11;
	v8 =	vmul.f32 v8, v9;
	v5 =	vadd.f32 v5, v6  }
0x15a: {  	v6 =	vadd.s32 s0, v0  }
0x15b: {  	v7 =	vadd.f32 v7, v8;
	_ =	sdelay $0x1  }
0x15c: {  	v5 =	vadd.f32 v5, v7;
	_ =	sdelay $0x1  }
0x15d: {  	[tilespmem:v6+s13+$0x0] =	vst.idx.msk $0xffff, v5  }
0x15e: {  	v5 =	vld [tilespmem:s21+$0xFFFFFF90]  }
0x15f: {  	v6 =	vld [tilespmem:s31+$0xFFFFFF90]  }
0x160: {  	v7 =	vld [tilespmem:s29+$0xFFFFFF90]  }
0x161: {  	v9 =	vbroadcast v1, $0x1;
	v8 =	vld [tilespmem:s17+$0xFFFFFF90]  }
0x162: {  	v10 =	vbroadcast v2, $0x1  }
0x163: {  	v11 =	vbroadcast v3, $0x1;
	v5 =	vmul.f32 v5, v9  }
0x164: {  	v9 =	vbroadcast v4, $0x1;
	v6 =	vmul.f32 v6, v10  }
0x165: {  	v7 =	vmul.f32 v7, v11  }
0x166: {  	s0 =	sadd.s32 $0xFFFFFFF2, s28;
	v8 =	vmul.f32 v8, v9;
	v5 =	vadd.f32 v5, v6  }
0x167: {  	v6 =	vadd.s32 s0, v0  }
0x168: {  	v7 =	vadd.f32 v7, v8;
	_ =	sdelay $0x1  }
0x169: {  	v5 =	vadd.f32 v5, v7;
	_ =	sdelay $0x1  }
0x16a: {  	[tilespmem:v6+s13+$0x0] =	vst.idx.msk $0xffff, v5  }
0x16b: {  	v5 =	vld [tilespmem:s17+$0xFFFFFFA0]  }
0x16c: {  	v6 =	vld [tilespmem:s29+$0xFFFFFFA0]  }
0x16d: {  	v7 =	vld [tilespmem:s31+$0xFFFFFFA0]  }
0x16e: {  	v8 =	vbroadcast v4, $0x2;
	v9 =	vld [tilespmem:s21+$0xFFFFFFA0]  }
0x16f: {  	v10 =	vbroadcast v3, $0x2  }
0x170: {  	v5 =	vmul.f32 v5, v8;
	v8 =	vbroadcast v1, $0x2  }
0x171: {  	v6 =	vmul.f32 v6, v10;
	v10 =	vbroadcast v2, $0x2;
	_ =	sdelay $0x1  }
0x172: {  	s0 =	sadd.s32 $0xFFFFFFF3, s28;
	v5 =	vadd.f32 v6, v5;
	v6 =	vmul.f32 v7, v10;
	v7 =	vmul.f32 v9, v8  }
0x173: {  	v8 =	vadd.s32 s0, v0  }
0x174: {  	v6 =	vadd.f32 v7, v6;
	_ =	sdelay $0x1  }
0x175: {  	v5 =	vadd.f32 v6, v5;
	_ =	sdelay $0x1  }
0x176: {  	[tilespmem:v8+s13+$0x0] =	vst.idx.msk $0xffff, v5  }
0x177: {  	v5 =	vld [tilespmem:s21+$0xFFFFFFB0]  }
0x178: {  	v6 =	vld [tilespmem:s29+$0xFFFFFFB0]  }
0x179: {  	v7 =	vld [tilespmem:s17+$0xFFFFFFB0]  }
0x17a: {  	v8 =	vld [tilespmem:s31+$0xFFFFFFB0]  }
0x17b: {  	v9 =	vbroadcast v3, $0x3  }
0x17c: {  	v11 =	vbroadcast v1, $0x3;
	v10 =	vbroadcast v4, $0x3  }
0x17d: {  	v6 =	vmul.f32 v6, v9;
	v9 =	vbroadcast v2, $0x3  }
0x17e: {  	v7 =	vmul.f32 v7, v10  }
0x17f: {  	s0 =	sadd.s32 $0xFFFFFFF4, s28;
	v5 =	vmul.f32 v5, v11;
	v8 =	vmul.f32 v8, v9  }
0x180: {  	v6 =	vadd.f32 v6, v7;
	v7 =	vadd.s32 s0, v0  }
0x181: {  	v5 =	vadd.f32 v5, v8;
	_ =	sdelay $0x1  }
0x182: {  	v5 =	vadd.f32 v5, v6;
	_ =	sdelay $0x1  }
0x183: {  	[tilespmem:v7+s13+$0x0] =	vst.idx.msk $0xffff, v5  }
0x184: {  	v5 =	vld [tilespmem:s17+$0xFFFFFFC0]  }
0x185: {  	v6 =	vld [tilespmem:s29+$0xFFFFFFC0]  }
0x186: {  	v7 =	vld [tilespmem:s31+$0xFFFFFFC0]  }
0x187: {  	v8 =	vbroadcast v4, $0x4;
	v9 =	vld [tilespmem:s21+$0xFFFFFFC0]  }
0x188: {  	v10 =	vbroadcast v3, $0x4  }
0x189: {  	v5 =	vmul.f32 v5, v8;
	v8 =	vbroadcast v1, $0x4  }
0x18a: {  	v6 =	vmul.f32 v6, v10;
	v10 =	vbroadcast v2, $0x4;
	_ =	sdelay $0x1  }
0x18b: {  	s0 =	sadd.s32 $0xFFFFFFF5, s28;
	v5 =	vadd.f32 v6, v5;
	v6 =	vmul.f32 v7, v10;
	v7 =	vmul.f32 v9, v8  }
0x18c: {  	v8 =	vadd.s32 s0, v0  }
0x18d: {  	v6 =	vadd.f32 v7, v6;
	_ =	sdelay $0x1  }
0x18e: {  	v5 =	vadd.f32 v6, v5;
	_ =	sdelay $0x1  }
0x18f: {  	[tilespmem:v8+s13+$0x0] =	vst.idx.msk $0xffff, v5  }
0x190: {  	v5 =	vld [tilespmem:s31+$0xFFFFFFD0]  }
0x191: {  	v6 =	vld [tilespmem:s29+$0xFFFFFFD0]  }
0x192: {  	v7 =	vld [tilespmem:s17+$0xFFFFFFD0]  }
0x193: {  	v8 =	vld [tilespmem:s21+$0xFFFFFFD0]  }
0x194: {  	v9 =	vbroadcast v3, $0x5  }
0x195: {  	v11 =	vbroadcast v2, $0x5;
	v10 =	vbroadcast v4, $0x5  }
0x196: {  	v6 =	vmul.f32 v6, v9;
	v9 =	vbroadcast v1, $0x5  }
0x197: {  	v5 =	vmul.f32 v5, v11;
	v7 =	vmul.f32 v7, v10  }
0x198: {  	s0 =	sadd.s32 $0xFFFFFFF6, s28;
	v8 =	vmul.f32 v8, v9  }
0x199: {  	v6 =	vadd.f32 v6, v7;
	v7 =	vadd.s32 s0, v0  }
0x19a: {  	v5 =	vadd.f32 v8, v5;
	_ =	sdelay $0x1  }
0x19b: {  	v5 =	vadd.f32 v5, v6;
	_ =	sdelay $0x1  }
0x19c: {  	[tilespmem:v7+s13+$0x0] =	vst.idx.msk $0xffff, v5  }
0x19d: {  	v5 =	vld [tilespmem:s17+$0xFFFFFFE0]  }
0x19e: {  	v6 =	vld [tilespmem:s29+$0xFFFFFFE0]  }
0x19f: {  	v7 =	vld [tilespmem:s31+$0xFFFFFFE0]  }
0x1a0: {  	v8 =	vld [tilespmem:s21+$0xFFFFFFE0]  }
0x1a1: {  	v9 =	vbroadcast v3, $0x6  }
0x1a2: {  	v11 =	vbroadcast v1, $0x6;
	v10 =	vbroadcast v4, $0x6  }
0x1a3: {  	v6 =	vmul.f32 v6, v9;
	v9 =	vbroadcast v2, $0x6  }
0x1a4: {  	v5 =	vmul.f32 v5, v10  }
0x1a5: {  	s0 =	sadd.s32 $0xFFFFFFF7, s28;
	v7 =	vmul.f32 v7, v9;
	v8 =	vmul.f32 v8, v11  }
0x1a6: {  	v9 =	vadd.s32 s0, v0  }
0x1a7: {  	v5 =	vadd.f32 v6, v5;
	v6 =	vadd.f32 v8, v7;
	_ =	sdelay $0x1  }
0x1a8: {  	v5 =	vadd.f32 v6, v5;
	_ =	sdelay $0x1  }
0x1a9: {  	[tilespmem:v9+s13+$0x0] =	vst.idx.msk $0xffff, v5  }
0x1aa: {  	v5 =	vld [tilespmem:s21+$0xFFFFFFF0]  }
0x1ab: {  	v6 =	vld [tilespmem:s29+$0xFFFFFFF0]  }
0x1ac: {  	v7 =	vld [tilespmem:s17+$0xFFFFFFF0]  }
0x1ad: {  	v8 =	vld [tilespmem:s31+$0xFFFFFFF0]  }
0x1ae: {  	v9 =	vbroadcast v3, $0x7  }
0x1af: {  	v10 =	vbroadcast v4, $0x7;
	v11 =	vbroadcast v1, $0x7  }
0x1b0: {  	v6 =	vmul.f32 v6, v9;
	v9 =	vbroadcast v2, $0x7  }
0x1b1: {  	v7 =	vmul.f32 v7, v10  }
0x1b2: {  	s0 =	sadd.s32 $0xFFFFFFF8, s28;
	v5 =	vmul.f32 v5, v11;
	v8 =	vmul.f32 v8, v9  }
0x1b3: {  	v6 =	vadd.f32 v6, v7;
	v7 =	vadd.s32 s0, v0  }
0x1b4: {  	v5 =	vadd.f32 v5, v8;
	_ =	sdelay $0x1  }
0x1b5: {  	v5 =	vadd.f32 v5, v6;
	_ =	sdelay $0x1  }
0x1b6: {  	[tilespmem:v7+s13+$0x0] =	vst.idx.msk $0xffff, v5  }
0x1b7: {  	v5 =	vld [tilespmem:s29+$0x0]  }
0x1b8: {  	v6 =	vld [tilespmem:s21+$0x0]  }
0x1b9: {  	v7 =	vld [tilespmem:s17+$0x0]  }
0x1ba: {  	v8 =	vld [tilespmem:s31+$0x0]  }
0x1bb: {  	v10 =	vbroadcast v1, $0x8;
	v9 =	vbroadcast v3, $0x8  }
0x1bc: {  	v12 =	vbroadcast v2, $0x8;
	v11 =	vbroadcast v4, $0x8  }
0x1bd: {  	v5 =	vmul.f32 v5, v9;
	v6 =	vmul.f32 v6, v10  }
0x1be: {  	v7 =	vmul.f32 v7, v11  }
0x1bf: {  	s0 =	sadd.s32 $0xFFFFFFF9, s28;
	v8 =	vmul.f32 v8, v12  }
0x1c0: {  	v5 =	vadd.f32 v5, v7;
	v7 =	vadd.s32 s0, v0  }
0x1c1: {  	v6 =	vadd.f32 v6, v8;
	_ =	sdelay $0x1  }
0x1c2: {  	v5 =	vadd.f32 v6, v5;
	_ =	sdelay $0x1  }
0x1c3: {  	[tilespmem:v7+s13+$0x0] =	vst.idx.msk $0xffff, v5  }
0x1c4: {  	v5 =	vld [tilespmem:s29+$0x10]  }
0x1c5: {  	v6 =	vld [tilespmem:s17+$0x10]  }
0x1c6: {  	v7 =	vld [tilespmem:s21+$0x10]  }
0x1c7: {  	v8 =	vld [tilespmem:s31+$0x10]  }
0x1c8: {  	v9 =	vbroadcast v4, $0x9;
	v10 =	vbroadcast v3, $0x9  }
0x1c9: {  	v11 =	vbroadcast v2, $0x9;
	v12 =	vbroadcast v1, $0x9  }
0x1ca: {  	v5 =	vmul.f32 v5, v10;
	v6 =	vmul.f32 v6, v9  }
0x1cb: {  	v7 =	vmul.f32 v7, v12  }
0x1cc: {  	s0 =	sadd.s32 $0xFFFFFFFA, s28;
	v8 =	vmul.f32 v8, v11  }
0x1cd: {  	v5 =	vadd.f32 v5, v6;
	v6 =	vadd.s32 s0, v0  }
0x1ce: {  	v7 =	vadd.f32 v7, v8;
	_ =	sdelay $0x1  }
0x1cf: {  	v5 =	vadd.f32 v7, v5;
	_ =	sdelay $0x1  }
0x1d0: {  	[tilespmem:v6+s13+$0x0] =	vst.idx.msk $0xffff, v5  }
0x1d1: {  	v5 =	vld [tilespmem:s29+$0x20]  }
0x1d2: {  	v6 =	vld [tilespmem:s21+$0x20]  }
0x1d3: {  	v7 =	vld [tilespmem:s17+$0x20]  }
0x1d4: {  	v8 =	vld [tilespmem:s31+$0x20]  }
0x1d5: {  	v10 =	vbroadcast v1, $0xA;
	v9 =	vbroadcast v3, $0xA  }
0x1d6: {  	v12 =	vbroadcast v2, $0xA;
	v11 =	vbroadcast v4, $0xA  }
0x1d7: {  	v5 =	vmul.f32 v5, v9;
	v6 =	vmul.f32 v6, v10  }
0x1d8: {  	v7 =	vmul.f32 v7, v11  }
0x1d9: {  	s0 =	sadd.s32 $0xFFFFFFFB, s28;
	v8 =	vmul.f32 v8, v12  }
0x1da: {  	v5 =	vadd.f32 v5, v7;
	v7 =	vadd.s32 s0, v0  }
0x1db: {  	v6 =	vadd.f32 v6, v8;
	_ =	sdelay $0x1  }
0x1dc: {  	v5 =	vadd.f32 v6, v5;
	_ =	sdelay $0x1  }
0x1dd: {  	[tilespmem:v7+s13+$0x0] =	vst.idx.msk $0xffff, v5  }
0x1de: {  	v5 =	vld [tilespmem:s21+$0x30]  }
0x1df: {  	v6 =	vld [tilespmem:s17+$0x30]  }
0x1e0: {  	v7 =	vld [tilespmem:s29+$0x30]  }
0x1e1: {  	v8 =	vld [tilespmem:s31+$0x30]  }
0x1e2: {  	v9 =	vbroadcast v4, $0xB  }
0x1e3: {  	v10 =	vbroadcast v3, $0xB;
	v11 =	vbroadcast v1, $0xB  }
0x1e4: {  	v6 =	vmul.f32 v6, v9;
	v9 =	vbroadcast v2, $0xB  }
0x1e5: {  	v7 =	vmul.f32 v7, v10  }
0x1e6: {  	s0 =	sadd.s32 $0xFFFFFFFC, s28;
	v5 =	vmul.f32 v5, v11;
	v8 =	vmul.f32 v8, v9  }
0x1e7: {  	v6 =	vadd.f32 v7, v6;
	v7 =	vadd.s32 s0, v0  }
0x1e8: {  	v5 =	vadd.f32 v5, v8;
	_ =	sdelay $0x1  }
0x1e9: {  	v5 =	vadd.f32 v5, v6;
	_ =	sdelay $0x1  }
0x1ea: {  	[tilespmem:v7+s13+$0x0] =	vst.idx.msk $0xffff, v5  }
0x1eb: {  	v5 =	vld [tilespmem:s17+$0x40]  }
0x1ec: {  	v6 =	vld [tilespmem:s29+$0x40]  }
0x1ed: {  	v7 =	vld [tilespmem:s31+$0x40]  }
0x1ee: {  	v8 =	vld [tilespmem:s21+$0x40]  }
0x1ef: {  	v9 =	vbroadcast v3, $0xC  }
0x1f0: {  	v11 =	vbroadcast v1, $0xC;
	v10 =	vbroadcast v4, $0xC  }
0x1f1: {  	v6 =	vmul.f32 v6, v9;
	v9 =	vbroadcast v2, $0xC  }
0x1f2: {  	v5 =	vmul.f32 v5, v10  }
0x1f3: {  	v7 =	vmul.f32 v7, v9;
	v8 =	vmul.f32 v8, v11  }
.Ltmp1:
0x1f4: {  	s0 =	sadd.s32 $0xFFFFFFFD, s28;
	(pc) =	sbr.rel @p0 .LBB2_4-.Ltmp1, $3  }
0x1f5: {  	v6 =	vadd.f32 v6, v5;
	v5 =	vadd.s32 s0, v0;
	v7 =	vadd.f32 v8, v7;
	_ =	sdelay $0x1  }
0x1f6: {  	s17 =	sadd.s32 $0x100, s17;
	s29 =	sadd.s32 $0x100, s29;
	v6 =	vadd.f32 v7, v6  }
0x1f7: {  	s30 =	sadd.s32 $0x10, s30;
	s31 =	sadd.s32 $0x100, s31;
	s21 =	sadd.s32 $0x100, s21  }
0x1f8: {  	_ =	sdelay $0x3  }
0x1f9: {  	[tilespmem:v5+s13+$0x0] =	vst.idx.msk $0xffff, v6  }
0x1fa: {  	v5 =	vld [tilespmem:s24+$0x50]  }
0x1fb: {  	v6 =	vld [tilespmem:s16+$0x50]  }
0x1fc: {  	v7 =	vld [tilespmem:s23+$0x50]  }
0x1fd: {  	v8 =	vld [tilespmem:s19+$0x50];
	_ =	sdelay $0x1  }
0x1fe: {  	v9 =	vbroadcast v2, $0xD;
	v10 =	vbroadcast v3, $0xD  }
0x1ff: {  	v11 =	vbroadcast v1, $0xD;
	v12 =	vbroadcast v4, $0xD  }
0x200: {  	v6 =	vmul.f32 v6, v9;
	v5 =	vmul.f32 v5, v10  }
0x201: {  	s0 =	sadd.s32 $0xFFFFFFFE, s28;
	v7 =	vmul.f32 v7, v11;
	v8 =	vmul.f32 v8, v12  }
0x202: {  	v49 =	vadd.s32 s0, v0  }
0x203: {  	v6 =	vadd.f32 v7, v6;
	v5 =	vadd.f32 v5, v8;
	_ =	sdelay $0x1  }
0x204: {  	v5 =	vadd.f32 v6, v5;
	_ =	sdelay $0x1  }
0x205: {  	[tilespmem:v49+s13+$0x0] =	vst.idx.msk $0xffff, v5  }
0x206: {  	v5 =	vld [tilespmem:s23+$0x60]  }
0x207: {  	v6 =	vld [tilespmem:s24+$0x60]  }
0x208: {  	v7 =	vld [tilespmem:s19+$0x60]  }
0x209: {  	v8 =	vld [tilespmem:s16+$0x60];
	_ =	sdelay $0x1  }
0x20a: {  	v50 =	vbroadcast v3, $0xE;
	v51 =	vbroadcast v4, $0xE  }
0x20b: {  	v52 =	vbroadcast v1, $0xE;
	v53 =	vbroadcast v2, $0xE  }
0x20c: {  	v6 =	vmul.f32 v6, v50;
	v7 =	vmul.f32 v7, v51  }
0x20d: {  	s29 =	sadd.s32 $0xFFFFFFFF, s28;
	v8 =	vmul.f32 v8, v53;
	v5 =	vmul.f32 v5, v52  }
0x20e: {  	v54 =	vadd.s32 s29, v0  }
0x20f: {  	v6 =	vadd.f32 v6, v7;
	v5 =	vadd.f32 v5, v8;
	_ =	sdelay $0x1  }
0x210: {  	v5 =	vadd.f32 v5, v6;
	_ =	sdelay $0x1  }
0x211: {  	[tilespmem:v54+s13+$0x0] =	vst.idx.msk $0xffff, v5  }
0x212: {  	v5 =	vld [tilespmem:s19+$0x70]  }
0x213: {  	v6 =	vld [tilespmem:s16+$0x70]  }
0x214: {  	v7 =	vld [tilespmem:s23+$0x70]  }
0x215: {  	v8 =	vld [tilespmem:s24+$0x70];
	_ =	sdelay $0x1  }
0x216: {  	v4 =	vbroadcast v4, $0xF;
	v2 =	vbroadcast v2, $0xF  }
0x217: {  	v3 =	vbroadcast v3, $0xF;
	v1 =	vbroadcast v1, $0xF  }
0x218: {  	v4 =	vmul.f32 v5, v4;
	v2 =	vmul.f32 v6, v2  }
0x219: {  	v1 =	vmul.f32 v7, v1;
	v3 =	vmul.f32 v8, v3  }
0x21a: {  	v5 =	vadd.s32 s28, v0  }
0x21b: {  	v1 =	vadd.f32 v1, v2;
	v2 =	vadd.f32 v3, v4;
	_ =	sdelay $0x1  }
0x21c: {  	v1 =	vadd.f32 v1, v2;
	_ =	sdelay $0x1  }
0x21d: {  	s30 =	rddreg [dreg:$0x4];
	[tilespmem:v5+s13+$0x0] =	vst.idx.msk $0xffff, v1  }
0x21e: {  	[hbm4b:s30+s2] =	stream.linear.scatter [tilespmem:s13], [sflag:$0x2], $0x400, $0x38;
	[tilespmem:$0x17080] =	vst v63  }
0x21f: {  	s31 =	rddreg [dreg:$0x5];
	s14 =	simm.s32 $0x13408  }
0x220: {  	[hbm4b:s31+s2] =	stream.linear.scatter [tilespmem:s14], [sflag:$0x2], $0x400, $0x38;
	[tilespmem:$0x17080] =	vst v63  }
0x221: {  	s15 =	rddreg [dreg:$0x6];
	s16 =	simm.s32 $0x13810  }
0x222: {  	[hbm4b:s15+s2] =	stream.linear.scatter [tilespmem:s16], [sflag:$0x2], $0x400, $0x38;
	[tilespmem:$0x17080] =	vst v63  }
0x223: {  	s17 =	rddreg [dreg:$0x7];
	s19 =	simm.s32 $0x13C18  }
0x224: {  	[hbm4b:s17+s2] =	stream.linear.scatter [tilespmem:s19], [sflag:$0x2], $0x400, $0x38;
	[tilespmem:$0x17080] =	vst v63  }
0x225: {  	s20 =	rddreg [dreg:$0x8];
	s21 =	simm.s32 $0x14020  }
0x226: {  	[hbm4b:s20+s2] =	stream.linear.scatter [tilespmem:s21], [sflag:$0x2], $0x400, $0x38;
	[tilespmem:$0x17080] =	vst v63  }
0x227: {  	s23 =	rddreg [dreg:$0x9];
	s24 =	simm.s32 $0x14428  }
0x228: {  	[hbm4b:s23+s2] =	stream.linear.scatter [tilespmem:s24], [sflag:$0x2], $0x400, $0x38;
	[tilespmem:$0x17080] =	vst v63  }
0x229: {  	s25 =	rddreg [dreg:$0xa];
	s26 =	simm.s32 $0x14830  }
0x22a: {  	[hbm4b:s25+s2] =	stream.linear.scatter [tilespmem:s26], [sflag:$0x2], $0x400, $0x38;
	[tilespmem:$0x17080] =	vst v63  }
0x22b: {  	s29 =	simm.s32 $0x14C38;
	s28 =	rddreg [dreg:$0xb]  }
0x22c: {  	[hbm4b:s28+s2] =	stream.linear.scatter [tilespmem:s29], [sflag:$0x2], $0x400, $0x38;
	[tilespmem:$0x17080] =	vst v63  }
0x22d: {  	s30 =	rddreg [dreg:$0xc];
	s31 =	simm.s32 $0x15040  }
0x22e: {  	[hbm4b:s30+s2] =	stream.linear.scatter [tilespmem:s31], [sflag:$0x2], $0x400, $0x38;
	[tilespmem:$0x17080] =	vst v63  }
0x22f: {  	s15 =	rddreg [dreg:$0xd];
	s16 =	simm.s32 $0x15448  }
0x230: {  	[hbm4b:s15+s2] =	stream.linear.scatter [tilespmem:s16], [sflag:$0x2], $0x400, $0x38;
	[tilespmem:$0x17080] =	vst v63  }
0x231: {  	s17 =	rddreg [dreg:$0xe];
	s19 =	simm.s32 $0x15850  }
0x232: {  	[hbm4b:s17+s2] =	stream.linear.scatter [tilespmem:s19], [sflag:$0x2], $0x400, $0x38;
	[tilespmem:$0x17080] =	vst v63  }
0x233: {  	s20 =	rddreg [dreg:$0xf];
	s21 =	simm.s32 $0x15C58  }
0x234: {  	[hbm4b:s20+s2] =	stream.linear.scatter [tilespmem:s21], [sflag:$0x2], $0x400, $0x38;
	[tilespmem:$0x17080] =	vst v63  }
0x235: {  	s23 =	rddreg [dreg:$0x10];
	s24 =	simm.s32 $0x16060  }
0x236: {  	[hbm4b:s23+s2] =	stream.linear.scatter [tilespmem:s24], [sflag:$0x2], $0x400, $0x38;
	[tilespmem:$0x17080] =	vst v63  }
0x237: {  	s25 =	rddreg [dreg:$0x11];
	s26 =	simm.s32 $0x16468  }
0x238: {  	[hbm4b:s25+s2] =	stream.linear.scatter [tilespmem:s26], [sflag:$0x2], $0x400, $0x38;
	[tilespmem:$0x17080] =	vst v63  }
0x239: {  	s28 =	rddreg [dreg:$0x12];
	s29 =	simm.s32 $0x16870  }
0x23a: {  	[hbm4b:s28+s2] =	stream.linear.scatter [tilespmem:s29], [sflag:$0x2], $0x400, $0x38;
	[tilespmem:$0x17080] =	vst v63  }
0x23b: {  	s30 =	rddreg [dreg:$0x13];
	s31 =	simm.s32 $0x16C78;
	s16 =	simm.s32 $0x400  }
0x23c: {  	[hbm4b:s30+s2] =	stream.linear.scatter [tilespmem:s31], [sflag:$0x2], $0x400, $0x38;
	[tilespmem:$0x17080] =	vst v63  }
0x23d: {  	v1 =	vld [tilespmem:s16+$0x800]  }
0x23e: {  	v2 =	vld [tilespmem:s16+$0x0];
	_ =	sdelay $0x3  }
0x23f: {  	s15 =	simm.s32 $0x410;
	v1 =	vadd.f32 $1.000000000e+00, v1  }
0x240: {  	v5 =	vld [tilespmem:s15+$0x800];
	v2 =	vadd.f32 $1.000000000e+00, v2  }
0x241: {  	v1 =	vmul.f32 $5.000000000e-01, v1  }
0x242: {  	v8 =	vld [tilespmem:s15+$0x0];
	v2 =	vmul.f32 $5.000000000e-01, v2  }
0x243: {  	v1 =	vmul.f32 $2.550000000e+02, v1  }
0x244: {  	v2 =	vmul.f32 $2.550000000e+02, v2  }
0x245: {  	v5 =	vadd.f32 $1.000000000e+00, v5;
	v3 =	vtrunc.f32 v1  }
0x246: {  	v4 =	vtrunc.f32 v2;
	v3 =	vcvt.f32.s32 v3  }
0x247: {  	v8 =	vadd.f32 $1.000000000e+00, v8;
	v5 =	vmul.f32 $5.000000000e-01, v5;
	v4 =	vcvt.f32.s32 v4  }
0x248: {  	v6 =	vcvt.s32.f32 v3;
	v7 =	vadd.s32 $0x1, v3;
	vm0 =	vgt.s32 v3, $0x0  }
0x249: {  	v55 =	vcvt.s32.f32 v4;
	v56 =	vadd.s32 $0x1, v4;
	vm1 =	vgt.s32 v7, $0x0  }
0x24a: {  	vm3 =	vgt.s32 v56, $0x0;
	v60 =	vnsel vm0, $0x0, v3;
	v1 =	vsub.f32 v1, v6  }
0x24b: {  	v6 =	vnsel vm1, $0x0, v7;
	v7 =	vsub.f32 v2, v55;
	v2 =	vnsel vm3, $0x0, v56  }
0x24c: {  	v3 =	vmul.f32 $2.550000000e+02, v5;
	v2 =	vmin.u32 v2, $0xFF;
	v57 =	vsub.f32 $1.000000000e+00, v1  }
0x24d: {  	v13 =	vshll.u32 v2, $0x8;
	v2 =	vmul.f32 $5.000000000e-01, v8;
	v8 =	vmin.u32 v60, $0xFF  }
0x24e: {  	v61 =	vmin.u32 v6, $0xFF;
	v58 =	vsub.f32 $1.000000000e+00, v7;
	v62 =	vor.u32 v8, v13  }
0x24f: {  	vm2 =	vgt.s32 v4, $0x0;
	v63 =	vor.u32 v61, v13;
	v59 =	vmul.f32 v57, v7;
	[tilespmem:s16+$0x1400] =	vst v62  }
0x250: {  	v4 =	vnsel vm2, $0x0, v4;
	v6 =	vtrunc.f32 v3;
	v9 =	vmul.f32 v57, v58;
	[tilespmem:s16+$0x1800] =	vst v63  }
0x251: {  	v4 =	vmin.u32 v4, $0xFF;
	v10 =	vmul.f32 v1, v58;
	v2 =	vmul.f32 $2.550000000e+02, v2;
	[tilespmem:s16+$0x2400] =	vst v59  }
0x252: {  	v4 =	vshll.u32 v4, $0x8;
	v5 =	vmul.f32 v1, v7;
	v1 =	vcvt.f32.s32 v6;
	[tilespmem:s16+$0x1C00] =	vst v9  }
0x253: {  	s0 =	simm.s32 $0x10C0;
	s17 =	simm.s32 $0x420;
	v6 =	vor.u32 v8, v4;
	v4 =	vor.u32 v4, v61;
	[tilespmem:s16+$0x2000] =	vst v10;
	v7 =	vtrunc.f32 v2  }
.LBB2_6:
0x254: {  	p0 =	sne.s32 s0, $0x1FC0;
	v8 =	vld [tilespmem:s17+$0x800];
	v7 =	vcvt.f32.s32 v7;
	v9 =	vcvt.s32.f32 v1;
	v10 =	vadd.s32 $0x1, v1;
	[tilespmem:s16+$0x2800] =	vst v5  }
0x255: {  	vm0 =	vgt.s32 v1, $0x0;
	vm1 =	vgt.s32 v10, $0x0;
	[tilespmem:s16+$0xC00] =	vst v6  }
0x256: {  	v5 =	vld [tilespmem:s17+$0x0];
	v6 =	vcvt.s32.f32 v7;
	v9 =	vsub.f32 v3, v9;
	v3 =	vadd.s32 $0x1, v7;
	[tilespmem:s16+$0x1000] =	vst v4;
	s16 =	smov.u32 s15;
	s15 =	smov.u32 s17  }
0x257: {  	vm2 =	vgt.s32 v7, $0x0;
	v4 =	vnsel vm1, $0x0, v10;
	vm3 =	vgt.s32 v3, $0x0  }
0x258: {  	v2 =	vsub.f32 v2, v6;
	v3 =	vnsel vm3, $0x0, v3;
	v6 =	vsub.f32 $1.000000000e+00, v9  }
0x259: {  	v7 =	vnsel vm2, $0x0, v7;
	v8 =	vadd.f32 $1.000000000e+00, v8;
	v3 =	vmin.u32 v3, $0xFF  }
0x25a: {  	v7 =	vmin.u32 v7, $0xFF;
	v10 =	vsub.f32 $1.000000000e+00, v2;
	v11 =	vmul.f32 v6, v2  }
0x25b: {  	v1 =	vnsel vm0, $0x0, v1;
	v5 =	vadd.f32 $1.000000000e+00, v5;
	v8 =	vmul.f32 $5.000000000e-01, v8  }
0x25c: {  	v12 =	vshll.u32 v3, $0x8;
	v6 =	vmul.f32 v6, v10;
	v10 =	vmul.f32 v9, v10;
	[tilespmem:s16+$0x2400] =	vst v11  }
.Ltmp2:
0x25d: {  	v11 =	vmul.f32 $5.000000000e-01, v5;
	v3 =	vmul.f32 $2.550000000e+02, v8;
	v8 =	vshll.u32 v7, $0x8;
	(pc) =	sbr.rel @p0 .LBB2_6-.Ltmp2, $4  }
0x25e: {  	v4 =	vmin.u32 v4, $0xFF;
	v7 =	vmin.u32 v1, $0xFF;
	v5 =	vmul.f32 v9, v2;
	[tilespmem:s16+$0x1C00] =	vst v6  }
0x25f: {  	v9 =	vor.u32 v7, v12;
	v2 =	vmul.f32 $2.550000000e+02, v11;
	v1 =	vtrunc.f32 v3;
	[tilespmem:s16+$0x2000] =	vst v10  }
0x260: {  	v6 =	vor.u32 v7, v8;
	v1 =	vcvt.f32.s32 v1;
	[tilespmem:s16+$0x1400] =	vst v9;
	v9 =	vor.u32 v4, v12  }
0x261: {  	s17 =	sshra.s32 s0, $0x2;
	s0 =	sadd.s32 $0x40, s0;
	v4 =	vor.u32 v8, v4;
	v7 =	vtrunc.f32 v2;
	[tilespmem:s16+$0x1800] =	vst v9  }
0x262: {  	v8 =	vld [tilespmem:s17+$0x800];
	[tilespmem:s16+$0x2800] =	vst v5  }
0x263: {  	[tilespmem:s16+$0xC00] =	vst v6  }
0x264: {  	v5 =	vld [tilespmem:s17+$0x0]  }
0x265: {  	v6 =	vcvt.f32.s32 v7;
	v7 =	vcvt.s32.f32 v1  }
0x266: {  	v9 =	vadd.s32 $0x1, v1;
	vm0 =	vgt.s32 v1, $0x0  }
0x267: {  	vm1 =	vgt.s32 v9, $0x0;
	v3 =	vsub.f32 v3, v7;
	v7 =	vadd.f32 $1.000000000e+00, v8  }
0x268: {  	v1 =	vnsel vm0, $0x0, v1;
	v10 =	vcvt.s32.f32 v6;
	vm2 =	vgt.s32 v6, $0x0  }
0x269: {  	v9 =	vnsel vm1, $0x0, v9;
	v5 =	vadd.f32 $1.000000000e+00, v5;
	v7 =	vmul.f32 $5.000000000e-01, v7  }
0x26a: {  	v2 =	vsub.f32 v2, v10;
	v44 =	vsub.f32 $1.000000000e+00, v3;
	v8 =	vadd.s32 $0x1, v6  }
0x26b: {  	v6 =	vnsel vm2, $0x0, v6;
	v5 =	vmul.f32 $5.000000000e-01, v5;
	v7 =	vmul.f32 $2.550000000e+02, v7  }
0x26c: {  	vm3 =	vgt.s32 v8, $0x0;
	v11 =	vsub.f32 $1.000000000e+00, v2;
	v12 =	vmul.f32 v44, v2  }
0x26d: {  	v8 =	vnsel vm3, $0x0, v8;
	v5 =	vmul.f32 $2.550000000e+02, v5;
	v13 =	vtrunc.f32 v7  }
0x26e: {  	v2 =	vmul.f32 v3, v2;
	v8 =	vmin.u32 v8, $0xFF;
	v13 =	vcvt.f32.s32 v13  }
0x26f: {  	[tilespmem:s16+$0x1000] =	vst v4;
	v4 =	vshll.u32 v8, $0x8;
	v8 =	vmul.f32 v44, v11;
	v14 =	vtrunc.f32 v5  }
0x270: {  	v6 =	vmin.u32 v6, $0xFF;
	[tilespmem:s15+$0x2400] =	vst v12;
	v45 =	vcvt.f32.s32 v14;
	v46 =	vcvt.s32.f32 v13  }
0x271: {  	v1 =	vmin.u32 v1, $0xFF;
	v6 =	vshll.u32 v6, $0x8;
	[tilespmem:s15+$0x2800] =	vst v2;
	v11 =	vmul.f32 v3, v11  }
0x272: {  	[tilespmem:s15+$0x1C00] =	vst v8;
	v8 =	vmin.u32 v9, $0xFF;
	v3 =	vcvt.s32.f32 v45;
	v7 =	vsub.f32 v7, v46  }
0x273: {  	v47 =	vor.u32 v1, v4;
	v1 =	vor.u32 v1, v6;
	[tilespmem:s15+$0x2000] =	vst v11;
	v4 =	vor.u32 v8, v4  }
0x274: {  	[tilespmem:s15+$0x1400] =	vst v47;
	v3 =	vsub.f32 v5, v3;
	v5 =	vor.u32 v6, v8;
	v6 =	vsub.f32 $1.000000000e+00, v7  }
0x275: {  	[tilespmem:s15+$0x1800] =	vst v4;
	v4 =	vadd.s32 $0x1, v13;
	vm12 =	vgt.s32 v13, $0x0;
	v2 =	vadd.s32 $0x1, v45  }
0x276: {  	[tilespmem:s15+$0xC00] =	vst v1;
	vm14 =	vgt.s32 v2, $0x0;
	v8 =	vsub.f32 $1.000000000e+00, v3;
	v1 =	vmul.f32 v6, v3  }
0x277: {  	vm13 =	vgt.s32 v4, $0x0;
	v2 =	vnsel vm14, $0x0, v2;
	[tilespmem:s15+$0x1000] =	vst v5;
	v3 =	vmul.f32 v7, v3  }
0x278: {  	vm15 =	vgt.s32 v45, $0x0;
	v2 =	vmin.u32 v2, $0xFF;
	v5 =	vmul.f32 v6, v8;
	[tilespmem:s17+$0x2400] =	vst v1  }
0x279: {  	v2 =	vshll.u32 v2, $0x8;
	v6 =	vnsel vm12, $0x0, v13;
	v8 =	vmul.f32 v7, v8;
	[tilespmem:s17+$0x2800] =	vst v3  }
0x27a: {  	v1 =	vnsel vm13, $0x0, v4;
	v4 =	vmin.u32 v6, $0xFF;
	[tilespmem:s17+$0x1C00] =	vst v5;
	v5 =	vnsel vm15, $0x0, v45  }
0x27b: {  	v1 =	vmin.u32 v1, $0xFF;
	v6 =	vor.u32 v4, v2;
	[tilespmem:s17+$0x2000] =	vst v8;
	v5 =	vmin.u32 v5, $0xFF  }
0x27c: {  	[tilespmem:s17+$0x1400] =	vst v6;
	v2 =	vor.u32 v1, v2;
	v5 =	vshll.u32 v5, $0x8  }
0x27d: {  	[tilespmem:s17+$0x1800] =	vst v2;
	v2 =	vor.u32 v4, v5  }
0x27e: {  	v1 =	vor.u32 v5, v1;
	[tilespmem:s17+$0xC00] =	vst v2  }
0x27f: {  	s0 =	simm.s32 $0x1000;
	s14 =	simm.s32 $0x3000;
	[tilespmem:s17+$0x1000] =	vst v1  }
0x280: {  	[tilespmem:s14], [sflag:$0x1] =	stream.indirect.gather [hbm4b:s3+s11], $0x10, s0, s11, $0xb8;
	[tilespmem:$0x17080] =	vst v63  }
0x281: {  	s25 =	simm.s32 $0x1400;
	s26 =	simm.s32 $0x7000  }
0x282: {  	[tilespmem:s26], [sflag:$0x1] =	stream.indirect.gather [hbm4b:s3+s11], $0x10, s25, s11, $0xb8;
	[tilespmem:$0x17080] =	vst v63  }
0x283: {  	s16 =	simm.s32 $0xB000;
	s15 =	simm.s32 $0x1800  }
0x284: {  	[tilespmem:s16], [sflag:$0x1] =	stream.indirect.gather [hbm4b:s3+s11], $0x10, s15, s11, $0xb8;
	[tilespmem:$0x17080] =	vst v63  }
0x285: {  	s19 =	simm.s32 $0xF000;
	s17 =	simm.s32 $0x1C00  }
0x286: {  	[tilespmem:s19], [sflag:$0x1] =	stream.indirect.gather [hbm4b:s3+s11], $0x10, s17, s11, $0xb8;
	[tilespmem:$0x17080] =	vst v63  }
0x287: {  	_ =	swait.ge [sflag:s12], $0x4000  }
0x288: {  	[sflag:s12] =	ssyncset.done $0x0  }
0x289: {  	[sflag:s12] =	ssyncadd.s32 $0xFFFFC000  }
0x28a: {  	_ =	swait.ge [sflag:s12], $0x4000  }
0x28b: {  	[sflag:s12] =	ssyncset.done $0x0  }
0x28c: {  	[sflag:s12] =	ssyncadd.s32 $0xFFFFC000  }
0x28d: {  	_ =	swait.ge [sflag:s12], $0x4000  }
0x28e: {  	[sflag:s12] =	ssyncset.done $0x0  }
0x28f: {  	[sflag:s12] =	ssyncadd.s32 $0xFFFFC000  }
0x290: {  	_ =	swait.ge [sflag:s12], $0x4000  }
0x291: {  	[sflag:s12] =	ssyncset.done $0x0  }
0x292: {  	[sflag:s12] =	ssyncadd.s32 $0xFFFFC000  }
0x293: {  	_ =	swait.ge [sflag:s22], $0x400  }
0x294: {  	[sflag:s22] =	ssyncset.done $0x0  }
0x295: {  	[sflag:s22] =	ssyncadd.s32 $0xFFFFFC00  }
0x296: {  	_ =	swait.ge [sflag:s22], $0x400  }
0x297: {  	[sflag:s22] =	ssyncset.done $0x0  }
0x298: {  	[sflag:s22] =	ssyncadd.s32 $0xFFFFFC00  }
0x299: {  	_ =	swait.ge [sflag:s22], $0x400  }
0x29a: {  	[sflag:s22] =	ssyncset.done $0x0  }
0x29b: {  	[sflag:s22] =	ssyncadd.s32 $0xFFFFFC00  }
0x29c: {  	_ =	swait.ge [sflag:s22], $0x400  }
0x29d: {  	[sflag:s22] =	ssyncset.done $0x0  }
0x29e: {  	[sflag:s22] =	ssyncadd.s32 $0xFFFFFC00  }
0x29f: {  	_ =	swait.ge [sflag:s22], $0x400  }
0x2a0: {  	[sflag:s22] =	ssyncset.done $0x0  }
0x2a1: {  	[sflag:s22] =	ssyncadd.s32 $0xFFFFFC00  }
0x2a2: {  	_ =	swait.ge [sflag:s22], $0x400  }
0x2a3: {  	[sflag:s22] =	ssyncset.done $0x0  }
0x2a4: {  	[sflag:s22] =	ssyncadd.s32 $0xFFFFFC00  }
0x2a5: {  	_ =	swait.ge [sflag:s22], $0x400  }
0x2a6: {  	[sflag:s22] =	ssyncset.done $0x0  }
0x2a7: {  	[sflag:s22] =	ssyncadd.s32 $0xFFFFFC00  }
0x2a8: {  	_ =	swait.ge [sflag:s22], $0x400  }
0x2a9: {  	[sflag:s22] =	ssyncset.done $0x0  }
0x2aa: {  	[sflag:s22] =	ssyncadd.s32 $0xFFFFFC00  }
0x2ab: {  	_ =	swait.ge [sflag:s22], $0x400  }
0x2ac: {  	[sflag:s22] =	ssyncset.done $0x0  }
0x2ad: {  	[sflag:s22] =	ssyncadd.s32 $0xFFFFFC00  }
0x2ae: {  	_ =	swait.ge [sflag:s22], $0x400  }
0x2af: {  	[sflag:s22] =	ssyncset.done $0x0  }
0x2b0: {  	[sflag:s22] =	ssyncadd.s32 $0xFFFFFC00  }
0x2b1: {  	_ =	swait.ge [sflag:s22], $0x400  }
0x2b2: {  	[sflag:s22] =	ssyncset.done $0x0  }
0x2b3: {  	[sflag:s22] =	ssyncadd.s32 $0xFFFFFC00  }
0x2b4: {  	_ =	swait.ge [sflag:s22], $0x400  }
0x2b5: {  	[sflag:s22] =	ssyncset.done $0x0  }
0x2b6: {  	[sflag:s22] =	ssyncadd.s32 $0xFFFFFC00  }
0x2b7: {  	_ =	swait.ge [sflag:s22], $0x400  }
0x2b8: {  	[sflag:s22] =	ssyncset.done $0x0  }
0x2b9: {  	[sflag:s22] =	ssyncadd.s32 $0xFFFFFC00  }
0x2ba: {  	_ =	swait.ge [sflag:s22], $0x400  }
0x2bb: {  	[sflag:s22] =	ssyncset.done $0x0  }
0x2bc: {  	[sflag:s22] =	ssyncadd.s32 $0xFFFFFC00  }
0x2bd: {  	_ =	swait.ge [sflag:s22], $0x400  }
0x2be: {  	[sflag:s22] =	ssyncset.done $0x0  }
0x2bf: {  	[sflag:s22] =	ssyncadd.s32 $0xFFFFFC00  }
0x2c0: {  	_ =	swait.ge [sflag:s22], $0x400  }
0x2c1: {  	[sflag:s22] =	ssyncset.done $0x0  }
0x2c2: {  	s23 =	simm.s32 $0xF080;
	[sflag:s22] =	ssyncadd.s32 $0xFFFFFC00  }
0x2c3: {  	s16 =	simm.s32 $0xB080;
	v5 =	vld [tilespmem:s23+$0xFFFFFF80]  }
0x2c4: {  	s25 =	simm.s32 $0x2C00;
	v6 =	vld [tilespmem:s16+$0xFFFFFF80]  }
0x2c5: {  	s15 =	simm.s32 $0x2800;
	v1 =	vld [tilespmem:s25+$0x0]  }
0x2c6: {  	s26 =	simm.s32 $0x2400;
	v2 =	vld [tilespmem:s15+$0x0]  }
0x2c7: {  	s20 =	simm.s32 $0x2000;
	v3 =	vld [tilespmem:s26+$0x0]  }
0x2c8: {  	s24 =	simm.s32 $0x7080;
	v4 =	vld [tilespmem:s20+$0x0]  }
0x2c9: {  	s19 =	simm.s32 $0x3080;
	v7 =	vld [tilespmem:s24+$0xFFFFFF80]  }
0x2ca: {  	v8 =	vld [tilespmem:s19+$0xFFFFFF80];
	_ =	sdelay $0x1  }
0x2cb: {  	v48 =	vbroadcast v1, $0x0;
	v49 =	vbroadcast v2, $0x0  }
0x2cc: {  	v50 =	vbroadcast v3, $0x0;
	v51 =	vbroadcast v4, $0x0  }
0x2cd: {  	v5 =	vmul.f32 v5, v48;
	v6 =	vmul.f32 v6, v49  }
0x2ce: {  	s21 =	simm.s32 $0x0;
	v8 =	vmul.f32 v8, v51;
	v7 =	vmul.f32 v7, v50  }
0x2cf: {  	v52 =	vadd.s32 s21, v0  }
0x2d0: {  	v5 =	vadd.f32 v5, v6;
	v6 =	vadd.f32 v7, v8;
	_ =	sdelay $0x1  }
0x2d1: {  	v5 =	vadd.f32 v5, v6;
	_ =	sdelay $0x1  }
0x2d2: {  	[tilespmem:v52+s13+$0x0] =	vst.idx.msk $0xffff, v5  }
0x2d3: {  	v5 =	vld [tilespmem:s23+$0xFFFFFF90]  }
0x2d4: {  	v6 =	vld [tilespmem:s16+$0xFFFFFF90]  }
0x2d5: {  	v7 =	vld [tilespmem:s24+$0xFFFFFF90]  }
0x2d6: {  	v8 =	vld [tilespmem:s19+$0xFFFFFF90];
	_ =	sdelay $0x1  }
0x2d7: {  	v53 =	vbroadcast v1, $0x1;
	v54 =	vbroadcast v2, $0x1  }
0x2d8: {  	v55 =	vbroadcast v3, $0x1;
	v56 =	vbroadcast v4, $0x1  }
0x2d9: {  	v5 =	vmul.f32 v5, v53;
	v6 =	vmul.f32 v6, v54  }
0x2da: {  	s14 =	simm.s32 $0x1;
	v7 =	vmul.f32 v7, v55;
	v8 =	vmul.f32 v8, v56  }
0x2db: {  	v57 =	vadd.s32 s14, v0  }
0x2dc: {  	v5 =	vadd.f32 v5, v6;
	v6 =	vadd.f32 v7, v8;
	_ =	sdelay $0x1  }
0x2dd: {  	v5 =	vadd.f32 v5, v6;
	_ =	sdelay $0x1  }
0x2de: {  	[tilespmem:v57+s13+$0x0] =	vst.idx.msk $0xffff, v5  }
0x2df: {  	v5 =	vld [tilespmem:s19+$0xFFFFFFA0]  }
0x2e0: {  	v6 =	vld [tilespmem:s24+$0xFFFFFFA0]  }
0x2e1: {  	v7 =	vld [tilespmem:s16+$0xFFFFFFA0]  }
0x2e2: {  	v8 =	vld [tilespmem:s23+$0xFFFFFFA0];
	_ =	sdelay $0x1  }
0x2e3: {  	v58 =	vbroadcast v4, $0x2;
	v59 =	vbroadcast v3, $0x2  }
0x2e4: {  	v60 =	vbroadcast v1, $0x2;
	v61 =	vbroadcast v2, $0x2  }
0x2e5: {  	v5 =	vmul.f32 v5, v58;
	v6 =	vmul.f32 v6, v59  }
0x2e6: {  	s17 =	simm.s32 $0x2;
	v7 =	vmul.f32 v7, v61;
	v8 =	vmul.f32 v8, v60  }
0x2e7: {  	v62 =	vadd.s32 s17, v0  }
0x2e8: {  	v5 =	vadd.f32 v6, v5;
	v6 =	vadd.f32 v8, v7;
	_ =	sdelay $0x1  }
0x2e9: {  	v5 =	vadd.f32 v6, v5;
	_ =	sdelay $0x1  }
0x2ea: {  	[tilespmem:v62+s13+$0x0] =	vst.idx.msk $0xffff, v5  }
0x2eb: {  	v5 =	vld [tilespmem:s23+$0xFFFFFFB0]  }
0x2ec: {  	v6 =	vld [tilespmem:s24+$0xFFFFFFB0]  }
0x2ed: {  	v7 =	vld [tilespmem:s19+$0xFFFFFFB0]  }
0x2ee: {  	v8 =	vld [tilespmem:s16+$0xFFFFFFB0];
	_ =	sdelay $0x1  }
0x2ef: {  	v63 =	vbroadcast v3, $0x3;
	v16 =	vbroadcast v4, $0x3  }
0x2f0: {  	v17 =	vbroadcast v1, $0x3;
	v18 =	vbroadcast v2, $0x3  }
0x2f1: {  	v6 =	vmul.f32 v6, v63;
	v7 =	vmul.f32 v7, v16  }
0x2f2: {  	s20 =	simm.s32 $0x3;
	v8 =	vmul.f32 v8, v18;
	v5 =	vmul.f32 v5, v17  }
0x2f3: {  	v19 =	vadd.s32 s20, v0  }
0x2f4: {  	v6 =	vadd.f32 v6, v7;
	v5 =	vadd.f32 v5, v8;
	_ =	sdelay $0x1  }
0x2f5: {  	v5 =	vadd.f32 v5, v6;
	_ =	sdelay $0x1  }
0x2f6: {  	[tilespmem:v19+s13+$0x0] =	vst.idx.msk $0xffff, v5  }
0x2f7: {  	v5 =	vld [tilespmem:s19+$0xFFFFFFC0]  }
0x2f8: {  	v6 =	vld [tilespmem:s24+$0xFFFFFFC0]  }
0x2f9: {  	v7 =	vld [tilespmem:s16+$0xFFFFFFC0]  }
0x2fa: {  	v8 =	vld [tilespmem:s23+$0xFFFFFFC0];
	_ =	sdelay $0x1  }
0x2fb: {  	v20 =	vbroadcast v4, $0x4;
	v21 =	vbroadcast v3, $0x4  }
0x2fc: {  	v22 =	vbroadcast v1, $0x4;
	v23 =	vbroadcast v2, $0x4  }
0x2fd: {  	v5 =	vmul.f32 v5, v20;
	v6 =	vmul.f32 v6, v21  }
0x2fe: {  	s21 =	simm.s32 $0x4;
	v7 =	vmul.f32 v7, v23;
	v8 =	vmul.f32 v8, v22  }
0x2ff: {  	v24 =	vadd.s32 s21, v0  }
0x300: {  	v5 =	vadd.f32 v6, v5;
	v6 =	vadd.f32 v8, v7;
	_ =	sdelay $0x1  }
0x301: {  	v5 =	vadd.f32 v6, v5;
	_ =	sdelay $0x1  }
0x302: {  	[tilespmem:v24+s13+$0x0] =	vst.idx.msk $0xffff, v5  }
0x303: {  	v5 =	vld [tilespmem:s16+$0xFFFFFFD0]  }
0x304: {  	v6 =	vld [tilespmem:s24+$0xFFFFFFD0]  }
0x305: {  	v7 =	vld [tilespmem:s19+$0xFFFFFFD0]  }
0x306: {  	v8 =	vld [tilespmem:s23+$0xFFFFFFD0];
	_ =	sdelay $0x1  }
0x307: {  	v25 =	vbroadcast v3, $0x5;
	v26 =	vbroadcast v4, $0x5  }
0x308: {  	v27 =	vbroadcast v2, $0x5;
	v28 =	vbroadcast v1, $0x5  }
0x309: {  	v6 =	vmul.f32 v6, v25;
	v7 =	vmul.f32 v7, v26  }
0x30a: {  	s14 =	simm.s32 $0x5;
	v5 =	vmul.f32 v5, v27;
	v8 =	vmul.f32 v8, v28  }
0x30b: {  	v29 =	vadd.s32 s14, v0  }
0x30c: {  	v6 =	vadd.f32 v6, v7;
	v5 =	vadd.f32 v8, v5;
	_ =	sdelay $0x1  }
0x30d: {  	v5 =	vadd.f32 v5, v6;
	_ =	sdelay $0x1  }
0x30e: {  	[tilespmem:v29+s13+$0x0] =	vst.idx.msk $0xffff, v5  }
0x30f: {  	v5 =	vld [tilespmem:s19+$0xFFFFFFE0]  }
0x310: {  	v6 =	vld [tilespmem:s24+$0xFFFFFFE0]  }
0x311: {  	v7 =	vld [tilespmem:s16+$0xFFFFFFE0]  }
0x312: {  	v8 =	vld [tilespmem:s23+$0xFFFFFFE0];
	_ =	sdelay $0x1  }
0x313: {  	v30 =	vbroadcast v3, $0x6;
	v31 =	vbroadcast v4, $0x6  }
0x314: {  	v32 =	vbroadcast v1, $0x6;
	v33 =	vbroadcast v2, $0x6  }
0x315: {  	v6 =	vmul.f32 v6, v30;
	v5 =	vmul.f32 v5, v31  }
0x316: {  	s17 =	simm.s32 $0x6;
	v7 =	vmul.f32 v7, v33;
	v8 =	vmul.f32 v8, v32  }
0x317: {  	v34 =	vadd.s32 s17, v0  }
0x318: {  	v5 =	vadd.f32 v6, v5;
	v6 =	vadd.f32 v8, v7;
	_ =	sdelay $0x1  }
0x319: {  	v5 =	vadd.f32 v6, v5;
	_ =	sdelay $0x1  }
0x31a: {  	[tilespmem:v34+s13+$0x0] =	vst.idx.msk $0xffff, v5  }
0x31b: {  	v5 =	vld [tilespmem:s23+$0xFFFFFFF0]  }
0x31c: {  	v6 =	vld [tilespmem:s24+$0xFFFFFFF0]  }
0x31d: {  	v7 =	vld [tilespmem:s19+$0xFFFFFFF0]  }
0x31e: {  	v8 =	vld [tilespmem:s16+$0xFFFFFFF0];
	_ =	sdelay $0x1  }
0x31f: {  	v35 =	vbroadcast v3, $0x7;
	v36 =	vbroadcast v4, $0x7  }
0x320: {  	v37 =	vbroadcast v1, $0x7;
	v38 =	vbroadcast v2, $0x7  }
0x321: {  	v6 =	vmul.f32 v6, v35;
	v7 =	vmul.f32 v7, v36  }
0x322: {  	s20 =	simm.s32 $0x7;
	v8 =	vmul.f32 v8, v38;
	v5 =	vmul.f32 v5, v37  }
0x323: {  	v39 =	vadd.s32 s20, v0  }
0x324: {  	v6 =	vadd.f32 v6, v7;
	v5 =	vadd.f32 v5, v8;
	_ =	sdelay $0x1  }
0x325: {  	v5 =	vadd.f32 v5, v6;
	_ =	sdelay $0x1  }
0x326: {  	[tilespmem:v39+s13+$0x0] =	vst.idx.msk $0xffff, v5  }
0x327: {  	v5 =	vld [tilespmem:s24+$0x0]  }
0x328: {  	v6 =	vld [tilespmem:s23+$0x0]  }
0x329: {  	v7 =	vld [tilespmem:s19+$0x0]  }
0x32a: {  	v8 =	vld [tilespmem:s16+$0x0];
	_ =	sdelay $0x1  }
0x32b: {  	v40 =	vbroadcast v3, $0x8;
	v41 =	vbroadcast v1, $0x8  }
0x32c: {  	v42 =	vbroadcast v4, $0x8;
	v43 =	vbroadcast v2, $0x8  }
0x32d: {  	v5 =	vmul.f32 v5, v40;
	v6 =	vmul.f32 v6, v41  }
0x32e: {  	s21 =	simm.s32 $0x8;
	v7 =	vmul.f32 v7, v42;
	v8 =	vmul.f32 v8, v43  }
0x32f: {  	v44 =	vadd.s32 s21, v0  }
0x330: {  	v5 =	vadd.f32 v5, v7;
	v6 =	vadd.f32 v6, v8;
	_ =	sdelay $0x1  }
0x331: {  	v5 =	vadd.f32 v6, v5;
	_ =	sdelay $0x1  }
0x332: {  	[tilespmem:v44+s13+$0x0] =	vst.idx.msk $0xffff, v5  }
0x333: {  	v5 =	vld [tilespmem:s24+$0x10]  }
0x334: {  	v6 =	vld [tilespmem:s19+$0x10]  }
0x335: {  	v7 =	vld [tilespmem:s23+$0x10]  }
0x336: {  	v8 =	vld [tilespmem:s16+$0x10];
	_ =	sdelay $0x1  }
0x337: {  	v45 =	vbroadcast v4, $0x9;
	v46 =	vbroadcast v3, $0x9  }
0x338: {  	v47 =	vbroadcast v2, $0x9;
	v48 =	vbroadcast v1, $0x9  }
0x339: {  	v6 =	vmul.f32 v6, v45;
	v5 =	vmul.f32 v5, v46  }
0x33a: {  	s14 =	simm.s32 $0x9;
	v7 =	vmul.f32 v7, v48;
	v8 =	vmul.f32 v8, v47  }
0x33b: {  	v49 =	vadd.s32 s14, v0  }
0x33c: {  	v5 =	vadd.f32 v5, v6;
	v6 =	vadd.f32 v7, v8;
	_ =	sdelay $0x1  }
0x33d: {  	v5 =	vadd.f32 v6, v5;
	_ =	sdelay $0x1  }
0x33e: {  	[tilespmem:v49+s13+$0x0] =	vst.idx.msk $0xffff, v5  }
0x33f: {  	v5 =	vld [tilespmem:s24+$0x20]  }
0x340: {  	v6 =	vld [tilespmem:s23+$0x20]  }
0x341: {  	v7 =	vld [tilespmem:s19+$0x20]  }
0x342: {  	v8 =	vld [tilespmem:s16+$0x20];
	_ =	sdelay $0x1  }
0x343: {  	v50 =	vbroadcast v3, $0xA;
	v51 =	vbroadcast v1, $0xA  }
0x344: {  	v52 =	vbroadcast v4, $0xA;
	v53 =	vbroadcast v2, $0xA  }
0x345: {  	v5 =	vmul.f32 v5, v50;
	v6 =	vmul.f32 v6, v51  }
0x346: {  	s17 =	simm.s32 $0xA;
	v7 =	vmul.f32 v7, v52;
	v8 =	vmul.f32 v8, v53  }
0x347: {  	v54 =	vadd.s32 s17, v0  }
0x348: {  	v5 =	vadd.f32 v5, v7;
	v6 =	vadd.f32 v6, v8;
	_ =	sdelay $0x1  }
0x349: {  	v5 =	vadd.f32 v6, v5;
	_ =	sdelay $0x1  }
0x34a: {  	[tilespmem:v54+s13+$0x0] =	vst.idx.msk $0xffff, v5  }
0x34b: {  	v5 =	vld [tilespmem:s23+$0x30]  }
0x34c: {  	v6 =	vld [tilespmem:s19+$0x30]  }
0x34d: {  	v7 =	vld [tilespmem:s24+$0x30]  }
0x34e: {  	v8 =	vld [tilespmem:s16+$0x30];
	_ =	sdelay $0x1  }
0x34f: {  	v55 =	vbroadcast v4, $0xB;
	v56 =	vbroadcast v3, $0xB  }
0x350: {  	v57 =	vbroadcast v1, $0xB;
	v58 =	vbroadcast v2, $0xB  }
0x351: {  	v6 =	vmul.f32 v6, v55;
	v7 =	vmul.f32 v7, v56  }
0x352: {  	s20 =	simm.s32 $0xB;
	v8 =	vmul.f32 v8, v58;
	v5 =	vmul.f32 v5, v57  }
0x353: {  	v59 =	vadd.s32 s20, v0  }
0x354: {  	v6 =	vadd.f32 v7, v6;
	v5 =	vadd.f32 v5, v8;
	_ =	sdelay $0x1  }
0x355: {  	v5 =	vadd.f32 v5, v6;
	_ =	sdelay $0x1  }
0x356: {  	[tilespmem:v59+s13+$0x0] =	vst.idx.msk $0xffff, v5  }
0x357: {  	v5 =	vld [tilespmem:s19+$0x40]  }
0x358: {  	v6 =	vld [tilespmem:s24+$0x40]  }
0x359: {  	v7 =	vld [tilespmem:s16+$0x40]  }
0x35a: {  	v8 =	vld [tilespmem:s23+$0x40];
	_ =	sdelay $0x1  }
0x35b: {  	v60 =	vbroadcast v3, $0xC;
	v61 =	vbroadcast v4, $0xC  }
0x35c: {  	v62 =	vbroadcast v1, $0xC;
	v63 =	vbroadcast v2, $0xC  }
0x35d: {  	v6 =	vmul.f32 v6, v60;
	v5 =	vmul.f32 v5, v61  }
0x35e: {  	s21 =	simm.s32 $0xC;
	v7 =	vmul.f32 v7, v63;
	v8 =	vmul.f32 v8, v62  }
0x35f: {  	v6 =	vadd.f32 v6, v5;
	v5 =	vadd.s32 s21, v0  }
0x360: {  	s28 =	simm.s32 $0xF;
	v7 =	vadd.f32 v8, v7  }
0x361: {  	s29 =	simm.s32 $0x7180;
	s30 =	simm.s32 $0x2010;
	s31 =	simm.s32 $0xB180  }
0x362: {  	s17 =	simm.s32 $0x3180;
	s20 =	simm.s32 $0x1F;
	s21 =	simm.s32 $0xF180;
	v6 =	vadd.f32 v7, v6  }
.LBB2_8:
0x363: {  	s25 =	sadd.s32 $0x10, s25;
	s15 =	sadd.s32 $0x10, s15;
	s26 =	sadd.s32 $0x10, s26  }
0x364: {  	p0 =	sne.s32 s20, $0x3FF;
	s0 =	smov.u32 s20;
	s20 =	sadd.s32 $0x10, s20;
	[tilespmem:v5+s13+$0x0] =	vst.idx.msk $0xffff, v6  }
0x365: {  	v5 =	vld [tilespmem:s24+$0x50]  }
0x366: {  	v6 =	vld [tilespmem:s16+$0x50]  }
0x367: {  	v7 =	vld [tilespmem:s23+$0x50]  }
0x368: {  	v8 =	vld [tilespmem:s19+$0x50]  }
0x369: {  	v9 =	vbroadcast v2, $0xD  }
0x36a: {  	v10 =	vbroadcast v3, $0xD;
	v11 =	vbroadcast v1, $0xD  }
0x36b: {  	v12 =	vbroadcast v4, $0xD;
	v6 =	vmul.f32 v6, v9  }
0x36c: {  	v5 =	vmul.f32 v5, v10;
	v7 =	vmul.f32 v7, v11  }
0x36d: {  	s14 =	sadd.s32 $0xFFFFFFFE, s28;
	v8 =	vmul.f32 v8, v12  }
0x36e: {  	v6 =	vadd.f32 v7, v6;
	v7 =	vadd.s32 s14, v0  }
0x36f: {  	v5 =	vadd.f32 v5, v8;
	_ =	sdelay $0x1  }
0x370: {  	v5 =	vadd.f32 v6, v5;
	_ =	sdelay $0x1  }
0x371: {  	[tilespmem:v7+s13+$0x0] =	vst.idx.msk $0xffff, v5  }
0x372: {  	v5 =	vld [tilespmem:s23+$0x60]  }
0x373: {  	v6 =	vld [tilespmem:s24+$0x60]  }
0x374: {  	v7 =	vld [tilespmem:s19+$0x60]  }
0x375: {  	v8 =	vld [tilespmem:s16+$0x60]  }
0x376: {  	v9 =	vbroadcast v3, $0xE  }
0x377: {  	v10 =	vbroadcast v4, $0xE;
	v11 =	vbroadcast v1, $0xE  }
0x378: {  	v6 =	vmul.f32 v6, v9;
	v9 =	vbroadcast v2, $0xE  }
0x379: {  	v7 =	vmul.f32 v7, v10  }
0x37a: {  	s14 =	sadd.s32 $0xFFFFFFFF, s28;
	v5 =	vmul.f32 v5, v11;
	v8 =	vmul.f32 v8, v9  }
0x37b: {  	v6 =	vadd.f32 v6, v7;
	v7 =	vadd.s32 s14, v0  }
0x37c: {  	v5 =	vadd.f32 v5, v8;
	_ =	sdelay $0x1  }
0x37d: {  	v5 =	vadd.f32 v5, v6;
	_ =	sdelay $0x1  }
0x37e: {  	[tilespmem:v7+s13+$0x0] =	vst.idx.msk $0xffff, v5  }
0x37f: {  	v5 =	vld [tilespmem:s19+$0x70];
	s19 =	smov.u32 s17  }
0x380: {  	v6 =	vld [tilespmem:s16+$0x70];
	s16 =	smov.u32 s31  }
0x381: {  	v7 =	vld [tilespmem:s23+$0x70];
	s23 =	smov.u32 s21  }
0x382: {  	v8 =	vld [tilespmem:s24+$0x70];
	s24 =	smov.u32 s29  }
0x383: {  	v4 =	vbroadcast v4, $0xF;
	v2 =	vbroadcast v2, $0xF  }
0x384: {  	v3 =	vbroadcast v3, $0xF;
	v1 =	vbroadcast v1, $0xF  }
0x385: {  	v4 =	vmul.f32 v5, v4;
	v2 =	vmul.f32 v6, v2  }
0x386: {  	v1 =	vmul.f32 v7, v1  }
0x387: {  	v5 =	vadd.s32 s28, v0;
	s28 =	smov.u32 s0;
	v3 =	vmul.f32 v8, v3  }
0x388: {  	v1 =	vadd.f32 v1, v2  }
0x389: {  	v2 =	vadd.f32 v3, v4;
	_ =	sdelay $0x1  }
0x38a: {  	v1 =	vadd.f32 v1, v2;
	_ =	sdelay $0x1  }
0x38b: {  	[tilespmem:v5+s13+$0x0] =	vst.idx.msk $0xffff, v1  }
0x38c: {  	v5 =	vld [tilespmem:s21+$0xFFFFFF80]  }
0x38d: {  	v6 =	vld [tilespmem:s31+$0xFFFFFF80]  }
0x38e: {  	v1 =	vld [tilespmem:s25+$0x0]  }
0x38f: {  	v2 =	vld [tilespmem:s15+$0x0]  }
0x390: {  	v3 =	vld [tilespmem:s26+$0x0]  }
0x391: {  	v4 =	vld [tilespmem:s30+$0x0]  }
0x392: {  	v7 =	vld [tilespmem:s29+$0xFFFFFF80]  }
0x393: {  	v8 =	vld [tilespmem:s17+$0xFFFFFF80];
	v9 =	vbroadcast v1, $0x0  }
0x394: {  	v10 =	vbroadcast v2, $0x0  }
0x395: {  	v11 =	vbroadcast v3, $0x0;
	v5 =	vmul.f32 v5, v9  }
0x396: {  	v9 =	vbroadcast v4, $0x0;
	v6 =	vmul.f32 v6, v10;
	_ =	sdelay $0x1  }
0x397: {  	s0 =	sadd.s32 $0xFFFFFFF1, s28;
	v7 =	vmul.f32 v7, v11;
	v8 =	vmul.f32 v8, v9;
	v5 =	vadd.f32 v5, v6  }
0x398: {  	v6 =	vadd.s32 s0, v0  }
0x399: {  	v7 =	vadd.f32 v7, v8;
	_ =	sdelay $0x1  }
0x39a: {  	v5 =	vadd.f32 v5, v7;
	_ =	sdelay $0x1  }
0x39b: {  	[tilespmem:v6+s13+$0x0] =	vst.idx.msk $0xffff, v5  }
0x39c: {  	v5 =	vld [tilespmem:s21+$0xFFFFFF90]  }
0x39d: {  	v6 =	vld [tilespmem:s31+$0xFFFFFF90]  }
0x39e: {  	v7 =	vld [tilespmem:s29+$0xFFFFFF90]  }
0x39f: {  	v9 =	vbroadcast v1, $0x1;
	v8 =	vld [tilespmem:s17+$0xFFFFFF90]  }
0x3a0: {  	v10 =	vbroadcast v2, $0x1  }
0x3a1: {  	v11 =	vbroadcast v3, $0x1;
	v5 =	vmul.f32 v5, v9  }
0x3a2: {  	v9 =	vbroadcast v4, $0x1;
	v6 =	vmul.f32 v6, v10  }
0x3a3: {  	v7 =	vmul.f32 v7, v11  }
0x3a4: {  	s0 =	sadd.s32 $0xFFFFFFF2, s28;
	v8 =	vmul.f32 v8, v9;
	v5 =	vadd.f32 v5, v6  }
0x3a5: {  	v6 =	vadd.s32 s0, v0  }
0x3a6: {  	v7 =	vadd.f32 v7, v8;
	_ =	sdelay $0x1  }
0x3a7: {  	v5 =	vadd.f32 v5, v7;
	_ =	sdelay $0x1  }
0x3a8: {  	[tilespmem:v6+s13+$0x0] =	vst.idx.msk $0xffff, v5  }
0x3a9: {  	v5 =	vld [tilespmem:s17+$0xFFFFFFA0]  }
0x3aa: {  	v6 =	vld [tilespmem:s29+$0xFFFFFFA0]  }
0x3ab: {  	v7 =	vld [tilespmem:s31+$0xFFFFFFA0]  }
0x3ac: {  	v8 =	vbroadcast v4, $0x2;
	v9 =	vld [tilespmem:s21+$0xFFFFFFA0]  }
0x3ad: {  	v10 =	vbroadcast v3, $0x2  }
0x3ae: {  	v5 =	vmul.f32 v5, v8;
	v8 =	vbroadcast v1, $0x2  }
0x3af: {  	v6 =	vmul.f32 v6, v10;
	v10 =	vbroadcast v2, $0x2;
	_ =	sdelay $0x1  }
0x3b0: {  	s0 =	sadd.s32 $0xFFFFFFF3, s28;
	v5 =	vadd.f32 v6, v5;
	v6 =	vmul.f32 v7, v10;
	v7 =	vmul.f32 v9, v8  }
0x3b1: {  	v8 =	vadd.s32 s0, v0  }
0x3b2: {  	v6 =	vadd.f32 v7, v6;
	_ =	sdelay $0x1  }
0x3b3: {  	v5 =	vadd.f32 v6, v5;
	_ =	sdelay $0x1  }
0x3b4: {  	[tilespmem:v8+s13+$0x0] =	vst.idx.msk $0xffff, v5  }
0x3b5: {  	v5 =	vld [tilespmem:s21+$0xFFFFFFB0]  }
0x3b6: {  	v6 =	vld [tilespmem:s29+$0xFFFFFFB0]  }
0x3b7: {  	v7 =	vld [tilespmem:s17+$0xFFFFFFB0]  }
0x3b8: {  	v8 =	vld [tilespmem:s31+$0xFFFFFFB0]  }
0x3b9: {  	v9 =	vbroadcast v3, $0x3  }
0x3ba: {  	v11 =	vbroadcast v1, $0x3;
	v10 =	vbroadcast v4, $0x3  }
0x3bb: {  	v6 =	vmul.f32 v6, v9;
	v9 =	vbroadcast v2, $0x3  }
0x3bc: {  	v7 =	vmul.f32 v7, v10  }
0x3bd: {  	s0 =	sadd.s32 $0xFFFFFFF4, s28;
	v5 =	vmul.f32 v5, v11;
	v8 =	vmul.f32 v8, v9  }
0x3be: {  	v6 =	vadd.f32 v6, v7;
	v7 =	vadd.s32 s0, v0  }
0x3bf: {  	v5 =	vadd.f32 v5, v8;
	_ =	sdelay $0x1  }
0x3c0: {  	v5 =	vadd.f32 v5, v6;
	_ =	sdelay $0x1  }
0x3c1: {  	[tilespmem:v7+s13+$0x0] =	vst.idx.msk $0xffff, v5  }
0x3c2: {  	v5 =	vld [tilespmem:s17+$0xFFFFFFC0]  }
0x3c3: {  	v6 =	vld [tilespmem:s29+$0xFFFFFFC0]  }
0x3c4: {  	v7 =	vld [tilespmem:s31+$0xFFFFFFC0]  }
0x3c5: {  	v8 =	vbroadcast v4, $0x4;
	v9 =	vld [tilespmem:s21+$0xFFFFFFC0]  }
0x3c6: {  	v10 =	vbroadcast v3, $0x4  }
0x3c7: {  	v5 =	vmul.f32 v5, v8;
	v8 =	vbroadcast v1, $0x4  }
0x3c8: {  	v6 =	vmul.f32 v6, v10;
	v10 =	vbroadcast v2, $0x4;
	_ =	sdelay $0x1  }
0x3c9: {  	s0 =	sadd.s32 $0xFFFFFFF5, s28;
	v5 =	vadd.f32 v6, v5;
	v6 =	vmul.f32 v7, v10;
	v7 =	vmul.f32 v9, v8  }
0x3ca: {  	v8 =	vadd.s32 s0, v0  }
0x3cb: {  	v6 =	vadd.f32 v7, v6;
	_ =	sdelay $0x1  }
0x3cc: {  	v5 =	vadd.f32 v6, v5;
	_ =	sdelay $0x1  }
0x3cd: {  	[tilespmem:v8+s13+$0x0] =	vst.idx.msk $0xffff, v5  }
0x3ce: {  	v5 =	vld [tilespmem:s31+$0xFFFFFFD0]  }
0x3cf: {  	v6 =	vld [tilespmem:s29+$0xFFFFFFD0]  }
0x3d0: {  	v7 =	vld [tilespmem:s17+$0xFFFFFFD0]  }
0x3d1: {  	v8 =	vld [tilespmem:s21+$0xFFFFFFD0]  }
0x3d2: {  	v9 =	vbroadcast v3, $0x5  }
0x3d3: {  	v11 =	vbroadcast v2, $0x5;
	v10 =	vbroadcast v4, $0x5  }
0x3d4: {  	v6 =	vmul.f32 v6, v9;
	v9 =	vbroadcast v1, $0x5  }
0x3d5: {  	v5 =	vmul.f32 v5, v11;
	v7 =	vmul.f32 v7, v10  }
0x3d6: {  	s0 =	sadd.s32 $0xFFFFFFF6, s28;
	v8 =	vmul.f32 v8, v9  }
0x3d7: {  	v6 =	vadd.f32 v6, v7;
	v7 =	vadd.s32 s0, v0  }
0x3d8: {  	v5 =	vadd.f32 v8, v5;
	_ =	sdelay $0x1  }
0x3d9: {  	v5 =	vadd.f32 v5, v6;
	_ =	sdelay $0x1  }
0x3da: {  	[tilespmem:v7+s13+$0x0] =	vst.idx.msk $0xffff, v5  }
0x3db: {  	v5 =	vld [tilespmem:s17+$0xFFFFFFE0]  }
0x3dc: {  	v6 =	vld [tilespmem:s29+$0xFFFFFFE0]  }
0x3dd: {  	v7 =	vld [tilespmem:s31+$0xFFFFFFE0]  }
0x3de: {  	v8 =	vld [tilespmem:s21+$0xFFFFFFE0]  }
0x3df: {  	v9 =	vbroadcast v3, $0x6  }
0x3e0: {  	v11 =	vbroadcast v1, $0x6;
	v10 =	vbroadcast v4, $0x6  }
0x3e1: {  	v6 =	vmul.f32 v6, v9;
	v9 =	vbroadcast v2, $0x6  }
0x3e2: {  	v5 =	vmul.f32 v5, v10  }
0x3e3: {  	s0 =	sadd.s32 $0xFFFFFFF7, s28;
	v7 =	vmul.f32 v7, v9;
	v8 =	vmul.f32 v8, v11  }
0x3e4: {  	v9 =	vadd.s32 s0, v0  }
0x3e5: {  	v5 =	vadd.f32 v6, v5;
	v6 =	vadd.f32 v8, v7;
	_ =	sdelay $0x1  }
0x3e6: {  	v5 =	vadd.f32 v6, v5;
	_ =	sdelay $0x1  }
0x3e7: {  	[tilespmem:v9+s13+$0x0] =	vst.idx.msk $0xffff, v5  }
0x3e8: {  	v5 =	vld [tilespmem:s21+$0xFFFFFFF0]  }
0x3e9: {  	v6 =	vld [tilespmem:s29+$0xFFFFFFF0]  }
0x3ea: {  	v7 =	vld [tilespmem:s17+$0xFFFFFFF0]  }
0x3eb: {  	v8 =	vld [tilespmem:s31+$0xFFFFFFF0]  }
0x3ec: {  	v9 =	vbroadcast v3, $0x7  }
0x3ed: {  	v10 =	vbroadcast v4, $0x7;
	v11 =	vbroadcast v1, $0x7  }
0x3ee: {  	v6 =	vmul.f32 v6, v9;
	v9 =	vbroadcast v2, $0x7  }
0x3ef: {  	v7 =	vmul.f32 v7, v10  }
0x3f0: {  	s0 =	sadd.s32 $0xFFFFFFF8, s28;
	v5 =	vmul.f32 v5, v11;
	v8 =	vmul.f32 v8, v9  }
0x3f1: {  	v6 =	vadd.f32 v6, v7;
	v7 =	vadd.s32 s0, v0  }
0x3f2: {  	v5 =	vadd.f32 v5, v8;
	_ =	sdelay $0x1  }
0x3f3: {  	v5 =	vadd.f32 v5, v6;
	_ =	sdelay $0x1  }
0x3f4: {  	[tilespmem:v7+s13+$0x0] =	vst.idx.msk $0xffff, v5  }
0x3f5: {  	v5 =	vld [tilespmem:s29+$0x0]  }
0x3f6: {  	v6 =	vld [tilespmem:s21+$0x0]  }
0x3f7: {  	v7 =	vld [tilespmem:s17+$0x0]  }
0x3f8: {  	v8 =	vld [tilespmem:s31+$0x0]  }
0x3f9: {  	v10 =	vbroadcast v1, $0x8;
	v9 =	vbroadcast v3, $0x8  }
0x3fa: {  	v12 =	vbroadcast v2, $0x8;
	v11 =	vbroadcast v4, $0x8  }
0x3fb: {  	v5 =	vmul.f32 v5, v9;
	v6 =	vmul.f32 v6, v10  }
0x3fc: {  	v7 =	vmul.f32 v7, v11  }
0x3fd: {  	s0 =	sadd.s32 $0xFFFFFFF9, s28;
	v8 =	vmul.f32 v8, v12  }
0x3fe: {  	v5 =	vadd.f32 v5, v7;
	v7 =	vadd.s32 s0, v0  }
0x3ff: {  	v6 =	vadd.f32 v6, v8;
	_ =	sdelay $0x1  }
0x400: {  	v5 =	vadd.f32 v6, v5;
	_ =	sdelay $0x1  }
0x401: {  	[tilespmem:v7+s13+$0x0] =	vst.idx.msk $0xffff, v5  }
0x402: {  	v5 =	vld [tilespmem:s29+$0x10]  }
0x403: {  	v6 =	vld [tilespmem:s17+$0x10]  }
0x404: {  	v7 =	vld [tilespmem:s21+$0x10]  }
0x405: {  	v8 =	vld [tilespmem:s31+$0x10]  }
0x406: {  	v9 =	vbroadcast v4, $0x9;
	v10 =	vbroadcast v3, $0x9  }
0x407: {  	v11 =	vbroadcast v2, $0x9;
	v12 =	vbroadcast v1, $0x9  }
0x408: {  	v5 =	vmul.f32 v5, v10;
	v6 =	vmul.f32 v6, v9  }
0x409: {  	v7 =	vmul.f32 v7, v12  }
0x40a: {  	s0 =	sadd.s32 $0xFFFFFFFA, s28;
	v8 =	vmul.f32 v8, v11  }
0x40b: {  	v5 =	vadd.f32 v5, v6;
	v6 =	vadd.s32 s0, v0  }
0x40c: {  	v7 =	vadd.f32 v7, v8;
	_ =	sdelay $0x1  }
0x40d: {  	v5 =	vadd.f32 v7, v5;
	_ =	sdelay $0x1  }
0x40e: {  	[tilespmem:v6+s13+$0x0] =	vst.idx.msk $0xffff, v5  }
0x40f: {  	v5 =	vld [tilespmem:s29+$0x20]  }
0x410: {  	v6 =	vld [tilespmem:s21+$0x20]  }
0x411: {  	v7 =	vld [tilespmem:s17+$0x20]  }
0x412: {  	v8 =	vld [tilespmem:s31+$0x20]  }
0x413: {  	v10 =	vbroadcast v1, $0xA;
	v9 =	vbroadcast v3, $0xA  }
0x414: {  	v12 =	vbroadcast v2, $0xA;
	v11 =	vbroadcast v4, $0xA  }
0x415: {  	v5 =	vmul.f32 v5, v9;
	v6 =	vmul.f32 v6, v10  }
0x416: {  	v7 =	vmul.f32 v7, v11  }
0x417: {  	s0 =	sadd.s32 $0xFFFFFFFB, s28;
	v8 =	vmul.f32 v8, v12  }
0x418: {  	v5 =	vadd.f32 v5, v7;
	v7 =	vadd.s32 s0, v0  }
0x419: {  	v6 =	vadd.f32 v6, v8;
	_ =	sdelay $0x1  }
0x41a: {  	v5 =	vadd.f32 v6, v5;
	_ =	sdelay $0x1  }
0x41b: {  	[tilespmem:v7+s13+$0x0] =	vst.idx.msk $0xffff, v5  }
0x41c: {  	v5 =	vld [tilespmem:s21+$0x30]  }
0x41d: {  	v6 =	vld [tilespmem:s17+$0x30]  }
0x41e: {  	v7 =	vld [tilespmem:s29+$0x30]  }
0x41f: {  	v8 =	vld [tilespmem:s31+$0x30]  }
0x420: {  	v9 =	vbroadcast v4, $0xB  }
0x421: {  	v10 =	vbroadcast v3, $0xB;
	v11 =	vbroadcast v1, $0xB  }
0x422: {  	v6 =	vmul.f32 v6, v9;
	v9 =	vbroadcast v2, $0xB  }
0x423: {  	v7 =	vmul.f32 v7, v10  }
0x424: {  	s0 =	sadd.s32 $0xFFFFFFFC, s28;
	v5 =	vmul.f32 v5, v11;
	v8 =	vmul.f32 v8, v9  }
0x425: {  	v6 =	vadd.f32 v7, v6;
	v7 =	vadd.s32 s0, v0  }
0x426: {  	v5 =	vadd.f32 v5, v8;
	_ =	sdelay $0x1  }
0x427: {  	v5 =	vadd.f32 v5, v6;
	_ =	sdelay $0x1  }
0x428: {  	[tilespmem:v7+s13+$0x0] =	vst.idx.msk $0xffff, v5  }
0x429: {  	v5 =	vld [tilespmem:s17+$0x40]  }
0x42a: {  	v6 =	vld [tilespmem:s29+$0x40]  }
0x42b: {  	v7 =	vld [tilespmem:s31+$0x40]  }
0x42c: {  	v8 =	vld [tilespmem:s21+$0x40]  }
0x42d: {  	v9 =	vbroadcast v3, $0xC  }
0x42e: {  	v11 =	vbroadcast v1, $0xC;
	v10 =	vbroadcast v4, $0xC  }
0x42f: {  	v6 =	vmul.f32 v6, v9;
	v9 =	vbroadcast v2, $0xC  }
0x430: {  	v5 =	vmul.f32 v5, v10  }
0x431: {  	v7 =	vmul.f32 v7, v9;
	v8 =	vmul.f32 v8, v11  }
.Ltmp3:
0x432: {  	s0 =	sadd.s32 $0xFFFFFFFD, s28;
	(pc) =	sbr.rel @p0 .LBB2_8-.Ltmp3, $3  }
0x433: {  	v6 =	vadd.f32 v6, v5;
	v5 =	vadd.s32 s0, v0;
	v7 =	vadd.f32 v8, v7;
	_ =	sdelay $0x1  }
0x434: {  	s17 =	sadd.s32 $0x100, s17;
	s29 =	sadd.s32 $0x100, s29;
	v6 =	vadd.f32 v7, v6  }
0x435: {  	s30 =	sadd.s32 $0x10, s30;
	s31 =	sadd.s32 $0x100, s31;
	s21 =	sadd.s32 $0x100, s21  }
0x436: {  	_ =	sdelay $0x3  }
0x437: {  	[tilespmem:v5+s13+$0x0] =	vst.idx.msk $0xffff, v6  }
0x438: {  	v5 =	vld [tilespmem:s24+$0x50]  }
0x439: {  	v6 =	vld [tilespmem:s16+$0x50]  }
0x43a: {  	v7 =	vld [tilespmem:s23+$0x50]  }
0x43b: {  	v8 =	vld [tilespmem:s19+$0x50];
	_ =	sdelay $0x1  }
0x43c: {  	v9 =	vbroadcast v2, $0xD;
	v10 =	vbroadcast v3, $0xD  }
0x43d: {  	v11 =	vbroadcast v1, $0xD;
	v12 =	vbroadcast v4, $0xD  }
0x43e: {  	v6 =	vmul.f32 v6, v9;
	v5 =	vmul.f32 v5, v10  }
0x43f: {  	s0 =	sadd.s32 $0xFFFFFFFE, s28;
	v7 =	vmul.f32 v7, v11;
	v8 =	vmul.f32 v8, v12  }
0x440: {  	v50 =	vadd.s32 s0, v0  }
0x441: {  	v6 =	vadd.f32 v7, v6;
	v5 =	vadd.f32 v5, v8;
	_ =	sdelay $0x1  }
0x442: {  	v5 =	vadd.f32 v6, v5;
	_ =	sdelay $0x1  }
0x443: {  	[tilespmem:v50+s13+$0x0] =	vst.idx.msk $0xffff, v5  }
0x444: {  	v5 =	vld [tilespmem:s23+$0x60]  }
0x445: {  	v51 =	vld [tilespmem:s24+$0x60]  }
0x446: {  	v52 =	vld [tilespmem:s19+$0x60]  }
0x447: {  	v53 =	vld [tilespmem:s16+$0x60];
	_ =	sdelay $0x1  }
0x448: {  	v54 =	vbroadcast v3, $0xE;
	v55 =	vbroadcast v4, $0xE  }
0x449: {  	v56 =	vbroadcast v1, $0xE;
	v57 =	vbroadcast v2, $0xE  }
0x44a: {  	v6 =	vmul.f32 v51, v54;
	v7 =	vmul.f32 v52, v55  }
0x44b: {  	s17 =	sadd.s32 $0xFFFFFFFF, s28;
	v8 =	vmul.f32 v53, v57;
	v5 =	vmul.f32 v5, v56  }
0x44c: {  	v58 =	vadd.s32 s17, v0  }
0x44d: {  	v6 =	vadd.f32 v6, v7;
	v5 =	vadd.f32 v5, v8;
	_ =	sdelay $0x1  }
0x44e: {  	v5 =	vadd.f32 v5, v6;
	_ =	sdelay $0x1  }
0x44f: {  	[tilespmem:v58+s13+$0x0] =	vst.idx.msk $0xffff, v5  }
0x450: {  	v5 =	vld [tilespmem:s19+$0x70]  }
0x451: {  	v59 =	vld [tilespmem:s16+$0x70]  }
0x452: {  	v60 =	vld [tilespmem:s23+$0x70]  }
0x453: {  	v61 =	vld [tilespmem:s24+$0x70];
	_ =	sdelay $0x1  }
0x454: {  	v62 =	vbroadcast v4, $0xF;
	v2 =	vbroadcast v2, $0xF  }
0x455: {  	v3 =	vbroadcast v3, $0xF;
	v1 =	vbroadcast v1, $0xF  }
0x456: {  	v4 =	vmul.f32 v5, v62;
	v2 =	vmul.f32 v59, v2  }
0x457: {  	v1 =	vmul.f32 v60, v1;
	v3 =	vmul.f32 v61, v3  }
0x458: {  	v63 =	vadd.s32 s28, v0  }
0x459: {  	v1 =	vadd.f32 v1, v2;
	v2 =	vadd.f32 v3, v4;
	_ =	sdelay $0x1  }
0x45a: {  	v1 =	vadd.f32 v1, v2;
	_ =	sdelay $0x1  }
0x45b: {  	s20 =	rddreg [dreg:$0x14];
	[tilespmem:v63+s13+$0x0] =	vst.idx.msk $0xffff, v1  }
0x45c: {  	[hbm4b:s20+s2] =	stream.linear.scatter [tilespmem:s13], [sflag:$0x2], $0x400, $0x38;
	[tilespmem:$0x17080] =	vst v63  }
0x45d: {  	s21 =	rddreg [dreg:$0x15];
	s14 =	simm.s32 $0x13408  }
0x45e: {  	[hbm4b:s21+s2] =	stream.linear.scatter [tilespmem:s14], [sflag:$0x2], $0x400, $0x38;
	[tilespmem:$0x17080] =	vst v63  }
0x45f: {  	s23 =	rddreg [dreg:$0x16];
	s24 =	simm.s32 $0x13810  }
0x460: {  	[hbm4b:s23+s2] =	stream.linear.scatter [tilespmem:s24], [sflag:$0x2], $0x400, $0x38;
	[tilespmem:$0x17080] =	vst v63  }
0x461: {  	s25 =	rddreg [dreg:$0x17];
	s26 =	simm.s32 $0x13C18  }
0x462: {  	[hbm4b:s25+s2] =	stream.linear.scatter [tilespmem:s26], [sflag:$0x2], $0x400, $0x38;
	[tilespmem:$0x17080] =	vst v63  }
0x463: {  	s28 =	rddreg [dreg:$0x18];
	s29 =	simm.s32 $0x14020  }
0x464: {  	[hbm4b:s28+s2] =	stream.linear.scatter [tilespmem:s29], [sflag:$0x2], $0x400, $0x38;
	[tilespmem:$0x17080] =	vst v63  }
0x465: {  	s30 =	rddreg [dreg:$0x19];
	s31 =	simm.s32 $0x14428  }
0x466: {  	[hbm4b:s30+s2] =	stream.linear.scatter [tilespmem:s31], [sflag:$0x2], $0x400, $0x38;
	[tilespmem:$0x17080] =	vst v63  }
0x467: {  	s15 =	rddreg [dreg:$0x1a];
	s16 =	simm.s32 $0x14830  }
0x468: {  	[hbm4b:s15+s2] =	stream.linear.scatter [tilespmem:s16], [sflag:$0x2], $0x400, $0x38;
	[tilespmem:$0x17080] =	vst v63  }
0x469: {  	s17 =	rddreg [dreg:$0x1b];
	s19 =	simm.s32 $0x14C38  }
0x46a: {  	[hbm4b:s17+s2] =	stream.linear.scatter [tilespmem:s19], [sflag:$0x2], $0x400, $0x38;
	[tilespmem:$0x17080] =	vst v63  }
0x46b: {  	s20 =	rddreg [dreg:$0x1c];
	s21 =	simm.s32 $0x15040  }
0x46c: {  	[hbm4b:s20+s2] =	stream.linear.scatter [tilespmem:s21], [sflag:$0x2], $0x400, $0x38;
	[tilespmem:$0x17080] =	vst v63  }
0x46d: {  	s23 =	rddreg [dreg:$0x1d];
	s24 =	simm.s32 $0x15448  }
0x46e: {  	[hbm4b:s23+s2] =	stream.linear.scatter [tilespmem:s24], [sflag:$0x2], $0x400, $0x38;
	[tilespmem:$0x17080] =	vst v63  }
0x46f: {  	s25 =	simm.s32 $0x15850  }
0x470: {  	[hbm4b:s1+s2] =	stream.linear.scatter [tilespmem:s25], [sflag:$0x2], $0x400, $0x38;
	[tilespmem:$0x17080] =	vst v63  }
0x471: {  	s26 =	simm.s32 $0x15C58  }
0x472: {  	[hbm4b:s4+s2] =	stream.linear.scatter [tilespmem:s26], [sflag:$0x2], $0x400, $0x38;
	[tilespmem:$0x17080] =	vst v63  }
0x473: {  	s28 =	simm.s32 $0x16060  }
0x474: {  	[hbm4b:s5+s2] =	stream.linear.scatter [tilespmem:s28], [sflag:$0x2], $0x400, $0x38;
	[tilespmem:$0x17080] =	vst v63  }
0x475: {  	s29 =	simm.s32 $0x16468  }
0x476: {  	[hbm4b:s6+s2] =	stream.linear.scatter [tilespmem:s29], [sflag:$0x2], $0x400, $0x38;
	[tilespmem:$0x17080] =	vst v63  }
0x477: {  	s30 =	simm.s32 $0x16870  }
0x478: {  	[hbm4b:s7+s2] =	stream.linear.scatter [tilespmem:s30], [sflag:$0x2], $0x400, $0x38;
	[tilespmem:$0x17080] =	vst v63  }
0x479: {  	s31 =	simm.s32 $0x16C78  }
0x47a: {  	[hbm4b:s8+s2] =	stream.linear.scatter [tilespmem:s31], [sflag:$0x2], $0x400, $0x38;
	[tilespmem:$0x17080] =	vst v63  }
0x47b: {  	_ =	swait.ge [sflag:s22], $0x400  }
0x47c: {  	[sflag:s22] =	ssyncset.done $0x0  }
0x47d: {  	[sflag:s22] =	ssyncadd.s32 $0xFFFFFC00  }
0x47e: {  	_ =	swait.ge [sflag:s22], $0x400  }
0x47f: {  	[sflag:s22] =	ssyncset.done $0x0  }
0x480: {  	[sflag:s22] =	ssyncadd.s32 $0xFFFFFC00  }
0x481: {  	_ =	swait.ge [sflag:s22], $0x400  }
0x482: {  	[sflag:s22] =	ssyncset.done $0x0  }
0x483: {  	[sflag:s22] =	ssyncadd.s32 $0xFFFFFC00  }
0x484: {  	_ =	swait.ge [sflag:s22], $0x400  }
0x485: {  	[sflag:s22] =	ssyncset.done $0x0  }
0x486: {  	[sflag:s22] =	ssyncadd.s32 $0xFFFFFC00  }
0x487: {  	_ =	swait.ge [sflag:s22], $0x400  }
0x488: {  	[sflag:s22] =	ssyncset.done $0x0  }
0x489: {  	[sflag:s22] =	ssyncadd.s32 $0xFFFFFC00  }
0x48a: {  	_ =	swait.ge [sflag:s22], $0x400  }
0x48b: {  	[sflag:s22] =	ssyncset.done $0x0  }
0x48c: {  	[sflag:s22] =	ssyncadd.s32 $0xFFFFFC00  }
0x48d: {  	_ =	swait.ge [sflag:s22], $0x400  }
0x48e: {  	[sflag:s22] =	ssyncset.done $0x0  }
0x48f: {  	[sflag:s22] =	ssyncadd.s32 $0xFFFFFC00  }
0x490: {  	_ =	swait.ge [sflag:s22], $0x400  }
0x491: {  	[sflag:s22] =	ssyncset.done $0x0  }
0x492: {  	[sflag:s22] =	ssyncadd.s32 $0xFFFFFC00  }
0x493: {  	_ =	swait.ge [sflag:s22], $0x400  }
0x494: {  	[sflag:s22] =	ssyncset.done $0x0  }
0x495: {  	[sflag:s22] =	ssyncadd.s32 $0xFFFFFC00  }
0x496: {  	_ =	swait.ge [sflag:s22], $0x400  }
0x497: {  	[sflag:s22] =	ssyncset.done $0x0  }
0x498: {  	[sflag:s22] =	ssyncadd.s32 $0xFFFFFC00  }
0x499: {  	_ =	swait.ge [sflag:s22], $0x400  }
0x49a: {  	[sflag:s22] =	ssyncset.done $0x0  }
0x49b: {  	[sflag:s22] =	ssyncadd.s32 $0xFFFFFC00  }
0x49c: {  	_ =	swait.ge [sflag:s22], $0x400  }
0x49d: {  	[sflag:s22] =	ssyncset.done $0x0  }
0x49e: {  	[sflag:s22] =	ssyncadd.s32 $0xFFFFFC00  }
0x49f: {  	_ =	swait.ge [sflag:s22], $0x400  }
0x4a0: {  	[sflag:s22] =	ssyncset.done $0x0  }
0x4a1: {  	[sflag:s22] =	ssyncadd.s32 $0xFFFFFC00  }
0x4a2: {  	_ =	swait.ge [sflag:s22], $0x400  }
0x4a3: {  	[sflag:s22] =	ssyncset.done $0x0  }
0x4a4: {  	s18 =	sadd.s32 $0x1, s18;
	[sflag:s22] =	ssyncadd.s32 $0xFFFFFC00  }
0x4a5: {  	p0 =	sne.s32 s18, s9;
	_ =	swait.ge [sflag:s22], $0x400  }
.Ltmp4:
0x4a6: {  	[sflag:s22] =	ssyncset.done $0x0;
	(pc) =	sbr.rel @p0 .LBB2_1-.Ltmp4, $4  }
0x4a7: {  	[sflag:s22] =	ssyncadd.s32 $0xFFFFFC00  }
0x4a8: {  	_ =	swait.ge [sflag:s22], $0x400  }
0x4a9: {  	[sflag:s22] =	ssyncset.done $0x0  }
0x4aa: {  	[sflag:s22] =	ssyncadd.s32 $0xFFFFFC00  }
0x4ab: {  	_ =	sfence.sel $0x180000  }
0x4ac: {  	[bflag:$0x0] =	sbarrier.arrive $0xFFFF  }
0x4ad: {  	_ =	strace $0x90000047  }
0x4ae: {  	s0 =	stileid.u32;
	[bflag:$0x2] =	sbarrier.arrive $0xFFFF  }
0x4af: {  	p0 =	sne.s32 s0, $0x0;
	s0 =	rddreg [dreg:$0x1]  }
0x4b0: {  	s0 =	sadd.s32 @!p0 $0x100000, s0  }
0x4b1: {  	[sflag:s0] =	ssyncadd.tile.s32 @!p0 $0x1;
	_ =	shalt  }
.Lfunc_end2:
_tile_overlayer_lowered:
.L_overlay_start_2:
0x4b2: {  	(tag) =	ssettag $0x2  }
0x4b3: {  	s0 =	rddreg [dreg:$0x0];
	s2 =	stileid.u32  }
0x4b4: {  	s1 =	rddreg [dreg:$0x1];
	p0 =	sne.s32 s2, $0x0  }
0x4b5: {  	s3 =	rddreg [dreg:$0x2];
	[bflag:$0x3] =	sbarrier.arrive $0xFFFF;
	s2 =	simm.s32 @!p0 $0x1C03  }
0x4b6: {  	[timem:s3], [sflag:s2] =	dma.local @!p0 [hbm:s0], s1  }
0x4b7: {  	s0 =	simm.s32 @!p0 $0x3  }
0x4b8: {  	_ =	swait.ge @!p0 [sflag:s0], s1  }
0x4b9: {  	s1 =	ssub.s32 @!p0 $0x0, s1;
	[sflag:s0] =	ssyncset.done @!p0 $0x0  }
0x4ba: {  	[sflag:s0] =	ssyncadd.s32 @!p0 s1  }
0x4bb: {  	[bflag:$0x3] =	sbarrier.arrive $0xFFFF  }
0x4bc: {  	_ =	shalt  }

</sc_bundles>
